<compile_context>
chip_gen: v7x
topology: tpu7x:2x2x1
jax: 0.10.2.dev20260603
libtpu: 0.0.44.dev20260713+nightly
codegen_flags: <defaults>
</compile_context>

<pallas_src>
import functools

import jax
import jax.numpy as jnp
from jax import lax
from jax.experimental import pallas as pl
from jax.experimental.pallas import tpu as pltpu
from jax.experimental.pallas import tpu_sc as plsc

NC = 2
NS = 16
NW = NC * NS
L = 16
R = 64
NBUF = 4
UNROLL = 4

N_SC = 1024


def _sc_body(nodes, wexp, out, xbuf, wbuf, ostage, xsem, wsem, *, B, N, F,
             n_sc):
    fpw = F // (NW // B)
    nt = fpw // L
    nchunks = n_sc // R
    ngroups = nchunks // NBUF

    cid = lax.axis_index("c")
    sid = lax.axis_index("s")
    w = sid * NC + cid
    b = w // (NW // B)
    fs = (w % (NW // B)) * fpw

    def x_copy(ci, slot):
        return pltpu.make_async_copy(
            nodes.at[b, pl.ds(ci * R, R), pl.ds(fs, fpw)],
            xbuf.at[slot],
            xsem.at[slot],
        )

    def w_copy(ci, slot):
        return pltpu.make_async_copy(
            wexp.at[b, pl.ds(ci * R, R), :],
            wbuf.at[slot],
            wsem.at[slot],
        )

    for k in range(NBUF):
        x_copy(k, k).start()
        w_copy(k, k).start()

    def group_body(g, accs):
        for k in range(NBUF):
            ci = g * NBUF + k
            x_copy(ci, k).wait()
            w_copy(ci, k).wait()

            def node_fma(n4, accs, k=k):
                n0 = n4 * UNROLL
                for u in range(UNROLL):
                    n = n0 + u
                    wv = wbuf.at[k][n]
                    accs = tuple(
                        accs[t] + xbuf.at[k][n, pl.ds(t * L, L)] * wv
                        for t in range(nt)
                    )
                return accs

            accs = lax.fori_loop(0, R // UNROLL, node_fma, accs)

            nxt = ci + NBUF

            @pl.when(nxt < nchunks)
            def _(ci=ci, k=k):
                x_copy(ci + NBUF, k).start()
                w_copy(ci + NBUF, k).start()
        return accs

    accs0 = tuple(jnp.zeros((L,), jnp.float32) for _ in range(nt))
    accs = lax.fori_loop(0, ngroups, group_body, accs0)

    for t in range(nt):
        ostage[pl.ds(t * L, L)] = accs[t]
    pltpu.sync_copy(ostage, out.at[b, pl.ds(fs, fpw)])


def _sc_partial(nodes, weights):
    B, N, F = nodes.shape
    fpw = F // (NW // B)
    wexp = jnp.broadcast_to(weights[:, :N_SC] * (1.0 / N), (B, N_SC, L))

    mesh = plsc.VectorSubcoreMesh(
        core_axis_name="c", subcore_axis_name="s",
        num_cores=NC, num_subcores=NS,
    )
    k = pl.kernel(
        functools.partial(_sc_body, B=B, N=N, F=F, n_sc=N_SC),
        out_type=jax.ShapeDtypeStruct((B, F), jnp.float32),
        mesh=mesh,
        scratch_types=[
            pltpu.VMEM((NBUF, R, fpw), jnp.float32),
            pltpu.VMEM((NBUF, R, L), jnp.float32),
            pltpu.VMEM((fpw,), jnp.float32),
            pltpu.SemaphoreType.DMA((NBUF,)),
            pltpu.SemaphoreType.DMA((NBUF,)),
        ],
        compiler_params=pltpu.CompilerParams(use_tc_tiling_on_sc=True),
    )
    return k(nodes, wexp)


def kernel(nodes, weights):
    B, N, F = nodes.shape
    sc = _sc_partial(nodes, weights)
    tc = jnp.sum(nodes[:, N_SC:, :] * (weights[:, N_SC:, :] * (1.0 / N)),
                 axis=1)
    return sc + tc

# --- scband reference (transcript-rebuilt; emitter-appended) ---
"""Pipeline reference for scband-pooling-weighted-nodes-24189255811293 (READ-ONLY COPY).

The authoritative reference and input builder live on the scoring server;
editing this copy changes nothing except your own understanding.
"""

import jax, jax.numpy as jnp
import numpy as np

def setup_inputs(seed: int = 0) -> dict:
    key = jax.random.key(seed)
    k1, k2 = jax.random.split(key)
    nodes = jax.random.normal(k1, (4, 4096, 2048), dtype=jnp.float32)
    weights = jax.random.uniform(k2, (4, 4096, 1), dtype=jnp.float32)
    return {"nodes": nodes, "weights": weights}

def reference(nodes, weights):
    # PoolingWeightedNodes with pooling_method='reduce_mean':
    # out = reduce_mean(nodes * weights, axis=1) -> (batch, F)
    out = jnp.mean(jnp.multiply(nodes, weights), axis=1)
    return out

if __name__ == "__main__":
    import jax
    _d = setup_inputs()
    print(jax.jit(kernel)(*tuple(_d.values())))

</pallas_src>

<mosaic_0001>
#map = affine_map<(d0, d1) -> (0, 0, 0)>
#map1 = affine_map<(d0, d1) -> (0, 0)>
module attributes {stable_mosaic.version = 14 : i64} {
  func.func @_sc_body(%arg0: i32, %arg1: i32, %arg2: memref<4x4096x2048xf32, #tpu.memory_space<hbm>>, %arg3: memref<4x1024x16xf32, #tpu.memory_space<hbm>>, %arg4: memref<4x2048xf32, #tpu.memory_space<hbm>>, %arg5: memref<4x64x256xf32, #tpu.memory_space<vmem>>, %arg6: memref<4x64x16xf32, #tpu.memory_space<vmem>>, %arg7: memref<256xf32, #tpu.memory_space<vmem>>, %arg8: memref<4x!tpu.dma_semaphore, #tpu.memory_space<semaphore_mem>>, %arg9: memref<4x!tpu.dma_semaphore, #tpu.memory_space<semaphore_mem>>) attributes {dimension_semantics = [#tpu.dimension_semantics<core_parallel>, #tpu.dimension_semantics<subcore_parallel>], iteration_bounds = array<i64: 2, 16>, scalar_prefetch = 0 : i64, scratch_operands = 5 : i64, tpu.core_type = #tpu.core_type<sc_vector_subcore>, window_params = [{transform_indices = #map}, {transform_indices = #map}, {transform_indices = #map1}]} {
    %mul3A = arith.constant 2 : i32
    %mul3A_0 = arith.muli %arg1, %mul3A : i32
    %add3A = arith.addi %mul3A_0, %arg0 : i32
    %jit3A = arith.constant 8 : i32
    %div3A = arith.divsi %add3A, %jit3A : i32
    %sign3A = arith.constant 0 : i32
    %sign3A_1 = arith.cmpi sgt, %add3A, %sign3A : i32
    %sign3A_2 = arith.extui %sign3A_1 : i1 to i32
    %sign3A_3 = arith.constant 0 : i32
    %sign3A_4 = arith.cmpi slt, %add3A, %sign3A_3 : i32
    %sign3A_5 = arith.extui %sign3A_4 : i1 to i32
    %sign3A_6 = arith.subi %sign3A_2, %sign3A_5 : i32
    %sign3A_7 = arith.constant 0 : i32
    %sign3A_8 = arith.cmpi sgt, %jit3A, %sign3A_7 : i32
    %sign3A_9 = arith.extui %sign3A_8 : i1 to i32
    %sign3A_10 = arith.constant 0 : i32
    %sign3A_11 = arith.cmpi slt, %jit3A, %sign3A_10 : i32
    %sign3A_12 = arith.extui %sign3A_11 : i1 to i32
    %sign3A_13 = arith.subi %sign3A_9, %sign3A_12 : i32
    %ne3A = arith.cmpi ne, %sign3A_6, %sign3A_13 : i32
    %rem3A = arith.remsi %add3A, %jit3A : i32
    %ne3A_14 = arith.constant 0 : i32
    %ne3A_15 = arith.cmpi ne, %rem3A, %ne3A_14 : i32
    %and3A = arith.andi %ne3A, %ne3A_15 : i1
    %sub3A = arith.constant 1 : i32
    %sub3A_16 = arith.subi %div3A, %sub3A : i32
    %select_n3A = arith.select %and3A, %sub3A_16, %div3A : i32
    %jit3A_17 = arith.constant 8 : i32
    %eq3A = arith.constant 0 : i32
    %eq3A_18 = arith.cmpi eq, %jit3A_17, %eq3A : i32
    %jit3A_19 = arith.constant 1 : i32
    %select_n3A_20 = arith.select %eq3A_18, %jit3A_19, %jit3A_17 : i32
    %rem3A_21 = arith.remsi %add3A, %select_n3A_20 : i32
    %ne3A_22 = arith.constant 0 : i32
    %ne3A_23 = arith.cmpi ne, %rem3A_21, %ne3A_22 : i32
    %lt3A = arith.constant 0 : i32
    %lt3A_24 = arith.cmpi slt, %rem3A_21, %lt3A : i32
    %lt3A_25 = arith.constant 0 : i32
    %lt3A_26 = arith.cmpi slt, %select_n3A_20, %lt3A_25 : i32
    %ne3A_27 = arith.xori %lt3A_24, %lt3A_26 : i1
    %and3A_28 = arith.andi %ne3A_27, %ne3A_23 : i1
    %add3A_29 = arith.addi %rem3A_21, %select_n3A_20 : i32
    %select_n3A_30 = arith.select %and3A_28, %add3A_29, %rem3A_21 : i32
    %mul3A_31 = arith.constant 256 : i32
    %mul3A_32 = arith.muli %select_n3A_30, %mul3A_31 : i32
    %dma_start3A = arith.constant 0 : i32
    %dma_start3A_33 = arith.constant 0 : i32
    %dma_start3A_34 = arith.constant 0 : i32
    %dma_start3A_35 = arith.constant 0 : i32
    %dma_start3A_36 = tpu.memref_slice %arg5[%dma_start3A, %dma_start3A_34, %dma_start3A_35] : memref<4x64x256xf32, #tpu.memory_space<vmem>> -> memref<1x64x256xf32, #tpu.memory_space<vmem>>
    %dma_start3A_37 = tpu.memref_squeeze %dma_start3A_36 : memref<1x64x256xf32, #tpu.memory_space<vmem>> -> memref<64x256xf32, #tpu.memory_space<vmem>>
    %dma_start3A_38 = arith.constant 0 : i32
    %dma_start3A_39 = tpu.memref_slice %arg2[%select_n3A, %dma_start3A_38, %mul3A_32] : memref<4x4096x2048xf32, #tpu.memory_space<hbm>> -> memref<1x64x256xf32, #tpu.memory_space<hbm>>
    %dma_start3A_40 = tpu.memref_squeeze %dma_start3A_39 : memref<1x64x256xf32, #tpu.memory_space<hbm>> -> memref<64x256xf32, #tpu.memory_space<hbm>>
    %dma_start3A_41 = tpu.memref_slice %arg8[%dma_start3A_33] : memref<4x!tpu.dma_semaphore, #tpu.memory_space<semaphore_mem>> -> memref<1x!tpu.dma_semaphore, #tpu.memory_space<semaphore_mem>>
    %dma_start3A_42 = tpu.memref_squeeze %dma_start3A_41 : memref<1x!tpu.dma_semaphore, #tpu.memory_space<semaphore_mem>> -> memref<!tpu.dma_semaphore, #tpu.memory_space<semaphore_mem>>
    %dma_start3A_43 = arith.constant 0 : i32
    %dma_start3A_44 = arith.constant 0 : i32
    %dma_start3A_45 = tpu.memref_slice %arg5[%dma_start3A, %dma_start3A_43, %dma_start3A_44] : memref<4x64x256xf32, #tpu.memory_space<vmem>> -> memref<1x64x256xf32, #tpu.memory_space<vmem>>
    %dma_start3A_46 = tpu.memref_squeeze %dma_start3A_45 : memref<1x64x256xf32, #tpu.memory_space<vmem>> -> memref<64x256xf32, #tpu.memory_space<vmem>>
    %dma_start3A_47 = arith.constant 0 : i32
    %dma_start3A_48 = tpu.memref_slice %arg2[%select_n3A, %dma_start3A_47, %mul3A_32] : memref<4x4096x2048xf32, #tpu.memory_space<hbm>> -> memref<1x64x256xf32, #tpu.memory_space<hbm>>
    %dma_start3A_49 = tpu.memref_squeeze %dma_start3A_48 : memref<1x64x256xf32, #tpu.memory_space<hbm>> -> memref<64x256xf32, #tpu.memory_space<hbm>>
    tpu.enqueue_dma source(%dma_start3A_49 : memref<64x256xf32, #tpu.memory_space<hbm>>) target(%dma_start3A_46 : memref<64x256xf32, #tpu.memory_space<vmem>>) target_semaphore(%dma_start3A_42 : memref<!tpu.dma_semaphore, #tpu.memory_space<semaphore_mem>>)
    %dma_start3A_50 = arith.constant 0 : i32
    %dma_start3A_51 = arith.constant 0 : i32
    %dma_start3A_52 = arith.constant 0 : i32
    %dma_start3A_53 = arith.constant 0 : i32
    %dma_start3A_54 = tpu.memref_slice %arg6[%dma_start3A_50, %dma_start3A_52, %dma_start3A_53] : memref<4x64x16xf32, #tpu.memory_space<vmem>> -> memref<1x64x16xf32, #tpu.memory_space<vmem>>
    %dma_start3A_55 = tpu.memref_squeeze %dma_start3A_54 : memref<1x64x16xf32, #tpu.memory_space<vmem>> -> memref<64x16xf32, #tpu.memory_space<vmem>>
    %dma_start3A_56 = arith.constant 0 : i32
    %dma_start3A_57 = arith.constant 0 : i32
    %dma_start3A_58 = tpu.memref_slice %arg3[%select_n3A, %dma_start3A_56, %dma_start3A_57] : memref<4x1024x16xf32, #tpu.memory_space<hbm>> -> memref<1x64x16xf32, #tpu.memory_space<hbm>>
    %dma_start3A_59 = tpu.memref_squeeze %dma_start3A_58 : memref<1x64x16xf32, #tpu.memory_space<hbm>> -> memref<64x16xf32, #tpu.memory_space<hbm>>
    %dma_start3A_60 = tpu.memref_slice %arg9[%dma_start3A_51] : memref<4x!tpu.dma_semaphore, #tpu.memory_space<semaphore_mem>> -> memref<1x!tpu.dma_semaphore, #tpu.memory_space<semaphore_mem>>
    %dma_start3A_61 = tpu.memref_squeeze %dma_start3A_60 : memref<1x!tpu.dma_semaphore, #tpu.memory_space<semaphore_mem>> -> memref<!tpu.dma_semaphore, #tpu.memory_space<semaphore_mem>>
    %dma_start3A_62 = arith.constant 0 : i32
    %dma_start3A_63 = arith.constant 0 : i32
    %dma_start3A_64 = tpu.memref_slice %arg6[%dma_start3A_50, %dma_start3A_62, %dma_start3A_63] : memref<4x64x16xf32, #tpu.memory_space<vmem>> -> memref<1x64x16xf32, #tpu.memory_space<vmem>>
    %dma_start3A_65 = tpu.memref_squeeze %dma_start3A_64 : memref<1x64x16xf32, #tpu.memory_space<vmem>> -> memref<64x16xf32, #tpu.memory_space<vmem>>
    %dma_start3A_66 = arith.constant 0 : i32
    %dma_start3A_67 = arith.constant 0 : i32
    %dma_start3A_68 = tpu.memref_slice %arg3[%select_n3A, %dma_start3A_66, %dma_start3A_67] : memref<4x1024x16xf32, #tpu.memory_space<hbm>> -> memref<1x64x16xf32, #tpu.memory_space<hbm>>
    %dma_start3A_69 = tpu.memref_squeeze %dma_start3A_68 : memref<1x64x16xf32, #tpu.memory_space<hbm>> -> memref<64x16xf32, #tpu.memory_space<hbm>>
    tpu.enqueue_dma source(%dma_start3A_69 : memref<64x16xf32, #tpu.memory_space<hbm>>) target(%dma_start3A_65 : memref<64x16xf32, #tpu.memory_space<vmem>>) target_semaphore(%dma_start3A_61 : memref<!tpu.dma_semaphore, #tpu.memory_space<semaphore_mem>>)
    %dma_start3A_70 = arith.constant 1 : i32
    %dma_start3A_71 = arith.constant 1 : i32
    %dma_start3A_72 = arith.constant 0 : i32
    %dma_start3A_73 = arith.constant 0 : i32
    %dma_start3A_74 = tpu.memref_slice %arg5[%dma_start3A_70, %dma_start3A_72, %dma_start3A_73] : memref<4x64x256xf32, #tpu.memory_space<vmem>> -> memref<1x64x256xf32, #tpu.memory_space<vmem>>
    %dma_start3A_75 = tpu.memref_squeeze %dma_start3A_74 : memref<1x64x256xf32, #tpu.memory_space<vmem>> -> memref<64x256xf32, #tpu.memory_space<vmem>>
    %dma_start3A_76 = arith.constant 64 : i32
    %dma_start3A_77 = tpu.memref_slice %arg2[%select_n3A, %dma_start3A_76, %mul3A_32] : memref<4x4096x2048xf32, #tpu.memory_space<hbm>> -> memref<1x64x256xf32, #tpu.memory_space<hbm>>
    %dma_start3A_78 = tpu.memref_squeeze %dma_start3A_77 : memref<1x64x256xf32, #tpu.memory_space<hbm>> -> memref<64x256xf32, #tpu.memory_space<hbm>>
    %dma_start3A_79 = tpu.memref_slice %arg8[%dma_start3A_71] : memref<4x!tpu.dma_semaphore, #tpu.memory_space<semaphore_mem>> -> memref<1x!tpu.dma_semaphore, #tpu.memory_space<semaphore_mem>>
    %dma_start3A_80 = tpu.memref_squeeze %dma_start3A_79 : memref<1x!tpu.dma_semaphore, #tpu.memory_space<semaphore_mem>> -> memref<!tpu.dma_semaphore, #tpu.memory_space<semaphore_mem>>
    %dma_start3A_81 = arith.constant 0 : i32
    %dma_start3A_82 = arith.constant 0 : i32
    %dma_start3A_83 = tpu.memref_slice %arg5[%dma_start3A_70, %dma_start3A_81, %dma_start3A_82] : memref<4x64x256xf32, #tpu.memory_space<vmem>> -> memref<1x64x256xf32, #tpu.memory_space<vmem>>
    %dma_start3A_84 = tpu.memref_squeeze %dma_start3A_83 : memref<1x64x256xf32, #tpu.memory_space<vmem>> -> memref<64x256xf32, #tpu.memory_space<vmem>>
    %dma_start3A_85 = arith.constant 64 : i32
    %dma_start3A_86 = tpu.memref_slice %arg2[%select_n3A, %dma_start3A_85, %mul3A_32] : memref<4x4096x2048xf32, #tpu.memory_space<hbm>> -> memref<1x64x256xf32, #tpu.memory_space<hbm>>
    %dma_start3A_87 = tpu.memref_squeeze %dma_start3A_86 : memref<1x64x256xf32, #tpu.memory_space<hbm>> -> memref<64x256xf32, #tpu.memory_space<hbm>>
    tpu.enqueue_dma source(%dma_start3A_87 : memref<64x256xf32, #tpu.memory_space<hbm>>) target(%dma_start3A_84 : memref<64x256xf32, #tpu.memory_space<vmem>>) target_semaphore(%dma_start3A_80 : memref<!tpu.dma_semaphore, #tpu.memory_space<semaphore_mem>>)
    %dma_start3A_88 = arith.constant 1 : i32
    %dma_start3A_89 = arith.constant 1 : i32
    %dma_start3A_90 = arith.constant 0 : i32
    %dma_start3A_91 = arith.constant 0 : i32
    %dma_start3A_92 = tpu.memref_slice %arg6[%dma_start3A_88, %dma_start3A_90, %dma_start3A_91] : memref<4x64x16xf32, #tpu.memory_space<vmem>> -> memref<1x64x16xf32, #tpu.memory_space<vmem>>
    %dma_start3A_93 = tpu.memref_squeeze %dma_start3A_92 : memref<1x64x16xf32, #tpu.memory_space<vmem>> -> memref<64x16xf32, #tpu.memory_space<vmem>>
    %dma_start3A_94 = arith.constant 64 : i32
    %dma_start3A_95 = arith.constant 0 : i32
    %dma_start3A_96 = tpu.memref_slice %arg3[%select_n3A, %dma_start3A_94, %dma_start3A_95] : memref<4x1024x16xf32, #tpu.memory_space<hbm>> -> memref<1x64x16xf32, #tpu.memory_space<hbm>>
    %dma_start3A_97 = tpu.memref_squeeze %dma_start3A_96 : memref<1x64x16xf32, #tpu.memory_space<hbm>> -> memref<64x16xf32, #tpu.memory_space<hbm>>
    %dma_start3A_98 = tpu.memref_slice %arg9[%dma_start3A_89] : memref<4x!tpu.dma_semaphore, #tpu.memory_space<semaphore_mem>> -> memref<1x!tpu.dma_semaphore, #tpu.memory_space<semaphore_mem>>
    %dma_start3A_99 = tpu.memref_squeeze %dma_start3A_98 : memref<1x!tpu.dma_semaphore, #tpu.memory_space<semaphore_mem>> -> memref<!tpu.dma_semaphore, #tpu.memory_space<semaphore_mem>>
    %dma_start3A_100 = arith.constant 0 : i32
    %dma_start3A_101 = arith.constant 0 : i32
    %dma_start3A_102 = tpu.memref_slice %arg6[%dma_start3A_88, %dma_start3A_100, %dma_start3A_101] : memref<4x64x16xf32, #tpu.memory_space<vmem>> -> memref<1x64x16xf32, #tpu.memory_space<vmem>>
    %dma_start3A_103 = tpu.memref_squeeze %dma_start3A_102 : memref<1x64x16xf32, #tpu.memory_space<vmem>> -> memref<64x16xf32, #tpu.memory_space<vmem>>
    %dma_start3A_104 = arith.constant 64 : i32
    %dma_start3A_105 = arith.constant 0 : i32
    %dma_start3A_106 = tpu.memref_slice %arg3[%select_n3A, %dma_start3A_104, %dma_start3A_105] : memref<4x1024x16xf32, #tpu.memory_space<hbm>> -> memref<1x64x16xf32, #tpu.memory_space<hbm>>
    %dma_start3A_107 = tpu.memref_squeeze %dma_start3A_106 : memref<1x64x16xf32, #tpu.memory_space<hbm>> -> memref<64x16xf32, #tpu.memory_space<hbm>>
    tpu.enqueue_dma source(%dma_start3A_107 : memref<64x16xf32, #tpu.memory_space<hbm>>) target(%dma_start3A_103 : memref<64x16xf32, #tpu.memory_space<vmem>>) target_semaphore(%dma_start3A_99 : memref<!tpu.dma_semaphore, #tpu.memory_space<semaphore_mem>>)
    %dma_start3A_108 = arith.constant 2 : i32
    %dma_start3A_109 = arith.constant 2 : i32
    %dma_start3A_110 = arith.constant 0 : i32
    %dma_start3A_111 = arith.constant 0 : i32
    %dma_start3A_112 = tpu.memref_slice %arg5[%dma_start3A_108, %dma_start3A_110, %dma_start3A_111] : memref<4x64x256xf32, #tpu.memory_space<vmem>> -> memref<1x64x256xf32, #tpu.memory_space<vmem>>
    %dma_start3A_113 = tpu.memref_squeeze %dma_start3A_112 : memref<1x64x256xf32, #tpu.memory_space<vmem>> -> memref<64x256xf32, #tpu.memory_space<vmem>>
    %dma_start3A_114 = arith.constant 128 : i32
    %dma_start3A_115 = tpu.memref_slice %arg2[%select_n3A, %dma_start3A_114, %mul3A_32] : memref<4x4096x2048xf32, #tpu.memory_space<hbm>> -> memref<1x64x256xf32, #tpu.memory_space<hbm>>
    %dma_start3A_116 = tpu.memref_squeeze %dma_start3A_115 : memref<1x64x256xf32, #tpu.memory_space<hbm>> -> memref<64x256xf32, #tpu.memory_space<hbm>>
    %dma_start3A_117 = tpu.memref_slice %arg8[%dma_start3A_109] : memref<4x!tpu.dma_semaphore, #tpu.memory_space<semaphore_mem>> -> memref<1x!tpu.dma_semaphore, #tpu.memory_space<semaphore_mem>>
    %dma_start3A_118 = tpu.memref_squeeze %dma_start3A_117 : memref<1x!tpu.dma_semaphore, #tpu.memory_space<semaphore_mem>> -> memref<!tpu.dma_semaphore, #tpu.memory_space<semaphore_mem>>
    %dma_start3A_119 = arith.constant 0 : i32
    %dma_start3A_120 = arith.constant 0 : i32
    %dma_start3A_121 = tpu.memref_slice %arg5[%dma_start3A_108, %dma_start3A_119, %dma_start3A_120] : memref<4x64x256xf32, #tpu.memory_space<vmem>> -> memref<1x64x256xf32, #tpu.memory_space<vmem>>
    %dma_start3A_122 = tpu.memref_squeeze %dma_start3A_121 : memref<1x64x256xf32, #tpu.memory_space<vmem>> -> memref<64x256xf32, #tpu.memory_space<vmem>>
    %dma_start3A_123 = arith.constant 128 : i32
    %dma_start3A_124 = tpu.memref_slice %arg2[%select_n3A, %dma_start3A_123, %mul3A_32] : memref<4x4096x2048xf32, #tpu.memory_space<hbm>> -> memref<1x64x256xf32, #tpu.memory_space<hbm>>
    %dma_start3A_125 = tpu.memref_squeeze %dma_start3A_124 : memref<1x64x256xf32, #tpu.memory_space<hbm>> -> memref<64x256xf32, #tpu.memory_space<hbm>>
    tpu.enqueue_dma source(%dma_start3A_125 : memref<64x256xf32, #tpu.memory_space<hbm>>) target(%dma_start3A_122 : memref<64x256xf32, #tpu.memory_space<vmem>>) target_semaphore(%dma_start3A_118 : memref<!tpu.dma_semaphore, #tpu.memory_space<semaphore_mem>>)
    %dma_start3A_126 = arith.constant 2 : i32
    %dma_start3A_127 = arith.constant 2 : i32
    %dma_start3A_128 = arith.constant 0 : i32
    %dma_start3A_129 = arith.constant 0 : i32
    %dma_start3A_130 = tpu.memref_slice %arg6[%dma_start3A_126, %dma_start3A_128, %dma_start3A_129] : memref<4x64x16xf32, #tpu.memory_space<vmem>> -> memref<1x64x16xf32, #tpu.memory_space<vmem>>
    %dma_start3A_131 = tpu.memref_squeeze %dma_start3A_130 : memref<1x64x16xf32, #tpu.memory_space<vmem>> -> memref<64x16xf32, #tpu.memory_space<vmem>>
    %dma_start3A_132 = arith.constant 128 : i32
    %dma_start3A_133 = arith.constant 0 : i32
    %dma_start3A_134 = tpu.memref_slice %arg3[%select_n3A, %dma_start3A_132, %dma_start3A_133] : memref<4x1024x16xf32, #tpu.memory_space<hbm>> -> memref<1x64x16xf32, #tpu.memory_space<hbm>>
    %dma_start3A_135 = tpu.memref_squeeze %dma_start3A_134 : memref<1x64x16xf32, #tpu.memory_space<hbm>> -> memref<64x16xf32, #tpu.memory_space<hbm>>
    %dma_start3A_136 = tpu.memref_slice %arg9[%dma_start3A_127] : memref<4x!tpu.dma_semaphore, #tpu.memory_space<semaphore_mem>> -> memref<1x!tpu.dma_semaphore, #tpu.memory_space<semaphore_mem>>
    %dma_start3A_137 = tpu.memref_squeeze %dma_start3A_136 : memref<1x!tpu.dma_semaphore, #tpu.memory_space<semaphore_mem>> -> memref<!tpu.dma_semaphore, #tpu.memory_space<semaphore_mem>>
    %dma_start3A_138 = arith.constant 0 : i32
    %dma_start3A_139 = arith.constant 0 : i32
    %dma_start3A_140 = tpu.memref_slice %arg6[%dma_start3A_126, %dma_start3A_138, %dma_start3A_139] : memref<4x64x16xf32, #tpu.memory_space<vmem>> -> memref<1x64x16xf32, #tpu.memory_space<vmem>>
    %dma_start3A_141 = tpu.memref_squeeze %dma_start3A_140 : memref<1x64x16xf32, #tpu.memory_space<vmem>> -> memref<64x16xf32, #tpu.memory_space<vmem>>
    %dma_start3A_142 = arith.constant 128 : i32
    %dma_start3A_143 = arith.constant 0 : i32
    %dma_start3A_144 = tpu.memref_slice %arg3[%select_n3A, %dma_start3A_142, %dma_start3A_143] : memref<4x1024x16xf32, #tpu.memory_space<hbm>> -> memref<1x64x16xf32, #tpu.memory_space<hbm>>
    %dma_start3A_145 = tpu.memref_squeeze %dma_start3A_144 : memref<1x64x16xf32, #tpu.memory_space<hbm>> -> memref<64x16xf32, #tpu.memory_space<hbm>>
    tpu.enqueue_dma source(%dma_start3A_145 : memref<64x16xf32, #tpu.memory_space<hbm>>) target(%dma_start3A_141 : memref<64x16xf32, #tpu.memory_space<vmem>>) target_semaphore(%dma_start3A_137 : memref<!tpu.dma_semaphore, #tpu.memory_space<semaphore_mem>>)
    %dma_start3A_146 = arith.constant 3 : i32
    %dma_start3A_147 = arith.constant 3 : i32
    %dma_start3A_148 = arith.constant 0 : i32
    %dma_start3A_149 = arith.constant 0 : i32
    %dma_start3A_150 = tpu.memref_slice %arg5[%dma_start3A_146, %dma_start3A_148, %dma_start3A_149] : memref<4x64x256xf32, #tpu.memory_space<vmem>> -> memref<1x64x256xf32, #tpu.memory_space<vmem>>
    %dma_start3A_151 = tpu.memref_squeeze %dma_start3A_150 : memref<1x64x256xf32, #tpu.memory_space<vmem>> -> memref<64x256xf32, #tpu.memory_space<vmem>>
    %dma_start3A_152 = arith.constant 192 : i32
    %dma_start3A_153 = tpu.memref_slice %arg2[%select_n3A, %dma_start3A_152, %mul3A_32] : memref<4x4096x2048xf32, #tpu.memory_space<hbm>> -> memref<1x64x256xf32, #tpu.memory_space<hbm>>
    %dma_start3A_154 = tpu.memref_squeeze %dma_start3A_153 : memref<1x64x256xf32, #tpu.memory_space<hbm>> -> memref<64x256xf32, #tpu.memory_space<hbm>>
    %dma_start3A_155 = tpu.memref_slice %arg8[%dma_start3A_147] : memref<4x!tpu.dma_semaphore, #tpu.memory_space<semaphore_mem>> -> memref<1x!tpu.dma_semaphore, #tpu.memory_space<semaphore_mem>>
    %dma_start3A_156 = tpu.memref_squeeze %dma_start3A_155 : memref<1x!tpu.dma_semaphore, #tpu.memory_space<semaphore_mem>> -> memref<!tpu.dma_semaphore, #tpu.memory_space<semaphore_mem>>
    %dma_start3A_157 = arith.constant 0 : i32
    %dma_start3A_158 = arith.constant 0 : i32
    %dma_start3A_159 = tpu.memref_slice %arg5[%dma_start3A_146, %dma_start3A_157, %dma_start3A_158] : memref<4x64x256xf32, #tpu.memory_space<vmem>> -> memref<1x64x256xf32, #tpu.memory_space<vmem>>
    %dma_start3A_160 = tpu.memref_squeeze %dma_start3A_159 : memref<1x64x256xf32, #tpu.memory_space<vmem>> -> memref<64x256xf32, #tpu.memory_space<vmem>>
    %dma_start3A_161 = arith.constant 192 : i32
    %dma_start3A_162 = tpu.memref_slice %arg2[%select_n3A, %dma_start3A_161, %mul3A_32] : memref<4x4096x2048xf32, #tpu.memory_space<hbm>> -> memref<1x64x256xf32, #tpu.memory_space<hbm>>
    %dma_start3A_163 = tpu.memref_squeeze %dma_start3A_162 : memref<1x64x256xf32, #tpu.memory_space<hbm>> -> memref<64x256xf32, #tpu.memory_space<hbm>>
    tpu.enqueue_dma source(%dma_start3A_163 : memref<64x256xf32, #tpu.memory_space<hbm>>) target(%dma_start3A_160 : memref<64x256xf32, #tpu.memory_space<vmem>>) target_semaphore(%dma_start3A_156 : memref<!tpu.dma_semaphore, #tpu.memory_space<semaphore_mem>>)
    %dma_start3A_164 = arith.constant 3 : i32
    %dma_start3A_165 = arith.constant 3 : i32
    %dma_start3A_166 = arith.constant 0 : i32
    %dma_start3A_167 = arith.constant 0 : i32
    %dma_start3A_168 = tpu.memref_slice %arg6[%dma_start3A_164, %dma_start3A_166, %dma_start3A_167] : memref<4x64x16xf32, #tpu.memory_space<vmem>> -> memref<1x64x16xf32, #tpu.memory_space<vmem>>
    %dma_start3A_169 = tpu.memref_squeeze %dma_start3A_168 : memref<1x64x16xf32, #tpu.memory_space<vmem>> -> memref<64x16xf32, #tpu.memory_space<vmem>>
    %dma_start3A_170 = arith.constant 192 : i32
    %dma_start3A_171 = arith.constant 0 : i32
    %dma_start3A_172 = tpu.memref_slice %arg3[%select_n3A, %dma_start3A_170, %dma_start3A_171] : memref<4x1024x16xf32, #tpu.memory_space<hbm>> -> memref<1x64x16xf32, #tpu.memory_space<hbm>>
    %dma_start3A_173 = tpu.memref_squeeze %dma_start3A_172 : memref<1x64x16xf32, #tpu.memory_space<hbm>> -> memref<64x16xf32, #tpu.memory_space<hbm>>
    %dma_start3A_174 = tpu.memref_slice %arg9[%dma_start3A_165] : memref<4x!tpu.dma_semaphore, #tpu.memory_space<semaphore_mem>> -> memref<1x!tpu.dma_semaphore, #tpu.memory_space<semaphore_mem>>
    %dma_start3A_175 = tpu.memref_squeeze %dma_start3A_174 : memref<1x!tpu.dma_semaphore, #tpu.memory_space<semaphore_mem>> -> memref<!tpu.dma_semaphore, #tpu.memory_space<semaphore_mem>>
    %dma_start3A_176 = arith.constant 0 : i32
    %dma_start3A_177 = arith.constant 0 : i32
    %dma_start3A_178 = tpu.memref_slice %arg6[%dma_start3A_164, %dma_start3A_176, %dma_start3A_177] : memref<4x64x16xf32, #tpu.memory_space<vmem>> -> memref<1x64x16xf32, #tpu.memory_space<vmem>>
    %dma_start3A_179 = tpu.memref_squeeze %dma_start3A_178 : memref<1x64x16xf32, #tpu.memory_space<vmem>> -> memref<64x16xf32, #tpu.memory_space<vmem>>
    %dma_start3A_180 = arith.constant 192 : i32
    %dma_start3A_181 = arith.constant 0 : i32
    %dma_start3A_182 = tpu.memref_slice %arg3[%select_n3A, %dma_start3A_180, %dma_start3A_181] : memref<4x1024x16xf32, #tpu.memory_space<hbm>> -> memref<1x64x16xf32, #tpu.memory_space<hbm>>
    %dma_start3A_183 = tpu.memref_squeeze %dma_start3A_182 : memref<1x64x16xf32, #tpu.memory_space<hbm>> -> memref<64x16xf32, #tpu.memory_space<hbm>>
    tpu.enqueue_dma source(%dma_start3A_183 : memref<64x16xf32, #tpu.memory_space<hbm>>) target(%dma_start3A_179 : memref<64x16xf32, #tpu.memory_space<vmem>>) target_semaphore(%dma_start3A_175 : memref<!tpu.dma_semaphore, #tpu.memory_space<semaphore_mem>>)
    %broadcast_in_dim3A = arith.constant 0.000000e+00 : f32
    %broadcast_in_dim3A_184 = vector.broadcast %broadcast_in_dim3A : f32 to vector<16xf32>
    %broadcast_in_dim3A_185 = arith.constant 0.000000e+00 : f32
    %broadcast_in_dim3A_186 = vector.broadcast %broadcast_in_dim3A_185 : f32 to vector<16xf32>
    %broadcast_in_dim3A_187 = arith.constant 0.000000e+00 : f32
    %broadcast_in_dim3A_188 = vector.broadcast %broadcast_in_dim3A_187 : f32 to vector<16xf32>
    %broadcast_in_dim3A_189 = arith.constant 0.000000e+00 : f32
    %broadcast_in_dim3A_190 = vector.broadcast %broadcast_in_dim3A_189 : f32 to vector<16xf32>
    %broadcast_in_dim3A_191 = arith.constant 0.000000e+00 : f32
    %broadcast_in_dim3A_192 = vector.broadcast %broadcast_in_dim3A_191 : f32 to vector<16xf32>
    %broadcast_in_dim3A_193 = arith.constant 0.000000e+00 : f32
    %broadcast_in_dim3A_194 = vector.broadcast %broadcast_in_dim3A_193 : f32 to vector<16xf32>
    %broadcast_in_dim3A_195 = arith.constant 0.000000e+00 : f32
    %broadcast_in_dim3A_196 = vector.broadcast %broadcast_in_dim3A_195 : f32 to vector<16xf32>
    %broadcast_in_dim3A_197 = arith.constant 0.000000e+00 : f32
    %broadcast_in_dim3A_198 = vector.broadcast %broadcast_in_dim3A_197 : f32 to vector<16xf32>
    %broadcast_in_dim3A_199 = arith.constant 0.000000e+00 : f32
    %broadcast_in_dim3A_200 = vector.broadcast %broadcast_in_dim3A_199 : f32 to vector<16xf32>
    %broadcast_in_dim3A_201 = arith.constant 0.000000e+00 : f32
    %broadcast_in_dim3A_202 = vector.broadcast %broadcast_in_dim3A_201 : f32 to vector<16xf32>
    %broadcast_in_dim3A_203 = arith.constant 0.000000e+00 : f32
    %broadcast_in_dim3A_204 = vector.broadcast %broadcast_in_dim3A_203 : f32 to vector<16xf32>
    %broadcast_in_dim3A_205 = arith.constant 0.000000e+00 : f32
    %broadcast_in_dim3A_206 = vector.broadcast %broadcast_in_dim3A_205 : f32 to vector<16xf32>
    %broadcast_in_dim3A_207 = arith.constant 0.000000e+00 : f32
    %broadcast_in_dim3A_208 = vector.broadcast %broadcast_in_dim3A_207 : f32 to vector<16xf32>
    %broadcast_in_dim3A_209 = arith.constant 0.000000e+00 : f32
    %broadcast_in_dim3A_210 = vector.broadcast %broadcast_in_dim3A_209 : f32 to vector<16xf32>
    %broadcast_in_dim3A_211 = arith.constant 0.000000e+00 : f32
    %broadcast_in_dim3A_212 = vector.broadcast %broadcast_in_dim3A_211 : f32 to vector<16xf32>
    %broadcast_in_dim3A_213 = arith.constant 0.000000e+00 : f32
    %broadcast_in_dim3A_214 = vector.broadcast %broadcast_in_dim3A_213 : f32 to vector<16xf32>
    %scan3A = arith.constant 0 : i32
    %scan3A_215 = arith.constant 4 : i32
    %scan3A_216 = arith.addi %scan3A, %scan3A_215 : i32
    %scan3A_217 = arith.constant 1 : i32
    %scan3A_218:16 = scf.for %scan3A_283 = %scan3A to %scan3A_216 step %scan3A_217 iter_args(%scan3A_284 = %broadcast_in_dim3A_184, %scan3A_285 = %broadcast_in_dim3A_186, %scan3A_286 = %broadcast_in_dim3A_188, %scan3A_287 = %broadcast_in_dim3A_190, %scan3A_288 = %broadcast_in_dim3A_192, %scan3A_289 = %broadcast_in_dim3A_194, %scan3A_290 = %broadcast_in_dim3A_196, %scan3A_291 = %broadcast_in_dim3A_198, %scan3A_292 = %broadcast_in_dim3A_200, %scan3A_293 = %broadcast_in_dim3A_202, %scan3A_294 = %broadcast_in_dim3A_204, %scan3A_295 = %broadcast_in_dim3A_206, %scan3A_296 = %broadcast_in_dim3A_208, %scan3A_297 = %broadcast_in_dim3A_210, %scan3A_298 = %broadcast_in_dim3A_212, %scan3A_299 = %broadcast_in_dim3A_214) -> (vector<16xf32>, vector<16xf32>, vector<16xf32>, vector<16xf32>, vector<16xf32>, vector<16xf32>, vector<16xf32>, vector<16xf32>, vector<16xf32>, vector<16xf32>, vector<16xf32>, vector<16xf32>, vector<16xf32>, vector<16xf32>, vector<16xf32>, vector<16xf32>)  : i32 {
      %mul3A_300 = arith.constant 4 : i32
      %mul3A_301 = arith.muli %scan3A_283, %mul3A_300 : i32
      %add3A_302 = arith.constant 0 : i32
      %add3A_303 = arith.addi %mul3A_301, %add3A_302 : i32
      %mul3A_304 = arith.constant 64 : i32
      %mul3A_305 = arith.muli %add3A_303, %mul3A_304 : i32
      %dma_wait3A = arith.constant 0 : i32
      %dma_wait3A_306 = arith.constant 0 : i32
      %dma_wait3A_307 = arith.constant 0 : i32
      %dma_wait3A_308 = arith.constant 0 : i32
      %dma_wait3A_309 = tpu.memref_slice %arg5[%dma_wait3A, %dma_wait3A_307, %dma_wait3A_308] : memref<4x64x256xf32, #tpu.memory_space<vmem>> -> memref<1x64x256xf32, #tpu.memory_space<vmem>>
      %dma_wait3A_310 = tpu.memref_squeeze %dma_wait3A_309 : memref<1x64x256xf32, #tpu.memory_space<vmem>> -> memref<64x256xf32, #tpu.memory_space<vmem>>
      %dma_wait3A_311 = tpu.memref_slice %arg2[%select_n3A, %mul3A_305, %mul3A_32] : memref<4x4096x2048xf32, #tpu.memory_space<hbm>> -> memref<1x64x256xf32, #tpu.memory_space<hbm>>
      %dma_wait3A_312 = tpu.memref_squeeze %dma_wait3A_311 : memref<1x64x256xf32, #tpu.memory_space<hbm>> -> memref<64x256xf32, #tpu.memory_space<hbm>>
      %dma_wait3A_313 = tpu.memref_slice %arg8[%dma_wait3A_306] : memref<4x!tpu.dma_semaphore, #tpu.memory_space<semaphore_mem>> -> memref<1x!tpu.dma_semaphore, #tpu.memory_space<semaphore_mem>>
      %dma_wait3A_314 = tpu.memref_squeeze %dma_wait3A_313 : memref<1x!tpu.dma_semaphore, #tpu.memory_space<semaphore_mem>> -> memref<!tpu.dma_semaphore, #tpu.memory_space<semaphore_mem>>
      %dma_wait3A_315 = arith.constant 0 : i32
      %dma_wait3A_316 = arith.constant 0 : i32
      %dma_wait3A_317 = tpu.memref_slice %arg5[%dma_wait3A, %dma_wait3A_315, %dma_wait3A_316] : memref<4x64x256xf32, #tpu.memory_space<vmem>> -> memref<1x64x256xf32, #tpu.memory_space<vmem>>
      %dma_wait3A_318 = tpu.memref_squeeze %dma_wait3A_317 : memref<1x64x256xf32, #tpu.memory_space<vmem>> -> memref<64x256xf32, #tpu.memory_space<vmem>>
      %dma_wait3A_319 = tpu.memref_slice %arg2[%select_n3A, %mul3A_305, %mul3A_32] : memref<4x4096x2048xf32, #tpu.memory_space<hbm>> -> memref<1x64x256xf32, #tpu.memory_space<hbm>>
      %dma_wait3A_320 = tpu.memref_squeeze %dma_wait3A_319 : memref<1x64x256xf32, #tpu.memory_space<hbm>> -> memref<64x256xf32, #tpu.memory_space<hbm>>
      tpu.wait_dma2 semaphore(%dma_wait3A_314 : memref<!tpu.dma_semaphore, #tpu.memory_space<semaphore_mem>>) src(%dma_wait3A_320 : memref<64x256xf32, #tpu.memory_space<hbm>>) dst(%dma_wait3A_318 : memref<64x256xf32, #tpu.memory_space<vmem>>)
      %mul3A_321 = arith.constant 64 : i32
      %mul3A_322 = arith.muli %add3A_303, %mul3A_321 : i32
      %dma_wait3A_323 = arith.constant 0 : i32
      %dma_wait3A_324 = arith.constant 0 : i32
      %dma_wait3A_325 = arith.constant 0 : i32
      %dma_wait3A_326 = arith.constant 0 : i32
      %dma_wait3A_327 = tpu.memref_slice %arg6[%dma_wait3A_323, %dma_wait3A_325, %dma_wait3A_326] : memref<4x64x16xf32, #tpu.memory_space<vmem>> -> memref<1x64x16xf32, #tpu.memory_space<vmem>>
      %dma_wait3A_328 = tpu.memref_squeeze %dma_wait3A_327 : memref<1x64x16xf32, #tpu.memory_space<vmem>> -> memref<64x16xf32, #tpu.memory_space<vmem>>
      %dma_wait3A_329 = arith.constant 0 : i32
      %dma_wait3A_330 = tpu.memref_slice %arg3[%select_n3A, %mul3A_322, %dma_wait3A_329] : memref<4x1024x16xf32, #tpu.memory_space<hbm>> -> memref<1x64x16xf32, #tpu.memory_space<hbm>>
      %dma_wait3A_331 = tpu.memref_squeeze %dma_wait3A_330 : memref<1x64x16xf32, #tpu.memory_space<hbm>> -> memref<64x16xf32, #tpu.memory_space<hbm>>
      %dma_wait3A_332 = tpu.memref_slice %arg9[%dma_wait3A_324] : memref<4x!tpu.dma_semaphore, #tpu.memory_space<semaphore_mem>> -> memref<1x!tpu.dma_semaphore, #tpu.memory_space<semaphore_mem>>
      %dma_wait3A_333 = tpu.memref_squeeze %dma_wait3A_332 : memref<1x!tpu.dma_semaphore, #tpu.memory_space<semaphore_mem>> -> memref<!tpu.dma_semaphore, #tpu.memory_space<semaphore_mem>>
      %dma_wait3A_334 = arith.constant 0 : i32
      %dma_wait3A_335 = arith.constant 0 : i32
      %dma_wait3A_336 = tpu.memref_slice %arg6[%dma_wait3A_323, %dma_wait3A_334, %dma_wait3A_335] : memref<4x64x16xf32, #tpu.memory_space<vmem>> -> memref<1x64x16xf32, #tpu.memory_space<vmem>>
      %dma_wait3A_337 = tpu.memref_squeeze %dma_wait3A_336 : memref<1x64x16xf32, #tpu.memory_space<vmem>> -> memref<64x16xf32, #tpu.memory_space<vmem>>
      %dma_wait3A_338 = arith.constant 0 : i32
      %dma_wait3A_339 = tpu.memref_slice %arg3[%select_n3A, %mul3A_322, %dma_wait3A_338] : memref<4x1024x16xf32, #tpu.memory_space<hbm>> -> memref<1x64x16xf32, #tpu.memory_space<hbm>>
      %dma_wait3A_340 = tpu.memref_squeeze %dma_wait3A_339 : memref<1x64x16xf32, #tpu.memory_space<hbm>> -> memref<64x16xf32, #tpu.memory_space<hbm>>
      tpu.wait_dma2 semaphore(%dma_wait3A_333 : memref<!tpu.dma_semaphore, #tpu.memory_space<semaphore_mem>>) src(%dma_wait3A_340 : memref<64x16xf32, #tpu.memory_space<hbm>>) dst(%dma_wait3A_337 : memref<64x16xf32, #tpu.memory_space<vmem>>)
      %scan3A_341 = arith.constant 0 : i32
      %scan3A_342 = arith.constant 16 : i32
      %scan3A_343 = arith.addi %scan3A_341, %scan3A_342 : i32
      %scan3A_344 = arith.constant 1 : i32
      %scan3A_345:16 = scf.for %scan3A_517 = %scan3A_341 to %scan3A_343 step %scan3A_344 iter_args(%scan3A_518 = %scan3A_284, %scan3A_519 = %scan3A_285, %scan3A_520 = %scan3A_286, %scan3A_521 = %scan3A_287, %scan3A_522 = %scan3A_288, %scan3A_523 = %scan3A_289, %scan3A_524 = %scan3A_290, %scan3A_525 = %scan3A_291, %scan3A_526 = %scan3A_292, %scan3A_527 = %scan3A_293, %scan3A_528 = %scan3A_294, %scan3A_529 = %scan3A_295, %scan3A_530 = %scan3A_296, %scan3A_531 = %scan3A_297, %scan3A_532 = %scan3A_298, %scan3A_533 = %scan3A_299) -> (vector<16xf32>, vector<16xf32>, vector<16xf32>, vector<16xf32>, vector<16xf32>, vector<16xf32>, vector<16xf32>, vector<16xf32>, vector<16xf32>, vector<16xf32>, vector<16xf32>, vector<16xf32>, vector<16xf32>, vector<16xf32>, vector<16xf32>, vector<16xf32>)  : i32 {
        %mul3A_534 = arith.constant 4 : i32
        %mul3A_535 = arith.muli %scan3A_517, %mul3A_534 : i32
        %add3A_536 = arith.constant 0 : i32
        %add3A_537 = arith.addi %mul3A_535, %add3A_536 : i32
        %get3A = arith.constant 0 : i32
        %get3A_538 = arith.constant 0 : i32
        %get3A_539 = arith.constant 0 : i32
        %get3A_540 = tpu.memref_slice %arg6[%get3A, %get3A_538, %get3A_539] : memref<4x64x16xf32, #tpu.memory_space<vmem>> -> memref<1x64x16xf32, #tpu.memory_space<vmem>>
        %get3A_541 = tpu.memref_squeeze %get3A_540 : memref<1x64x16xf32, #tpu.memory_space<vmem>> -> memref<64x16xf32, #tpu.memory_space<vmem>>
        %get3A_542 = arith.index_cast %add3A_537 : i32 to index
        %get3A_543 = arith.constant 0 : index
        %get3A_544 = tpu.vector_load %get3A_541[%get3A_542, %get3A_543] {strides = array<i32>} : memref<64x16xf32, #tpu.memory_space<vmem>>, vector<1x16xf32>,
        %get3A_545 = vector.shape_cast %get3A_544 : vector<1x16xf32> to vector<16xf32>
        %get3A_546 = arith.constant 0 : i32
        %get3A_547 = arith.constant 0 : i32
        %get3A_548 = arith.constant 0 : i32
        %get3A_549 = tpu.memref_slice %arg5[%get3A_546, %get3A_547, %get3A_548] : memref<4x64x256xf32, #tpu.memory_space<vmem>> -> memref<1x64x256xf32, #tpu.memory_space<vmem>>
        %get3A_550 = tpu.memref_squeeze %get3A_549 : memref<1x64x256xf32, #tpu.memory_space<vmem>> -> memref<64x256xf32, #tpu.memory_space<vmem>>
        %get3A_551 = arith.index_cast %add3A_537 : i32 to index
        %get3A_552 = arith.constant 0 : index
        %get3A_553 = tpu.vector_load %get3A_550[%get3A_551, %get3A_552] {strides = array<i32>} : memref<64x256xf32, #tpu.memory_space<vmem>>, vector<1x16xf32>,
        %get3A_554 = vector.shape_cast %get3A_553 : vector<1x16xf32> to vector<16xf32>
        %mul3A_555 = arith.mulf %get3A_554, %get3A_545 : vector<16xf32>
        %add3A_556 = arith.addf %scan3A_518, %mul3A_555 : vector<16xf32>
        %get3A_557 = arith.constant 0 : i32
        %get3A_558 = arith.constant 0 : i32
        %get3A_559 = arith.constant 0 : i32
        %get3A_560 = tpu.memref_slice %arg5[%get3A_557, %get3A_558, %get3A_559] : memref<4x64x256xf32, #tpu.memory_space<vmem>> -> memref<1x64x256xf32, #tpu.memory_space<vmem>>
        %get3A_561 = tpu.memref_squeeze %get3A_560 : memref<1x64x256xf32, #tpu.memory_space<vmem>> -> memref<64x256xf32, #tpu.memory_space<vmem>>
        %get3A_562 = arith.index_cast %add3A_537 : i32 to index
        %get3A_563 = arith.constant 16 : index
        %get3A_564 = tpu.vector_load %get3A_561[%get3A_562, %get3A_563] {strides = array<i32>} : memref<64x256xf32, #tpu.memory_space<vmem>>, vector<1x16xf32>,
        %get3A_565 = vector.shape_cast %get3A_564 : vector<1x16xf32> to vector<16xf32>
        %mul3A_566 = arith.mulf %get3A_565, %get3A_545 : vector<16xf32>
        %add3A_567 = arith.addf %scan3A_519, %mul3A_566 : vector<16xf32>
        %get3A_568 = arith.constant 0 : i32
        %get3A_569 = arith.constant 0 : i32
        %get3A_570 = arith.constant 0 : i32
        %get3A_571 = tpu.memref_slice %arg5[%get3A_568, %get3A_569, %get3A_570] : memref<4x64x256xf32, #tpu.memory_space<vmem>> -> memref<1x64x256xf32, #tpu.memory_space<vmem>>
        %get3A_572 = tpu.memref_squeeze %get3A_571 : memref<1x64x256xf32, #tpu.memory_space<vmem>> -> memref<64x256xf32, #tpu.memory_space<vmem>>
        %get3A_573 = arith.index_cast %add3A_537 : i32 to index
        %get3A_574 = arith.constant 32 : index
        %get3A_575 = tpu.vector_load %get3A_572[%get3A_573, %get3A_574] {strides = array<i32>} : memref<64x256xf32, #tpu.memory_space<vmem>>, vector<1x16xf32>,
        %get3A_576 = vector.shape_cast %get3A_575 : vector<1x16xf32> to vector<16xf32>
        %mul3A_577 = arith.mulf %get3A_576, %get3A_545 : vector<16xf32>
        %add3A_578 = arith.addf %scan3A_520, %mul3A_577 : vector<16xf32>
        %get3A_579 = arith.constant 0 : i32
        %get3A_580 = arith.constant 0 : i32
        %get3A_581 = arith.constant 0 : i32
        %get3A_582 = tpu.memref_slice %arg5[%get3A_579, %get3A_580, %get3A_581] : memref<4x64x256xf32, #tpu.memory_space<vmem>> -> memref<1x64x256xf32, #tpu.memory_space<vmem>>
        %get3A_583 = tpu.memref_squeeze %get3A_582 : memref<1x64x256xf32, #tpu.memory_space<vmem>> -> memref<64x256xf32, #tpu.memory_space<vmem>>
        %get3A_584 = arith.index_cast %add3A_537 : i32 to index
        %get3A_585 = arith.constant 48 : index
        %get3A_586 = tpu.vector_load %get3A_583[%get3A_584, %get3A_585] {strides = array<i32>} : memref<64x256xf32, #tpu.memory_space<vmem>>, vector<1x16xf32>,
        %get3A_587 = vector.shape_cast %get3A_586 : vector<1x16xf32> to vector<16xf32>
        %mul3A_588 = arith.mulf %get3A_587, %get3A_545 : vector<16xf32>
        %add3A_589 = arith.addf %scan3A_521, %mul3A_588 : vector<16xf32>
        %get3A_590 = arith.constant 0 : i32
        %get3A_591 = arith.constant 0 : i32
        %get3A_592 = arith.constant 0 : i32
        %get3A_593 = tpu.memref_slice %arg5[%get3A_590, %get3A_591, %get3A_592] : memref<4x64x256xf32, #tpu.memory_space<vmem>> -> memref<1x64x256xf32, #tpu.memory_space<vmem>>
        %get3A_594 = tpu.memref_squeeze %get3A_593 : memref<1x64x256xf32, #tpu.memory_space<vmem>> -> memref<64x256xf32, #tpu.memory_space<vmem>>
        %get3A_595 = arith.index_cast %add3A_537 : i32 to index
        %get3A_596 = arith.constant 64 : index
        %get3A_597 = tpu.vector_load %get3A_594[%get3A_595, %get3A_596] {strides = array<i32>} : memref<64x256xf32, #tpu.memory_space<vmem>>, vector<1x16xf32>,
        %get3A_598 = vector.shape_cast %get3A_597 : vector<1x16xf32> to vector<16xf32>
        %mul3A_599 = arith.mulf %get3A_598, %get3A_545 : vector<16xf32>
        %add3A_600 = arith.addf %scan3A_522, %mul3A_599 : vector<16xf32>
        %get3A_601 = arith.constant 0 : i32
        %get3A_602 = arith.constant 0 : i32
        %get3A_603 = arith.constant 0 : i32
        %get3A_604 = tpu.memref_slice %arg5[%get3A_601, %get3A_602, %get3A_603] : memref<4x64x256xf32, #tpu.memory_space<vmem>> -> memref<1x64x256xf32, #tpu.memory_space<vmem>>
        %get3A_605 = tpu.memref_squeeze %get3A_604 : memref<1x64x256xf32, #tpu.memory_space<vmem>> -> memref<64x256xf32, #tpu.memory_space<vmem>>
        %get3A_606 = arith.index_cast %add3A_537 : i32 to index
        %get3A_607 = arith.constant 80 : index
        %get3A_608 = tpu.vector_load %get3A_605[%get3A_606, %get3A_607] {strides = array<i32>} : memref<64x256xf32, #tpu.memory_space<vmem>>, vector<1x16xf32>,
        %get3A_609 = vector.shape_cast %get3A_608 : vector<1x16xf32> to vector<16xf32>
        %mul3A_610 = arith.mulf %get3A_609, %get3A_545 : vector<16xf32>
        %add3A_611 = arith.addf %scan3A_523, %mul3A_610 : vector<16xf32>
        %get3A_612 = arith.constant 0 : i32
        %get3A_613 = arith.constant 0 : i32
        %get3A_614 = arith.constant 0 : i32
        %get3A_615 = tpu.memref_slice %arg5[%get3A_612, %get3A_613, %get3A_614] : memref<4x64x256xf32, #tpu.memory_space<vmem>> -> memref<1x64x256xf32, #tpu.memory_space<vmem>>
        %get3A_616 = tpu.memref_squeeze %get3A_615 : memref<1x64x256xf32, #tpu.memory_space<vmem>> -> memref<64x256xf32, #tpu.memory_space<vmem>>
        %get3A_617 = arith.index_cast %add3A_537 : i32 to index
        %get3A_618 = arith.constant 96 : index
        %get3A_619 = tpu.vector_load %get3A_616[%get3A_617, %get3A_618] {strides = array<i32>} : memref<64x256xf32, #tpu.memory_space<vmem>>, vector<1x16xf32>,
        %get3A_620 = vector.shape_cast %get3A_619 : vector<1x16xf32> to vector<16xf32>
        %mul3A_621 = arith.mulf %get3A_620, %get3A_545 : vector<16xf32>
        %add3A_622 = arith.addf %scan3A_524, %mul3A_621 : vector<16xf32>
        %get3A_623 = arith.constant 0 : i32
        %get3A_624 = arith.constant 0 : i32
        %get3A_625 = arith.constant 0 : i32
        %get3A_626 = tpu.memref_slice %arg5[%get3A_623, %get3A_624, %get3A_625] : memref<4x64x256xf32, #tpu.memory_space<vmem>> -> memref<1x64x256xf32, #tpu.memory_space<vmem>>
        %get3A_627 = tpu.memref_squeeze %get3A_626 : memref<1x64x256xf32, #tpu.memory_space<vmem>> -> memref<64x256xf32, #tpu.memory_space<vmem>>
        %get3A_628 = arith.index_cast %add3A_537 : i32 to index
        %get3A_629 = arith.constant 112 : index
        %get3A_630 = tpu.vector_load %get3A_627[%get3A_628, %get3A_629] {strides = array<i32>} : memref<64x256xf32, #tpu.memory_space<vmem>>, vector<1x16xf32>,
        %get3A_631 = vector.shape_cast %get3A_630 : vector<1x16xf32> to vector<16xf32>
        %mul3A_632 = arith.mulf %get3A_631, %get3A_545 : vector<16xf32>
        %add3A_633 = arith.addf %scan3A_525, %mul3A_632 : vector<16xf32>
        %get3A_634 = arith.constant 0 : i32
        %get3A_635 = arith.constant 0 : i32
        %get3A_636 = arith.constant 0 : i32
        %get3A_637 = tpu.memref_slice %arg5[%get3A_634, %get3A_635, %get3A_636] : memref<4x64x256xf32, #tpu.memory_space<vmem>> -> memref<1x64x256xf32, #tpu.memory_space<vmem>>
        %get3A_638 = tpu.memref_squeeze %get3A_637 : memref<1x64x256xf32, #tpu.memory_space<vmem>> -> memref<64x256xf32, #tpu.memory_space<vmem>>
        %get3A_639 = arith.index_cast %add3A_537 : i32 to index
        %get3A_640 = arith.constant 128 : index
        %get3A_641 = tpu.vector_load %get3A_638[%get3A_639, %get3A_640] {strides = array<i32>} : memref<64x256xf32, #tpu.memory_space<vmem>>, vector<1x16xf32>,
        %get3A_642 = vector.shape_cast %get3A_641 : vector<1x16xf32> to vector<16xf32>
        %mul3A_643 = arith.mulf %get3A_642, %get3A_545 : vector<16xf32>
        %add3A_644 = arith.addf %scan3A_526, %mul3A_643 : vector<16xf32>
        %get3A_645 = arith.constant 0 : i32
        %get3A_646 = arith.constant 0 : i32
        %get3A_647 = arith.constant 0 : i32
        %get3A_648 = tpu.memref_slice %arg5[%get3A_645, %get3A_646, %get3A_647] : memref<4x64x256xf32, #tpu.memory_space<vmem>> -> memref<1x64x256xf32, #tpu.memory_space<vmem>>
        %get3A_649 = tpu.memref_squeeze %get3A_648 : memref<1x64x256xf32, #tpu.memory_space<vmem>> -> memref<64x256xf32, #tpu.memory_space<vmem>>
        %get3A_650 = arith.index_cast %add3A_537 : i32 to index
        %get3A_651 = arith.constant 144 : index
        %get3A_652 = tpu.vector_load %get3A_649[%get3A_650, %get3A_651] {strides = array<i32>} : memref<64x256xf32, #tpu.memory_space<vmem>>, vector<1x16xf32>,
        %get3A_653 = vector.shape_cast %get3A_652 : vector<1x16xf32> to vector<16xf32>
        %mul3A_654 = arith.mulf %get3A_653, %get3A_545 : vector<16xf32>
        %add3A_655 = arith.addf %scan3A_527, %mul3A_654 : vector<16xf32>
        %get3A_656 = arith.constant 0 : i32
        %get3A_657 = arith.constant 0 : i32
        %get3A_658 = arith.constant 0 : i32
        %get3A_659 = tpu.memref_slice %arg5[%get3A_656, %get3A_657, %get3A_658] : memref<4x64x256xf32, #tpu.memory_space<vmem>> -> memref<1x64x256xf32, #tpu.memory_space<vmem>>
        %get3A_660 = tpu.memref_squeeze %get3A_659 : memref<1x64x256xf32, #tpu.memory_space<vmem>> -> memref<64x256xf32, #tpu.memory_space<vmem>>
        %get3A_661 = arith.index_cast %add3A_537 : i32 to index
        %get3A_662 = arith.constant 160 : index
        %get3A_663 = tpu.vector_load %get3A_660[%get3A_661, %get3A_662] {strides = array<i32>} : memref<64x256xf32, #tpu.memory_space<vmem>>, vector<1x16xf32>,
        %get3A_664 = vector.shape_cast %get3A_663 : vector<1x16xf32> to vector<16xf32>
        %mul3A_665 = arith.mulf %get3A_664, %get3A_545 : vector<16xf32>
        %add3A_666 = arith.addf %scan3A_528, %mul3A_665 : vector<16xf32>
        %get3A_667 = arith.constant 0 : i32
        %get3A_668 = arith.constant 0 : i32
        %get3A_669 = arith.constant 0 : i32
        %get3A_670 = tpu.memref_slice %arg5[%get3A_667, %get3A_668, %get3A_669] : memref<4x64x256xf32, #tpu.memory_space<vmem>> -> memref<1x64x256xf32, #tpu.memory_space<vmem>>
        %get3A_671 = tpu.memref_squeeze %get3A_670 : memref<1x64x256xf32, #tpu.memory_space<vmem>> -> memref<64x256xf32, #tpu.memory_space<vmem>>
        %get3A_672 = arith.index_cast %add3A_537 : i32 to index
        %get3A_673 = arith.constant 176 : index
        %get3A_674 = tpu.vector_load %get3A_671[%get3A_672, %get3A_673] {strides = array<i32>} : memref<64x256xf32, #tpu.memory_space<vmem>>, vector<1x16xf32>,
        %get3A_675 = vector.shape_cast %get3A_674 : vector<1x16xf32> to vector<16xf32>
        %mul3A_676 = arith.mulf %get3A_675, %get3A_545 : vector<16xf32>
        %add3A_677 = arith.addf %scan3A_529, %mul3A_676 : vector<16xf32>
        %get3A_678 = arith.constant 0 : i32
        %get3A_679 = arith.constant 0 : i32
        %get3A_680 = arith.constant 0 : i32
        %get3A_681 = tpu.memref_slice %arg5[%get3A_678, %get3A_679, %get3A_680] : memref<4x64x256xf32, #tpu.memory_space<vmem>> -> memref<1x64x256xf32, #tpu.memory_space<vmem>>
        %get3A_682 = tpu.memref_squeeze %get3A_681 : memref<1x64x256xf32, #tpu.memory_space<vmem>> -> memref<64x256xf32, #tpu.memory_space<vmem>>
        %get3A_683 = arith.index_cast %add3A_537 : i32 to index
        %get3A_684 = arith.constant 192 : index
        %get3A_685 = tpu.vector_load %get3A_682[%get3A_683, %get3A_684] {strides = array<i32>} : memref<64x256xf32, #tpu.memory_space<vmem>>, vector<1x16xf32>,
        %get3A_686 = vector.shape_cast %get3A_685 : vector<1x16xf32> to vector<16xf32>
        %mul3A_687 = arith.mulf %get3A_686, %get3A_545 : vector<16xf32>
        %add3A_688 = arith.addf %scan3A_530, %mul3A_687 : vector<16xf32>
        %get3A_689 = arith.constant 0 : i32
        %get3A_690 = arith.constant 0 : i32
        %get3A_691 = arith.constant 0 : i32
        %get3A_692 = tpu.memref_slice %arg5[%get3A_689, %get3A_690, %get3A_691] : memref<4x64x256xf32, #tpu.memory_space<vmem>> -> memref<1x64x256xf32, #tpu.memory_space<vmem>>
        %get3A_693 = tpu.memref_squeeze %get3A_692 : memref<1x64x256xf32, #tpu.memory_space<vmem>> -> memref<64x256xf32, #tpu.memory_space<vmem>>
        %get3A_694 = arith.index_cast %add3A_537 : i32 to index
        %get3A_695 = arith.constant 208 : index
        %get3A_696 = tpu.vector_load %get3A_693[%get3A_694, %get3A_695] {strides = array<i32>} : memref<64x256xf32, #tpu.memory_space<vmem>>, vector<1x16xf32>,
        %get3A_697 = vector.shape_cast %get3A_696 : vector<1x16xf32> to vector<16xf32>
        %mul3A_698 = arith.mulf %get3A_697, %get3A_545 : vector<16xf32>
        %add3A_699 = arith.addf %scan3A_531, %mul3A_698 : vector<16xf32>
        %get3A_700 = arith.constant 0 : i32
        %get3A_701 = arith.constant 0 : i32
        %get3A_702 = arith.constant 0 : i32
        %get3A_703 = tpu.memref_slice %arg5[%get3A_700, %get3A_701, %get3A_702] : memref<4x64x256xf32, #tpu.memory_space<vmem>> -> memref<1x64x256xf32, #tpu.memory_space<vmem>>
        %get3A_704 = tpu.memref_squeeze %get3A_703 : memref<1x64x256xf32, #tpu.memory_space<vmem>> -> memref<64x256xf32, #tpu.memory_space<vmem>>
        %get3A_705 = arith.index_cast %add3A_537 : i32 to index
        %get3A_706 = arith.constant 224 : index
        %get3A_707 = tpu.vector_load %get3A_704[%get3A_705, %get3A_706] {strides = array<i32>} : memref<64x256xf32, #tpu.memory_space<vmem>>, vector<1x16xf32>,
        %get3A_708 = vector.shape_cast %get3A_707 : vector<1x16xf32> to vector<16xf32>
        %mul3A_709 = arith.mulf %get3A_708, %get3A_545 : vector<16xf32>
        %add3A_710 = arith.addf %scan3A_532, %mul3A_709 : vector<16xf32>
        %get3A_711 = arith.constant 0 : i32
        %get3A_712 = arith.constant 0 : i32
        %get3A_713 = arith.constant 0 : i32
        %get3A_714 = tpu.memref_slice %arg5[%get3A_711, %get3A_712, %get3A_713] : memref<4x64x256xf32, #tpu.memory_space<vmem>> -> memref<1x64x256xf32, #tpu.memory_space<vmem>>
        %get3A_715 = tpu.memref_squeeze %get3A_714 : memref<1x64x256xf32, #tpu.memory_space<vmem>> -> memref<64x256xf32, #tpu.memory_space<vmem>>
        %get3A_716 = arith.index_cast %add3A_537 : i32 to index
        %get3A_717 = arith.constant 240 : index
        %get3A_718 = tpu.vector_load %get3A_715[%get3A_716, %get3A_717] {strides = array<i32>} : memref<64x256xf32, #tpu.memory_space<vmem>>, vector<1x16xf32>,
        %get3A_719 = vector.shape_cast %get3A_718 : vector<1x16xf32> to vector<16xf32>
        %mul3A_720 = arith.mulf %get3A_719, %get3A_545 : vector<16xf32>
        %add3A_721 = arith.addf %scan3A_533, %mul3A_720 : vector<16xf32>
        %add3A_722 = arith.constant 1 : i32
        %add3A_723 = arith.addi %mul3A_535, %add3A_722 : i32
        %get3A_724 = arith.constant 0 : i32
        %get3A_725 = arith.constant 0 : i32
        %get3A_726 = arith.constant 0 : i32
        %get3A_727 = tpu.memref_slice %arg6[%get3A_724, %get3A_725, %get3A_726] : memref<4x64x16xf32, #tpu.memory_space<vmem>> -> memref<1x64x16xf32, #tpu.memory_space<vmem>>
        %get3A_728 = tpu.memref_squeeze %get3A_727 : memref<1x64x16xf32, #tpu.memory_space<vmem>> -> memref<64x16xf32, #tpu.memory_space<vmem>>
        %get3A_729 = arith.index_cast %add3A_723 : i32 to index
        %get3A_730 = arith.constant 0 : index
        %get3A_731 = tpu.vector_load %get3A_728[%get3A_729, %get3A_730] {strides = array<i32>} : memref<64x16xf32, #tpu.memory_space<vmem>>, vector<1x16xf32>,
        %get3A_732 = vector.shape_cast %get3A_731 : vector<1x16xf32> to vector<16xf32>
        %get3A_733 = arith.constant 0 : i32
        %get3A_734 = arith.constant 0 : i32
        %get3A_735 = arith.constant 0 : i32
        %get3A_736 = tpu.memref_slice %arg5[%get3A_733, %get3A_734, %get3A_735] : memref<4x64x256xf32, #tpu.memory_space<vmem>> -> memref<1x64x256xf32, #tpu.memory_space<vmem>>
        %get3A_737 = tpu.memref_squeeze %get3A_736 : memref<1x64x256xf32, #tpu.memory_space<vmem>> -> memref<64x256xf32, #tpu.memory_space<vmem>>
        %get3A_738 = arith.index_cast %add3A_723 : i32 to index
        %get3A_739 = arith.constant 0 : index
        %get3A_740 = tpu.vector_load %get3A_737[%get3A_738, %get3A_739] {strides = array<i32>} : memref<64x256xf32, #tpu.memory_space<vmem>>, vector<1x16xf32>,
        %get3A_741 = vector.shape_cast %get3A_740 : vector<1x16xf32> to vector<16xf32>
        %mul3A_742 = arith.mulf %get3A_741, %get3A_732 : vector<16xf32>
        %add3A_743 = arith.addf %add3A_556, %mul3A_742 : vector<16xf32>
        %get3A_744 = arith.constant 0 : i32
        %get3A_745 = arith.constant 0 : i32
        %get3A_746 = arith.constant 0 : i32
        %get3A_747 = tpu.memref_slice %arg5[%get3A_744, %get3A_745, %get3A_746] : memref<4x64x256xf32, #tpu.memory_space<vmem>> -> memref<1x64x256xf32, #tpu.memory_space<vmem>>
        %get3A_748 = tpu.memref_squeeze %get3A_747 : memref<1x64x256xf32, #tpu.memory_space<vmem>> -> memref<64x256xf32, #tpu.memory_space<vmem>>
        %get3A_749 = arith.index_cast %add3A_723 : i32 to index
        %get3A_750 = arith.constant 16 : index
        %get3A_751 = tpu.vector_load %get3A_748[%get3A_749, %get3A_750] {strides = array<i32>} : memref<64x256xf32, #tpu.memory_space<vmem>>, vector<1x16xf32>,
        %get3A_752 = vector.shape_cast %get3A_751 : vector<1x16xf32> to vector<16xf32>
        %mul3A_753 = arith.mulf %get3A_752, %get3A_732 : vector<16xf32>
        %add3A_754 = arith.addf %add3A_567, %mul3A_753 : vector<16xf32>
        %get3A_755 = arith.constant 0 : i32
        %get3A_756 = arith.constant 0 : i32
        %get3A_757 = arith.constant 0 : i32
        %get3A_758 = tpu.memref_slice %arg5[%get3A_755, %get3A_756, %get3A_757] : memref<4x64x256xf32, #tpu.memory_space<vmem>> -> memref<1x64x256xf32, #tpu.memory_space<vmem>>
        %get3A_759 = tpu.memref_squeeze %get3A_758 : memref<1x64x256xf32, #tpu.memory_space<vmem>> -> memref<64x256xf32, #tpu.memory_space<vmem>>
        %get3A_760 = arith.index_cast %add3A_723 : i32 to index
        %get3A_761 = arith.constant 32 : index
        %get3A_762 = tpu.vector_load %get3A_759[%get3A_760, %get3A_761] {strides = array<i32>} : memref<64x256xf32, #tpu.memory_space<vmem>>, vector<1x16xf32>,
        %get3A_763 = vector.shape_cast %get3A_762 : vector<1x16xf32> to vector<16xf32>
        %mul3A_764 = arith.mulf %get3A_763, %get3A_732 : vector<16xf32>
        %add3A_765 = arith.addf %add3A_578, %mul3A_764 : vector<16xf32>
        %get3A_766 = arith.constant 0 : i32
        %get3A_767 = arith.constant 0 : i32
        %get3A_768 = arith.constant 0 : i32
        %get3A_769 = tpu.memref_slice %arg5[%get3A_766, %get3A_767, %get3A_768] : memref<4x64x256xf32, #tpu.memory_space<vmem>> -> memref<1x64x256xf32, #tpu.memory_space<vmem>>
        %get3A_770 = tpu.memref_squeeze %get3A_769 : memref<1x64x256xf32, #tpu.memory_space<vmem>> -> memref<64x256xf32, #tpu.memory_space<vmem>>
        %get3A_771 = arith.index_cast %add3A_723 : i32 to index
        %get3A_772 = arith.constant 48 : index
        %get3A_773 = tpu.vector_load %get3A_770[%get3A_771, %get3A_772] {strides = array<i32>} : memref<64x256xf32, #tpu.memory_space<vmem>>, vector<1x16xf32>,
        %get3A_774 = vector.shape_cast %get3A_773 : vector<1x16xf32> to vector<16xf32>
        %mul3A_775 = arith.mulf %get3A_774, %get3A_732 : vector<16xf32>
        %add3A_776 = arith.addf %add3A_589, %mul3A_775 : vector<16xf32>
        %get3A_777 = arith.constant 0 : i32
        %get3A_778 = arith.constant 0 : i32
        %get3A_779 = arith.constant 0 : i32
        %get3A_780 = tpu.memref_slice %arg5[%get3A_777, %get3A_778, %get3A_779] : memref<4x64x256xf32, #tpu.memory_space<vmem>> -> memref<1x64x256xf32, #tpu.memory_space<vmem>>
        %get3A_781 = tpu.memref_squeeze %get3A_780 : memref<1x64x256xf32, #tpu.memory_space<vmem>> -> memref<64x256xf32, #tpu.memory_space<vmem>>
        %get3A_782 = arith.index_cast %add3A_723 : i32 to index
        %get3A_783 = arith.constant 64 : index
        %get3A_784 = tpu.vector_load %get3A_781[%get3A_782, %get3A_783] {strides = array<i32>} : memref<64x256xf32, #tpu.memory_space<vmem>>, vector<1x16xf32>,
        %get3A_785 = vector.shape_cast %get3A_784 : vector<1x16xf32> to vector<16xf32>
        %mul3A_786 = arith.mulf %get3A_785, %get3A_732 : vector<16xf32>
        %add3A_787 = arith.addf %add3A_600, %mul3A_786 : vector<16xf32>
        %get3A_788 = arith.constant 0 : i32
        %get3A_789 = arith.constant 0 : i32
        %get3A_790 = arith.constant 0 : i32
        %get3A_791 = tpu.memref_slice %arg5[%get3A_788, %get3A_789, %get3A_790] : memref<4x64x256xf32, #tpu.memory_space<vmem>> -> memref<1x64x256xf32, #tpu.memory_space<vmem>>
        %get3A_792 = tpu.memref_squeeze %get3A_791 : memref<1x64x256xf32, #tpu.memory_space<vmem>> -> memref<64x256xf32, #tpu.memory_space<vmem>>
        %get3A_793 = arith.index_cast %add3A_723 : i32 to index
        %get3A_794 = arith.constant 80 : index
        %get3A_795 = tpu.vector_load %get3A_792[%get3A_793, %get3A_794] {strides = array<i32>} : memref<64x256xf32, #tpu.memory_space<vmem>>, vector<1x16xf32>,
        %get3A_796 = vector.shape_cast %get3A_795 : vector<1x16xf32> to vector<16xf32>
        %mul3A_797 = arith.mulf %get3A_796, %get3A_732 : vector<16xf32>
        %add3A_798 = arith.addf %add3A_611, %mul3A_797 : vector<16xf32>
        %get3A_799 = arith.constant 0 : i32
        %get3A_800 = arith.constant 0 : i32
        %get3A_801 = arith.constant 0 : i32
        %get3A_802 = tpu.memref_slice %arg5[%get3A_799, %get3A_800, %get3A_801] : memref<4x64x256xf32, #tpu.memory_space<vmem>> -> memref<1x64x256xf32, #tpu.memory_space<vmem>>
        %get3A_803 = tpu.memref_squeeze %get3A_802 : memref<1x64x256xf32, #tpu.memory_space<vmem>> -> memref<64x256xf32, #tpu.memory_space<vmem>>
        %get3A_804 = arith.index_cast %add3A_723 : i32 to index
        %get3A_805 = arith.constant 96 : index
        %get3A_806 = tpu.vector_load %get3A_803[%get3A_804, %get3A_805] {strides = array<i32>} : memref<64x256xf32, #tpu.memory_space<vmem>>, vector<1x16xf32>,
        %get3A_807 = vector.shape_cast %get3A_806 : vector<1x16xf32> to vector<16xf32>
        %mul3A_808 = arith.mulf %get3A_807, %get3A_732 : vector<16xf32>
        %add3A_809 = arith.addf %add3A_622, %mul3A_808 : vector<16xf32>
        %get3A_810 = arith.constant 0 : i32
        %get3A_811 = arith.constant 0 : i32
        %get3A_812 = arith.constant 0 : i32
        %get3A_813 = tpu.memref_slice %arg5[%get3A_810, %get3A_811, %get3A_812] : memref<4x64x256xf32, #tpu.memory_space<vmem>> -> memref<1x64x256xf32, #tpu.memory_space<vmem>>
        %get3A_814 = tpu.memref_squeeze %get3A_813 : memref<1x64x256xf32, #tpu.memory_space<vmem>> -> memref<64x256xf32, #tpu.memory_space<vmem>>
        %get3A_815 = arith.index_cast %add3A_723 : i32 to index
        %get3A_816 = arith.constant 112 : index
        %get3A_817 = tpu.vector_load %get3A_814[%get3A_815, %get3A_816] {strides = array<i32>} : memref<64x256xf32, #tpu.memory_space<vmem>>, vector<1x16xf32>,
        %get3A_818 = vector.shape_cast %get3A_817 : vector<1x16xf32> to vector<16xf32>
        %mul3A_819 = arith.mulf %get3A_818, %get3A_732 : vector<16xf32>
        %add3A_820 = arith.addf %add3A_633, %mul3A_819 : vector<16xf32>
        %get3A_821 = arith.constant 0 : i32
        %get3A_822 = arith.constant 0 : i32
        %get3A_823 = arith.constant 0 : i32
        %get3A_824 = tpu.memref_slice %arg5[%get3A_821, %get3A_822, %get3A_823] : memref<4x64x256xf32, #tpu.memory_space<vmem>> -> memref<1x64x256xf32, #tpu.memory_space<vmem>>
        %get3A_825 = tpu.memref_squeeze %get3A_824 : memref<1x64x256xf32, #tpu.memory_space<vmem>> -> memref<64x256xf32, #tpu.memory_space<vmem>>
        %get3A_826 = arith.index_cast %add3A_723 : i32 to index
        %get3A_827 = arith.constant 128 : index
        %get3A_828 = tpu.vector_load %get3A_825[%get3A_826, %get3A_827] {strides = array<i32>} : memref<64x256xf32, #tpu.memory_space<vmem>>, vector<1x16xf32>,
        %get3A_829 = vector.shape_cast %get3A_828 : vector<1x16xf32> to vector<16xf32>
        %mul3A_830 = arith.mulf %get3A_829, %get3A_732 : vector<16xf32>
        %add3A_831 = arith.addf %add3A_644, %mul3A_830 : vector<16xf32>
        %get3A_832 = arith.constant 0 : i32
        %get3A_833 = arith.constant 0 : i32
        %get3A_834 = arith.constant 0 : i32
        %get3A_835 = tpu.memref_slice %arg5[%get3A_832, %get3A_833, %get3A_834] : memref<4x64x256xf32, #tpu.memory_space<vmem>> -> memref<1x64x256xf32, #tpu.memory_space<vmem>>
        %get3A_836 = tpu.memref_squeeze %get3A_835 : memref<1x64x256xf32, #tpu.memory_space<vmem>> -> memref<64x256xf32, #tpu.memory_space<vmem>>
        %get3A_837 = arith.index_cast %add3A_723 : i32 to index
        %get3A_838 = arith.constant 144 : index
        %get3A_839 = tpu.vector_load %get3A_836[%get3A_837, %get3A_838] {strides = array<i32>} : memref<64x256xf32, #tpu.memory_space<vmem>>, vector<1x16xf32>,
        %get3A_840 = vector.shape_cast %get3A_839 : vector<1x16xf32> to vector<16xf32>
        %mul3A_841 = arith.mulf %get3A_840, %get3A_732 : vector<16xf32>
        %add3A_842 = arith.addf %add3A_655, %mul3A_841 : vector<16xf32>
        %get3A_843 = arith.constant 0 : i32
        %get3A_844 = arith.constant 0 : i32
        %get3A_845 = arith.constant 0 : i32
        %get3A_846 = tpu.memref_slice %arg5[%get3A_843, %get3A_844, %get3A_845] : memref<4x64x256xf32, #tpu.memory_space<vmem>> -> memref<1x64x256xf32, #tpu.memory_space<vmem>>
        %get3A_847 = tpu.memref_squeeze %get3A_846 : memref<1x64x256xf32, #tpu.memory_space<vmem>> -> memref<64x256xf32, #tpu.memory_space<vmem>>
        %get3A_848 = arith.index_cast %add3A_723 : i32 to index
        %get3A_849 = arith.constant 160 : index
        %get3A_850 = tpu.vector_load %get3A_847[%get3A_848, %get3A_849] {strides = array<i32>} : memref<64x256xf32, #tpu.memory_space<vmem>>, vector<1x16xf32>,
        %get3A_851 = vector.shape_cast %get3A_850 : vector<1x16xf32> to vector<16xf32>
        %mul3A_852 = arith.mulf %get3A_851, %get3A_732 : vector<16xf32>
        %add3A_853 = arith.addf %add3A_666, %mul3A_852 : vector<16xf32>
        %get3A_854 = arith.constant 0 : i32
        %get3A_855 = arith.constant 0 : i32
        %get3A_856 = arith.constant 0 : i32
        %get3A_857 = tpu.memref_slice %arg5[%get3A_854, %get3A_855, %get3A_856] : memref<4x64x256xf32, #tpu.memory_space<vmem>> -> memref<1x64x256xf32, #tpu.memory_space<vmem>>
        %get3A_858 = tpu.memref_squeeze %get3A_857 : memref<1x64x256xf32, #tpu.memory_space<vmem>> -> memref<64x256xf32, #tpu.memory_space<vmem>>
        %get3A_859 = arith.index_cast %add3A_723 : i32 to index
        %get3A_860 = arith.constant 176 : index
        %get3A_861 = tpu.vector_load %get3A_858[%get3A_859, %get3A_860] {strides = array<i32>} : memref<64x256xf32, #tpu.memory_space<vmem>>, vector<1x16xf32>,
        %get3A_862 = vector.shape_cast %get3A_861 : vector<1x16xf32> to vector<16xf32>
        %mul3A_863 = arith.mulf %get3A_862, %get3A_732 : vector<16xf32>
        %add3A_864 = arith.addf %add3A_677, %mul3A_863 : vector<16xf32>
        %get3A_865 = arith.constant 0 : i32
        %get3A_866 = arith.constant 0 : i32
        %get3A_867 = arith.constant 0 : i32
        %get3A_868 = tpu.memref_slice %arg5[%get3A_865, %get3A_866, %get3A_867] : memref<4x64x256xf32, #tpu.memory_space<vmem>> -> memref<1x64x256xf32, #tpu.memory_space<vmem>>
        %get3A_869 = tpu.memref_squeeze %get3A_868 : memref<1x64x256xf32, #tpu.memory_space<vmem>> -> memref<64x256xf32, #tpu.memory_space<vmem>>
        %get3A_870 = arith.index_cast %add3A_723 : i32 to index
        %get3A_871 = arith.constant 192 : index
        %get3A_872 = tpu.vector_load %get3A_869[%get3A_870, %get3A_871] {strides = array<i32>} : memref<64x256xf32, #tpu.memory_space<vmem>>, vector<1x16xf32>,
        %get3A_873 = vector.shape_cast %get3A_872 : vector<1x16xf32> to vector<16xf32>
        %mul3A_874 = arith.mulf %get3A_873, %get3A_732 : vector<16xf32>
        %add3A_875 = arith.addf %add3A_688, %mul3A_874 : vector<16xf32>
        %get3A_876 = arith.constant 0 : i32
        %get3A_877 = arith.constant 0 : i32
        %get3A_878 = arith.constant 0 : i32
        %get3A_879 = tpu.memref_slice %arg5[%get3A_876, %get3A_877, %get3A_878] : memref<4x64x256xf32, #tpu.memory_space<vmem>> -> memref<1x64x256xf32, #tpu.memory_space<vmem>>
        %get3A_880 = tpu.memref_squeeze %get3A_879 : memref<1x64x256xf32, #tpu.memory_space<vmem>> -> memref<64x256xf32, #tpu.memory_space<vmem>>
        %get3A_881 = arith.index_cast %add3A_723 : i32 to index
        %get3A_882 = arith.constant 208 : index
        %get3A_883 = tpu.vector_load %get3A_880[%get3A_881, %get3A_882] {strides = array<i32>} : memref<64x256xf32, #tpu.memory_space<vmem>>, vector<1x16xf32>,
        %get3A_884 = vector.shape_cast %get3A_883 : vector<1x16xf32> to vector<16xf32>
        %mul3A_885 = arith.mulf %get3A_884, %get3A_732 : vector<16xf32>
        %add3A_886 = arith.addf %add3A_699, %mul3A_885 : vector<16xf32>
        %get3A_887 = arith.constant 0 : i32
        %get3A_888 = arith.constant 0 : i32
        %get3A_889 = arith.constant 0 : i32
        %get3A_890 = tpu.memref_slice %arg5[%get3A_887, %get3A_888, %get3A_889] : memref<4x64x256xf32, #tpu.memory_space<vmem>> -> memref<1x64x256xf32, #tpu.memory_space<vmem>>
        %get3A_891 = tpu.memref_squeeze %get3A_890 : memref<1x64x256xf32, #tpu.memory_space<vmem>> -> memref<64x256xf32, #tpu.memory_space<vmem>>
        %get3A_892 = arith.index_cast %add3A_723 : i32 to index
        %get3A_893 = arith.constant 224 : index
        %get3A_894 = tpu.vector_load %get3A_891[%get3A_892, %get3A_893] {strides = array<i32>} : memref<64x256xf32, #tpu.memory_space<vmem>>, vector<1x16xf32>,
        %get3A_895 = vector.shape_cast %get3A_894 : vector<1x16xf32> to vector<16xf32>
        %mul3A_896 = arith.mulf %get3A_895, %get3A_732 : vector<16xf32>
        %add3A_897 = arith.addf %add3A_710, %mul3A_896 : vector<16xf32>
        %get3A_898 = arith.constant 0 : i32
        %get3A_899 = arith.constant 0 : i32
        %get3A_900 = arith.constant 0 : i32
        %get3A_901 = tpu.memref_slice %arg5[%get3A_898, %get3A_899, %get3A_900] : memref<4x64x256xf32, #tpu.memory_space<vmem>> -> memref<1x64x256xf32, #tpu.memory_space<vmem>>
        %get3A_902 = tpu.memref_squeeze %get3A_901 : memref<1x64x256xf32, #tpu.memory_space<vmem>> -> memref<64x256xf32, #tpu.memory_space<vmem>>
        %get3A_903 = arith.index_cast %add3A_723 : i32 to index
        %get3A_904 = arith.constant 240 : index
        %get3A_905 = tpu.vector_load %get3A_902[%get3A_903, %get3A_904] {strides = array<i32>} : memref<64x256xf32, #tpu.memory_space<vmem>>, vector<1x16xf32>,
        %get3A_906 = vector.shape_cast %get3A_905 : vector<1x16xf32> to vector<16xf32>
        %mul3A_907 = arith.mulf %get3A_906, %get3A_732 : vector<16xf32>
        %add3A_908 = arith.addf %add3A_721, %mul3A_907 : vector<16xf32>
        %add3A_909 = arith.constant 2 : i32
        %add3A_910 = arith.addi %mul3A_535, %add3A_909 : i32
        %get3A_911 = arith.constant 0 : i32
        %get3A_912 = arith.constant 0 : i32
        %get3A_913 = arith.constant 0 : i32
        %get3A_914 = tpu.memref_slice %arg6[%get3A_911, %get3A_912, %get3A_913] : memref<4x64x16xf32, #tpu.memory_space<vmem>> -> memref<1x64x16xf32, #tpu.memory_space<vmem>>
        %get3A_915 = tpu.memref_squeeze %get3A_914 : memref<1x64x16xf32, #tpu.memory_space<vmem>> -> memref<64x16xf32, #tpu.memory_space<vmem>>
        %get3A_916 = arith.index_cast %add3A_910 : i32 to index
        %get3A_917 = arith.constant 0 : index
        %get3A_918 = tpu.vector_load %get3A_915[%get3A_916, %get3A_917] {strides = array<i32>} : memref<64x16xf32, #tpu.memory_space<vmem>>, vector<1x16xf32>,
        %get3A_919 = vector.shape_cast %get3A_918 : vector<1x16xf32> to vector<16xf32>
        %get3A_920 = arith.constant 0 : i32
        %get3A_921 = arith.constant 0 : i32
        %get3A_922 = arith.constant 0 : i32
        %get3A_923 = tpu.memref_slice %arg5[%get3A_920, %get3A_921, %get3A_922] : memref<4x64x256xf32, #tpu.memory_space<vmem>> -> memref<1x64x256xf32, #tpu.memory_space<vmem>>
        %get3A_924 = tpu.memref_squeeze %get3A_923 : memref<1x64x256xf32, #tpu.memory_space<vmem>> -> memref<64x256xf32, #tpu.memory_space<vmem>>
        %get3A_925 = arith.index_cast %add3A_910 : i32 to index
        %get3A_926 = arith.constant 0 : index
        %get3A_927 = tpu.vector_load %get3A_924[%get3A_925, %get3A_926] {strides = array<i32>} : memref<64x256xf32, #tpu.memory_space<vmem>>, vector<1x16xf32>,
        %get3A_928 = vector.shape_cast %get3A_927 : vector<1x16xf32> to vector<16xf32>
        %mul3A_929 = arith.mulf %get3A_928, %get3A_919 : vector<16xf32>
        %add3A_930 = arith.addf %add3A_743, %mul3A_929 : vector<16xf32>
        %get3A_931 = arith.constant 0 : i32
        %get3A_932 = arith.constant 0 : i32
        %get3A_933 = arith.constant 0 : i32
        %get3A_934 = tpu.memref_slice %arg5[%get3A_931, %get3A_932, %get3A_933] : memref<4x64x256xf32, #tpu.memory_space<vmem>> -> memref<1x64x256xf32, #tpu.memory_space<vmem>>
        %get3A_935 = tpu.memref_squeeze %get3A_934 : memref<1x64x256xf32, #tpu.memory_space<vmem>> -> memref<64x256xf32, #tpu.memory_space<vmem>>
        %get3A_936 = arith.index_cast %add3A_910 : i32 to index
        %get3A_937 = arith.constant 16 : index
        %get3A_938 = tpu.vector_load %get3A_935[%get3A_936, %get3A_937] {strides = array<i32>} : memref<64x256xf32, #tpu.memory_space<vmem>>, vector<1x16xf32>,
        %get3A_939 = vector.shape_cast %get3A_938 : vector<1x16xf32> to vector<16xf32>
        %mul3A_940 = arith.mulf %get3A_939, %get3A_919 : vector<16xf32>
        %add3A_941 = arith.addf %add3A_754, %mul3A_940 : vector<16xf32>
        %get3A_942 = arith.constant 0 : i32
        %get3A_943 = arith.constant 0 : i32
        %get3A_944 = arith.constant 0 : i32
        %get3A_945 = tpu.memref_slice %arg5[%get3A_942, %get3A_943, %get3A_944] : memref<4x64x256xf32, #tpu.memory_space<vmem>> -> memref<1x64x256xf32, #tpu.memory_space<vmem>>
        %get3A_946 = tpu.memref_squeeze %get3A_945 : memref<1x64x256xf32, #tpu.memory_space<vmem>> -> memref<64x256xf32, #tpu.memory_space<vmem>>
        %get3A_947 = arith.index_cast %add3A_910 : i32 to index
        %get3A_948 = arith.constant 32 : index
        %get3A_949 = tpu.vector_load %get3A_946[%get3A_947, %get3A_948] {strides = array<i32>} : memref<64x256xf32, #tpu.memory_space<vmem>>, vector<1x16xf32>,
        %get3A_950 = vector.shape_cast %get3A_949 : vector<1x16xf32> to vector<16xf32>
        %mul3A_951 = arith.mulf %get3A_950, %get3A_919 : vector<16xf32>
        %add3A_952 = arith.addf %add3A_765, %mul3A_951 : vector<16xf32>
        %get3A_953 = arith.constant 0 : i32
        %get3A_954 = arith.constant 0 : i32
        %get3A_955 = arith.constant 0 : i32
        %get3A_956 = tpu.memref_slice %arg5[%get3A_953, %get3A_954, %get3A_955] : memref<4x64x256xf32, #tpu.memory_space<vmem>> -> memref<1x64x256xf32, #tpu.memory_space<vmem>>
        %get3A_957 = tpu.memref_squeeze %get3A_956 : memref<1x64x256xf32, #tpu.memory_space<vmem>> -> memref<64x256xf32, #tpu.memory_space<vmem>>
        %get3A_958 = arith.index_cast %add3A_910 : i32 to index
        %get3A_959 = arith.constant 48 : index
        %get3A_960 = tpu.vector_load %get3A_957[%get3A_958, %get3A_959] {strides = array<i32>} : memref<64x256xf32, #tpu.memory_space<vmem>>, vector<1x16xf32>,
        %get3A_961 = vector.shape_cast %get3A_960 : vector<1x16xf32> to vector<16xf32>
        %mul3A_962 = arith.mulf %get3A_961, %get3A_919 : vector<16xf32>
        %add3A_963 = arith.addf %add3A_776, %mul3A_962 : vector<16xf32>
        %get3A_964 = arith.constant 0 : i32
        %get3A_965 = arith.constant 0 : i32
        %get3A_966 = arith.constant 0 : i32
        %get3A_967 = tpu.memref_slice %arg5[%get3A_964, %get3A_965, %get3A_966] : memref<4x64x256xf32, #tpu.memory_space<vmem>> -> memref<1x64x256xf32, #tpu.memory_space<vmem>>
        %get3A_968 = tpu.memref_squeeze %get3A_967 : memref<1x64x256xf32, #tpu.memory_space<vmem>> -> memref<64x256xf32, #tpu.memory_space<vmem>>
        %get3A_969 = arith.index_cast %add3A_910 : i32 to index
        %get3A_970 = arith.constant 64 : index
        %get3A_971 = tpu.vector_load %get3A_968[%get3A_969, %get3A_970] {strides = array<i32>} : memref<64x256xf32, #tpu.memory_space<vmem>>, vector<1x16xf32>,
        %get3A_972 = vector.shape_cast %get3A_971 : vector<1x16xf32> to vector<16xf32>
        %mul3A_973 = arith.mulf %get3A_972, %get3A_919 : vector<16xf32>
        %add3A_974 = arith.addf %add3A_787, %mul3A_973 : vector<16xf32>
        %get3A_975 = arith.constant 0 : i32
        %get3A_976 = arith.constant 0 : i32
        %get3A_977 = arith.constant 0 : i32
        %get3A_978 = tpu.memref_slice %arg5[%get3A_975, %get3A_976, %get3A_977] : memref<4x64x256xf32, #tpu.memory_space<vmem>> -> memref<1x64x256xf32, #tpu.memory_space<vmem>>
        %get3A_979 = tpu.memref_squeeze %get3A_978 : memref<1x64x256xf32, #tpu.memory_space<vmem>> -> memref<64x256xf32, #tpu.memory_space<vmem>>
        %get3A_980 = arith.index_cast %add3A_910 : i32 to index
        %get3A_981 = arith.constant 80 : index
        %get3A_982 = tpu.vector_load %get3A_979[%get3A_980, %get3A_981] {strides = array<i32>} : memref<64x256xf32, #tpu.memory_space<vmem>>, vector<1x16xf32>,
        %get3A_983 = vector.shape_cast %get3A_982 : vector<1x16xf32> to vector<16xf32>
        %mul3A_984 = arith.mulf %get3A_983, %get3A_919 : vector<16xf32>
        %add3A_985 = arith.addf %add3A_798, %mul3A_984 : vector<16xf32>
        %get3A_986 = arith.constant 0 : i32
        %get3A_987 = arith.constant 0 : i32
        %get3A_988 = arith.constant 0 : i32
        %get3A_989 = tpu.memref_slice %arg5[%get3A_986, %get3A_987, %get3A_988] : memref<4x64x256xf32, #tpu.memory_space<vmem>> -> memref<1x64x256xf32, #tpu.memory_space<vmem>>
        %get3A_990 = tpu.memref_squeeze %get3A_989 : memref<1x64x256xf32, #tpu.memory_space<vmem>> -> memref<64x256xf32, #tpu.memory_space<vmem>>
        %get3A_991 = arith.index_cast %add3A_910 : i32 to index
        %get3A_992 = arith.constant 96 : index
        %get3A_993 = tpu.vector_load %get3A_990[%get3A_991, %get3A_992] {strides = array<i32>} : memref<64x256xf32, #tpu.memory_space<vmem>>, vector<1x16xf32>,
        %get3A_994 = vector.shape_cast %get3A_993 : vector<1x16xf32> to vector<16xf32>
        %mul3A_995 = arith.mulf %get3A_994, %get3A_919 : vector<16xf32>
        %add3A_996 = arith.addf %add3A_809, %mul3A_995 : vector<16xf32>
        %get3A_997 = arith.constant 0 : i32
        %get3A_998 = arith.constant 0 : i32
        %get3A_999 = arith.constant 0 : i32
        %get3A_1000 = tpu.memref_slice %arg5[%get3A_997, %get3A_998, %get3A_999] : memref<4x64x256xf32, #tpu.memory_space<vmem>> -> memref<1x64x256xf32, #tpu.memory_space<vmem>>
        %get3A_1001 = tpu.memref_squeeze %get3A_1000 : memref<1x64x256xf32, #tpu.memory_space<vmem>> -> memref<64x256xf32, #tpu.memory_space<vmem>>
        %get3A_1002 = arith.index_cast %add3A_910 : i32 to index
        %get3A_1003 = arith.constant 112 : index
        %get3A_1004 = tpu.vector_load %get3A_1001[%get3A_1002, %get3A_1003] {strides = array<i32>} : memref<64x256xf32, #tpu.memory_space<vmem>>, vector<1x16xf32>,
        %get3A_1005 = vector.shape_cast %get3A_1004 : vector<1x16xf32> to vector<16xf32>
        %mul3A_1006 = arith.mulf %get3A_1005, %get3A_919 : vector<16xf32>
        %add3A_1007 = arith.addf %add3A_820, %mul3A_1006 : vector<16xf32>
        %get3A_1008 = arith.constant 0 : i32
        %get3A_1009 = arith.constant 0 : i32
        %get3A_1010 = arith.constant 0 : i32
        %get3A_1011 = tpu.memref_slice %arg5[%get3A_1008, %get3A_1009, %get3A_1010] : memref<4x64x256xf32, #tpu.memory_space<vmem>> -> memref<1x64x256xf32, #tpu.memory_space<vmem>>
        %get3A_1012 = tpu.memref_squeeze %get3A_1011 : memref<1x64x256xf32, #tpu.memory_space<vmem>> -> memref<64x256xf32, #tpu.memory_space<vmem>>
        %get3A_1013 = arith.index_cast %add3A_910 : i32 to index
        %get3A_1014 = arith.constant 128 : index
        %get3A_1015 = tpu.vector_load %get3A_1012[%get3A_1013, %get3A_1014] {strides = array<i32>} : memref<64x256xf32, #tpu.memory_space<vmem>>, vector<1x16xf32>,
        %get3A_1016 = vector.shape_cast %get3A_1015 : vector<1x16xf32> to vector<16xf32>
        %mul3A_1017 = arith.mulf %get3A_1016, %get3A_919 : vector<16xf32>
        %add3A_1018 = arith.addf %add3A_831, %mul3A_1017 : vector<16xf32>
        %get3A_1019 = arith.constant 0 : i32
        %get3A_1020 = arith.constant 0 : i32
        %get3A_1021 = arith.constant 0 : i32
        %get3A_1022 = tpu.memref_slice %arg5[%get3A_1019, %get3A_1020, %get3A_1021] : memref<4x64x256xf32, #tpu.memory_space<vmem>> -> memref<1x64x256xf32, #tpu.memory_space<vmem>>
        %get3A_1023 = tpu.memref_squeeze %get3A_1022 : memref<1x64x256xf32, #tpu.memory_space<vmem>> -> memref<64x256xf32, #tpu.memory_space<vmem>>
        %get3A_1024 = arith.index_cast %add3A_910 : i32 to index
        %get3A_1025 = arith.constant 144 : index
        %get3A_1026 = tpu.vector_load %get3A_1023[%get3A_1024, %get3A_1025] {strides = array<i32>} : memref<64x256xf32, #tpu.memory_space<vmem>>, vector<1x16xf32>,
        %get3A_1027 = vector.shape_cast %get3A_1026 : vector<1x16xf32> to vector<16xf32>
        %mul3A_1028 = arith.mulf %get3A_1027, %get3A_919 : vector<16xf32>
        %add3A_1029 = arith.addf %add3A_842, %mul3A_1028 : vector<16xf32>
        %get3A_1030 = arith.constant 0 : i32
        %get3A_1031 = arith.constant 0 : i32
        %get3A_1032 = arith.constant 0 : i32
        %get3A_1033 = tpu.memref_slice %arg5[%get3A_1030, %get3A_1031, %get3A_1032] : memref<4x64x256xf32, #tpu.memory_space<vmem>> -> memref<1x64x256xf32, #tpu.memory_space<vmem>>
        %get3A_1034 = tpu.memref_squeeze %get3A_1033 : memref<1x64x256xf32, #tpu.memory_space<vmem>> -> memref<64x256xf32, #tpu.memory_space<vmem>>
        %get3A_1035 = arith.index_cast %add3A_910 : i32 to index
        %get3A_1036 = arith.constant 160 : index
        %get3A_1037 = tpu.vector_load %get3A_1034[%get3A_1035, %get3A_1036] {strides = array<i32>} : memref<64x256xf32, #tpu.memory_space<vmem>>, vector<1x16xf32>,
        %get3A_1038 = vector.shape_cast %get3A_1037 : vector<1x16xf32> to vector<16xf32>
        %mul3A_1039 = arith.mulf %get3A_1038, %get3A_919 : vector<16xf32>
        %add3A_1040 = arith.addf %add3A_853, %mul3A_1039 : vector<16xf32>
        %get3A_1041 = arith.constant 0 : i32
        %get3A_1042 = arith.constant 0 : i32
        %get3A_1043 = arith.constant 0 : i32
        %get3A_1044 = tpu.memref_slice %arg5[%get3A_1041, %get3A_1042, %get3A_1043] : memref<4x64x256xf32, #tpu.memory_space<vmem>> -> memref<1x64x256xf32, #tpu.memory_space<vmem>>
        %get3A_1045 = tpu.memref_squeeze %get3A_1044 : memref<1x64x256xf32, #tpu.memory_space<vmem>> -> memref<64x256xf32, #tpu.memory_space<vmem>>
        %get3A_1046 = arith.index_cast %add3A_910 : i32 to index
        %get3A_1047 = arith.constant 176 : index
        %get3A_1048 = tpu.vector_load %get3A_1045[%get3A_1046, %get3A_1047] {strides = array<i32>} : memref<64x256xf32, #tpu.memory_space<vmem>>, vector<1x16xf32>,
        %get3A_1049 = vector.shape_cast %get3A_1048 : vector<1x16xf32> to vector<16xf32>
        %mul3A_1050 = arith.mulf %get3A_1049, %get3A_919 : vector<16xf32>
        %add3A_1051 = arith.addf %add3A_864, %mul3A_1050 : vector<16xf32>
        %get3A_1052 = arith.constant 0 : i32
        %get3A_1053 = arith.constant 0 : i32
        %get3A_1054 = arith.constant 0 : i32
        %get3A_1055 = tpu.memref_slice %arg5[%get3A_1052, %get3A_1053, %get3A_1054] : memref<4x64x256xf32, #tpu.memory_space<vmem>> -> memref<1x64x256xf32, #tpu.memory_space<vmem>>
        %get3A_1056 = tpu.memref_squeeze %get3A_1055 : memref<1x64x256xf32, #tpu.memory_space<vmem>> -> memref<64x256xf32, #tpu.memory_space<vmem>>
        %get3A_1057 = arith.index_cast %add3A_910 : i32 to index
        %get3A_1058 = arith.constant 192 : index
        %get3A_1059 = tpu.vector_load %get3A_1056[%get3A_1057, %get3A_1058] {strides = array<i32>} : memref<64x256xf32, #tpu.memory_space<vmem>>, vector<1x16xf32>,
        %get3A_1060 = vector.shape_cast %get3A_1059 : vector<1x16xf32> to vector<16xf32>
        %mul3A_1061 = arith.mulf %get3A_1060, %get3A_919 : vector<16xf32>
        %add3A_1062 = arith.addf %add3A_875, %mul3A_1061 : vector<16xf32>
        %get3A_1063 = arith.constant 0 : i32
        %get3A_1064 = arith.constant 0 : i32
        %get3A_1065 = arith.constant 0 : i32
        %get3A_1066 = tpu.memref_slice %arg5[%get3A_1063, %get3A_1064, %get3A_1065] : memref<4x64x256xf32, #tpu.memory_space<vmem>> -> memref<1x64x256xf32, #tpu.memory_space<vmem>>
        %get3A_1067 = tpu.memref_squeeze %get3A_1066 : memref<1x64x256xf32, #tpu.memory_space<vmem>> -> memref<64x256xf32, #tpu.memory_space<vmem>>
        %get3A_1068 = arith.index_cast %add3A_910 : i32 to index
        %get3A_1069 = arith.constant 208 : index
        %get3A_1070 = tpu.vector_load %get3A_1067[%get3A_1068, %get3A_1069] {strides = array<i32>} : memref<64x256xf32, #tpu.memory_space<vmem>>, vector<1x16xf32>,
        %get3A_1071 = vector.shape_cast %get3A_1070 : vector<1x16xf32> to vector<16xf32>
        %mul3A_1072 = arith.mulf %get3A_1071, %get3A_919 : vector<16xf32>
        %add3A_1073 = arith.addf %add3A_886, %mul3A_1072 : vector<16xf32>
        %get3A_1074 = arith.constant 0 : i32
        %get3A_1075 = arith.constant 0 : i32
        %get3A_1076 = arith.constant 0 : i32
        %get3A_1077 = tpu.memref_slice %arg5[%get3A_1074, %get3A_1075, %get3A_1076] : memref<4x64x256xf32, #tpu.memory_space<vmem>> -> memref<1x64x256xf32, #tpu.memory_space<vmem>>
        %get3A_1078 = tpu.memref_squeeze %get3A_1077 : memref<1x64x256xf32, #tpu.memory_space<vmem>> -> memref<64x256xf32, #tpu.memory_space<vmem>>
        %get3A_1079 = arith.index_cast %add3A_910 : i32 to index
        %get3A_1080 = arith.constant 224 : index
        %get3A_1081 = tpu.vector_load %get3A_1078[%get3A_1079, %get3A_1080] {strides = array<i32>} : memref<64x256xf32, #tpu.memory_space<vmem>>, vector<1x16xf32>,
        %get3A_1082 = vector.shape_cast %get3A_1081 : vector<1x16xf32> to vector<16xf32>
        %mul3A_1083 = arith.mulf %get3A_1082, %get3A_919 : vector<16xf32>
        %add3A_1084 = arith.addf %add3A_897, %mul3A_1083 : vector<16xf32>
        %get3A_1085 = arith.constant 0 : i32
        %get3A_1086 = arith.constant 0 : i32
        %get3A_1087 = arith.constant 0 : i32
        %get3A_1088 = tpu.memref_slice %arg5[%get3A_1085, %get3A_1086, %get3A_1087] : memref<4x64x256xf32, #tpu.memory_space<vmem>> -> memref<1x64x256xf32, #tpu.memory_space<vmem>>
        %get3A_1089 = tpu.memref_squeeze %get3A_1088 : memref<1x64x256xf32, #tpu.memory_space<vmem>> -> memref<64x256xf32, #tpu.memory_space<vmem>>
        %get3A_1090 = arith.index_cast %add3A_910 : i32 to index
        %get3A_1091 = arith.constant 240 : index
        %get3A_1092 = tpu.vector_load %get3A_1089[%get3A_1090, %get3A_1091] {strides = array<i32>} : memref<64x256xf32, #tpu.memory_space<vmem>>, vector<1x16xf32>,
        %get3A_1093 = vector.shape_cast %get3A_1092 : vector<1x16xf32> to vector<16xf32>
        %mul3A_1094 = arith.mulf %get3A_1093, %get3A_919 : vector<16xf32>
        %add3A_1095 = arith.addf %add3A_908, %mul3A_1094 : vector<16xf32>
        %add3A_1096 = arith.constant 3 : i32
        %add3A_1097 = arith.addi %mul3A_535, %add3A_1096 : i32
        %get3A_1098 = arith.constant 0 : i32
        %get3A_1099 = arith.constant 0 : i32
        %get3A_1100 = arith.constant 0 : i32
        %get3A_1101 = tpu.memref_slice %arg6[%get3A_1098, %get3A_1099, %get3A_1100] : memref<4x64x16xf32, #tpu.memory_space<vmem>> -> memref<1x64x16xf32, #tpu.memory_space<vmem>>
        %get3A_1102 = tpu.memref_squeeze %get3A_1101 : memref<1x64x16xf32, #tpu.memory_space<vmem>> -> memref<64x16xf32, #tpu.memory_space<vmem>>
        %get3A_1103 = arith.index_cast %add3A_1097 : i32 to index
        %get3A_1104 = arith.constant 0 : index
        %get3A_1105 = tpu.vector_load %get3A_1102[%get3A_1103, %get3A_1104] {strides = array<i32>} : memref<64x16xf32, #tpu.memory_space<vmem>>, vector<1x16xf32>,
        %get3A_1106 = vector.shape_cast %get3A_1105 : vector<1x16xf32> to vector<16xf32>
        %get3A_1107 = arith.constant 0 : i32
        %get3A_1108 = arith.constant 0 : i32
        %get3A_1109 = arith.constant 0 : i32
        %get3A_1110 = tpu.memref_slice %arg5[%get3A_1107, %get3A_1108, %get3A_1109] : memref<4x64x256xf32, #tpu.memory_space<vmem>> -> memref<1x64x256xf32, #tpu.memory_space<vmem>>
        %get3A_1111 = tpu.memref_squeeze %get3A_1110 : memref<1x64x256xf32, #tpu.memory_space<vmem>> -> memref<64x256xf32, #tpu.memory_space<vmem>>
        %get3A_1112 = arith.index_cast %add3A_1097 : i32 to index
        %get3A_1113 = arith.constant 0 : index
        %get3A_1114 = tpu.vector_load %get3A_1111[%get3A_1112, %get3A_1113] {strides = array<i32>} : memref<64x256xf32, #tpu.memory_space<vmem>>, vector<1x16xf32>,
        %get3A_1115 = vector.shape_cast %get3A_1114 : vector<1x16xf32> to vector<16xf32>
        %mul3A_1116 = arith.mulf %get3A_1115, %get3A_1106 : vector<16xf32>
        %add3A_1117 = arith.addf %add3A_930, %mul3A_1116 : vector<16xf32>
        %get3A_1118 = arith.constant 0 : i32
        %get3A_1119 = arith.constant 0 : i32
        %get3A_1120 = arith.constant 0 : i32
        %get3A_1121 = tpu.memref_slice %arg5[%get3A_1118, %get3A_1119, %get3A_1120] : memref<4x64x256xf32, #tpu.memory_space<vmem>> -> memref<1x64x256xf32, #tpu.memory_space<vmem>>
        %get3A_1122 = tpu.memref_squeeze %get3A_1121 : memref<1x64x256xf32, #tpu.memory_space<vmem>> -> memref<64x256xf32, #tpu.memory_space<vmem>>
        %get3A_1123 = arith.index_cast %add3A_1097 : i32 to index
        %get3A_1124 = arith.constant 16 : index
        %get3A_1125 = tpu.vector_load %get3A_1122[%get3A_1123, %get3A_1124] {strides = array<i32>} : memref<64x256xf32, #tpu.memory_space<vmem>>, vector<1x16xf32>,
        %get3A_1126 = vector.shape_cast %get3A_1125 : vector<1x16xf32> to vector<16xf32>
        %mul3A_1127 = arith.mulf %get3A_1126, %get3A_1106 : vector<16xf32>
        %add3A_1128 = arith.addf %add3A_941, %mul3A_1127 : vector<16xf32>
        %get3A_1129 = arith.constant 0 : i32
        %get3A_1130 = arith.constant 0 : i32
        %get3A_1131 = arith.constant 0 : i32
        %get3A_1132 = tpu.memref_slice %arg5[%get3A_1129, %get3A_1130, %get3A_1131] : memref<4x64x256xf32, #tpu.memory_space<vmem>> -> memref<1x64x256xf32, #tpu.memory_space<vmem>>
        %get3A_1133 = tpu.memref_squeeze %get3A_1132 : memref<1x64x256xf32, #tpu.memory_space<vmem>> -> memref<64x256xf32, #tpu.memory_space<vmem>>
        %get3A_1134 = arith.index_cast %add3A_1097 : i32 to index
        %get3A_1135 = arith.constant 32 : index
        %get3A_1136 = tpu.vector_load %get3A_1133[%get3A_1134, %get3A_1135] {strides = array<i32>} : memref<64x256xf32, #tpu.memory_space<vmem>>, vector<1x16xf32>,
        %get3A_1137 = vector.shape_cast %get3A_1136 : vector<1x16xf32> to vector<16xf32>
        %mul3A_1138 = arith.mulf %get3A_1137, %get3A_1106 : vector<16xf32>
        %add3A_1139 = arith.addf %add3A_952, %mul3A_1138 : vector<16xf32>
        %get3A_1140 = arith.constant 0 : i32
        %get3A_1141 = arith.constant 0 : i32
        %get3A_1142 = arith.constant 0 : i32
        %get3A_1143 = tpu.memref_slice %arg5[%get3A_1140, %get3A_1141, %get3A_1142] : memref<4x64x256xf32, #tpu.memory_space<vmem>> -> memref<1x64x256xf32, #tpu.memory_space<vmem>>
        %get3A_1144 = tpu.memref_squeeze %get3A_1143 : memref<1x64x256xf32, #tpu.memory_space<vmem>> -> memref<64x256xf32, #tpu.memory_space<vmem>>
        %get3A_1145 = arith.index_cast %add3A_1097 : i32 to index
        %get3A_1146 = arith.constant 48 : index
        %get3A_1147 = tpu.vector_load %get3A_1144[%get3A_1145, %get3A_1146] {strides = array<i32>} : memref<64x256xf32, #tpu.memory_space<vmem>>, vector<1x16xf32>,
        %get3A_1148 = vector.shape_cast %get3A_1147 : vector<1x16xf32> to vector<16xf32>
        %mul3A_1149 = arith.mulf %get3A_1148, %get3A_1106 : vector<16xf32>
        %add3A_1150 = arith.addf %add3A_963, %mul3A_1149 : vector<16xf32>
        %get3A_1151 = arith.constant 0 : i32
        %get3A_1152 = arith.constant 0 : i32
        %get3A_1153 = arith.constant 0 : i32
        %get3A_1154 = tpu.memref_slice %arg5[%get3A_1151, %get3A_1152, %get3A_1153] : memref<4x64x256xf32, #tpu.memory_space<vmem>> -> memref<1x64x256xf32, #tpu.memory_space<vmem>>
        %get3A_1155 = tpu.memref_squeeze %get3A_1154 : memref<1x64x256xf32, #tpu.memory_space<vmem>> -> memref<64x256xf32, #tpu.memory_space<vmem>>
        %get3A_1156 = arith.index_cast %add3A_1097 : i32 to index
        %get3A_1157 = arith.constant 64 : index
        %get3A_1158 = tpu.vector_load %get3A_1155[%get3A_1156, %get3A_1157] {strides = array<i32>} : memref<64x256xf32, #tpu.memory_space<vmem>>, vector<1x16xf32>,
        %get3A_1159 = vector.shape_cast %get3A_1158 : vector<1x16xf32> to vector<16xf32>
        %mul3A_1160 = arith.mulf %get3A_1159, %get3A_1106 : vector<16xf32>
        %add3A_1161 = arith.addf %add3A_974, %mul3A_1160 : vector<16xf32>
        %get3A_1162 = arith.constant 0 : i32
        %get3A_1163 = arith.constant 0 : i32
        %get3A_1164 = arith.constant 0 : i32
        %get3A_1165 = tpu.memref_slice %arg5[%get3A_1162, %get3A_1163, %get3A_1164] : memref<4x64x256xf32, #tpu.memory_space<vmem>> -> memref<1x64x256xf32, #tpu.memory_space<vmem>>
        %get3A_1166 = tpu.memref_squeeze %get3A_1165 : memref<1x64x256xf32, #tpu.memory_space<vmem>> -> memref<64x256xf32, #tpu.memory_space<vmem>>
        %get3A_1167 = arith.index_cast %add3A_1097 : i32 to index
        %get3A_1168 = arith.constant 80 : index
        %get3A_1169 = tpu.vector_load %get3A_1166[%get3A_1167, %get3A_1168] {strides = array<i32>} : memref<64x256xf32, #tpu.memory_space<vmem>>, vector<1x16xf32>,
        %get3A_1170 = vector.shape_cast %get3A_1169 : vector<1x16xf32> to vector<16xf32>
        %mul3A_1171 = arith.mulf %get3A_1170, %get3A_1106 : vector<16xf32>
        %add3A_1172 = arith.addf %add3A_985, %mul3A_1171 : vector<16xf32>
        %get3A_1173 = arith.constant 0 : i32
        %get3A_1174 = arith.constant 0 : i32
        %get3A_1175 = arith.constant 0 : i32
        %get3A_1176 = tpu.memref_slice %arg5[%get3A_1173, %get3A_1174, %get3A_1175] : memref<4x64x256xf32, #tpu.memory_space<vmem>> -> memref<1x64x256xf32, #tpu.memory_space<vmem>>
        %get3A_1177 = tpu.memref_squeeze %get3A_1176 : memref<1x64x256xf32, #tpu.memory_space<vmem>> -> memref<64x256xf32, #tpu.memory_space<vmem>>
        %get3A_1178 = arith.index_cast %add3A_1097 : i32 to index
        %get3A_1179 = arith.constant 96 : index
        %get3A_1180 = tpu.vector_load %get3A_1177[%get3A_1178, %get3A_1179] {strides = array<i32>} : memref<64x256xf32, #tpu.memory_space<vmem>>, vector<1x16xf32>,
        %get3A_1181 = vector.shape_cast %get3A_1180 : vector<1x16xf32> to vector<16xf32>
        %mul3A_1182 = arith.mulf %get3A_1181, %get3A_1106 : vector<16xf32>
        %add3A_1183 = arith.addf %add3A_996, %mul3A_1182 : vector<16xf32>
        %get3A_1184 = arith.constant 0 : i32
        %get3A_1185 = arith.constant 0 : i32
        %get3A_1186 = arith.constant 0 : i32
        %get3A_1187 = tpu.memref_slice %arg5[%get3A_1184, %get3A_1185, %get3A_1186] : memref<4x64x256xf32, #tpu.memory_space<vmem>> -> memref<1x64x256xf32, #tpu.memory_space<vmem>>
        %get3A_1188 = tpu.memref_squeeze %get3A_1187 : memref<1x64x256xf32, #tpu.memory_space<vmem>> -> memref<64x256xf32, #tpu.memory_space<vmem>>
        %get3A_1189 = arith.index_cast %add3A_1097 : i32 to index
        %get3A_1190 = arith.constant 112 : index
        %get3A_1191 = tpu.vector_load %get3A_1188[%get3A_1189, %get3A_1190] {strides = array<i32>} : memref<64x256xf32, #tpu.memory_space<vmem>>, vector<1x16xf32>,
        %get3A_1192 = vector.shape_cast %get3A_1191 : vector<1x16xf32> to vector<16xf32>
        %mul3A_1193 = arith.mulf %get3A_1192, %get3A_1106 : vector<16xf32>
        %add3A_1194 = arith.addf %add3A_1007, %mul3A_1193 : vector<16xf32>
        %get3A_1195 = arith.constant 0 : i32
        %get3A_1196 = arith.constant 0 : i32
        %get3A_1197 = arith.constant 0 : i32
        %get3A_1198 = tpu.memref_slice %arg5[%get3A_1195, %get3A_1196, %get3A_1197] : memref<4x64x256xf32, #tpu.memory_space<vmem>> -> memref<1x64x256xf32, #tpu.memory_space<vmem>>
        %get3A_1199 = tpu.memref_squeeze %get3A_1198 : memref<1x64x256xf32, #tpu.memory_space<vmem>> -> memref<64x256xf32, #tpu.memory_space<vmem>>
        %get3A_1200 = arith.index_cast %add3A_1097 : i32 to index
        %get3A_1201 = arith.constant 128 : index
        %get3A_1202 = tpu.vector_load %get3A_1199[%get3A_1200, %get3A_1201] {strides = array<i32>} : memref<64x256xf32, #tpu.memory_space<vmem>>, vector<1x16xf32>,
        %get3A_1203 = vector.shape_cast %get3A_1202 : vector<1x16xf32> to vector<16xf32>
        %mul3A_1204 = arith.mulf %get3A_1203, %get3A_1106 : vector<16xf32>
        %add3A_1205 = arith.addf %add3A_1018, %mul3A_1204 : vector<16xf32>
        %get3A_1206 = arith.constant 0 : i32
        %get3A_1207 = arith.constant 0 : i32
        %get3A_1208 = arith.constant 0 : i32
        %get3A_1209 = tpu.memref_slice %arg5[%get3A_1206, %get3A_1207, %get3A_1208] : memref<4x64x256xf32, #tpu.memory_space<vmem>> -> memref<1x64x256xf32, #tpu.memory_space<vmem>>
        %get3A_1210 = tpu.memref_squeeze %get3A_1209 : memref<1x64x256xf32, #tpu.memory_space<vmem>> -> memref<64x256xf32, #tpu.memory_space<vmem>>
        %get3A_1211 = arith.index_cast %add3A_1097 : i32 to index
        %get3A_1212 = arith.constant 144 : index
        %get3A_1213 = tpu.vector_load %get3A_1210[%get3A_1211, %get3A_1212] {strides = array<i32>} : memref<64x256xf32, #tpu.memory_space<vmem>>, vector<1x16xf32>,
        %get3A_1214 = vector.shape_cast %get3A_1213 : vector<1x16xf32> to vector<16xf32>
        %mul3A_1215 = arith.mulf %get3A_1214, %get3A_1106 : vector<16xf32>
        %add3A_1216 = arith.addf %add3A_1029, %mul3A_1215 : vector<16xf32>
        %get3A_1217 = arith.constant 0 : i32
        %get3A_1218 = arith.constant 0 : i32
        %get3A_1219 = arith.constant 0 : i32
        %get3A_1220 = tpu.memref_slice %arg5[%get3A_1217, %get3A_1218, %get3A_1219] : memref<4x64x256xf32, #tpu.memory_space<vmem>> -> memref<1x64x256xf32, #tpu.memory_space<vmem>>
        %get3A_1221 = tpu.memref_squeeze %get3A_1220 : memref<1x64x256xf32, #tpu.memory_space<vmem>> -> memref<64x256xf32, #tpu.memory_space<vmem>>
        %get3A_1222 = arith.index_cast %add3A_1097 : i32 to index
        %get3A_1223 = arith.constant 160 : index
        %get3A_1224 = tpu.vector_load %get3A_1221[%get3A_1222, %get3A_1223] {strides = array<i32>} : memref<64x256xf32, #tpu.memory_space<vmem>>, vector<1x16xf32>,
        %get3A_1225 = vector.shape_cast %get3A_1224 : vector<1x16xf32> to vector<16xf32>
        %mul3A_1226 = arith.mulf %get3A_1225, %get3A_1106 : vector<16xf32>
        %add3A_1227 = arith.addf %add3A_1040, %mul3A_1226 : vector<16xf32>
        %get3A_1228 = arith.constant 0 : i32
        %get3A_1229 = arith.constant 0 : i32
        %get3A_1230 = arith.constant 0 : i32
        %get3A_1231 = tpu.memref_slice %arg5[%get3A_1228, %get3A_1229, %get3A_1230] : memref<4x64x256xf32, #tpu.memory_space<vmem>> -> memref<1x64x256xf32, #tpu.memory_space<vmem>>
        %get3A_1232 = tpu.memref_squeeze %get3A_1231 : memref<1x64x256xf32, #tpu.memory_space<vmem>> -> memref<64x256xf32, #tpu.memory_space<vmem>>
        %get3A_1233 = arith.index_cast %add3A_1097 : i32 to index
        %get3A_1234 = arith.constant 176 : index
        %get3A_1235 = tpu.vector_load %get3A_1232[%get3A_1233, %get3A_1234] {strides = array<i32>} : memref<64x256xf32, #tpu.memory_space<vmem>>, vector<1x16xf32>,
        %get3A_1236 = vector.shape_cast %get3A_1235 : vector<1x16xf32> to vector<16xf32>
        %mul3A_1237 = arith.mulf %get3A_1236, %get3A_1106 : vector<16xf32>
        %add3A_1238 = arith.addf %add3A_1051, %mul3A_1237 : vector<16xf32>
        %get3A_1239 = arith.constant 0 : i32
        %get3A_1240 = arith.constant 0 : i32
        %get3A_1241 = arith.constant 0 : i32
        %get3A_1242 = tpu.memref_slice %arg5[%get3A_1239, %get3A_1240, %get3A_1241] : memref<4x64x256xf32, #tpu.memory_space<vmem>> -> memref<1x64x256xf32, #tpu.memory_space<vmem>>
        %get3A_1243 = tpu.memref_squeeze %get3A_1242 : memref<1x64x256xf32, #tpu.memory_space<vmem>> -> memref<64x256xf32, #tpu.memory_space<vmem>>
        %get3A_1244 = arith.index_cast %add3A_1097 : i32 to index
        %get3A_1245 = arith.constant 192 : index
        %get3A_1246 = tpu.vector_load %get3A_1243[%get3A_1244, %get3A_1245] {strides = array<i32>} : memref<64x256xf32, #tpu.memory_space<vmem>>, vector<1x16xf32>,
        %get3A_1247 = vector.shape_cast %get3A_1246 : vector<1x16xf32> to vector<16xf32>
        %mul3A_1248 = arith.mulf %get3A_1247, %get3A_1106 : vector<16xf32>
        %add3A_1249 = arith.addf %add3A_1062, %mul3A_1248 : vector<16xf32>
        %get3A_1250 = arith.constant 0 : i32
        %get3A_1251 = arith.constant 0 : i32
        %get3A_1252 = arith.constant 0 : i32
        %get3A_1253 = tpu.memref_slice %arg5[%get3A_1250, %get3A_1251, %get3A_1252] : memref<4x64x256xf32, #tpu.memory_space<vmem>> -> memref<1x64x256xf32, #tpu.memory_space<vmem>>
        %get3A_1254 = tpu.memref_squeeze %get3A_1253 : memref<1x64x256xf32, #tpu.memory_space<vmem>> -> memref<64x256xf32, #tpu.memory_space<vmem>>
        %get3A_1255 = arith.index_cast %add3A_1097 : i32 to index
        %get3A_1256 = arith.constant 208 : index
        %get3A_1257 = tpu.vector_load %get3A_1254[%get3A_1255, %get3A_1256] {strides = array<i32>} : memref<64x256xf32, #tpu.memory_space<vmem>>, vector<1x16xf32>,
        %get3A_1258 = vector.shape_cast %get3A_1257 : vector<1x16xf32> to vector<16xf32>
        %mul3A_1259 = arith.mulf %get3A_1258, %get3A_1106 : vector<16xf32>
        %add3A_1260 = arith.addf %add3A_1073, %mul3A_1259 : vector<16xf32>
        %get3A_1261 = arith.constant 0 : i32
        %get3A_1262 = arith.constant 0 : i32
        %get3A_1263 = arith.constant 0 : i32
        %get3A_1264 = tpu.memref_slice %arg5[%get3A_1261, %get3A_1262, %get3A_1263] : memref<4x64x256xf32, #tpu.memory_space<vmem>> -> memref<1x64x256xf32, #tpu.memory_space<vmem>>
        %get3A_1265 = tpu.memref_squeeze %get3A_1264 : memref<1x64x256xf32, #tpu.memory_space<vmem>> -> memref<64x256xf32, #tpu.memory_space<vmem>>
        %get3A_1266 = arith.index_cast %add3A_1097 : i32 to index
        %get3A_1267 = arith.constant 224 : index
        %get3A_1268 = tpu.vector_load %get3A_1265[%get3A_1266, %get3A_1267] {strides = array<i32>} : memref<64x256xf32, #tpu.memory_space<vmem>>, vector<1x16xf32>,
        %get3A_1269 = vector.shape_cast %get3A_1268 : vector<1x16xf32> to vector<16xf32>
        %mul3A_1270 = arith.mulf %get3A_1269, %get3A_1106 : vector<16xf32>
        %add3A_1271 = arith.addf %add3A_1084, %mul3A_1270 : vector<16xf32>
        %get3A_1272 = arith.constant 0 : i32
        %get3A_1273 = arith.constant 0 : i32
        %get3A_1274 = arith.constant 0 : i32
        %get3A_1275 = tpu.memref_slice %arg5[%get3A_1272, %get3A_1273, %get3A_1274] : memref<4x64x256xf32, #tpu.memory_space<vmem>> -> memref<1x64x256xf32, #tpu.memory_space<vmem>>
        %get3A_1276 = tpu.memref_squeeze %get3A_1275 : memref<1x64x256xf32, #tpu.memory_space<vmem>> -> memref<64x256xf32, #tpu.memory_space<vmem>>
        %get3A_1277 = arith.index_cast %add3A_1097 : i32 to index
        %get3A_1278 = arith.constant 240 : index
        %get3A_1279 = tpu.vector_load %get3A_1276[%get3A_1277, %get3A_1278] {strides = array<i32>} : memref<64x256xf32, #tpu.memory_space<vmem>>, vector<1x16xf32>,
        %get3A_1280 = vector.shape_cast %get3A_1279 : vector<1x16xf32> to vector<16xf32>
        %mul3A_1281 = arith.mulf %get3A_1280, %get3A_1106 : vector<16xf32>
        %add3A_1282 = arith.addf %add3A_1095, %mul3A_1281 : vector<16xf32>
        scf.yield %add3A_1117, %add3A_1128, %add3A_1139, %add3A_1150, %add3A_1161, %add3A_1172, %add3A_1183, %add3A_1194, %add3A_1205, %add3A_1216, %add3A_1227, %add3A_1238, %add3A_1249, %add3A_1260, %add3A_1271, %add3A_1282 : vector<16xf32>, vector<16xf32>, vector<16xf32>, vector<16xf32>, vector<16xf32>, vector<16xf32>, vector<16xf32>, vector<16xf32>, vector<16xf32>, vector<16xf32>, vector<16xf32>, vector<16xf32>, vector<16xf32>, vector<16xf32>, vector<16xf32>, vector<16xf32>
      }
      %scan3A_346 = arith.constant 16 : i32
      %add3A_347 = arith.constant 4 : i32
      %add3A_348 = arith.addi %add3A_303, %add3A_347 : i32
      %lt3A_349 = arith.constant 16 : i32
      %lt3A_350 = arith.cmpi slt, %add3A_348, %lt3A_349 : i32
      %convert_element_type3A = arith.extui %lt3A_350 : i1 to i32
      %cond3A = arith.constant 0 : i32
      %cond3A_351 = arith.cmpi ne, %convert_element_type3A, %cond3A : i32
      scf.if %cond3A_351 {
        %add3A_517 = arith.constant 4 : i32
        %add3A_518 = arith.addi %add3A_303, %add3A_517 : i32
        %mul3A_519 = arith.constant 64 : i32
        %mul3A_520 = arith.muli %add3A_518, %mul3A_519 : i32
        %dma_start3A_521 = arith.constant 0 : i32
        %dma_start3A_522 = arith.constant 0 : i32
        %dma_start3A_523 = arith.constant 0 : i32
        %dma_start3A_524 = arith.constant 0 : i32
        %dma_start3A_525 = tpu.memref_slice %arg5[%dma_start3A_521, %dma_start3A_523, %dma_start3A_524] : memref<4x64x256xf32, #tpu.memory_space<vmem>> -> memref<1x64x256xf32, #tpu.memory_space<vmem>>
        %dma_start3A_526 = tpu.memref_squeeze %dma_start3A_525 : memref<1x64x256xf32, #tpu.memory_space<vmem>> -> memref<64x256xf32, #tpu.memory_space<vmem>>
        %dma_start3A_527 = tpu.memref_slice %arg2[%select_n3A, %mul3A_520, %mul3A_32] : memref<4x4096x2048xf32, #tpu.memory_space<hbm>> -> memref<1x64x256xf32, #tpu.memory_space<hbm>>
        %dma_start3A_528 = tpu.memref_squeeze %dma_start3A_527 : memref<1x64x256xf32, #tpu.memory_space<hbm>> -> memref<64x256xf32, #tpu.memory_space<hbm>>
        %dma_start3A_529 = tpu.memref_slice %arg8[%dma_start3A_522] : memref<4x!tpu.dma_semaphore, #tpu.memory_space<semaphore_mem>> -> memref<1x!tpu.dma_semaphore, #tpu.memory_space<semaphore_mem>>
        %dma_start3A_530 = tpu.memref_squeeze %dma_start3A_529 : memref<1x!tpu.dma_semaphore, #tpu.memory_space<semaphore_mem>> -> memref<!tpu.dma_semaphore, #tpu.memory_space<semaphore_mem>>
        %dma_start3A_531 = arith.constant 0 : i32
        %dma_start3A_532 = arith.constant 0 : i32
        %dma_start3A_533 = tpu.memref_slice %arg5[%dma_start3A_521, %dma_start3A_531, %dma_start3A_532] : memref<4x64x256xf32, #tpu.memory_space<vmem>> -> memref<1x64x256xf32, #tpu.memory_space<vmem>>
        %dma_start3A_534 = tpu.memref_squeeze %dma_start3A_533 : memref<1x64x256xf32, #tpu.memory_space<vmem>> -> memref<64x256xf32, #tpu.memory_space<vmem>>
        %dma_start3A_535 = tpu.memref_slice %arg2[%select_n3A, %mul3A_520, %mul3A_32] : memref<4x4096x2048xf32, #tpu.memory_space<hbm>> -> memref<1x64x256xf32, #tpu.memory_space<hbm>>
        %dma_start3A_536 = tpu.memref_squeeze %dma_start3A_535 : memref<1x64x256xf32, #tpu.memory_space<hbm>> -> memref<64x256xf32, #tpu.memory_space<hbm>>
        tpu.enqueue_dma source(%dma_start3A_536 : memref<64x256xf32, #tpu.memory_space<hbm>>) target(%dma_start3A_534 : memref<64x256xf32, #tpu.memory_space<vmem>>) target_semaphore(%dma_start3A_530 : memref<!tpu.dma_semaphore, #tpu.memory_space<semaphore_mem>>)
        %add3A_537 = arith.constant 4 : i32
        %add3A_538 = arith.addi %add3A_303, %add3A_537 : i32
        %mul3A_539 = arith.constant 64 : i32
        %mul3A_540 = arith.muli %add3A_538, %mul3A_539 : i32
        %dma_start3A_541 = arith.constant 0 : i32
        %dma_start3A_542 = arith.constant 0 : i32
        %dma_start3A_543 = arith.constant 0 : i32
        %dma_start3A_544 = arith.constant 0 : i32
        %dma_start3A_545 = tpu.memref_slice %arg6[%dma_start3A_541, %dma_start3A_543, %dma_start3A_544] : memref<4x64x16xf32, #tpu.memory_space<vmem>> -> memref<1x64x16xf32, #tpu.memory_space<vmem>>
        %dma_start3A_546 = tpu.memref_squeeze %dma_start3A_545 : memref<1x64x16xf32, #tpu.memory_space<vmem>> -> memref<64x16xf32, #tpu.memory_space<vmem>>
        %dma_start3A_547 = arith.constant 0 : i32
        %dma_start3A_548 = tpu.memref_slice %arg3[%select_n3A, %mul3A_540, %dma_start3A_547] : memref<4x1024x16xf32, #tpu.memory_space<hbm>> -> memref<1x64x16xf32, #tpu.memory_space<hbm>>
        %dma_start3A_549 = tpu.memref_squeeze %dma_start3A_548 : memref<1x64x16xf32, #tpu.memory_space<hbm>> -> memref<64x16xf32, #tpu.memory_space<hbm>>
        %dma_start3A_550 = tpu.memref_slice %arg9[%dma_start3A_542] : memref<4x!tpu.dma_semaphore, #tpu.memory_space<semaphore_mem>> -> memref<1x!tpu.dma_semaphore, #tpu.memory_space<semaphore_mem>>
        %dma_start3A_551 = tpu.memref_squeeze %dma_start3A_550 : memref<1x!tpu.dma_semaphore, #tpu.memory_space<semaphore_mem>> -> memref<!tpu.dma_semaphore, #tpu.memory_space<semaphore_mem>>
        %dma_start3A_552 = arith.constant 0 : i32
        %dma_start3A_553 = arith.constant 0 : i32
        %dma_start3A_554 = tpu.memref_slice %arg6[%dma_start3A_541, %dma_start3A_552, %dma_start3A_553] : memref<4x64x16xf32, #tpu.memory_space<vmem>> -> memref<1x64x16xf32, #tpu.memory_space<vmem>>
        %dma_start3A_555 = tpu.memref_squeeze %dma_start3A_554 : memref<1x64x16xf32, #tpu.memory_space<vmem>> -> memref<64x16xf32, #tpu.memory_space<vmem>>
        %dma_start3A_556 = arith.constant 0 : i32
        %dma_start3A_557 = tpu.memref_slice %arg3[%select_n3A, %mul3A_540, %dma_start3A_556] : memref<4x1024x16xf32, #tpu.memory_space<hbm>> -> memref<1x64x16xf32, #tpu.memory_space<hbm>>
        %dma_start3A_558 = tpu.memref_squeeze %dma_start3A_557 : memref<1x64x16xf32, #tpu.memory_space<hbm>> -> memref<64x16xf32, #tpu.memory_space<hbm>>
        tpu.enqueue_dma source(%dma_start3A_558 : memref<64x16xf32, #tpu.memory_space<hbm>>) target(%dma_start3A_555 : memref<64x16xf32, #tpu.memory_space<vmem>>) target_semaphore(%dma_start3A_551 : memref<!tpu.dma_semaphore, #tpu.memory_space<semaphore_mem>>)
      } else {
      }
      %mul3A_352 = arith.constant 4 : i32
      %mul3A_353 = arith.muli %scan3A_283, %mul3A_352 : i32
      %add3A_354 = arith.constant 1 : i32
      %add3A_355 = arith.addi %mul3A_353, %add3A_354 : i32
      %mul3A_356 = arith.constant 64 : i32
      %mul3A_357 = arith.muli %add3A_355, %mul3A_356 : i32
      %dma_wait3A_358 = arith.constant 1 : i32
      %dma_wait3A_359 = arith.constant 1 : i32
      %dma_wait3A_360 = arith.constant 0 : i32
      %dma_wait3A_361 = arith.constant 0 : i32
      %dma_wait3A_362 = tpu.memref_slice %arg5[%dma_wait3A_358, %dma_wait3A_360, %dma_wait3A_361] : memref<4x64x256xf32, #tpu.memory_space<vmem>> -> memref<1x64x256xf32, #tpu.memory_space<vmem>>
      %dma_wait3A_363 = tpu.memref_squeeze %dma_wait3A_362 : memref<1x64x256xf32, #tpu.memory_space<vmem>> -> memref<64x256xf32, #tpu.memory_space<vmem>>
      %dma_wait3A_364 = tpu.memref_slice %arg2[%select_n3A, %mul3A_357, %mul3A_32] : memref<4x4096x2048xf32, #tpu.memory_space<hbm>> -> memref<1x64x256xf32, #tpu.memory_space<hbm>>
      %dma_wait3A_365 = tpu.memref_squeeze %dma_wait3A_364 : memref<1x64x256xf32, #tpu.memory_space<hbm>> -> memref<64x256xf32, #tpu.memory_space<hbm>>
      %dma_wait3A_366 = tpu.memref_slice %arg8[%dma_wait3A_359] : memref<4x!tpu.dma_semaphore, #tpu.memory_space<semaphore_mem>> -> memref<1x!tpu.dma_semaphore, #tpu.memory_space<semaphore_mem>>
      %dma_wait3A_367 = tpu.memref_squeeze %dma_wait3A_366 : memref<1x!tpu.dma_semaphore, #tpu.memory_space<semaphore_mem>> -> memref<!tpu.dma_semaphore, #tpu.memory_space<semaphore_mem>>
      %dma_wait3A_368 = arith.constant 0 : i32
      %dma_wait3A_369 = arith.constant 0 : i32
      %dma_wait3A_370 = tpu.memref_slice %arg5[%dma_wait3A_358, %dma_wait3A_368, %dma_wait3A_369] : memref<4x64x256xf32, #tpu.memory_space<vmem>> -> memref<1x64x256xf32, #tpu.memory_space<vmem>>
      %dma_wait3A_371 = tpu.memref_squeeze %dma_wait3A_370 : memref<1x64x256xf32, #tpu.memory_space<vmem>> -> memref<64x256xf32, #tpu.memory_space<vmem>>
      %dma_wait3A_372 = tpu.memref_slice %arg2[%select_n3A, %mul3A_357, %mul3A_32] : memref<4x4096x2048xf32, #tpu.memory_space<hbm>> -> memref<1x64x256xf32, #tpu.memory_space<hbm>>
      %dma_wait3A_373 = tpu.memref_squeeze %dma_wait3A_372 : memref<1x64x256xf32, #tpu.memory_space<hbm>> -> memref<64x256xf32, #tpu.memory_space<hbm>>
      tpu.wait_dma2 semaphore(%dma_wait3A_367 : memref<!tpu.dma_semaphore, #tpu.memory_space<semaphore_mem>>) src(%dma_wait3A_373 : memref<64x256xf32, #tpu.memory_space<hbm>>) dst(%dma_wait3A_371 : memref<64x256xf32, #tpu.memory_space<vmem>>)
      %mul3A_374 = arith.constant 64 : i32
      %mul3A_375 = arith.muli %add3A_355, %mul3A_374 : i32
      %dma_wait3A_376 = arith.constant 1 : i32
      %dma_wait3A_377 = arith.constant 1 : i32
      %dma_wait3A_378 = arith.constant 0 : i32
      %dma_wait3A_379 = arith.constant 0 : i32
      %dma_wait3A_380 = tpu.memref_slice %arg6[%dma_wait3A_376, %dma_wait3A_378, %dma_wait3A_379] : memref<4x64x16xf32, #tpu.memory_space<vmem>> -> memref<1x64x16xf32, #tpu.memory_space<vmem>>
      %dma_wait3A_381 = tpu.memref_squeeze %dma_wait3A_380 : memref<1x64x16xf32, #tpu.memory_space<vmem>> -> memref<64x16xf32, #tpu.memory_space<vmem>>
      %dma_wait3A_382 = arith.constant 0 : i32
      %dma_wait3A_383 = tpu.memref_slice %arg3[%select_n3A, %mul3A_375, %dma_wait3A_382] : memref<4x1024x16xf32, #tpu.memory_space<hbm>> -> memref<1x64x16xf32, #tpu.memory_space<hbm>>
      %dma_wait3A_384 = tpu.memref_squeeze %dma_wait3A_383 : memref<1x64x16xf32, #tpu.memory_space<hbm>> -> memref<64x16xf32, #tpu.memory_space<hbm>>
      %dma_wait3A_385 = tpu.memref_slice %arg9[%dma_wait3A_377] : memref<4x!tpu.dma_semaphore, #tpu.memory_space<semaphore_mem>> -> memref<1x!tpu.dma_semaphore, #tpu.memory_space<semaphore_mem>>
      %dma_wait3A_386 = tpu.memref_squeeze %dma_wait3A_385 : memref<1x!tpu.dma_semaphore, #tpu.memory_space<semaphore_mem>> -> memref<!tpu.dma_semaphore, #tpu.memory_space<semaphore_mem>>
      %dma_wait3A_387 = arith.constant 0 : i32
      %dma_wait3A_388 = arith.constant 0 : i32
      %dma_wait3A_389 = tpu.memref_slice %arg6[%dma_wait3A_376, %dma_wait3A_387, %dma_wait3A_388] : memref<4x64x16xf32, #tpu.memory_space<vmem>> -> memref<1x64x16xf32, #tpu.memory_space<vmem>>
      %dma_wait3A_390 = tpu.memref_squeeze %dma_wait3A_389 : memref<1x64x16xf32, #tpu.memory_space<vmem>> -> memref<64x16xf32, #tpu.memory_space<vmem>>
      %dma_wait3A_391 = arith.constant 0 : i32
      %dma_wait3A_392 = tpu.memref_slice %arg3[%select_n3A, %mul3A_375, %dma_wait3A_391] : memref<4x1024x16xf32, #tpu.memory_space<hbm>> -> memref<1x64x16xf32, #tpu.memory_space<hbm>>
      %dma_wait3A_393 = tpu.memref_squeeze %dma_wait3A_392 : memref<1x64x16xf32, #tpu.memory_space<hbm>> -> memref<64x16xf32, #tpu.memory_space<hbm>>
      tpu.wait_dma2 semaphore(%dma_wait3A_386 : memref<!tpu.dma_semaphore, #tpu.memory_space<semaphore_mem>>) src(%dma_wait3A_393 : memref<64x16xf32, #tpu.memory_space<hbm>>) dst(%dma_wait3A_390 : memref<64x16xf32, #tpu.memory_space<vmem>>)
      %scan3A_394 = arith.constant 0 : i32
      %scan3A_395 = arith.constant 16 : i32
      %scan3A_396 = arith.addi %scan3A_394, %scan3A_395 : i32
      %scan3A_397 = arith.constant 1 : i32
      %scan3A_398:16 = scf.for %scan3A_517 = %scan3A_394 to %scan3A_396 step %scan3A_397 iter_args(%scan3A_518 = %scan3A_345#0, %scan3A_519 = %scan3A_345#1, %scan3A_520 = %scan3A_345#2, %scan3A_521 = %scan3A_345#3, %scan3A_522 = %scan3A_345#4, %scan3A_523 = %scan3A_345#5, %scan3A_524 = %scan3A_345#6, %scan3A_525 = %scan3A_345#7, %scan3A_526 = %scan3A_345#8, %scan3A_527 = %scan3A_345#9, %scan3A_528 = %scan3A_345#10, %scan3A_529 = %scan3A_345#11, %scan3A_530 = %scan3A_345#12, %scan3A_531 = %scan3A_345#13, %scan3A_532 = %scan3A_345#14, %scan3A_533 = %scan3A_345#15) -> (vector<16xf32>, vector<16xf32>, vector<16xf32>, vector<16xf32>, vector<16xf32>, vector<16xf32>, vector<16xf32>, vector<16xf32>, vector<16xf32>, vector<16xf32>, vector<16xf32>, vector<16xf32>, vector<16xf32>, vector<16xf32>, vector<16xf32>, vector<16xf32>)  : i32 {
        %mul3A_534 = arith.constant 4 : i32
        %mul3A_535 = arith.muli %scan3A_517, %mul3A_534 : i32
        %add3A_536 = arith.constant 0 : i32
        %add3A_537 = arith.addi %mul3A_535, %add3A_536 : i32
        %get3A = arith.constant 1 : i32
        %get3A_538 = arith.constant 0 : i32
        %get3A_539 = arith.constant 0 : i32
        %get3A_540 = tpu.memref_slice %arg6[%get3A, %get3A_538, %get3A_539] : memref<4x64x16xf32, #tpu.memory_space<vmem>> -> memref<1x64x16xf32, #tpu.memory_space<vmem>>
        %get3A_541 = tpu.memref_squeeze %get3A_540 : memref<1x64x16xf32, #tpu.memory_space<vmem>> -> memref<64x16xf32, #tpu.memory_space<vmem>>
        %get3A_542 = arith.index_cast %add3A_537 : i32 to index
        %get3A_543 = arith.constant 0 : index
        %get3A_544 = tpu.vector_load %get3A_541[%get3A_542, %get3A_543] {strides = array<i32>} : memref<64x16xf32, #tpu.memory_space<vmem>>, vector<1x16xf32>,
        %get3A_545 = vector.shape_cast %get3A_544 : vector<1x16xf32> to vector<16xf32>
        %get3A_546 = arith.constant 1 : i32
        %get3A_547 = arith.constant 0 : i32
        %get3A_548 = arith.constant 0 : i32
        %get3A_549 = tpu.memref_slice %arg5[%get3A_546, %get3A_547, %get3A_548] : memref<4x64x256xf32, #tpu.memory_space<vmem>> -> memref<1x64x256xf32, #tpu.memory_space<vmem>>
        %get3A_550 = tpu.memref_squeeze %get3A_549 : memref<1x64x256xf32, #tpu.memory_space<vmem>> -> memref<64x256xf32, #tpu.memory_space<vmem>>
        %get3A_551 = arith.index_cast %add3A_537 : i32 to index
        %get3A_552 = arith.constant 0 : index
        %get3A_553 = tpu.vector_load %get3A_550[%get3A_551, %get3A_552] {strides = array<i32>} : memref<64x256xf32, #tpu.memory_space<vmem>>, vector<1x16xf32>,
        %get3A_554 = vector.shape_cast %get3A_553 : vector<1x16xf32> to vector<16xf32>
        %mul3A_555 = arith.mulf %get3A_554, %get3A_545 : vector<16xf32>
        %add3A_556 = arith.addf %scan3A_518, %mul3A_555 : vector<16xf32>
        %get3A_557 = arith.constant 1 : i32
        %get3A_558 = arith.constant 0 : i32
        %get3A_559 = arith.constant 0 : i32
        %get3A_560 = tpu.memref_slice %arg5[%get3A_557, %get3A_558, %get3A_559] : memref<4x64x256xf32, #tpu.memory_space<vmem>> -> memref<1x64x256xf32, #tpu.memory_space<vmem>>
        %get3A_561 = tpu.memref_squeeze %get3A_560 : memref<1x64x256xf32, #tpu.memory_space<vmem>> -> memref<64x256xf32, #tpu.memory_space<vmem>>
        %get3A_562 = arith.index_cast %add3A_537 : i32 to index
        %get3A_563 = arith.constant 16 : index
        %get3A_564 = tpu.vector_load %get3A_561[%get3A_562, %get3A_563] {strides = array<i32>} : memref<64x256xf32, #tpu.memory_space<vmem>>, vector<1x16xf32>,
        %get3A_565 = vector.shape_cast %get3A_564 : vector<1x16xf32> to vector<16xf32>
        %mul3A_566 = arith.mulf %get3A_565, %get3A_545 : vector<16xf32>
        %add3A_567 = arith.addf %scan3A_519, %mul3A_566 : vector<16xf32>
        %get3A_568 = arith.constant 1 : i32
        %get3A_569 = arith.constant 0 : i32
        %get3A_570 = arith.constant 0 : i32
        %get3A_571 = tpu.memref_slice %arg5[%get3A_568, %get3A_569, %get3A_570] : memref<4x64x256xf32, #tpu.memory_space<vmem>> -> memref<1x64x256xf32, #tpu.memory_space<vmem>>
        %get3A_572 = tpu.memref_squeeze %get3A_571 : memref<1x64x256xf32, #tpu.memory_space<vmem>> -> memref<64x256xf32, #tpu.memory_space<vmem>>
        %get3A_573 = arith.index_cast %add3A_537 : i32 to index
        %get3A_574 = arith.constant 32 : index
        %get3A_575 = tpu.vector_load %get3A_572[%get3A_573, %get3A_574] {strides = array<i32>} : memref<64x256xf32, #tpu.memory_space<vmem>>, vector<1x16xf32>,
        %get3A_576 = vector.shape_cast %get3A_575 : vector<1x16xf32> to vector<16xf32>
        %mul3A_577 = arith.mulf %get3A_576, %get3A_545 : vector<16xf32>
        %add3A_578 = arith.addf %scan3A_520, %mul3A_577 : vector<16xf32>
        %get3A_579 = arith.constant 1 : i32
        %get3A_580 = arith.constant 0 : i32
        %get3A_581 = arith.constant 0 : i32
        %get3A_582 = tpu.memref_slice %arg5[%get3A_579, %get3A_580, %get3A_581] : memref<4x64x256xf32, #tpu.memory_space<vmem>> -> memref<1x64x256xf32, #tpu.memory_space<vmem>>
        %get3A_583 = tpu.memref_squeeze %get3A_582 : memref<1x64x256xf32, #tpu.memory_space<vmem>> -> memref<64x256xf32, #tpu.memory_space<vmem>>
        %get3A_584 = arith.index_cast %add3A_537 : i32 to index
        %get3A_585 = arith.constant 48 : index
        %get3A_586 = tpu.vector_load %get3A_583[%get3A_584, %get3A_585] {strides = array<i32>} : memref<64x256xf32, #tpu.memory_space<vmem>>, vector<1x16xf32>,
        %get3A_587 = vector.shape_cast %get3A_586 : vector<1x16xf32> to vector<16xf32>
        %mul3A_588 = arith.mulf %get3A_587, %get3A_545 : vector<16xf32>
        %add3A_589 = arith.addf %scan3A_521, %mul3A_588 : vector<16xf32>
        %get3A_590 = arith.constant 1 : i32
        %get3A_591 = arith.constant 0 : i32
        %get3A_592 = arith.constant 0 : i32
        %get3A_593 = tpu.memref_slice %arg5[%get3A_590, %get3A_591, %get3A_592] : memref<4x64x256xf32, #tpu.memory_space<vmem>> -> memref<1x64x256xf32, #tpu.memory_space<vmem>>
        %get3A_594 = tpu.memref_squeeze %get3A_593 : memref<1x64x256xf32, #tpu.memory_space<vmem>> -> memref<64x256xf32, #tpu.memory_space<vmem>>
        %get3A_595 = arith.index_cast %add3A_537 : i32 to index
        %get3A_596 = arith.constant 64 : index
        %get3A_597 = tpu.vector_load %get3A_594[%get3A_595, %get3A_596] {strides = array<i32>} : memref<64x256xf32, #tpu.memory_space<vmem>>, vector<1x16xf32>,
        %get3A_598 = vector.shape_cast %get3A_597 : vector<1x16xf32> to vector<16xf32>
        %mul3A_599 = arith.mulf %get3A_598, %get3A_545 : vector<16xf32>
        %add3A_600 = arith.addf %scan3A_522, %mul3A_599 : vector<16xf32>
        %get3A_601 = arith.constant 1 : i32
        %get3A_602 = arith.constant 0 : i32
        %get3A_603 = arith.constant 0 : i32
        %get3A_604 = tpu.memref_slice %arg5[%get3A_601, %get3A_602, %get3A_603] : memref<4x64x256xf32, #tpu.memory_space<vmem>> -> memref<1x64x256xf32, #tpu.memory_space<vmem>>
        %get3A_605 = tpu.memref_squeeze %get3A_604 : memref<1x64x256xf32, #tpu.memory_space<vmem>> -> memref<64x256xf32, #tpu.memory_space<vmem>>
        %get3A_606 = arith.index_cast %add3A_537 : i32 to index
        %get3A_607 = arith.constant 80 : index
        %get3A_608 = tpu.vector_load %get3A_605[%get3A_606, %get3A_607] {strides = array<i32>} : memref<64x256xf32, #tpu.memory_space<vmem>>, vector<1x16xf32>,
        %get3A_609 = vector.shape_cast %get3A_608 : vector<1x16xf32> to vector<16xf32>
        %mul3A_610 = arith.mulf %get3A_609, %get3A_545 : vector<16xf32>
        %add3A_611 = arith.addf %scan3A_523, %mul3A_610 : vector<16xf32>
        %get3A_612 = arith.constant 1 : i32
        %get3A_613 = arith.constant 0 : i32
        %get3A_614 = arith.constant 0 : i32
        %get3A_615 = tpu.memref_slice %arg5[%get3A_612, %get3A_613, %get3A_614] : memref<4x64x256xf32, #tpu.memory_space<vmem>> -> memref<1x64x256xf32, #tpu.memory_space<vmem>>
        %get3A_616 = tpu.memref_squeeze %get3A_615 : memref<1x64x256xf32, #tpu.memory_space<vmem>> -> memref<64x256xf32, #tpu.memory_space<vmem>>
        %get3A_617 = arith.index_cast %add3A_537 : i32 to index
        %get3A_618 = arith.constant 96 : index
        %get3A_619 = tpu.vector_load %get3A_616[%get3A_617, %get3A_618] {strides = array<i32>} : memref<64x256xf32, #tpu.memory_space<vmem>>, vector<1x16xf32>,
        %get3A_620 = vector.shape_cast %get3A_619 : vector<1x16xf32> to vector<16xf32>
        %mul3A_621 = arith.mulf %get3A_620, %get3A_545 : vector<16xf32>
        %add3A_622 = arith.addf %scan3A_524, %mul3A_621 : vector<16xf32>
        %get3A_623 = arith.constant 1 : i32
        %get3A_624 = arith.constant 0 : i32
        %get3A_625 = arith.constant 0 : i32
        %get3A_626 = tpu.memref_slice %arg5[%get3A_623, %get3A_624, %get3A_625] : memref<4x64x256xf32, #tpu.memory_space<vmem>> -> memref<1x64x256xf32, #tpu.memory_space<vmem>>
        %get3A_627 = tpu.memref_squeeze %get3A_626 : memref<1x64x256xf32, #tpu.memory_space<vmem>> -> memref<64x256xf32, #tpu.memory_space<vmem>>
        %get3A_628 = arith.index_cast %add3A_537 : i32 to index
        %get3A_629 = arith.constant 112 : index
        %get3A_630 = tpu.vector_load %get3A_627[%get3A_628, %get3A_629] {strides = array<i32>} : memref<64x256xf32, #tpu.memory_space<vmem>>, vector<1x16xf32>,
        %get3A_631 = vector.shape_cast %get3A_630 : vector<1x16xf32> to vector<16xf32>
        %mul3A_632 = arith.mulf %get3A_631, %get3A_545 : vector<16xf32>
        %add3A_633 = arith.addf %scan3A_525, %mul3A_632 : vector<16xf32>
        %get3A_634 = arith.constant 1 : i32
        %get3A_635 = arith.constant 0 : i32
        %get3A_636 = arith.constant 0 : i32
        %get3A_637 = tpu.memref_slice %arg5[%get3A_634, %get3A_635, %get3A_636] : memref<4x64x256xf32, #tpu.memory_space<vmem>> -> memref<1x64x256xf32, #tpu.memory_space<vmem>>
        %get3A_638 = tpu.memref_squeeze %get3A_637 : memref<1x64x256xf32, #tpu.memory_space<vmem>> -> memref<64x256xf32, #tpu.memory_space<vmem>>
        %get3A_639 = arith.index_cast %add3A_537 : i32 to index
        %get3A_640 = arith.constant 128 : index
        %get3A_641 = tpu.vector_load %get3A_638[%get3A_639, %get3A_640] {strides = array<i32>} : memref<64x256xf32, #tpu.memory_space<vmem>>, vector<1x16xf32>,
        %get3A_642 = vector.shape_cast %get3A_641 : vector<1x16xf32> to vector<16xf32>
        %mul3A_643 = arith.mulf %get3A_642, %get3A_545 : vector<16xf32>
        %add3A_644 = arith.addf %scan3A_526, %mul3A_643 : vector<16xf32>
        %get3A_645 = arith.constant 1 : i32
        %get3A_646 = arith.constant 0 : i32
        %get3A_647 = arith.constant 0 : i32
        %get3A_648 = tpu.memref_slice %arg5[%get3A_645, %get3A_646, %get3A_647] : memref<4x64x256xf32, #tpu.memory_space<vmem>> -> memref<1x64x256xf32, #tpu.memory_space<vmem>>
        %get3A_649 = tpu.memref_squeeze %get3A_648 : memref<1x64x256xf32, #tpu.memory_space<vmem>> -> memref<64x256xf32, #tpu.memory_space<vmem>>
        %get3A_650 = arith.index_cast %add3A_537 : i32 to index
        %get3A_651 = arith.constant 144 : index
        %get3A_652 = tpu.vector_load %get3A_649[%get3A_650, %get3A_651] {strides = array<i32>} : memref<64x256xf32, #tpu.memory_space<vmem>>, vector<1x16xf32>,
        %get3A_653 = vector.shape_cast %get3A_652 : vector<1x16xf32> to vector<16xf32>
        %mul3A_654 = arith.mulf %get3A_653, %get3A_545 : vector<16xf32>
        %add3A_655 = arith.addf %scan3A_527, %mul3A_654 : vector<16xf32>
        %get3A_656 = arith.constant 1 : i32
        %get3A_657 = arith.constant 0 : i32
        %get3A_658 = arith.constant 0 : i32
        %get3A_659 = tpu.memref_slice %arg5[%get3A_656, %get3A_657, %get3A_658] : memref<4x64x256xf32, #tpu.memory_space<vmem>> -> memref<1x64x256xf32, #tpu.memory_space<vmem>>
        %get3A_660 = tpu.memref_squeeze %get3A_659 : memref<1x64x256xf32, #tpu.memory_space<vmem>> -> memref<64x256xf32, #tpu.memory_space<vmem>>
        %get3A_661 = arith.index_cast %add3A_537 : i32 to index
        %get3A_662 = arith.constant 160 : index
        %get3A_663 = tpu.vector_load %get3A_660[%get3A_661, %get3A_662] {strides = array<i32>} : memref<64x256xf32, #tpu.memory_space<vmem>>, vector<1x16xf32>,
        %get3A_664 = vector.shape_cast %get3A_663 : vector<1x16xf32> to vector<16xf32>
        %mul3A_665 = arith.mulf %get3A_664, %get3A_545 : vector<16xf32>
        %add3A_666 = arith.addf %scan3A_528, %mul3A_665 : vector<16xf32>
        %get3A_667 = arith.constant 1 : i32
        %get3A_668 = arith.constant 0 : i32
        %get3A_669 = arith.constant 0 : i32
        %get3A_670 = tpu.memref_slice %arg5[%get3A_667, %get3A_668, %get3A_669] : memref<4x64x256xf32, #tpu.memory_space<vmem>> -> memref<1x64x256xf32, #tpu.memory_space<vmem>>
        %get3A_671 = tpu.memref_squeeze %get3A_670 : memref<1x64x256xf32, #tpu.memory_space<vmem>> -> memref<64x256xf32, #tpu.memory_space<vmem>>
        %get3A_672 = arith.index_cast %add3A_537 : i32 to index
        %get3A_673 = arith.constant 176 : index
        %get3A_674 = tpu.vector_load %get3A_671[%get3A_672, %get3A_673] {strides = array<i32>} : memref<64x256xf32, #tpu.memory_space<vmem>>, vector<1x16xf32>,
        %get3A_675 = vector.shape_cast %get3A_674 : vector<1x16xf32> to vector<16xf32>
        %mul3A_676 = arith.mulf %get3A_675, %get3A_545 : vector<16xf32>
        %add3A_677 = arith.addf %scan3A_529, %mul3A_676 : vector<16xf32>
        %get3A_678 = arith.constant 1 : i32
        %get3A_679 = arith.constant 0 : i32
        %get3A_680 = arith.constant 0 : i32
        %get3A_681 = tpu.memref_slice %arg5[%get3A_678, %get3A_679, %get3A_680] : memref<4x64x256xf32, #tpu.memory_space<vmem>> -> memref<1x64x256xf32, #tpu.memory_space<vmem>>
        %get3A_682 = tpu.memref_squeeze %get3A_681 : memref<1x64x256xf32, #tpu.memory_space<vmem>> -> memref<64x256xf32, #tpu.memory_space<vmem>>
        %get3A_683 = arith.index_cast %add3A_537 : i32 to index
        %get3A_684 = arith.constant 192 : index
        %get3A_685 = tpu.vector_load %get3A_682[%get3A_683, %get3A_684] {strides = array<i32>} : memref<64x256xf32, #tpu.memory_space<vmem>>, vector<1x16xf32>,
        %get3A_686 = vector.shape_cast %get3A_685 : vector<1x16xf32> to vector<16xf32>
        %mul3A_687 = arith.mulf %get3A_686, %get3A_545 : vector<16xf32>
        %add3A_688 = arith.addf %scan3A_530, %mul3A_687 : vector<16xf32>
        %get3A_689 = arith.constant 1 : i32
        %get3A_690 = arith.constant 0 : i32
        %get3A_691 = arith.constant 0 : i32
        %get3A_692 = tpu.memref_slice %arg5[%get3A_689, %get3A_690, %get3A_691] : memref<4x64x256xf32, #tpu.memory_space<vmem>> -> memref<1x64x256xf32, #tpu.memory_space<vmem>>
        %get3A_693 = tpu.memref_squeeze %get3A_692 : memref<1x64x256xf32, #tpu.memory_space<vmem>> -> memref<64x256xf32, #tpu.memory_space<vmem>>
        %get3A_694 = arith.index_cast %add3A_537 : i32 to index
        %get3A_695 = arith.constant 208 : index
        %get3A_696 = tpu.vector_load %get3A_693[%get3A_694, %get3A_695] {strides = array<i32>} : memref<64x256xf32, #tpu.memory_space<vmem>>, vector<1x16xf32>,
        %get3A_697 = vector.shape_cast %get3A_696 : vector<1x16xf32> to vector<16xf32>
        %mul3A_698 = arith.mulf %get3A_697, %get3A_545 : vector<16xf32>
        %add3A_699 = arith.addf %scan3A_531, %mul3A_698 : vector<16xf32>
        %get3A_700 = arith.constant 1 : i32
        %get3A_701 = arith.constant 0 : i32
        %get3A_702 = arith.constant 0 : i32
        %get3A_703 = tpu.memref_slice %arg5[%get3A_700, %get3A_701, %get3A_702] : memref<4x64x256xf32, #tpu.memory_space<vmem>> -> memref<1x64x256xf32, #tpu.memory_space<vmem>>
        %get3A_704 = tpu.memref_squeeze %get3A_703 : memref<1x64x256xf32, #tpu.memory_space<vmem>> -> memref<64x256xf32, #tpu.memory_space<vmem>>
        %get3A_705 = arith.index_cast %add3A_537 : i32 to index
        %get3A_706 = arith.constant 224 : index
        %get3A_707 = tpu.vector_load %get3A_704[%get3A_705, %get3A_706] {strides = array<i32>} : memref<64x256xf32, #tpu.memory_space<vmem>>, vector<1x16xf32>,
        %get3A_708 = vector.shape_cast %get3A_707 : vector<1x16xf32> to vector<16xf32>
        %mul3A_709 = arith.mulf %get3A_708, %get3A_545 : vector<16xf32>
        %add3A_710 = arith.addf %scan3A_532, %mul3A_709 : vector<16xf32>
        %get3A_711 = arith.constant 1 : i32
        %get3A_712 = arith.constant 0 : i32
        %get3A_713 = arith.constant 0 : i32
        %get3A_714 = tpu.memref_slice %arg5[%get3A_711, %get3A_712, %get3A_713] : memref<4x64x256xf32, #tpu.memory_space<vmem>> -> memref<1x64x256xf32, #tpu.memory_space<vmem>>
        %get3A_715 = tpu.memref_squeeze %get3A_714 : memref<1x64x256xf32, #tpu.memory_space<vmem>> -> memref<64x256xf32, #tpu.memory_space<vmem>>
        %get3A_716 = arith.index_cast %add3A_537 : i32 to index
        %get3A_717 = arith.constant 240 : index
        %get3A_718 = tpu.vector_load %get3A_715[%get3A_716, %get3A_717] {strides = array<i32>} : memref<64x256xf32, #tpu.memory_space<vmem>>, vector<1x16xf32>,
        %get3A_719 = vector.shape_cast %get3A_718 : vector<1x16xf32> to vector<16xf32>
        %mul3A_720 = arith.mulf %get3A_719, %get3A_545 : vector<16xf32>
        %add3A_721 = arith.addf %scan3A_533, %mul3A_720 : vector<16xf32>
        %add3A_722 = arith.constant 1 : i32
        %add3A_723 = arith.addi %mul3A_535, %add3A_722 : i32
        %get3A_724 = arith.constant 1 : i32
        %get3A_725 = arith.constant 0 : i32
        %get3A_726 = arith.constant 0 : i32
        %get3A_727 = tpu.memref_slice %arg6[%get3A_724, %get3A_725, %get3A_726] : memref<4x64x16xf32, #tpu.memory_space<vmem>> -> memref<1x64x16xf32, #tpu.memory_space<vmem>>
        %get3A_728 = tpu.memref_squeeze %get3A_727 : memref<1x64x16xf32, #tpu.memory_space<vmem>> -> memref<64x16xf32, #tpu.memory_space<vmem>>
        %get3A_729 = arith.index_cast %add3A_723 : i32 to index
        %get3A_730 = arith.constant 0 : index
        %get3A_731 = tpu.vector_load %get3A_728[%get3A_729, %get3A_730] {strides = array<i32>} : memref<64x16xf32, #tpu.memory_space<vmem>>, vector<1x16xf32>,
        %get3A_732 = vector.shape_cast %get3A_731 : vector<1x16xf32> to vector<16xf32>
        %get3A_733 = arith.constant 1 : i32
        %get3A_734 = arith.constant 0 : i32
        %get3A_735 = arith.constant 0 : i32
        %get3A_736 = tpu.memref_slice %arg5[%get3A_733, %get3A_734, %get3A_735] : memref<4x64x256xf32, #tpu.memory_space<vmem>> -> memref<1x64x256xf32, #tpu.memory_space<vmem>>
        %get3A_737 = tpu.memref_squeeze %get3A_736 : memref<1x64x256xf32, #tpu.memory_space<vmem>> -> memref<64x256xf32, #tpu.memory_space<vmem>>
        %get3A_738 = arith.index_cast %add3A_723 : i32 to index
        %get3A_739 = arith.constant 0 : index
        %get3A_740 = tpu.vector_load %get3A_737[%get3A_738, %get3A_739] {strides = array<i32>} : memref<64x256xf32, #tpu.memory_space<vmem>>, vector<1x16xf32>,
        %get3A_741 = vector.shape_cast %get3A_740 : vector<1x16xf32> to vector<16xf32>
        %mul3A_742 = arith.mulf %get3A_741, %get3A_732 : vector<16xf32>
        %add3A_743 = arith.addf %add3A_556, %mul3A_742 : vector<16xf32>
        %get3A_744 = arith.constant 1 : i32
        %get3A_745 = arith.constant 0 : i32
        %get3A_746 = arith.constant 0 : i32
        %get3A_747 = tpu.memref_slice %arg5[%get3A_744, %get3A_745, %get3A_746] : memref<4x64x256xf32, #tpu.memory_space<vmem>> -> memref<1x64x256xf32, #tpu.memory_space<vmem>>
        %get3A_748 = tpu.memref_squeeze %get3A_747 : memref<1x64x256xf32, #tpu.memory_space<vmem>> -> memref<64x256xf32, #tpu.memory_space<vmem>>
        %get3A_749 = arith.index_cast %add3A_723 : i32 to index
        %get3A_750 = arith.constant 16 : index
        %get3A_751 = tpu.vector_load %get3A_748[%get3A_749, %get3A_750] {strides = array<i32>} : memref<64x256xf32, #tpu.memory_space<vmem>>, vector<1x16xf32>,
        %get3A_752 = vector.shape_cast %get3A_751 : vector<1x16xf32> to vector<16xf32>
        %mul3A_753 = arith.mulf %get3A_752, %get3A_732 : vector<16xf32>
        %add3A_754 = arith.addf %add3A_567, %mul3A_753 : vector<16xf32>
        %get3A_755 = arith.constant 1 : i32
        %get3A_756 = arith.constant 0 : i32
        %get3A_757 = arith.constant 0 : i32
        %get3A_758 = tpu.memref_slice %arg5[%get3A_755, %get3A_756, %get3A_757] : memref<4x64x256xf32, #tpu.memory_space<vmem>> -> memref<1x64x256xf32, #tpu.memory_space<vmem>>
        %get3A_759 = tpu.memref_squeeze %get3A_758 : memref<1x64x256xf32, #tpu.memory_space<vmem>> -> memref<64x256xf32, #tpu.memory_space<vmem>>
        %get3A_760 = arith.index_cast %add3A_723 : i32 to index
        %get3A_761 = arith.constant 32 : index
        %get3A_762 = tpu.vector_load %get3A_759[%get3A_760, %get3A_761] {strides = array<i32>} : memref<64x256xf32, #tpu.memory_space<vmem>>, vector<1x16xf32>,
        %get3A_763 = vector.shape_cast %get3A_762 : vector<1x16xf32> to vector<16xf32>
        %mul3A_764 = arith.mulf %get3A_763, %get3A_732 : vector<16xf32>
        %add3A_765 = arith.addf %add3A_578, %mul3A_764 : vector<16xf32>
        %get3A_766 = arith.constant 1 : i32
        %get3A_767 = arith.constant 0 : i32
        %get3A_768 = arith.constant 0 : i32
        %get3A_769 = tpu.memref_slice %arg5[%get3A_766, %get3A_767, %get3A_768] : memref<4x64x256xf32, #tpu.memory_space<vmem>> -> memref<1x64x256xf32, #tpu.memory_space<vmem>>
        %get3A_770 = tpu.memref_squeeze %get3A_769 : memref<1x64x256xf32, #tpu.memory_space<vmem>> -> memref<64x256xf32, #tpu.memory_space<vmem>>
        %get3A_771 = arith.index_cast %add3A_723 : i32 to index
        %get3A_772 = arith.constant 48 : index
        %get3A_773 = tpu.vector_load %get3A_770[%get3A_771, %get3A_772] {strides = array<i32>} : memref<64x256xf32, #tpu.memory_space<vmem>>, vector<1x16xf32>,
        %get3A_774 = vector.shape_cast %get3A_773 : vector<1x16xf32> to vector<16xf32>
        %mul3A_775 = arith.mulf %get3A_774, %get3A_732 : vector<16xf32>
        %add3A_776 = arith.addf %add3A_589, %mul3A_775 : vector<16xf32>
        %get3A_777 = arith.constant 1 : i32
        %get3A_778 = arith.constant 0 : i32
        %get3A_779 = arith.constant 0 : i32
        %get3A_780 = tpu.memref_slice %arg5[%get3A_777, %get3A_778, %get3A_779] : memref<4x64x256xf32, #tpu.memory_space<vmem>> -> memref<1x64x256xf32, #tpu.memory_space<vmem>>
        %get3A_781 = tpu.memref_squeeze %get3A_780 : memref<1x64x256xf32, #tpu.memory_space<vmem>> -> memref<64x256xf32, #tpu.memory_space<vmem>>
        %get3A_782 = arith.index_cast %add3A_723 : i32 to index
        %get3A_783 = arith.constant 64 : index
        %get3A_784 = tpu.vector_load %get3A_781[%get3A_782, %get3A_783] {strides = array<i32>} : memref<64x256xf32, #tpu.memory_space<vmem>>, vector<1x16xf32>,
        %get3A_785 = vector.shape_cast %get3A_784 : vector<1x16xf32> to vector<16xf32>
        %mul3A_786 = arith.mulf %get3A_785, %get3A_732 : vector<16xf32>
        %add3A_787 = arith.addf %add3A_600, %mul3A_786 : vector<16xf32>
        %get3A_788 = arith.constant 1 : i32
        %get3A_789 = arith.constant 0 : i32
        %get3A_790 = arith.constant 0 : i32
        %get3A_791 = tpu.memref_slice %arg5[%get3A_788, %get3A_789, %get3A_790] : memref<4x64x256xf32, #tpu.memory_space<vmem>> -> memref<1x64x256xf32, #tpu.memory_space<vmem>>
        %get3A_792 = tpu.memref_squeeze %get3A_791 : memref<1x64x256xf32, #tpu.memory_space<vmem>> -> memref<64x256xf32, #tpu.memory_space<vmem>>
        %get3A_793 = arith.index_cast %add3A_723 : i32 to index
        %get3A_794 = arith.constant 80 : index
        %get3A_795 = tpu.vector_load %get3A_792[%get3A_793, %get3A_794] {strides = array<i32>} : memref<64x256xf32, #tpu.memory_space<vmem>>, vector<1x16xf32>,
        %get3A_796 = vector.shape_cast %get3A_795 : vector<1x16xf32> to vector<16xf32>
        %mul3A_797 = arith.mulf %get3A_796, %get3A_732 : vector<16xf32>
        %add3A_798 = arith.addf %add3A_611, %mul3A_797 : vector<16xf32>
        %get3A_799 = arith.constant 1 : i32
        %get3A_800 = arith.constant 0 : i32
        %get3A_801 = arith.constant 0 : i32
        %get3A_802 = tpu.memref_slice %arg5[%get3A_799, %get3A_800, %get3A_801] : memref<4x64x256xf32, #tpu.memory_space<vmem>> -> memref<1x64x256xf32, #tpu.memory_space<vmem>>
        %get3A_803 = tpu.memref_squeeze %get3A_802 : memref<1x64x256xf32, #tpu.memory_space<vmem>> -> memref<64x256xf32, #tpu.memory_space<vmem>>
        %get3A_804 = arith.index_cast %add3A_723 : i32 to index
        %get3A_805 = arith.constant 96 : index
        %get3A_806 = tpu.vector_load %get3A_803[%get3A_804, %get3A_805] {strides = array<i32>} : memref<64x256xf32, #tpu.memory_space<vmem>>, vector<1x16xf32>,
        %get3A_807 = vector.shape_cast %get3A_806 : vector<1x16xf32> to vector<16xf32>
        %mul3A_808 = arith.mulf %get3A_807, %get3A_732 : vector<16xf32>
        %add3A_809 = arith.addf %add3A_622, %mul3A_808 : vector<16xf32>
        %get3A_810 = arith.constant 1 : i32
        %get3A_811 = arith.constant 0 : i32
        %get3A_812 = arith.constant 0 : i32
        %get3A_813 = tpu.memref_slice %arg5[%get3A_810, %get3A_811, %get3A_812] : memref<4x64x256xf32, #tpu.memory_space<vmem>> -> memref<1x64x256xf32, #tpu.memory_space<vmem>>
        %get3A_814 = tpu.memref_squeeze %get3A_813 : memref<1x64x256xf32, #tpu.memory_space<vmem>> -> memref<64x256xf32, #tpu.memory_space<vmem>>
        %get3A_815 = arith.index_cast %add3A_723 : i32 to index
        %get3A_816 = arith.constant 112 : index
        %get3A_817 = tpu.vector_load %get3A_814[%get3A_815, %get3A_816] {strides = array<i32>} : memref<64x256xf32, #tpu.memory_space<vmem>>, vector<1x16xf32>,
        %get3A_818 = vector.shape_cast %get3A_817 : vector<1x16xf32> to vector<16xf32>
        %mul3A_819 = arith.mulf %get3A_818, %get3A_732 : vector<16xf32>
        %add3A_820 = arith.addf %add3A_633, %mul3A_819 : vector<16xf32>
        %get3A_821 = arith.constant 1 : i32
        %get3A_822 = arith.constant 0 : i32
        %get3A_823 = arith.constant 0 : i32
        %get3A_824 = tpu.memref_slice %arg5[%get3A_821, %get3A_822, %get3A_823] : memref<4x64x256xf32, #tpu.memory_space<vmem>> -> memref<1x64x256xf32, #tpu.memory_space<vmem>>
        %get3A_825 = tpu.memref_squeeze %get3A_824 : memref<1x64x256xf32, #tpu.memory_space<vmem>> -> memref<64x256xf32, #tpu.memory_space<vmem>>
        %get3A_826 = arith.index_cast %add3A_723 : i32 to index
        %get3A_827 = arith.constant 128 : index
        %get3A_828 = tpu.vector_load %get3A_825[%get3A_826, %get3A_827] {strides = array<i32>} : memref<64x256xf32, #tpu.memory_space<vmem>>, vector<1x16xf32>,
        %get3A_829 = vector.shape_cast %get3A_828 : vector<1x16xf32> to vector<16xf32>
        %mul3A_830 = arith.mulf %get3A_829, %get3A_732 : vector<16xf32>
        %add3A_831 = arith.addf %add3A_644, %mul3A_830 : vector<16xf32>
        %get3A_832 = arith.constant 1 : i32
        %get3A_833 = arith.constant 0 : i32
        %get3A_834 = arith.constant 0 : i32
        %get3A_835 = tpu.memref_slice %arg5[%get3A_832, %get3A_833, %get3A_834] : memref<4x64x256xf32, #tpu.memory_space<vmem>> -> memref<1x64x256xf32, #tpu.memory_space<vmem>>
        %get3A_836 = tpu.memref_squeeze %get3A_835 : memref<1x64x256xf32, #tpu.memory_space<vmem>> -> memref<64x256xf32, #tpu.memory_space<vmem>>
        %get3A_837 = arith.index_cast %add3A_723 : i32 to index
        %get3A_838 = arith.constant 144 : index
        %get3A_839 = tpu.vector_load %get3A_836[%get3A_837, %get3A_838] {strides = array<i32>} : memref<64x256xf32, #tpu.memory_space<vmem>>, vector<1x16xf32>,
        %get3A_840 = vector.shape_cast %get3A_839 : vector<1x16xf32> to vector<16xf32>
        %mul3A_841 = arith.mulf %get3A_840, %get3A_732 : vector<16xf32>
        %add3A_842 = arith.addf %add3A_655, %mul3A_841 : vector<16xf32>
        %get3A_843 = arith.constant 1 : i32
        %get3A_844 = arith.constant 0 : i32
        %get3A_845 = arith.constant 0 : i32
        %get3A_846 = tpu.memref_slice %arg5[%get3A_843, %get3A_844, %get3A_845] : memref<4x64x256xf32, #tpu.memory_space<vmem>> -> memref<1x64x256xf32, #tpu.memory_space<vmem>>
        %get3A_847 = tpu.memref_squeeze %get3A_846 : memref<1x64x256xf32, #tpu.memory_space<vmem>> -> memref<64x256xf32, #tpu.memory_space<vmem>>
        %get3A_848 = arith.index_cast %add3A_723 : i32 to index
        %get3A_849 = arith.constant 160 : index
        %get3A_850 = tpu.vector_load %get3A_847[%get3A_848, %get3A_849] {strides = array<i32>} : memref<64x256xf32, #tpu.memory_space<vmem>>, vector<1x16xf32>,
        %get3A_851 = vector.shape_cast %get3A_850 : vector<1x16xf32> to vector<16xf32>
        %mul3A_852 = arith.mulf %get3A_851, %get3A_732 : vector<16xf32>
        %add3A_853 = arith.addf %add3A_666, %mul3A_852 : vector<16xf32>
        %get3A_854 = arith.constant 1 : i32
        %get3A_855 = arith.constant 0 : i32
        %get3A_856 = arith.constant 0 : i32
        %get3A_857 = tpu.memref_slice %arg5[%get3A_854, %get3A_855, %get3A_856] : memref<4x64x256xf32, #tpu.memory_space<vmem>> -> memref<1x64x256xf32, #tpu.memory_space<vmem>>
        %get3A_858 = tpu.memref_squeeze %get3A_857 : memref<1x64x256xf32, #tpu.memory_space<vmem>> -> memref<64x256xf32, #tpu.memory_space<vmem>>
        %get3A_859 = arith.index_cast %add3A_723 : i32 to index
        %get3A_860 = arith.constant 176 : index
        %get3A_861 = tpu.vector_load %get3A_858[%get3A_859, %get3A_860] {strides = array<i32>} : memref<64x256xf32, #tpu.memory_space<vmem>>, vector<1x16xf32>,
        %get3A_862 = vector.shape_cast %get3A_861 : vector<1x16xf32> to vector<16xf32>
        %mul3A_863 = arith.mulf %get3A_862, %get3A_732 : vector<16xf32>
        %add3A_864 = arith.addf %add3A_677, %mul3A_863 : vector<16xf32>
        %get3A_865 = arith.constant 1 : i32
        %get3A_866 = arith.constant 0 : i32
        %get3A_867 = arith.constant 0 : i32
        %get3A_868 = tpu.memref_slice %arg5[%get3A_865, %get3A_866, %get3A_867] : memref<4x64x256xf32, #tpu.memory_space<vmem>> -> memref<1x64x256xf32, #tpu.memory_space<vmem>>
        %get3A_869 = tpu.memref_squeeze %get3A_868 : memref<1x64x256xf32, #tpu.memory_space<vmem>> -> memref<64x256xf32, #tpu.memory_space<vmem>>
        %get3A_870 = arith.index_cast %add3A_723 : i32 to index
        %get3A_871 = arith.constant 192 : index
        %get3A_872 = tpu.vector_load %get3A_869[%get3A_870, %get3A_871] {strides = array<i32>} : memref<64x256xf32, #tpu.memory_space<vmem>>, vector<1x16xf32>,
        %get3A_873 = vector.shape_cast %get3A_872 : vector<1x16xf32> to vector<16xf32>
        %mul3A_874 = arith.mulf %get3A_873, %get3A_732 : vector<16xf32>
        %add3A_875 = arith.addf %add3A_688, %mul3A_874 : vector<16xf32>
        %get3A_876 = arith.constant 1 : i32
        %get3A_877 = arith.constant 0 : i32
        %get3A_878 = arith.constant 0 : i32
        %get3A_879 = tpu.memref_slice %arg5[%get3A_876, %get3A_877, %get3A_878] : memref<4x64x256xf32, #tpu.memory_space<vmem>> -> memref<1x64x256xf32, #tpu.memory_space<vmem>>
        %get3A_880 = tpu.memref_squeeze %get3A_879 : memref<1x64x256xf32, #tpu.memory_space<vmem>> -> memref<64x256xf32, #tpu.memory_space<vmem>>
        %get3A_881 = arith.index_cast %add3A_723 : i32 to index
        %get3A_882 = arith.constant 208 : index
        %get3A_883 = tpu.vector_load %get3A_880[%get3A_881, %get3A_882] {strides = array<i32>} : memref<64x256xf32, #tpu.memory_space<vmem>>, vector<1x16xf32>,
        %get3A_884 = vector.shape_cast %get3A_883 : vector<1x16xf32> to vector<16xf32>
        %mul3A_885 = arith.mulf %get3A_884, %get3A_732 : vector<16xf32>
        %add3A_886 = arith.addf %add3A_699, %mul3A_885 : vector<16xf32>
        %get3A_887 = arith.constant 1 : i32
        %get3A_888 = arith.constant 0 : i32
        %get3A_889 = arith.constant 0 : i32
        %get3A_890 = tpu.memref_slice %arg5[%get3A_887, %get3A_888, %get3A_889] : memref<4x64x256xf32, #tpu.memory_space<vmem>> -> memref<1x64x256xf32, #tpu.memory_space<vmem>>
        %get3A_891 = tpu.memref_squeeze %get3A_890 : memref<1x64x256xf32, #tpu.memory_space<vmem>> -> memref<64x256xf32, #tpu.memory_space<vmem>>
        %get3A_892 = arith.index_cast %add3A_723 : i32 to index
        %get3A_893 = arith.constant 224 : index
        %get3A_894 = tpu.vector_load %get3A_891[%get3A_892, %get3A_893] {strides = array<i32>} : memref<64x256xf32, #tpu.memory_space<vmem>>, vector<1x16xf32>,
        %get3A_895 = vector.shape_cast %get3A_894 : vector<1x16xf32> to vector<16xf32>
        %mul3A_896 = arith.mulf %get3A_895, %get3A_732 : vector<16xf32>
        %add3A_897 = arith.addf %add3A_710, %mul3A_896 : vector<16xf32>
        %get3A_898 = arith.constant 1 : i32
        %get3A_899 = arith.constant 0 : i32
        %get3A_900 = arith.constant 0 : i32
        %get3A_901 = tpu.memref_slice %arg5[%get3A_898, %get3A_899, %get3A_900] : memref<4x64x256xf32, #tpu.memory_space<vmem>> -> memref<1x64x256xf32, #tpu.memory_space<vmem>>
        %get3A_902 = tpu.memref_squeeze %get3A_901 : memref<1x64x256xf32, #tpu.memory_space<vmem>> -> memref<64x256xf32, #tpu.memory_space<vmem>>
        %get3A_903 = arith.index_cast %add3A_723 : i32 to index
        %get3A_904 = arith.constant 240 : index
        %get3A_905 = tpu.vector_load %get3A_902[%get3A_903, %get3A_904] {strides = array<i32>} : memref<64x256xf32, #tpu.memory_space<vmem>>, vector<1x16xf32>,
        %get3A_906 = vector.shape_cast %get3A_905 : vector<1x16xf32> to vector<16xf32>
        %mul3A_907 = arith.mulf %get3A_906, %get3A_732 : vector<16xf32>
        %add3A_908 = arith.addf %add3A_721, %mul3A_907 : vector<16xf32>
        %add3A_909 = arith.constant 2 : i32
        %add3A_910 = arith.addi %mul3A_535, %add3A_909 : i32
        %get3A_911 = arith.constant 1 : i32
        %get3A_912 = arith.constant 0 : i32
        %get3A_913 = arith.constant 0 : i32
        %get3A_914 = tpu.memref_slice %arg6[%get3A_911, %get3A_912, %get3A_913] : memref<4x64x16xf32, #tpu.memory_space<vmem>> -> memref<1x64x16xf32, #tpu.memory_space<vmem>>
        %get3A_915 = tpu.memref_squeeze %get3A_914 : memref<1x64x16xf32, #tpu.memory_space<vmem>> -> memref<64x16xf32, #tpu.memory_space<vmem>>
        %get3A_916 = arith.index_cast %add3A_910 : i32 to index
        %get3A_917 = arith.constant 0 : index
        %get3A_918 = tpu.vector_load %get3A_915[%get3A_916, %get3A_917] {strides = array<i32>} : memref<64x16xf32, #tpu.memory_space<vmem>>, vector<1x16xf32>,
        %get3A_919 = vector.shape_cast %get3A_918 : vector<1x16xf32> to vector<16xf32>
        %get3A_920 = arith.constant 1 : i32
        %get3A_921 = arith.constant 0 : i32
        %get3A_922 = arith.constant 0 : i32
        %get3A_923 = tpu.memref_slice %arg5[%get3A_920, %get3A_921, %get3A_922] : memref<4x64x256xf32, #tpu.memory_space<vmem>> -> memref<1x64x256xf32, #tpu.memory_space<vmem>>
        %get3A_924 = tpu.memref_squeeze %get3A_923 : memref<1x64x256xf32, #tpu.memory_space<vmem>> -> memref<64x256xf32, #tpu.memory_space<vmem>>
        %get3A_925 = arith.index_cast %add3A_910 : i32 to index
        %get3A_926 = arith.constant 0 : index
        %get3A_927 = tpu.vector_load %get3A_924[%get3A_925, %get3A_926] {strides = array<i32>} : memref<64x256xf32, #tpu.memory_space<vmem>>, vector<1x16xf32>,
        %get3A_928 = vector.shape_cast %get3A_927 : vector<1x16xf32> to vector<16xf32>
        %mul3A_929 = arith.mulf %get3A_928, %get3A_919 : vector<16xf32>
        %add3A_930 = arith.addf %add3A_743, %mul3A_929 : vector<16xf32>
        %get3A_931 = arith.constant 1 : i32
        %get3A_932 = arith.constant 0 : i32
        %get3A_933 = arith.constant 0 : i32
        %get3A_934 = tpu.memref_slice %arg5[%get3A_931, %get3A_932, %get3A_933] : memref<4x64x256xf32, #tpu.memory_space<vmem>> -> memref<1x64x256xf32, #tpu.memory_space<vmem>>
        %get3A_935 = tpu.memref_squeeze %get3A_934 : memref<1x64x256xf32, #tpu.memory_space<vmem>> -> memref<64x256xf32, #tpu.memory_space<vmem>>
        %get3A_936 = arith.index_cast %add3A_910 : i32 to index
        %get3A_937 = arith.constant 16 : index
        %get3A_938 = tpu.vector_load %get3A_935[%get3A_936, %get3A_937] {strides = array<i32>} : memref<64x256xf32, #tpu.memory_space<vmem>>, vector<1x16xf32>,
        %get3A_939 = vector.shape_cast %get3A_938 : vector<1x16xf32> to vector<16xf32>
        %mul3A_940 = arith.mulf %get3A_939, %get3A_919 : vector<16xf32>
        %add3A_941 = arith.addf %add3A_754, %mul3A_940 : vector<16xf32>
        %get3A_942 = arith.constant 1 : i32
        %get3A_943 = arith.constant 0 : i32
        %get3A_944 = arith.constant 0 : i32
        %get3A_945 = tpu.memref_slice %arg5[%get3A_942, %get3A_943, %get3A_944] : memref<4x64x256xf32, #tpu.memory_space<vmem>> -> memref<1x64x256xf32, #tpu.memory_space<vmem>>
        %get3A_946 = tpu.memref_squeeze %get3A_945 : memref<1x64x256xf32, #tpu.memory_space<vmem>> -> memref<64x256xf32, #tpu.memory_space<vmem>>
        %get3A_947 = arith.index_cast %add3A_910 : i32 to index
        %get3A_948 = arith.constant 32 : index
        %get3A_949 = tpu.vector_load %get3A_946[%get3A_947, %get3A_948] {strides = array<i32>} : memref<64x256xf32, #tpu.memory_space<vmem>>, vector<1x16xf32>,
        %get3A_950 = vector.shape_cast %get3A_949 : vector<1x16xf32> to vector<16xf32>
        %mul3A_951 = arith.mulf %get3A_950, %get3A_919 : vector<16xf32>
        %add3A_952 = arith.addf %add3A_765, %mul3A_951 : vector<16xf32>
        %get3A_953 = arith.constant 1 : i32
        %get3A_954 = arith.constant 0 : i32
        %get3A_955 = arith.constant 0 : i32
        %get3A_956 = tpu.memref_slice %arg5[%get3A_953, %get3A_954, %get3A_955] : memref<4x64x256xf32, #tpu.memory_space<vmem>> -> memref<1x64x256xf32, #tpu.memory_space<vmem>>
        %get3A_957 = tpu.memref_squeeze %get3A_956 : memref<1x64x256xf32, #tpu.memory_space<vmem>> -> memref<64x256xf32, #tpu.memory_space<vmem>>
        %get3A_958 = arith.index_cast %add3A_910 : i32 to index
        %get3A_959 = arith.constant 48 : index
        %get3A_960 = tpu.vector_load %get3A_957[%get3A_958, %get3A_959] {strides = array<i32>} : memref<64x256xf32, #tpu.memory_space<vmem>>, vector<1x16xf32>,
        %get3A_961 = vector.shape_cast %get3A_960 : vector<1x16xf32> to vector<16xf32>
        %mul3A_962 = arith.mulf %get3A_961, %get3A_919 : vector<16xf32>
        %add3A_963 = arith.addf %add3A_776, %mul3A_962 : vector<16xf32>
        %get3A_964 = arith.constant 1 : i32
        %get3A_965 = arith.constant 0 : i32
        %get3A_966 = arith.constant 0 : i32
        %get3A_967 = tpu.memref_slice %arg5[%get3A_964, %get3A_965, %get3A_966] : memref<4x64x256xf32, #tpu.memory_space<vmem>> -> memref<1x64x256xf32, #tpu.memory_space<vmem>>
        %get3A_968 = tpu.memref_squeeze %get3A_967 : memref<1x64x256xf32, #tpu.memory_space<vmem>> -> memref<64x256xf32, #tpu.memory_space<vmem>>
        %get3A_969 = arith.index_cast %add3A_910 : i32 to index
        %get3A_970 = arith.constant 64 : index
        %get3A_971 = tpu.vector_load %get3A_968[%get3A_969, %get3A_970] {strides = array<i32>} : memref<64x256xf32, #tpu.memory_space<vmem>>, vector<1x16xf32>,
        %get3A_972 = vector.shape_cast %get3A_971 : vector<1x16xf32> to vector<16xf32>
        %mul3A_973 = arith.mulf %get3A_972, %get3A_919 : vector<16xf32>
        %add3A_974 = arith.addf %add3A_787, %mul3A_973 : vector<16xf32>
        %get3A_975 = arith.constant 1 : i32
        %get3A_976 = arith.constant 0 : i32
        %get3A_977 = arith.constant 0 : i32
        %get3A_978 = tpu.memref_slice %arg5[%get3A_975, %get3A_976, %get3A_977] : memref<4x64x256xf32, #tpu.memory_space<vmem>> -> memref<1x64x256xf32, #tpu.memory_space<vmem>>
        %get3A_979 = tpu.memref_squeeze %get3A_978 : memref<1x64x256xf32, #tpu.memory_space<vmem>> -> memref<64x256xf32, #tpu.memory_space<vmem>>
        %get3A_980 = arith.index_cast %add3A_910 : i32 to index
        %get3A_981 = arith.constant 80 : index
        %get3A_982 = tpu.vector_load %get3A_979[%get3A_980, %get3A_981] {strides = array<i32>} : memref<64x256xf32, #tpu.memory_space<vmem>>, vector<1x16xf32>,
        %get3A_983 = vector.shape_cast %get3A_982 : vector<1x16xf32> to vector<16xf32>
        %mul3A_984 = arith.mulf %get3A_983, %get3A_919 : vector<16xf32>
        %add3A_985 = arith.addf %add3A_798, %mul3A_984 : vector<16xf32>
        %get3A_986 = arith.constant 1 : i32
        %get3A_987 = arith.constant 0 : i32
        %get3A_988 = arith.constant 0 : i32
        %get3A_989 = tpu.memref_slice %arg5[%get3A_986, %get3A_987, %get3A_988] : memref<4x64x256xf32, #tpu.memory_space<vmem>> -> memref<1x64x256xf32, #tpu.memory_space<vmem>>
        %get3A_990 = tpu.memref_squeeze %get3A_989 : memref<1x64x256xf32, #tpu.memory_space<vmem>> -> memref<64x256xf32, #tpu.memory_space<vmem>>
        %get3A_991 = arith.index_cast %add3A_910 : i32 to index
        %get3A_992 = arith.constant 96 : index
        %get3A_993 = tpu.vector_load %get3A_990[%get3A_991, %get3A_992] {strides = array<i32>} : memref<64x256xf32, #tpu.memory_space<vmem>>, vector<1x16xf32>,
        %get3A_994 = vector.shape_cast %get3A_993 : vector<1x16xf32> to vector<16xf32>
        %mul3A_995 = arith.mulf %get3A_994, %get3A_919 : vector<16xf32>
        %add3A_996 = arith.addf %add3A_809, %mul3A_995 : vector<16xf32>
        %get3A_997 = arith.constant 1 : i32
        %get3A_998 = arith.constant 0 : i32
        %get3A_999 = arith.constant 0 : i32
        %get3A_1000 = tpu.memref_slice %arg5[%get3A_997, %get3A_998, %get3A_999] : memref<4x64x256xf32, #tpu.memory_space<vmem>> -> memref<1x64x256xf32, #tpu.memory_space<vmem>>
        %get3A_1001 = tpu.memref_squeeze %get3A_1000 : memref<1x64x256xf32, #tpu.memory_space<vmem>> -> memref<64x256xf32, #tpu.memory_space<vmem>>
        %get3A_1002 = arith.index_cast %add3A_910 : i32 to index
        %get3A_1003 = arith.constant 112 : index
        %get3A_1004 = tpu.vector_load %get3A_1001[%get3A_1002, %get3A_1003] {strides = array<i32>} : memref<64x256xf32, #tpu.memory_space<vmem>>, vector<1x16xf32>,
        %get3A_1005 = vector.shape_cast %get3A_1004 : vector<1x16xf32> to vector<16xf32>
        %mul3A_1006 = arith.mulf %get3A_1005, %get3A_919 : vector<16xf32>
        %add3A_1007 = arith.addf %add3A_820, %mul3A_1006 : vector<16xf32>
        %get3A_1008 = arith.constant 1 : i32
        %get3A_1009 = arith.constant 0 : i32
        %get3A_1010 = arith.constant 0 : i32
        %get3A_1011 = tpu.memref_slice %arg5[%get3A_1008, %get3A_1009, %get3A_1010] : memref<4x64x256xf32, #tpu.memory_space<vmem>> -> memref<1x64x256xf32, #tpu.memory_space<vmem>>
        %get3A_1012 = tpu.memref_squeeze %get3A_1011 : memref<1x64x256xf32, #tpu.memory_space<vmem>> -> memref<64x256xf32, #tpu.memory_space<vmem>>
        %get3A_1013 = arith.index_cast %add3A_910 : i32 to index
        %get3A_1014 = arith.constant 128 : index
        %get3A_1015 = tpu.vector_load %get3A_1012[%get3A_1013, %get3A_1014] {strides = array<i32>} : memref<64x256xf32, #tpu.memory_space<vmem>>, vector<1x16xf32>,
        %get3A_1016 = vector.shape_cast %get3A_1015 : vector<1x16xf32> to vector<16xf32>
        %mul3A_1017 = arith.mulf %get3A_1016, %get3A_919 : vector<16xf32>
        %add3A_1018 = arith.addf %add3A_831, %mul3A_1017 : vector<16xf32>
        %get3A_1019 = arith.constant 1 : i32
        %get3A_1020 = arith.constant 0 : i32
        %get3A_1021 = arith.constant 0 : i32
        %get3A_1022 = tpu.memref_slice %arg5[%get3A_1019, %get3A_1020, %get3A_1021] : memref<4x64x256xf32, #tpu.memory_space<vmem>> -> memref<1x64x256xf32, #tpu.memory_space<vmem>>
        %get3A_1023 = tpu.memref_squeeze %get3A_1022 : memref<1x64x256xf32, #tpu.memory_space<vmem>> -> memref<64x256xf32, #tpu.memory_space<vmem>>
        %get3A_1024 = arith.index_cast %add3A_910 : i32 to index
        %get3A_1025 = arith.constant 144 : index
        %get3A_1026 = tpu.vector_load %get3A_1023[%get3A_1024, %get3A_1025] {strides = array<i32>} : memref<64x256xf32, #tpu.memory_space<vmem>>, vector<1x16xf32>,
        %get3A_1027 = vector.shape_cast %get3A_1026 : vector<1x16xf32> to vector<16xf32>
        %mul3A_1028 = arith.mulf %get3A_1027, %get3A_919 : vector<16xf32>
        %add3A_1029 = arith.addf %add3A_842, %mul3A_1028 : vector<16xf32>
        %get3A_1030 = arith.constant 1 : i32
        %get3A_1031 = arith.constant 0 : i32
        %get3A_1032 = arith.constant 0 : i32
        %get3A_1033 = tpu.memref_slice %arg5[%get3A_1030, %get3A_1031, %get3A_1032] : memref<4x64x256xf32, #tpu.memory_space<vmem>> -> memref<1x64x256xf32, #tpu.memory_space<vmem>>
        %get3A_1034 = tpu.memref_squeeze %get3A_1033 : memref<1x64x256xf32, #tpu.memory_space<vmem>> -> memref<64x256xf32, #tpu.memory_space<vmem>>
        %get3A_1035 = arith.index_cast %add3A_910 : i32 to index
        %get3A_1036 = arith.constant 160 : index
        %get3A_1037 = tpu.vector_load %get3A_1034[%get3A_1035, %get3A_1036] {strides = array<i32>} : memref<64x256xf32, #tpu.memory_space<vmem>>, vector<1x16xf32>,
        %get3A_1038 = vector.shape_cast %get3A_1037 : vector<1x16xf32> to vector<16xf32>
        %mul3A_1039 = arith.mulf %get3A_1038, %get3A_919 : vector<16xf32>
        %add3A_1040 = arith.addf %add3A_853, %mul3A_1039 : vector<16xf32>
        %get3A_1041 = arith.constant 1 : i32
        %get3A_1042 = arith.constant 0 : i32
        %get3A_1043 = arith.constant 0 : i32
        %get3A_1044 = tpu.memref_slice %arg5[%get3A_1041, %get3A_1042, %get3A_1043] : memref<4x64x256xf32, #tpu.memory_space<vmem>> -> memref<1x64x256xf32, #tpu.memory_space<vmem>>
        %get3A_1045 = tpu.memref_squeeze %get3A_1044 : memref<1x64x256xf32, #tpu.memory_space<vmem>> -> memref<64x256xf32, #tpu.memory_space<vmem>>
        %get3A_1046 = arith.index_cast %add3A_910 : i32 to index
        %get3A_1047 = arith.constant 176 : index
        %get3A_1048 = tpu.vector_load %get3A_1045[%get3A_1046, %get3A_1047] {strides = array<i32>} : memref<64x256xf32, #tpu.memory_space<vmem>>, vector<1x16xf32>,
        %get3A_1049 = vector.shape_cast %get3A_1048 : vector<1x16xf32> to vector<16xf32>
        %mul3A_1050 = arith.mulf %get3A_1049, %get3A_919 : vector<16xf32>
        %add3A_1051 = arith.addf %add3A_864, %mul3A_1050 : vector<16xf32>
        %get3A_1052 = arith.constant 1 : i32
        %get3A_1053 = arith.constant 0 : i32
        %get3A_1054 = arith.constant 0 : i32
        %get3A_1055 = tpu.memref_slice %arg5[%get3A_1052, %get3A_1053, %get3A_1054] : memref<4x64x256xf32, #tpu.memory_space<vmem>> -> memref<1x64x256xf32, #tpu.memory_space<vmem>>
        %get3A_1056 = tpu.memref_squeeze %get3A_1055 : memref<1x64x256xf32, #tpu.memory_space<vmem>> -> memref<64x256xf32, #tpu.memory_space<vmem>>
        %get3A_1057 = arith.index_cast %add3A_910 : i32 to index
        %get3A_1058 = arith.constant 192 : index
        %get3A_1059 = tpu.vector_load %get3A_1056[%get3A_1057, %get3A_1058] {strides = array<i32>} : memref<64x256xf32, #tpu.memory_space<vmem>>, vector<1x16xf32>,
        %get3A_1060 = vector.shape_cast %get3A_1059 : vector<1x16xf32> to vector<16xf32>
        %mul3A_1061 = arith.mulf %get3A_1060, %get3A_919 : vector<16xf32>
        %add3A_1062 = arith.addf %add3A_875, %mul3A_1061 : vector<16xf32>
        %get3A_1063 = arith.constant 1 : i32
        %get3A_1064 = arith.constant 0 : i32
        %get3A_1065 = arith.constant 0 : i32
        %get3A_1066 = tpu.memref_slice %arg5[%get3A_1063, %get3A_1064, %get3A_1065] : memref<4x64x256xf32, #tpu.memory_space<vmem>> -> memref<1x64x256xf32, #tpu.memory_space<vmem>>
        %get3A_1067 = tpu.memref_squeeze %get3A_1066 : memref<1x64x256xf32, #tpu.memory_space<vmem>> -> memref<64x256xf32, #tpu.memory_space<vmem>>
        %get3A_1068 = arith.index_cast %add3A_910 : i32 to index
        %get3A_1069 = arith.constant 208 : index
        %get3A_1070 = tpu.vector_load %get3A_1067[%get3A_1068, %get3A_1069] {strides = array<i32>} : memref<64x256xf32, #tpu.memory_space<vmem>>, vector<1x16xf32>,
        %get3A_1071 = vector.shape_cast %get3A_1070 : vector<1x16xf32> to vector<16xf32>
        %mul3A_1072 = arith.mulf %get3A_1071, %get3A_919 : vector<16xf32>
        %add3A_1073 = arith.addf %add3A_886, %mul3A_1072 : vector<16xf32>
        %get3A_1074 = arith.constant 1 : i32
        %get3A_1075 = arith.constant 0 : i32
        %get3A_1076 = arith.constant 0 : i32
        %get3A_1077 = tpu.memref_slice %arg5[%get3A_1074, %get3A_1075, %get3A_1076] : memref<4x64x256xf32, #tpu.memory_space<vmem>> -> memref<1x64x256xf32, #tpu.memory_space<vmem>>
        %get3A_1078 = tpu.memref_squeeze %get3A_1077 : memref<1x64x256xf32, #tpu.memory_space<vmem>> -> memref<64x256xf32, #tpu.memory_space<vmem>>
        %get3A_1079 = arith.index_cast %add3A_910 : i32 to index
        %get3A_1080 = arith.constant 224 : index
        %get3A_1081 = tpu.vector_load %get3A_1078[%get3A_1079, %get3A_1080] {strides = array<i32>} : memref<64x256xf32, #tpu.memory_space<vmem>>, vector<1x16xf32>,
        %get3A_1082 = vector.shape_cast %get3A_1081 : vector<1x16xf32> to vector<16xf32>
        %mul3A_1083 = arith.mulf %get3A_1082, %get3A_919 : vector<16xf32>
        %add3A_1084 = arith.addf %add3A_897, %mul3A_1083 : vector<16xf32>
        %get3A_1085 = arith.constant 1 : i32
        %get3A_1086 = arith.constant 0 : i32
        %get3A_1087 = arith.constant 0 : i32
        %get3A_1088 = tpu.memref_slice %arg5[%get3A_1085, %get3A_1086, %get3A_1087] : memref<4x64x256xf32, #tpu.memory_space<vmem>> -> memref<1x64x256xf32, #tpu.memory_space<vmem>>
        %get3A_1089 = tpu.memref_squeeze %get3A_1088 : memref<1x64x256xf32, #tpu.memory_space<vmem>> -> memref<64x256xf32, #tpu.memory_space<vmem>>
        %get3A_1090 = arith.index_cast %add3A_910 : i32 to index
        %get3A_1091 = arith.constant 240 : index
        %get3A_1092 = tpu.vector_load %get3A_1089[%get3A_1090, %get3A_1091] {strides = array<i32>} : memref<64x256xf32, #tpu.memory_space<vmem>>, vector<1x16xf32>,
        %get3A_1093 = vector.shape_cast %get3A_1092 : vector<1x16xf32> to vector<16xf32>
        %mul3A_1094 = arith.mulf %get3A_1093, %get3A_919 : vector<16xf32>
        %add3A_1095 = arith.addf %add3A_908, %mul3A_1094 : vector<16xf32>
        %add3A_1096 = arith.constant 3 : i32
        %add3A_1097 = arith.addi %mul3A_535, %add3A_1096 : i32
        %get3A_1098 = arith.constant 1 : i32
        %get3A_1099 = arith.constant 0 : i32
        %get3A_1100 = arith.constant 0 : i32
        %get3A_1101 = tpu.memref_slice %arg6[%get3A_1098, %get3A_1099, %get3A_1100] : memref<4x64x16xf32, #tpu.memory_space<vmem>> -> memref<1x64x16xf32, #tpu.memory_space<vmem>>
        %get3A_1102 = tpu.memref_squeeze %get3A_1101 : memref<1x64x16xf32, #tpu.memory_space<vmem>> -> memref<64x16xf32, #tpu.memory_space<vmem>>
        %get3A_1103 = arith.index_cast %add3A_1097 : i32 to index
        %get3A_1104 = arith.constant 0 : index
        %get3A_1105 = tpu.vector_load %get3A_1102[%get3A_1103, %get3A_1104] {strides = array<i32>} : memref<64x16xf32, #tpu.memory_space<vmem>>, vector<1x16xf32>,
        %get3A_1106 = vector.shape_cast %get3A_1105 : vector<1x16xf32> to vector<16xf32>
        %get3A_1107 = arith.constant 1 : i32
        %get3A_1108 = arith.constant 0 : i32
        %get3A_1109 = arith.constant 0 : i32
        %get3A_1110 = tpu.memref_slice %arg5[%get3A_1107, %get3A_1108, %get3A_1109] : memref<4x64x256xf32, #tpu.memory_space<vmem>> -> memref<1x64x256xf32, #tpu.memory_space<vmem>>
        %get3A_1111 = tpu.memref_squeeze %get3A_1110 : memref<1x64x256xf32, #tpu.memory_space<vmem>> -> memref<64x256xf32, #tpu.memory_space<vmem>>
        %get3A_1112 = arith.index_cast %add3A_1097 : i32 to index
        %get3A_1113 = arith.constant 0 : index
        %get3A_1114 = tpu.vector_load %get3A_1111[%get3A_1112, %get3A_1113] {strides = array<i32>} : memref<64x256xf32, #tpu.memory_space<vmem>>, vector<1x16xf32>,
        %get3A_1115 = vector.shape_cast %get3A_1114 : vector<1x16xf32> to vector<16xf32>
        %mul3A_1116 = arith.mulf %get3A_1115, %get3A_1106 : vector<16xf32>
        %add3A_1117 = arith.addf %add3A_930, %mul3A_1116 : vector<16xf32>
        %get3A_1118 = arith.constant 1 : i32
        %get3A_1119 = arith.constant 0 : i32
        %get3A_1120 = arith.constant 0 : i32
        %get3A_1121 = tpu.memref_slice %arg5[%get3A_1118, %get3A_1119, %get3A_1120] : memref<4x64x256xf32, #tpu.memory_space<vmem>> -> memref<1x64x256xf32, #tpu.memory_space<vmem>>
        %get3A_1122 = tpu.memref_squeeze %get3A_1121 : memref<1x64x256xf32, #tpu.memory_space<vmem>> -> memref<64x256xf32, #tpu.memory_space<vmem>>
        %get3A_1123 = arith.index_cast %add3A_1097 : i32 to index
        %get3A_1124 = arith.constant 16 : index
        %get3A_1125 = tpu.vector_load %get3A_1122[%get3A_1123, %get3A_1124] {strides = array<i32>} : memref<64x256xf32, #tpu.memory_space<vmem>>, vector<1x16xf32>,
        %get3A_1126 = vector.shape_cast %get3A_1125 : vector<1x16xf32> to vector<16xf32>
        %mul3A_1127 = arith.mulf %get3A_1126, %get3A_1106 : vector<16xf32>
        %add3A_1128 = arith.addf %add3A_941, %mul3A_1127 : vector<16xf32>
        %get3A_1129 = arith.constant 1 : i32
        %get3A_1130 = arith.constant 0 : i32
        %get3A_1131 = arith.constant 0 : i32
        %get3A_1132 = tpu.memref_slice %arg5[%get3A_1129, %get3A_1130, %get3A_1131] : memref<4x64x256xf32, #tpu.memory_space<vmem>> -> memref<1x64x256xf32, #tpu.memory_space<vmem>>
        %get3A_1133 = tpu.memref_squeeze %get3A_1132 : memref<1x64x256xf32, #tpu.memory_space<vmem>> -> memref<64x256xf32, #tpu.memory_space<vmem>>
        %get3A_1134 = arith.index_cast %add3A_1097 : i32 to index
        %get3A_1135 = arith.constant 32 : index
        %get3A_1136 = tpu.vector_load %get3A_1133[%get3A_1134, %get3A_1135] {strides = array<i32>} : memref<64x256xf32, #tpu.memory_space<vmem>>, vector<1x16xf32>,
        %get3A_1137 = vector.shape_cast %get3A_1136 : vector<1x16xf32> to vector<16xf32>
        %mul3A_1138 = arith.mulf %get3A_1137, %get3A_1106 : vector<16xf32>
        %add3A_1139 = arith.addf %add3A_952, %mul3A_1138 : vector<16xf32>
        %get3A_1140 = arith.constant 1 : i32
        %get3A_1141 = arith.constant 0 : i32
        %get3A_1142 = arith.constant 0 : i32
        %get3A_1143 = tpu.memref_slice %arg5[%get3A_1140, %get3A_1141, %get3A_1142] : memref<4x64x256xf32, #tpu.memory_space<vmem>> -> memref<1x64x256xf32, #tpu.memory_space<vmem>>
        %get3A_1144 = tpu.memref_squeeze %get3A_1143 : memref<1x64x256xf32, #tpu.memory_space<vmem>> -> memref<64x256xf32, #tpu.memory_space<vmem>>
        %get3A_1145 = arith.index_cast %add3A_1097 : i32 to index
        %get3A_1146 = arith.constant 48 : index
        %get3A_1147 = tpu.vector_load %get3A_1144[%get3A_1145, %get3A_1146] {strides = array<i32>} : memref<64x256xf32, #tpu.memory_space<vmem>>, vector<1x16xf32>,
        %get3A_1148 = vector.shape_cast %get3A_1147 : vector<1x16xf32> to vector<16xf32>
        %mul3A_1149 = arith.mulf %get3A_1148, %get3A_1106 : vector<16xf32>
        %add3A_1150 = arith.addf %add3A_963, %mul3A_1149 : vector<16xf32>
        %get3A_1151 = arith.constant 1 : i32
        %get3A_1152 = arith.constant 0 : i32
        %get3A_1153 = arith.constant 0 : i32
        %get3A_1154 = tpu.memref_slice %arg5[%get3A_1151, %get3A_1152, %get3A_1153] : memref<4x64x256xf32, #tpu.memory_space<vmem>> -> memref<1x64x256xf32, #tpu.memory_space<vmem>>
        %get3A_1155 = tpu.memref_squeeze %get3A_1154 : memref<1x64x256xf32, #tpu.memory_space<vmem>> -> memref<64x256xf32, #tpu.memory_space<vmem>>
        %get3A_1156 = arith.index_cast %add3A_1097 : i32 to index
        %get3A_1157 = arith.constant 64 : index
        %get3A_1158 = tpu.vector_load %get3A_1155[%get3A_1156, %get3A_1157] {strides = array<i32>} : memref<64x256xf32, #tpu.memory_space<vmem>>, vector<1x16xf32>,
        %get3A_1159 = vector.shape_cast %get3A_1158 : vector<1x16xf32> to vector<16xf32>
        %mul3A_1160 = arith.mulf %get3A_1159, %get3A_1106 : vector<16xf32>
        %add3A_1161 = arith.addf %add3A_974, %mul3A_1160 : vector<16xf32>
        %get3A_1162 = arith.constant 1 : i32
        %get3A_1163 = arith.constant 0 : i32
        %get3A_1164 = arith.constant 0 : i32
        %get3A_1165 = tpu.memref_slice %arg5[%get3A_1162, %get3A_1163, %get3A_1164] : memref<4x64x256xf32, #tpu.memory_space<vmem>> -> memref<1x64x256xf32, #tpu.memory_space<vmem>>
        %get3A_1166 = tpu.memref_squeeze %get3A_1165 : memref<1x64x256xf32, #tpu.memory_space<vmem>> -> memref<64x256xf32, #tpu.memory_space<vmem>>
        %get3A_1167 = arith.index_cast %add3A_1097 : i32 to index
        %get3A_1168 = arith.constant 80 : index
        %get3A_1169 = tpu.vector_load %get3A_1166[%get3A_1167, %get3A_1168] {strides = array<i32>} : memref<64x256xf32, #tpu.memory_space<vmem>>, vector<1x16xf32>,
        %get3A_1170 = vector.shape_cast %get3A_1169 : vector<1x16xf32> to vector<16xf32>
        %mul3A_1171 = arith.mulf %get3A_1170, %get3A_1106 : vector<16xf32>
        %add3A_1172 = arith.addf %add3A_985, %mul3A_1171 : vector<16xf32>
        %get3A_1173 = arith.constant 1 : i32
        %get3A_1174 = arith.constant 0 : i32
        %get3A_1175 = arith.constant 0 : i32
        %get3A_1176 = tpu.memref_slice %arg5[%get3A_1173, %get3A_1174, %get3A_1175] : memref<4x64x256xf32, #tpu.memory_space<vmem>> -> memref<1x64x256xf32, #tpu.memory_space<vmem>>
        %get3A_1177 = tpu.memref_squeeze %get3A_1176 : memref<1x64x256xf32, #tpu.memory_space<vmem>> -> memref<64x256xf32, #tpu.memory_space<vmem>>
        %get3A_1178 = arith.index_cast %add3A_1097 : i32 to index
        %get3A_1179 = arith.constant 96 : index
        %get3A_1180 = tpu.vector_load %get3A_1177[%get3A_1178, %get3A_1179] {strides = array<i32>} : memref<64x256xf32, #tpu.memory_space<vmem>>, vector<1x16xf32>,
        %get3A_1181 = vector.shape_cast %get3A_1180 : vector<1x16xf32> to vector<16xf32>
        %mul3A_1182 = arith.mulf %get3A_1181, %get3A_1106 : vector<16xf32>
        %add3A_1183 = arith.addf %add3A_996, %mul3A_1182 : vector<16xf32>
        %get3A_1184 = arith.constant 1 : i32
        %get3A_1185 = arith.constant 0 : i32
        %get3A_1186 = arith.constant 0 : i32
        %get3A_1187 = tpu.memref_slice %arg5[%get3A_1184, %get3A_1185, %get3A_1186] : memref<4x64x256xf32, #tpu.memory_space<vmem>> -> memref<1x64x256xf32, #tpu.memory_space<vmem>>
        %get3A_1188 = tpu.memref_squeeze %get3A_1187 : memref<1x64x256xf32, #tpu.memory_space<vmem>> -> memref<64x256xf32, #tpu.memory_space<vmem>>
        %get3A_1189 = arith.index_cast %add3A_1097 : i32 to index
        %get3A_1190 = arith.constant 112 : index
        %get3A_1191 = tpu.vector_load %get3A_1188[%get3A_1189, %get3A_1190] {strides = array<i32>} : memref<64x256xf32, #tpu.memory_space<vmem>>, vector<1x16xf32>,
        %get3A_1192 = vector.shape_cast %get3A_1191 : vector<1x16xf32> to vector<16xf32>
        %mul3A_1193 = arith.mulf %get3A_1192, %get3A_1106 : vector<16xf32>
        %add3A_1194 = arith.addf %add3A_1007, %mul3A_1193 : vector<16xf32>
        %get3A_1195 = arith.constant 1 : i32
        %get3A_1196 = arith.constant 0 : i32
        %get3A_1197 = arith.constant 0 : i32
        %get3A_1198 = tpu.memref_slice %arg5[%get3A_1195, %get3A_1196, %get3A_1197] : memref<4x64x256xf32, #tpu.memory_space<vmem>> -> memref<1x64x256xf32, #tpu.memory_space<vmem>>
        %get3A_1199 = tpu.memref_squeeze %get3A_1198 : memref<1x64x256xf32, #tpu.memory_space<vmem>> -> memref<64x256xf32, #tpu.memory_space<vmem>>
        %get3A_1200 = arith.index_cast %add3A_1097 : i32 to index
        %get3A_1201 = arith.constant 128 : index
        %get3A_1202 = tpu.vector_load %get3A_1199[%get3A_1200, %get3A_1201] {strides = array<i32>} : memref<64x256xf32, #tpu.memory_space<vmem>>, vector<1x16xf32>,
        %get3A_1203 = vector.shape_cast %get3A_1202 : vector<1x16xf32> to vector<16xf32>
        %mul3A_1204 = arith.mulf %get3A_1203, %get3A_1106 : vector<16xf32>
        %add3A_1205 = arith.addf %add3A_1018, %mul3A_1204 : vector<16xf32>
        %get3A_1206 = arith.constant 1 : i32
        %get3A_1207 = arith.constant 0 : i32
        %get3A_1208 = arith.constant 0 : i32
        %get3A_1209 = tpu.memref_slice %arg5[%get3A_1206, %get3A_1207, %get3A_1208] : memref<4x64x256xf32, #tpu.memory_space<vmem>> -> memref<1x64x256xf32, #tpu.memory_space<vmem>>
        %get3A_1210 = tpu.memref_squeeze %get3A_1209 : memref<1x64x256xf32, #tpu.memory_space<vmem>> -> memref<64x256xf32, #tpu.memory_space<vmem>>
        %get3A_1211 = arith.index_cast %add3A_1097 : i32 to index
        %get3A_1212 = arith.constant 144 : index
        %get3A_1213 = tpu.vector_load %get3A_1210[%get3A_1211, %get3A_1212] {strides = array<i32>} : memref<64x256xf32, #tpu.memory_space<vmem>>, vector<1x16xf32>,
        %get3A_1214 = vector.shape_cast %get3A_1213 : vector<1x16xf32> to vector<16xf32>
        %mul3A_1215 = arith.mulf %get3A_1214, %get3A_1106 : vector<16xf32>
        %add3A_1216 = arith.addf %add3A_1029, %mul3A_1215 : vector<16xf32>
        %get3A_1217 = arith.constant 1 : i32
        %get3A_1218 = arith.constant 0 : i32
        %get3A_1219 = arith.constant 0 : i32
        %get3A_1220 = tpu.memref_slice %arg5[%get3A_1217, %get3A_1218, %get3A_1219] : memref<4x64x256xf32, #tpu.memory_space<vmem>> -> memref<1x64x256xf32, #tpu.memory_space<vmem>>
        %get3A_1221 = tpu.memref_squeeze %get3A_1220 : memref<1x64x256xf32, #tpu.memory_space<vmem>> -> memref<64x256xf32, #tpu.memory_space<vmem>>
        %get3A_1222 = arith.index_cast %add3A_1097 : i32 to index
        %get3A_1223 = arith.constant 160 : index
        %get3A_1224 = tpu.vector_load %get3A_1221[%get3A_1222, %get3A_1223] {strides = array<i32>} : memref<64x256xf32, #tpu.memory_space<vmem>>, vector<1x16xf32>,
        %get3A_1225 = vector.shape_cast %get3A_1224 : vector<1x16xf32> to vector<16xf32>
        %mul3A_1226 = arith.mulf %get3A_1225, %get3A_1106 : vector<16xf32>
        %add3A_1227 = arith.addf %add3A_1040, %mul3A_1226 : vector<16xf32>
        %get3A_1228 = arith.constant 1 : i32
        %get3A_1229 = arith.constant 0 : i32
        %get3A_1230 = arith.constant 0 : i32
        %get3A_1231 = tpu.memref_slice %arg5[%get3A_1228, %get3A_1229, %get3A_1230] : memref<4x64x256xf32, #tpu.memory_space<vmem>> -> memref<1x64x256xf32, #tpu.memory_space<vmem>>
        %get3A_1232 = tpu.memref_squeeze %get3A_1231 : memref<1x64x256xf32, #tpu.memory_space<vmem>> -> memref<64x256xf32, #tpu.memory_space<vmem>>
        %get3A_1233 = arith.index_cast %add3A_1097 : i32 to index
        %get3A_1234 = arith.constant 176 : index
        %get3A_1235 = tpu.vector_load %get3A_1232[%get3A_1233, %get3A_1234] {strides = array<i32>} : memref<64x256xf32, #tpu.memory_space<vmem>>, vector<1x16xf32>,
        %get3A_1236 = vector.shape_cast %get3A_1235 : vector<1x16xf32> to vector<16xf32>
        %mul3A_1237 = arith.mulf %get3A_1236, %get3A_1106 : vector<16xf32>
        %add3A_1238 = arith.addf %add3A_1051, %mul3A_1237 : vector<16xf32>
        %get3A_1239 = arith.constant 1 : i32
        %get3A_1240 = arith.constant 0 : i32
        %get3A_1241 = arith.constant 0 : i32
        %get3A_1242 = tpu.memref_slice %arg5[%get3A_1239, %get3A_1240, %get3A_1241] : memref<4x64x256xf32, #tpu.memory_space<vmem>> -> memref<1x64x256xf32, #tpu.memory_space<vmem>>
        %get3A_1243 = tpu.memref_squeeze %get3A_1242 : memref<1x64x256xf32, #tpu.memory_space<vmem>> -> memref<64x256xf32, #tpu.memory_space<vmem>>
        %get3A_1244 = arith.index_cast %add3A_1097 : i32 to index
        %get3A_1245 = arith.constant 192 : index
        %get3A_1246 = tpu.vector_load %get3A_1243[%get3A_1244, %get3A_1245] {strides = array<i32>} : memref<64x256xf32, #tpu.memory_space<vmem>>, vector<1x16xf32>,
        %get3A_1247 = vector.shape_cast %get3A_1246 : vector<1x16xf32> to vector<16xf32>
        %mul3A_1248 = arith.mulf %get3A_1247, %get3A_1106 : vector<16xf32>
        %add3A_1249 = arith.addf %add3A_1062, %mul3A_1248 : vector<16xf32>
        %get3A_1250 = arith.constant 1 : i32
        %get3A_1251 = arith.constant 0 : i32
        %get3A_1252 = arith.constant 0 : i32
        %get3A_1253 = tpu.memref_slice %arg5[%get3A_1250, %get3A_1251, %get3A_1252] : memref<4x64x256xf32, #tpu.memory_space<vmem>> -> memref<1x64x256xf32, #tpu.memory_space<vmem>>
        %get3A_1254 = tpu.memref_squeeze %get3A_1253 : memref<1x64x256xf32, #tpu.memory_space<vmem>> -> memref<64x256xf32, #tpu.memory_space<vmem>>
        %get3A_1255 = arith.index_cast %add3A_1097 : i32 to index
        %get3A_1256 = arith.constant 208 : index
        %get3A_1257 = tpu.vector_load %get3A_1254[%get3A_1255, %get3A_1256] {strides = array<i32>} : memref<64x256xf32, #tpu.memory_space<vmem>>, vector<1x16xf32>,
        %get3A_1258 = vector.shape_cast %get3A_1257 : vector<1x16xf32> to vector<16xf32>
        %mul3A_1259 = arith.mulf %get3A_1258, %get3A_1106 : vector<16xf32>
        %add3A_1260 = arith.addf %add3A_1073, %mul3A_1259 : vector<16xf32>
        %get3A_1261 = arith.constant 1 : i32
        %get3A_1262 = arith.constant 0 : i32
        %get3A_1263 = arith.constant 0 : i32
        %get3A_1264 = tpu.memref_slice %arg5[%get3A_1261, %get3A_1262, %get3A_1263] : memref<4x64x256xf32, #tpu.memory_space<vmem>> -> memref<1x64x256xf32, #tpu.memory_space<vmem>>
        %get3A_1265 = tpu.memref_squeeze %get3A_1264 : memref<1x64x256xf32, #tpu.memory_space<vmem>> -> memref<64x256xf32, #tpu.memory_space<vmem>>
        %get3A_1266 = arith.index_cast %add3A_1097 : i32 to index
        %get3A_1267 = arith.constant 224 : index
        %get3A_1268 = tpu.vector_load %get3A_1265[%get3A_1266, %get3A_1267] {strides = array<i32>} : memref<64x256xf32, #tpu.memory_space<vmem>>, vector<1x16xf32>,
        %get3A_1269 = vector.shape_cast %get3A_1268 : vector<1x16xf32> to vector<16xf32>
        %mul3A_1270 = arith.mulf %get3A_1269, %get3A_1106 : vector<16xf32>
        %add3A_1271 = arith.addf %add3A_1084, %mul3A_1270 : vector<16xf32>
        %get3A_1272 = arith.constant 1 : i32
        %get3A_1273 = arith.constant 0 : i32
        %get3A_1274 = arith.constant 0 : i32
        %get3A_1275 = tpu.memref_slice %arg5[%get3A_1272, %get3A_1273, %get3A_1274] : memref<4x64x256xf32, #tpu.memory_space<vmem>> -> memref<1x64x256xf32, #tpu.memory_space<vmem>>
        %get3A_1276 = tpu.memref_squeeze %get3A_1275 : memref<1x64x256xf32, #tpu.memory_space<vmem>> -> memref<64x256xf32, #tpu.memory_space<vmem>>
        %get3A_1277 = arith.index_cast %add3A_1097 : i32 to index
        %get3A_1278 = arith.constant 240 : index
        %get3A_1279 = tpu.vector_load %get3A_1276[%get3A_1277, %get3A_1278] {strides = array<i32>} : memref<64x256xf32, #tpu.memory_space<vmem>>, vector<1x16xf32>,
        %get3A_1280 = vector.shape_cast %get3A_1279 : vector<1x16xf32> to vector<16xf32>
        %mul3A_1281 = arith.mulf %get3A_1280, %get3A_1106 : vector<16xf32>
        %add3A_1282 = arith.addf %add3A_1095, %mul3A_1281 : vector<16xf32>
        scf.yield %add3A_1117, %add3A_1128, %add3A_1139, %add3A_1150, %add3A_1161, %add3A_1172, %add3A_1183, %add3A_1194, %add3A_1205, %add3A_1216, %add3A_1227, %add3A_1238, %add3A_1249, %add3A_1260, %add3A_1271, %add3A_1282 : vector<16xf32>, vector<16xf32>, vector<16xf32>, vector<16xf32>, vector<16xf32>, vector<16xf32>, vector<16xf32>, vector<16xf32>, vector<16xf32>, vector<16xf32>, vector<16xf32>, vector<16xf32>, vector<16xf32>, vector<16xf32>, vector<16xf32>, vector<16xf32>
      }
      %scan3A_399 = arith.constant 16 : i32
      %add3A_400 = arith.constant 4 : i32
      %add3A_401 = arith.addi %add3A_355, %add3A_400 : i32
      %lt3A_402 = arith.constant 16 : i32
      %lt3A_403 = arith.cmpi slt, %add3A_401, %lt3A_402 : i32
      %convert_element_type3A_404 = arith.extui %lt3A_403 : i1 to i32
      %cond3A_405 = arith.constant 0 : i32
      %cond3A_406 = arith.cmpi ne, %convert_element_type3A_404, %cond3A_405 : i32
      scf.if %cond3A_406 {
        %add3A_517 = arith.constant 4 : i32
        %add3A_518 = arith.addi %add3A_355, %add3A_517 : i32
        %mul3A_519 = arith.constant 64 : i32
        %mul3A_520 = arith.muli %add3A_518, %mul3A_519 : i32
        %dma_start3A_521 = arith.constant 1 : i32
        %dma_start3A_522 = arith.constant 1 : i32
        %dma_start3A_523 = arith.constant 0 : i32
        %dma_start3A_524 = arith.constant 0 : i32
        %dma_start3A_525 = tpu.memref_slice %arg5[%dma_start3A_521, %dma_start3A_523, %dma_start3A_524] : memref<4x64x256xf32, #tpu.memory_space<vmem>> -> memref<1x64x256xf32, #tpu.memory_space<vmem>>
        %dma_start3A_526 = tpu.memref_squeeze %dma_start3A_525 : memref<1x64x256xf32, #tpu.memory_space<vmem>> -> memref<64x256xf32, #tpu.memory_space<vmem>>
        %dma_start3A_527 = tpu.memref_slice %arg2[%select_n3A, %mul3A_520, %mul3A_32] : memref<4x4096x2048xf32, #tpu.memory_space<hbm>> -> memref<1x64x256xf32, #tpu.memory_space<hbm>>
        %dma_start3A_528 = tpu.memref_squeeze %dma_start3A_527 : memref<1x64x256xf32, #tpu.memory_space<hbm>> -> memref<64x256xf32, #tpu.memory_space<hbm>>
        %dma_start3A_529 = tpu.memref_slice %arg8[%dma_start3A_522] : memref<4x!tpu.dma_semaphore, #tpu.memory_space<semaphore_mem>> -> memref<1x!tpu.dma_semaphore, #tpu.memory_space<semaphore_mem>>
        %dma_start3A_530 = tpu.memref_squeeze %dma_start3A_529 : memref<1x!tpu.dma_semaphore, #tpu.memory_space<semaphore_mem>> -> memref<!tpu.dma_semaphore, #tpu.memory_space<semaphore_mem>>
        %dma_start3A_531 = arith.constant 0 : i32
        %dma_start3A_532 = arith.constant 0 : i32
        %dma_start3A_533 = tpu.memref_slice %arg5[%dma_start3A_521, %dma_start3A_531, %dma_start3A_532] : memref<4x64x256xf32, #tpu.memory_space<vmem>> -> memref<1x64x256xf32, #tpu.memory_space<vmem>>
        %dma_start3A_534 = tpu.memref_squeeze %dma_start3A_533 : memref<1x64x256xf32, #tpu.memory_space<vmem>> -> memref<64x256xf32, #tpu.memory_space<vmem>>
        %dma_start3A_535 = tpu.memref_slice %arg2[%select_n3A, %mul3A_520, %mul3A_32] : memref<4x4096x2048xf32, #tpu.memory_space<hbm>> -> memref<1x64x256xf32, #tpu.memory_space<hbm>>
        %dma_start3A_536 = tpu.memref_squeeze %dma_start3A_535 : memref<1x64x256xf32, #tpu.memory_space<hbm>> -> memref<64x256xf32, #tpu.memory_space<hbm>>
        tpu.enqueue_dma source(%dma_start3A_536 : memref<64x256xf32, #tpu.memory_space<hbm>>) target(%dma_start3A_534 : memref<64x256xf32, #tpu.memory_space<vmem>>) target_semaphore(%dma_start3A_530 : memref<!tpu.dma_semaphore, #tpu.memory_space<semaphore_mem>>)
        %add3A_537 = arith.constant 4 : i32
        %add3A_538 = arith.addi %add3A_355, %add3A_537 : i32
        %mul3A_539 = arith.constant 64 : i32
        %mul3A_540 = arith.muli %add3A_538, %mul3A_539 : i32
        %dma_start3A_541 = arith.constant 1 : i32
        %dma_start3A_542 = arith.constant 1 : i32
        %dma_start3A_543 = arith.constant 0 : i32
        %dma_start3A_544 = arith.constant 0 : i32
        %dma_start3A_545 = tpu.memref_slice %arg6[%dma_start3A_541, %dma_start3A_543, %dma_start3A_544] : memref<4x64x16xf32, #tpu.memory_space<vmem>> -> memref<1x64x16xf32, #tpu.memory_space<vmem>>
        %dma_start3A_546 = tpu.memref_squeeze %dma_start3A_545 : memref<1x64x16xf32, #tpu.memory_space<vmem>> -> memref<64x16xf32, #tpu.memory_space<vmem>>
        %dma_start3A_547 = arith.constant 0 : i32
        %dma_start3A_548 = tpu.memref_slice %arg3[%select_n3A, %mul3A_540, %dma_start3A_547] : memref<4x1024x16xf32, #tpu.memory_space<hbm>> -> memref<1x64x16xf32, #tpu.memory_space<hbm>>
        %dma_start3A_549 = tpu.memref_squeeze %dma_start3A_548 : memref<1x64x16xf32, #tpu.memory_space<hbm>> -> memref<64x16xf32, #tpu.memory_space<hbm>>
        %dma_start3A_550 = tpu.memref_slice %arg9[%dma_start3A_542] : memref<4x!tpu.dma_semaphore, #tpu.memory_space<semaphore_mem>> -> memref<1x!tpu.dma_semaphore, #tpu.memory_space<semaphore_mem>>
        %dma_start3A_551 = tpu.memref_squeeze %dma_start3A_550 : memref<1x!tpu.dma_semaphore, #tpu.memory_space<semaphore_mem>> -> memref<!tpu.dma_semaphore, #tpu.memory_space<semaphore_mem>>
        %dma_start3A_552 = arith.constant 0 : i32
        %dma_start3A_553 = arith.constant 0 : i32
        %dma_start3A_554 = tpu.memref_slice %arg6[%dma_start3A_541, %dma_start3A_552, %dma_start3A_553] : memref<4x64x16xf32, #tpu.memory_space<vmem>> -> memref<1x64x16xf32, #tpu.memory_space<vmem>>
        %dma_start3A_555 = tpu.memref_squeeze %dma_start3A_554 : memref<1x64x16xf32, #tpu.memory_space<vmem>> -> memref<64x16xf32, #tpu.memory_space<vmem>>
        %dma_start3A_556 = arith.constant 0 : i32
        %dma_start3A_557 = tpu.memref_slice %arg3[%select_n3A, %mul3A_540, %dma_start3A_556] : memref<4x1024x16xf32, #tpu.memory_space<hbm>> -> memref<1x64x16xf32, #tpu.memory_space<hbm>>
        %dma_start3A_558 = tpu.memref_squeeze %dma_start3A_557 : memref<1x64x16xf32, #tpu.memory_space<hbm>> -> memref<64x16xf32, #tpu.memory_space<hbm>>
        tpu.enqueue_dma source(%dma_start3A_558 : memref<64x16xf32, #tpu.memory_space<hbm>>) target(%dma_start3A_555 : memref<64x16xf32, #tpu.memory_space<vmem>>) target_semaphore(%dma_start3A_551 : memref<!tpu.dma_semaphore, #tpu.memory_space<semaphore_mem>>)
      } else {
      }
      %mul3A_407 = arith.constant 4 : i32
      %mul3A_408 = arith.muli %scan3A_283, %mul3A_407 : i32
      %add3A_409 = arith.constant 2 : i32
      %add3A_410 = arith.addi %mul3A_408, %add3A_409 : i32
      %mul3A_411 = arith.constant 64 : i32
      %mul3A_412 = arith.muli %add3A_410, %mul3A_411 : i32
      %dma_wait3A_413 = arith.constant 2 : i32
      %dma_wait3A_414 = arith.constant 2 : i32
      %dma_wait3A_415 = arith.constant 0 : i32
      %dma_wait3A_416 = arith.constant 0 : i32
      %dma_wait3A_417 = tpu.memref_slice %arg5[%dma_wait3A_413, %dma_wait3A_415, %dma_wait3A_416] : memref<4x64x256xf32, #tpu.memory_space<vmem>> -> memref<1x64x256xf32, #tpu.memory_space<vmem>>
      %dma_wait3A_418 = tpu.memref_squeeze %dma_wait3A_417 : memref<1x64x256xf32, #tpu.memory_space<vmem>> -> memref<64x256xf32, #tpu.memory_space<vmem>>
      %dma_wait3A_419 = tpu.memref_slice %arg2[%select_n3A, %mul3A_412, %mul3A_32] : memref<4x4096x2048xf32, #tpu.memory_space<hbm>> -> memref<1x64x256xf32, #tpu.memory_space<hbm>>
      %dma_wait3A_420 = tpu.memref_squeeze %dma_wait3A_419 : memref<1x64x256xf32, #tpu.memory_space<hbm>> -> memref<64x256xf32, #tpu.memory_space<hbm>>
      %dma_wait3A_421 = tpu.memref_slice %arg8[%dma_wait3A_414] : memref<4x!tpu.dma_semaphore, #tpu.memory_space<semaphore_mem>> -> memref<1x!tpu.dma_semaphore, #tpu.memory_space<semaphore_mem>>
      %dma_wait3A_422 = tpu.memref_squeeze %dma_wait3A_421 : memref<1x!tpu.dma_semaphore, #tpu.memory_space<semaphore_mem>> -> memref<!tpu.dma_semaphore, #tpu.memory_space<semaphore_mem>>
      %dma_wait3A_423 = arith.constant 0 : i32
      %dma_wait3A_424 = arith.constant 0 : i32
      %dma_wait3A_425 = tpu.memref_slice %arg5[%dma_wait3A_413, %dma_wait3A_423, %dma_wait3A_424] : memref<4x64x256xf32, #tpu.memory_space<vmem>> -> memref<1x64x256xf32, #tpu.memory_space<vmem>>
      %dma_wait3A_426 = tpu.memref_squeeze %dma_wait3A_425 : memref<1x64x256xf32, #tpu.memory_space<vmem>> -> memref<64x256xf32, #tpu.memory_space<vmem>>
      %dma_wait3A_427 = tpu.memref_slice %arg2[%select_n3A, %mul3A_412, %mul3A_32] : memref<4x4096x2048xf32, #tpu.memory_space<hbm>> -> memref<1x64x256xf32, #tpu.memory_space<hbm>>
      %dma_wait3A_428 = tpu.memref_squeeze %dma_wait3A_427 : memref<1x64x256xf32, #tpu.memory_space<hbm>> -> memref<64x256xf32, #tpu.memory_space<hbm>>
      tpu.wait_dma2 semaphore(%dma_wait3A_422 : memref<!tpu.dma_semaphore, #tpu.memory_space<semaphore_mem>>) src(%dma_wait3A_428 : memref<64x256xf32, #tpu.memory_space<hbm>>) dst(%dma_wait3A_426 : memref<64x256xf32, #tpu.memory_space<vmem>>)
      %mul3A_429 = arith.constant 64 : i32
      %mul3A_430 = arith.muli %add3A_410, %mul3A_429 : i32
      %dma_wait3A_431 = arith.constant 2 : i32
      %dma_wait3A_432 = arith.constant 2 : i32
      %dma_wait3A_433 = arith.constant 0 : i32
      %dma_wait3A_434 = arith.constant 0 : i32
      %dma_wait3A_435 = tpu.memref_slice %arg6[%dma_wait3A_431, %dma_wait3A_433, %dma_wait3A_434] : memref<4x64x16xf32, #tpu.memory_space<vmem>> -> memref<1x64x16xf32, #tpu.memory_space<vmem>>
      %dma_wait3A_436 = tpu.memref_squeeze %dma_wait3A_435 : memref<1x64x16xf32, #tpu.memory_space<vmem>> -> memref<64x16xf32, #tpu.memory_space<vmem>>
      %dma_wait3A_437 = arith.constant 0 : i32
      %dma_wait3A_438 = tpu.memref_slice %arg3[%select_n3A, %mul3A_430, %dma_wait3A_437] : memref<4x1024x16xf32, #tpu.memory_space<hbm>> -> memref<1x64x16xf32, #tpu.memory_space<hbm>>
      %dma_wait3A_439 = tpu.memref_squeeze %dma_wait3A_438 : memref<1x64x16xf32, #tpu.memory_space<hbm>> -> memref<64x16xf32, #tpu.memory_space<hbm>>
      %dma_wait3A_440 = tpu.memref_slice %arg9[%dma_wait3A_432] : memref<4x!tpu.dma_semaphore, #tpu.memory_space<semaphore_mem>> -> memref<1x!tpu.dma_semaphore, #tpu.memory_space<semaphore_mem>>
      %dma_wait3A_441 = tpu.memref_squeeze %dma_wait3A_440 : memref<1x!tpu.dma_semaphore, #tpu.memory_space<semaphore_mem>> -> memref<!tpu.dma_semaphore, #tpu.memory_space<semaphore_mem>>
      %dma_wait3A_442 = arith.constant 0 : i32
      %dma_wait3A_443 = arith.constant 0 : i32
      %dma_wait3A_444 = tpu.memref_slice %arg6[%dma_wait3A_431, %dma_wait3A_442, %dma_wait3A_443] : memref<4x64x16xf32, #tpu.memory_space<vmem>> -> memref<1x64x16xf32, #tpu.memory_space<vmem>>
      %dma_wait3A_445 = tpu.memref_squeeze %dma_wait3A_444 : memref<1x64x16xf32, #tpu.memory_space<vmem>> -> memref<64x16xf32, #tpu.memory_space<vmem>>
      %dma_wait3A_446 = arith.constant 0 : i32
      %dma_wait3A_447 = tpu.memref_slice %arg3[%select_n3A, %mul3A_430, %dma_wait3A_446] : memref<4x1024x16xf32, #tpu.memory_space<hbm>> -> memref<1x64x16xf32, #tpu.memory_space<hbm>>
      %dma_wait3A_448 = tpu.memref_squeeze %dma_wait3A_447 : memref<1x64x16xf32, #tpu.memory_space<hbm>> -> memref<64x16xf32, #tpu.memory_space<hbm>>
      tpu.wait_dma2 semaphore(%dma_wait3A_441 : memref<!tpu.dma_semaphore, #tpu.memory_space<semaphore_mem>>) src(%dma_wait3A_448 : memref<64x16xf32, #tpu.memory_space<hbm>>) dst(%dma_wait3A_445 : memref<64x16xf32, #tpu.memory_space<vmem>>)
      %scan3A_449 = arith.constant 0 : i32
      %scan3A_450 = arith.constant 16 : i32
      %scan3A_451 = arith.addi %scan3A_449, %scan3A_450 : i32
      %scan3A_452 = arith.constant 1 : i32
      %scan3A_453:16 = scf.for %scan3A_517 = %scan3A_449 to %scan3A_451 step %scan3A_452 iter_args(%scan3A_518 = %scan3A_398#0, %scan3A_519 = %scan3A_398#1, %scan3A_520 = %scan3A_398#2, %scan3A_521 = %scan3A_398#3, %scan3A_522 = %scan3A_398#4, %scan3A_523 = %scan3A_398#5, %scan3A_524 = %scan3A_398#6, %scan3A_525 = %scan3A_398#7, %scan3A_526 = %scan3A_398#8, %scan3A_527 = %scan3A_398#9, %scan3A_528 = %scan3A_398#10, %scan3A_529 = %scan3A_398#11, %scan3A_530 = %scan3A_398#12, %scan3A_531 = %scan3A_398#13, %scan3A_532 = %scan3A_398#14, %scan3A_533 = %scan3A_398#15) -> (vector<16xf32>, vector<16xf32>, vector<16xf32>, vector<16xf32>, vector<16xf32>, vector<16xf32>, vector<16xf32>, vector<16xf32>, vector<16xf32>, vector<16xf32>, vector<16xf32>, vector<16xf32>, vector<16xf32>, vector<16xf32>, vector<16xf32>, vector<16xf32>)  : i32 {
        %mul3A_534 = arith.constant 4 : i32
        %mul3A_535 = arith.muli %scan3A_517, %mul3A_534 : i32
        %add3A_536 = arith.constant 0 : i32
        %add3A_537 = arith.addi %mul3A_535, %add3A_536 : i32
        %get3A = arith.constant 2 : i32
        %get3A_538 = arith.constant 0 : i32
        %get3A_539 = arith.constant 0 : i32
        %get3A_540 = tpu.memref_slice %arg6[%get3A, %get3A_538, %get3A_539] : memref<4x64x16xf32, #tpu.memory_space<vmem>> -> memref<1x64x16xf32, #tpu.memory_space<vmem>>
        %get3A_541 = tpu.memref_squeeze %get3A_540 : memref<1x64x16xf32, #tpu.memory_space<vmem>> -> memref<64x16xf32, #tpu.memory_space<vmem>>
        %get3A_542 = arith.index_cast %add3A_537 : i32 to index
        %get3A_543 = arith.constant 0 : index
        %get3A_544 = tpu.vector_load %get3A_541[%get3A_542, %get3A_543] {strides = array<i32>} : memref<64x16xf32, #tpu.memory_space<vmem>>, vector<1x16xf32>,
        %get3A_545 = vector.shape_cast %get3A_544 : vector<1x16xf32> to vector<16xf32>
        %get3A_546 = arith.constant 2 : i32
        %get3A_547 = arith.constant 0 : i32
        %get3A_548 = arith.constant 0 : i32
        %get3A_549 = tpu.memref_slice %arg5[%get3A_546, %get3A_547, %get3A_548] : memref<4x64x256xf32, #tpu.memory_space<vmem>> -> memref<1x64x256xf32, #tpu.memory_space<vmem>>
        %get3A_550 = tpu.memref_squeeze %get3A_549 : memref<1x64x256xf32, #tpu.memory_space<vmem>> -> memref<64x256xf32, #tpu.memory_space<vmem>>
        %get3A_551 = arith.index_cast %add3A_537 : i32 to index
        %get3A_552 = arith.constant 0 : index
        %get3A_553 = tpu.vector_load %get3A_550[%get3A_551, %get3A_552] {strides = array<i32>} : memref<64x256xf32, #tpu.memory_space<vmem>>, vector<1x16xf32>,
        %get3A_554 = vector.shape_cast %get3A_553 : vector<1x16xf32> to vector<16xf32>
        %mul3A_555 = arith.mulf %get3A_554, %get3A_545 : vector<16xf32>
        %add3A_556 = arith.addf %scan3A_518, %mul3A_555 : vector<16xf32>
        %get3A_557 = arith.constant 2 : i32
        %get3A_558 = arith.constant 0 : i32
        %get3A_559 = arith.constant 0 : i32
        %get3A_560 = tpu.memref_slice %arg5[%get3A_557, %get3A_558, %get3A_559] : memref<4x64x256xf32, #tpu.memory_space<vmem>> -> memref<1x64x256xf32, #tpu.memory_space<vmem>>
        %get3A_561 = tpu.memref_squeeze %get3A_560 : memref<1x64x256xf32, #tpu.memory_space<vmem>> -> memref<64x256xf32, #tpu.memory_space<vmem>>
        %get3A_562 = arith.index_cast %add3A_537 : i32 to index
        %get3A_563 = arith.constant 16 : index
        %get3A_564 = tpu.vector_load %get3A_561[%get3A_562, %get3A_563] {strides = array<i32>} : memref<64x256xf32, #tpu.memory_space<vmem>>, vector<1x16xf32>,
        %get3A_565 = vector.shape_cast %get3A_564 : vector<1x16xf32> to vector<16xf32>
        %mul3A_566 = arith.mulf %get3A_565, %get3A_545 : vector<16xf32>
        %add3A_567 = arith.addf %scan3A_519, %mul3A_566 : vector<16xf32>
        %get3A_568 = arith.constant 2 : i32
        %get3A_569 = arith.constant 0 : i32
        %get3A_570 = arith.constant 0 : i32
        %get3A_571 = tpu.memref_slice %arg5[%get3A_568, %get3A_569, %get3A_570] : memref<4x64x256xf32, #tpu.memory_space<vmem>> -> memref<1x64x256xf32, #tpu.memory_space<vmem>>
        %get3A_572 = tpu.memref_squeeze %get3A_571 : memref<1x64x256xf32, #tpu.memory_space<vmem>> -> memref<64x256xf32, #tpu.memory_space<vmem>>
        %get3A_573 = arith.index_cast %add3A_537 : i32 to index
        %get3A_574 = arith.constant 32 : index
        %get3A_575 = tpu.vector_load %get3A_572[%get3A_573, %get3A_574] {strides = array<i32>} : memref<64x256xf32, #tpu.memory_space<vmem>>, vector<1x16xf32>,
        %get3A_576 = vector.shape_cast %get3A_575 : vector<1x16xf32> to vector<16xf32>
        %mul3A_577 = arith.mulf %get3A_576, %get3A_545 : vector<16xf32>
        %add3A_578 = arith.addf %scan3A_520, %mul3A_577 : vector<16xf32>
        %get3A_579 = arith.constant 2 : i32
        %get3A_580 = arith.constant 0 : i32
        %get3A_581 = arith.constant 0 : i32
        %get3A_582 = tpu.memref_slice %arg5[%get3A_579, %get3A_580, %get3A_581] : memref<4x64x256xf32, #tpu.memory_space<vmem>> -> memref<1x64x256xf32, #tpu.memory_space<vmem>>
        %get3A_583 = tpu.memref_squeeze %get3A_582 : memref<1x64x256xf32, #tpu.memory_space<vmem>> -> memref<64x256xf32, #tpu.memory_space<vmem>>
        %get3A_584 = arith.index_cast %add3A_537 : i32 to index
        %get3A_585 = arith.constant 48 : index
        %get3A_586 = tpu.vector_load %get3A_583[%get3A_584, %get3A_585] {strides = array<i32>} : memref<64x256xf32, #tpu.memory_space<vmem>>, vector<1x16xf32>,
        %get3A_587 = vector.shape_cast %get3A_586 : vector<1x16xf32> to vector<16xf32>
        %mul3A_588 = arith.mulf %get3A_587, %get3A_545 : vector<16xf32>
        %add3A_589 = arith.addf %scan3A_521, %mul3A_588 : vector<16xf32>
        %get3A_590 = arith.constant 2 : i32
        %get3A_591 = arith.constant 0 : i32
        %get3A_592 = arith.constant 0 : i32
        %get3A_593 = tpu.memref_slice %arg5[%get3A_590, %get3A_591, %get3A_592] : memref<4x64x256xf32, #tpu.memory_space<vmem>> -> memref<1x64x256xf32, #tpu.memory_space<vmem>>
        %get3A_594 = tpu.memref_squeeze %get3A_593 : memref<1x64x256xf32, #tpu.memory_space<vmem>> -> memref<64x256xf32, #tpu.memory_space<vmem>>
        %get3A_595 = arith.index_cast %add3A_537 : i32 to index
        %get3A_596 = arith.constant 64 : index
        %get3A_597 = tpu.vector_load %get3A_594[%get3A_595, %get3A_596] {strides = array<i32>} : memref<64x256xf32, #tpu.memory_space<vmem>>, vector<1x16xf32>,
        %get3A_598 = vector.shape_cast %get3A_597 : vector<1x16xf32> to vector<16xf32>
        %mul3A_599 = arith.mulf %get3A_598, %get3A_545 : vector<16xf32>
        %add3A_600 = arith.addf %scan3A_522, %mul3A_599 : vector<16xf32>
        %get3A_601 = arith.constant 2 : i32
        %get3A_602 = arith.constant 0 : i32
        %get3A_603 = arith.constant 0 : i32
        %get3A_604 = tpu.memref_slice %arg5[%get3A_601, %get3A_602, %get3A_603] : memref<4x64x256xf32, #tpu.memory_space<vmem>> -> memref<1x64x256xf32, #tpu.memory_space<vmem>>
        %get3A_605 = tpu.memref_squeeze %get3A_604 : memref<1x64x256xf32, #tpu.memory_space<vmem>> -> memref<64x256xf32, #tpu.memory_space<vmem>>
        %get3A_606 = arith.index_cast %add3A_537 : i32 to index
        %get3A_607 = arith.constant 80 : index
        %get3A_608 = tpu.vector_load %get3A_605[%get3A_606, %get3A_607] {strides = array<i32>} : memref<64x256xf32, #tpu.memory_space<vmem>>, vector<1x16xf32>,
        %get3A_609 = vector.shape_cast %get3A_608 : vector<1x16xf32> to vector<16xf32>
        %mul3A_610 = arith.mulf %get3A_609, %get3A_545 : vector<16xf32>
        %add3A_611 = arith.addf %scan3A_523, %mul3A_610 : vector<16xf32>
        %get3A_612 = arith.constant 2 : i32
        %get3A_613 = arith.constant 0 : i32
        %get3A_614 = arith.constant 0 : i32
        %get3A_615 = tpu.memref_slice %arg5[%get3A_612, %get3A_613, %get3A_614] : memref<4x64x256xf32, #tpu.memory_space<vmem>> -> memref<1x64x256xf32, #tpu.memory_space<vmem>>
        %get3A_616 = tpu.memref_squeeze %get3A_615 : memref<1x64x256xf32, #tpu.memory_space<vmem>> -> memref<64x256xf32, #tpu.memory_space<vmem>>
        %get3A_617 = arith.index_cast %add3A_537 : i32 to index
        %get3A_618 = arith.constant 96 : index
        %get3A_619 = tpu.vector_load %get3A_616[%get3A_617, %get3A_618] {strides = array<i32>} : memref<64x256xf32, #tpu.memory_space<vmem>>, vector<1x16xf32>,
        %get3A_620 = vector.shape_cast %get3A_619 : vector<1x16xf32> to vector<16xf32>
        %mul3A_621 = arith.mulf %get3A_620, %get3A_545 : vector<16xf32>
        %add3A_622 = arith.addf %scan3A_524, %mul3A_621 : vector<16xf32>
        %get3A_623 = arith.constant 2 : i32
        %get3A_624 = arith.constant 0 : i32
        %get3A_625 = arith.constant 0 : i32
        %get3A_626 = tpu.memref_slice %arg5[%get3A_623, %get3A_624, %get3A_625] : memref<4x64x256xf32, #tpu.memory_space<vmem>> -> memref<1x64x256xf32, #tpu.memory_space<vmem>>
        %get3A_627 = tpu.memref_squeeze %get3A_626 : memref<1x64x256xf32, #tpu.memory_space<vmem>> -> memref<64x256xf32, #tpu.memory_space<vmem>>
        %get3A_628 = arith.index_cast %add3A_537 : i32 to index
        %get3A_629 = arith.constant 112 : index
        %get3A_630 = tpu.vector_load %get3A_627[%get3A_628, %get3A_629] {strides = array<i32>} : memref<64x256xf32, #tpu.memory_space<vmem>>, vector<1x16xf32>,
        %get3A_631 = vector.shape_cast %get3A_630 : vector<1x16xf32> to vector<16xf32>
        %mul3A_632 = arith.mulf %get3A_631, %get3A_545 : vector<16xf32>
        %add3A_633 = arith.addf %scan3A_525, %mul3A_632 : vector<16xf32>
        %get3A_634 = arith.constant 2 : i32
        %get3A_635 = arith.constant 0 : i32
        %get3A_636 = arith.constant 0 : i32
        %get3A_637 = tpu.memref_slice %arg5[%get3A_634, %get3A_635, %get3A_636] : memref<4x64x256xf32, #tpu.memory_space<vmem>> -> memref<1x64x256xf32, #tpu.memory_space<vmem>>
        %get3A_638 = tpu.memref_squeeze %get3A_637 : memref<1x64x256xf32, #tpu.memory_space<vmem>> -> memref<64x256xf32, #tpu.memory_space<vmem>>
        %get3A_639 = arith.index_cast %add3A_537 : i32 to index
        %get3A_640 = arith.constant 128 : index
        %get3A_641 = tpu.vector_load %get3A_638[%get3A_639, %get3A_640] {strides = array<i32>} : memref<64x256xf32, #tpu.memory_space<vmem>>, vector<1x16xf32>,
        %get3A_642 = vector.shape_cast %get3A_641 : vector<1x16xf32> to vector<16xf32>
        %mul3A_643 = arith.mulf %get3A_642, %get3A_545 : vector<16xf32>
        %add3A_644 = arith.addf %scan3A_526, %mul3A_643 : vector<16xf32>
        %get3A_645 = arith.constant 2 : i32
        %get3A_646 = arith.constant 0 : i32
        %get3A_647 = arith.constant 0 : i32
        %get3A_648 = tpu.memref_slice %arg5[%get3A_645, %get3A_646, %get3A_647] : memref<4x64x256xf32, #tpu.memory_space<vmem>> -> memref<1x64x256xf32, #tpu.memory_space<vmem>>
        %get3A_649 = tpu.memref_squeeze %get3A_648 : memref<1x64x256xf32, #tpu.memory_space<vmem>> -> memref<64x256xf32, #tpu.memory_space<vmem>>
        %get3A_650 = arith.index_cast %add3A_537 : i32 to index
        %get3A_651 = arith.constant 144 : index
        %get3A_652 = tpu.vector_load %get3A_649[%get3A_650, %get3A_651] {strides = array<i32>} : memref<64x256xf32, #tpu.memory_space<vmem>>, vector<1x16xf32>,
        %get3A_653 = vector.shape_cast %get3A_652 : vector<1x16xf32> to vector<16xf32>
        %mul3A_654 = arith.mulf %get3A_653, %get3A_545 : vector<16xf32>
        %add3A_655 = arith.addf %scan3A_527, %mul3A_654 : vector<16xf32>
        %get3A_656 = arith.constant 2 : i32
        %get3A_657 = arith.constant 0 : i32
        %get3A_658 = arith.constant 0 : i32
        %get3A_659 = tpu.memref_slice %arg5[%get3A_656, %get3A_657, %get3A_658] : memref<4x64x256xf32, #tpu.memory_space<vmem>> -> memref<1x64x256xf32, #tpu.memory_space<vmem>>
        %get3A_660 = tpu.memref_squeeze %get3A_659 : memref<1x64x256xf32, #tpu.memory_space<vmem>> -> memref<64x256xf32, #tpu.memory_space<vmem>>
        %get3A_661 = arith.index_cast %add3A_537 : i32 to index
        %get3A_662 = arith.constant 160 : index
        %get3A_663 = tpu.vector_load %get3A_660[%get3A_661, %get3A_662] {strides = array<i32>} : memref<64x256xf32, #tpu.memory_space<vmem>>, vector<1x16xf32>,
        %get3A_664 = vector.shape_cast %get3A_663 : vector<1x16xf32> to vector<16xf32>
        %mul3A_665 = arith.mulf %get3A_664, %get3A_545 : vector<16xf32>
        %add3A_666 = arith.addf %scan3A_528, %mul3A_665 : vector<16xf32>
        %get3A_667 = arith.constant 2 : i32
        %get3A_668 = arith.constant 0 : i32
        %get3A_669 = arith.constant 0 : i32
        %get3A_670 = tpu.memref_slice %arg5[%get3A_667, %get3A_668, %get3A_669] : memref<4x64x256xf32, #tpu.memory_space<vmem>> -> memref<1x64x256xf32, #tpu.memory_space<vmem>>
        %get3A_671 = tpu.memref_squeeze %get3A_670 : memref<1x64x256xf32, #tpu.memory_space<vmem>> -> memref<64x256xf32, #tpu.memory_space<vmem>>
        %get3A_672 = arith.index_cast %add3A_537 : i32 to index
        %get3A_673 = arith.constant 176 : index
        %get3A_674 = tpu.vector_load %get3A_671[%get3A_672, %get3A_673] {strides = array<i32>} : memref<64x256xf32, #tpu.memory_space<vmem>>, vector<1x16xf32>,
        %get3A_675 = vector.shape_cast %get3A_674 : vector<1x16xf32> to vector<16xf32>
        %mul3A_676 = arith.mulf %get3A_675, %get3A_545 : vector<16xf32>
        %add3A_677 = arith.addf %scan3A_529, %mul3A_676 : vector<16xf32>
        %get3A_678 = arith.constant 2 : i32
        %get3A_679 = arith.constant 0 : i32
        %get3A_680 = arith.constant 0 : i32
        %get3A_681 = tpu.memref_slice %arg5[%get3A_678, %get3A_679, %get3A_680] : memref<4x64x256xf32, #tpu.memory_space<vmem>> -> memref<1x64x256xf32, #tpu.memory_space<vmem>>
        %get3A_682 = tpu.memref_squeeze %get3A_681 : memref<1x64x256xf32, #tpu.memory_space<vmem>> -> memref<64x256xf32, #tpu.memory_space<vmem>>
        %get3A_683 = arith.index_cast %add3A_537 : i32 to index
        %get3A_684 = arith.constant 192 : index
        %get3A_685 = tpu.vector_load %get3A_682[%get3A_683, %get3A_684] {strides = array<i32>} : memref<64x256xf32, #tpu.memory_space<vmem>>, vector<1x16xf32>,
        %get3A_686 = vector.shape_cast %get3A_685 : vector<1x16xf32> to vector<16xf32>
        %mul3A_687 = arith.mulf %get3A_686, %get3A_545 : vector<16xf32>
        %add3A_688 = arith.addf %scan3A_530, %mul3A_687 : vector<16xf32>
        %get3A_689 = arith.constant 2 : i32
        %get3A_690 = arith.constant 0 : i32
        %get3A_691 = arith.constant 0 : i32
        %get3A_692 = tpu.memref_slice %arg5[%get3A_689, %get3A_690, %get3A_691] : memref<4x64x256xf32, #tpu.memory_space<vmem>> -> memref<1x64x256xf32, #tpu.memory_space<vmem>>
        %get3A_693 = tpu.memref_squeeze %get3A_692 : memref<1x64x256xf32, #tpu.memory_space<vmem>> -> memref<64x256xf32, #tpu.memory_space<vmem>>
        %get3A_694 = arith.index_cast %add3A_537 : i32 to index
        %get3A_695 = arith.constant 208 : index
        %get3A_696 = tpu.vector_load %get3A_693[%get3A_694, %get3A_695] {strides = array<i32>} : memref<64x256xf32, #tpu.memory_space<vmem>>, vector<1x16xf32>,
        %get3A_697 = vector.shape_cast %get3A_696 : vector<1x16xf32> to vector<16xf32>
        %mul3A_698 = arith.mulf %get3A_697, %get3A_545 : vector<16xf32>
        %add3A_699 = arith.addf %scan3A_531, %mul3A_698 : vector<16xf32>
        %get3A_700 = arith.constant 2 : i32
        %get3A_701 = arith.constant 0 : i32
        %get3A_702 = arith.constant 0 : i32
        %get3A_703 = tpu.memref_slice %arg5[%get3A_700, %get3A_701, %get3A_702] : memref<4x64x256xf32, #tpu.memory_space<vmem>> -> memref<1x64x256xf32, #tpu.memory_space<vmem>>
        %get3A_704 = tpu.memref_squeeze %get3A_703 : memref<1x64x256xf32, #tpu.memory_space<vmem>> -> memref<64x256xf32, #tpu.memory_space<vmem>>
        %get3A_705 = arith.index_cast %add3A_537 : i32 to index
        %get3A_706 = arith.constant 224 : index
        %get3A_707 = tpu.vector_load %get3A_704[%get3A_705, %get3A_706] {strides = array<i32>} : memref<64x256xf32, #tpu.memory_space<vmem>>, vector<1x16xf32>,
        %get3A_708 = vector.shape_cast %get3A_707 : vector<1x16xf32> to vector<16xf32>
        %mul3A_709 = arith.mulf %get3A_708, %get3A_545 : vector<16xf32>
        %add3A_710 = arith.addf %scan3A_532, %mul3A_709 : vector<16xf32>
        %get3A_711 = arith.constant 2 : i32
        %get3A_712 = arith.constant 0 : i32
        %get3A_713 = arith.constant 0 : i32
        %get3A_714 = tpu.memref_slice %arg5[%get3A_711, %get3A_712, %get3A_713] : memref<4x64x256xf32, #tpu.memory_space<vmem>> -> memref<1x64x256xf32, #tpu.memory_space<vmem>>
        %get3A_715 = tpu.memref_squeeze %get3A_714 : memref<1x64x256xf32, #tpu.memory_space<vmem>> -> memref<64x256xf32, #tpu.memory_space<vmem>>
        %get3A_716 = arith.index_cast %add3A_537 : i32 to index
        %get3A_717 = arith.constant 240 : index
        %get3A_718 = tpu.vector_load %get3A_715[%get3A_716, %get3A_717] {strides = array<i32>} : memref<64x256xf32, #tpu.memory_space<vmem>>, vector<1x16xf32>,
        %get3A_719 = vector.shape_cast %get3A_718 : vector<1x16xf32> to vector<16xf32>
        %mul3A_720 = arith.mulf %get3A_719, %get3A_545 : vector<16xf32>
        %add3A_721 = arith.addf %scan3A_533, %mul3A_720 : vector<16xf32>
        %add3A_722 = arith.constant 1 : i32
        %add3A_723 = arith.addi %mul3A_535, %add3A_722 : i32
        %get3A_724 = arith.constant 2 : i32
        %get3A_725 = arith.constant 0 : i32
        %get3A_726 = arith.constant 0 : i32
        %get3A_727 = tpu.memref_slice %arg6[%get3A_724, %get3A_725, %get3A_726] : memref<4x64x16xf32, #tpu.memory_space<vmem>> -> memref<1x64x16xf32, #tpu.memory_space<vmem>>
        %get3A_728 = tpu.memref_squeeze %get3A_727 : memref<1x64x16xf32, #tpu.memory_space<vmem>> -> memref<64x16xf32, #tpu.memory_space<vmem>>
        %get3A_729 = arith.index_cast %add3A_723 : i32 to index
        %get3A_730 = arith.constant 0 : index
        %get3A_731 = tpu.vector_load %get3A_728[%get3A_729, %get3A_730] {strides = array<i32>} : memref<64x16xf32, #tpu.memory_space<vmem>>, vector<1x16xf32>,
        %get3A_732 = vector.shape_cast %get3A_731 : vector<1x16xf32> to vector<16xf32>
        %get3A_733 = arith.constant 2 : i32
        %get3A_734 = arith.constant 0 : i32
        %get3A_735 = arith.constant 0 : i32
        %get3A_736 = tpu.memref_slice %arg5[%get3A_733, %get3A_734, %get3A_735] : memref<4x64x256xf32, #tpu.memory_space<vmem>> -> memref<1x64x256xf32, #tpu.memory_space<vmem>>
        %get3A_737 = tpu.memref_squeeze %get3A_736 : memref<1x64x256xf32, #tpu.memory_space<vmem>> -> memref<64x256xf32, #tpu.memory_space<vmem>>
        %get3A_738 = arith.index_cast %add3A_723 : i32 to index
        %get3A_739 = arith.constant 0 : index
        %get3A_740 = tpu.vector_load %get3A_737[%get3A_738, %get3A_739] {strides = array<i32>} : memref<64x256xf32, #tpu.memory_space<vmem>>, vector<1x16xf32>,
        %get3A_741 = vector.shape_cast %get3A_740 : vector<1x16xf32> to vector<16xf32>
        %mul3A_742 = arith.mulf %get3A_741, %get3A_732 : vector<16xf32>
        %add3A_743 = arith.addf %add3A_556, %mul3A_742 : vector<16xf32>
        %get3A_744 = arith.constant 2 : i32
        %get3A_745 = arith.constant 0 : i32
        %get3A_746 = arith.constant 0 : i32
        %get3A_747 = tpu.memref_slice %arg5[%get3A_744, %get3A_745, %get3A_746] : memref<4x64x256xf32, #tpu.memory_space<vmem>> -> memref<1x64x256xf32, #tpu.memory_space<vmem>>
        %get3A_748 = tpu.memref_squeeze %get3A_747 : memref<1x64x256xf32, #tpu.memory_space<vmem>> -> memref<64x256xf32, #tpu.memory_space<vmem>>
        %get3A_749 = arith.index_cast %add3A_723 : i32 to index
        %get3A_750 = arith.constant 16 : index
        %get3A_751 = tpu.vector_load %get3A_748[%get3A_749, %get3A_750] {strides = array<i32>} : memref<64x256xf32, #tpu.memory_space<vmem>>, vector<1x16xf32>,
        %get3A_752 = vector.shape_cast %get3A_751 : vector<1x16xf32> to vector<16xf32>
        %mul3A_753 = arith.mulf %get3A_752, %get3A_732 : vector<16xf32>
        %add3A_754 = arith.addf %add3A_567, %mul3A_753 : vector<16xf32>
        %get3A_755 = arith.constant 2 : i32
        %get3A_756 = arith.constant 0 : i32
        %get3A_757 = arith.constant 0 : i32
        %get3A_758 = tpu.memref_slice %arg5[%get3A_755, %get3A_756, %get3A_757] : memref<4x64x256xf32, #tpu.memory_space<vmem>> -> memref<1x64x256xf32, #tpu.memory_space<vmem>>
        %get3A_759 = tpu.memref_squeeze %get3A_758 : memref<1x64x256xf32, #tpu.memory_space<vmem>> -> memref<64x256xf32, #tpu.memory_space<vmem>>
        %get3A_760 = arith.index_cast %add3A_723 : i32 to index
        %get3A_761 = arith.constant 32 : index
        %get3A_762 = tpu.vector_load %get3A_759[%get3A_760, %get3A_761] {strides = array<i32>} : memref<64x256xf32, #tpu.memory_space<vmem>>, vector<1x16xf32>,
        %get3A_763 = vector.shape_cast %get3A_762 : vector<1x16xf32> to vector<16xf32>
        %mul3A_764 = arith.mulf %get3A_763, %get3A_732 : vector<16xf32>
        %add3A_765 = arith.addf %add3A_578, %mul3A_764 : vector<16xf32>
        %get3A_766 = arith.constant 2 : i32
        %get3A_767 = arith.constant 0 : i32
        %get3A_768 = arith.constant 0 : i32
        %get3A_769 = tpu.memref_slice %arg5[%get3A_766, %get3A_767, %get3A_768] : memref<4x64x256xf32, #tpu.memory_space<vmem>> -> memref<1x64x256xf32, #tpu.memory_space<vmem>>
        %get3A_770 = tpu.memref_squeeze %get3A_769 : memref<1x64x256xf32, #tpu.memory_space<vmem>> -> memref<64x256xf32, #tpu.memory_space<vmem>>
        %get3A_771 = arith.index_cast %add3A_723 : i32 to index
        %get3A_772 = arith.constant 48 : index
        %get3A_773 = tpu.vector_load %get3A_770[%get3A_771, %get3A_772] {strides = array<i32>} : memref<64x256xf32, #tpu.memory_space<vmem>>, vector<1x16xf32>,
        %get3A_774 = vector.shape_cast %get3A_773 : vector<1x16xf32> to vector<16xf32>
        %mul3A_775 = arith.mulf %get3A_774, %get3A_732 : vector<16xf32>
        %add3A_776 = arith.addf %add3A_589, %mul3A_775 : vector<16xf32>
        %get3A_777 = arith.constant 2 : i32
        %get3A_778 = arith.constant 0 : i32
        %get3A_779 = arith.constant 0 : i32
        %get3A_780 = tpu.memref_slice %arg5[%get3A_777, %get3A_778, %get3A_779] : memref<4x64x256xf32, #tpu.memory_space<vmem>> -> memref<1x64x256xf32, #tpu.memory_space<vmem>>
        %get3A_781 = tpu.memref_squeeze %get3A_780 : memref<1x64x256xf32, #tpu.memory_space<vmem>> -> memref<64x256xf32, #tpu.memory_space<vmem>>
        %get3A_782 = arith.index_cast %add3A_723 : i32 to index
        %get3A_783 = arith.constant 64 : index
        %get3A_784 = tpu.vector_load %get3A_781[%get3A_782, %get3A_783] {strides = array<i32>} : memref<64x256xf32, #tpu.memory_space<vmem>>, vector<1x16xf32>,
        %get3A_785 = vector.shape_cast %get3A_784 : vector<1x16xf32> to vector<16xf32>
        %mul3A_786 = arith.mulf %get3A_785, %get3A_732 : vector<16xf32>
        %add3A_787 = arith.addf %add3A_600, %mul3A_786 : vector<16xf32>
        %get3A_788 = arith.constant 2 : i32
        %get3A_789 = arith.constant 0 : i32
        %get3A_790 = arith.constant 0 : i32
        %get3A_791 = tpu.memref_slice %arg5[%get3A_788, %get3A_789, %get3A_790] : memref<4x64x256xf32, #tpu.memory_space<vmem>> -> memref<1x64x256xf32, #tpu.memory_space<vmem>>
        %get3A_792 = tpu.memref_squeeze %get3A_791 : memref<1x64x256xf32, #tpu.memory_space<vmem>> -> memref<64x256xf32, #tpu.memory_space<vmem>>
        %get3A_793 = arith.index_cast %add3A_723 : i32 to index
        %get3A_794 = arith.constant 80 : index
        %get3A_795 = tpu.vector_load %get3A_792[%get3A_793, %get3A_794] {strides = array<i32>} : memref<64x256xf32, #tpu.memory_space<vmem>>, vector<1x16xf32>,
        %get3A_796 = vector.shape_cast %get3A_795 : vector<1x16xf32> to vector<16xf32>
        %mul3A_797 = arith.mulf %get3A_796, %get3A_732 : vector<16xf32>
        %add3A_798 = arith.addf %add3A_611, %mul3A_797 : vector<16xf32>
        %get3A_799 = arith.constant 2 : i32
        %get3A_800 = arith.constant 0 : i32
        %get3A_801 = arith.constant 0 : i32
        %get3A_802 = tpu.memref_slice %arg5[%get3A_799, %get3A_800, %get3A_801] : memref<4x64x256xf32, #tpu.memory_space<vmem>> -> memref<1x64x256xf32, #tpu.memory_space<vmem>>
        %get3A_803 = tpu.memref_squeeze %get3A_802 : memref<1x64x256xf32, #tpu.memory_space<vmem>> -> memref<64x256xf32, #tpu.memory_space<vmem>>
        %get3A_804 = arith.index_cast %add3A_723 : i32 to index
        %get3A_805 = arith.constant 96 : index
        %get3A_806 = tpu.vector_load %get3A_803[%get3A_804, %get3A_805] {strides = array<i32>} : memref<64x256xf32, #tpu.memory_space<vmem>>, vector<1x16xf32>,
        %get3A_807 = vector.shape_cast %get3A_806 : vector<1x16xf32> to vector<16xf32>
        %mul3A_808 = arith.mulf %get3A_807, %get3A_732 : vector<16xf32>
        %add3A_809 = arith.addf %add3A_622, %mul3A_808 : vector<16xf32>
        %get3A_810 = arith.constant 2 : i32
        %get3A_811 = arith.constant 0 : i32
        %get3A_812 = arith.constant 0 : i32
        %get3A_813 = tpu.memref_slice %arg5[%get3A_810, %get3A_811, %get3A_812] : memref<4x64x256xf32, #tpu.memory_space<vmem>> -> memref<1x64x256xf32, #tpu.memory_space<vmem>>
        %get3A_814 = tpu.memref_squeeze %get3A_813 : memref<1x64x256xf32, #tpu.memory_space<vmem>> -> memref<64x256xf32, #tpu.memory_space<vmem>>
        %get3A_815 = arith.index_cast %add3A_723 : i32 to index
        %get3A_816 = arith.constant 112 : index
        %get3A_817 = tpu.vector_load %get3A_814[%get3A_815, %get3A_816] {strides = array<i32>} : memref<64x256xf32, #tpu.memory_space<vmem>>, vector<1x16xf32>,
        %get3A_818 = vector.shape_cast %get3A_817 : vector<1x16xf32> to vector<16xf32>
        %mul3A_819 = arith.mulf %get3A_818, %get3A_732 : vector<16xf32>
        %add3A_820 = arith.addf %add3A_633, %mul3A_819 : vector<16xf32>
        %get3A_821 = arith.constant 2 : i32
        %get3A_822 = arith.constant 0 : i32
        %get3A_823 = arith.constant 0 : i32
        %get3A_824 = tpu.memref_slice %arg5[%get3A_821, %get3A_822, %get3A_823] : memref<4x64x256xf32, #tpu.memory_space<vmem>> -> memref<1x64x256xf32, #tpu.memory_space<vmem>>
        %get3A_825 = tpu.memref_squeeze %get3A_824 : memref<1x64x256xf32, #tpu.memory_space<vmem>> -> memref<64x256xf32, #tpu.memory_space<vmem>>
        %get3A_826 = arith.index_cast %add3A_723 : i32 to index
        %get3A_827 = arith.constant 128 : index
        %get3A_828 = tpu.vector_load %get3A_825[%get3A_826, %get3A_827] {strides = array<i32>} : memref<64x256xf32, #tpu.memory_space<vmem>>, vector<1x16xf32>,
        %get3A_829 = vector.shape_cast %get3A_828 : vector<1x16xf32> to vector<16xf32>
        %mul3A_830 = arith.mulf %get3A_829, %get3A_732 : vector<16xf32>
        %add3A_831 = arith.addf %add3A_644, %mul3A_830 : vector<16xf32>
        %get3A_832 = arith.constant 2 : i32
        %get3A_833 = arith.constant 0 : i32
        %get3A_834 = arith.constant 0 : i32
        %get3A_835 = tpu.memref_slice %arg5[%get3A_832, %get3A_833, %get3A_834] : memref<4x64x256xf32, #tpu.memory_space<vmem>> -> memref<1x64x256xf32, #tpu.memory_space<vmem>>
        %get3A_836 = tpu.memref_squeeze %get3A_835 : memref<1x64x256xf32, #tpu.memory_space<vmem>> -> memref<64x256xf32, #tpu.memory_space<vmem>>
        %get3A_837 = arith.index_cast %add3A_723 : i32 to index
        %get3A_838 = arith.constant 144 : index
        %get3A_839 = tpu.vector_load %get3A_836[%get3A_837, %get3A_838] {strides = array<i32>} : memref<64x256xf32, #tpu.memory_space<vmem>>, vector<1x16xf32>,
        %get3A_840 = vector.shape_cast %get3A_839 : vector<1x16xf32> to vector<16xf32>
        %mul3A_841 = arith.mulf %get3A_840, %get3A_732 : vector<16xf32>
        %add3A_842 = arith.addf %add3A_655, %mul3A_841 : vector<16xf32>
        %get3A_843 = arith.constant 2 : i32
        %get3A_844 = arith.constant 0 : i32
        %get3A_845 = arith.constant 0 : i32
        %get3A_846 = tpu.memref_slice %arg5[%get3A_843, %get3A_844, %get3A_845] : memref<4x64x256xf32, #tpu.memory_space<vmem>> -> memref<1x64x256xf32, #tpu.memory_space<vmem>>
        %get3A_847 = tpu.memref_squeeze %get3A_846 : memref<1x64x256xf32, #tpu.memory_space<vmem>> -> memref<64x256xf32, #tpu.memory_space<vmem>>
        %get3A_848 = arith.index_cast %add3A_723 : i32 to index
        %get3A_849 = arith.constant 160 : index
        %get3A_850 = tpu.vector_load %get3A_847[%get3A_848, %get3A_849] {strides = array<i32>} : memref<64x256xf32, #tpu.memory_space<vmem>>, vector<1x16xf32>,
        %get3A_851 = vector.shape_cast %get3A_850 : vector<1x16xf32> to vector<16xf32>
        %mul3A_852 = arith.mulf %get3A_851, %get3A_732 : vector<16xf32>
        %add3A_853 = arith.addf %add3A_666, %mul3A_852 : vector<16xf32>
        %get3A_854 = arith.constant 2 : i32
        %get3A_855 = arith.constant 0 : i32
        %get3A_856 = arith.constant 0 : i32
        %get3A_857 = tpu.memref_slice %arg5[%get3A_854, %get3A_855, %get3A_856] : memref<4x64x256xf32, #tpu.memory_space<vmem>> -> memref<1x64x256xf32, #tpu.memory_space<vmem>>
        %get3A_858 = tpu.memref_squeeze %get3A_857 : memref<1x64x256xf32, #tpu.memory_space<vmem>> -> memref<64x256xf32, #tpu.memory_space<vmem>>
        %get3A_859 = arith.index_cast %add3A_723 : i32 to index
        %get3A_860 = arith.constant 176 : index
        %get3A_861 = tpu.vector_load %get3A_858[%get3A_859, %get3A_860] {strides = array<i32>} : memref<64x256xf32, #tpu.memory_space<vmem>>, vector<1x16xf32>,
        %get3A_862 = vector.shape_cast %get3A_861 : vector<1x16xf32> to vector<16xf32>
        %mul3A_863 = arith.mulf %get3A_862, %get3A_732 : vector<16xf32>
        %add3A_864 = arith.addf %add3A_677, %mul3A_863 : vector<16xf32>
        %get3A_865 = arith.constant 2 : i32
        %get3A_866 = arith.constant 0 : i32
        %get3A_867 = arith.constant 0 : i32
        %get3A_868 = tpu.memref_slice %arg5[%get3A_865, %get3A_866, %get3A_867] : memref<4x64x256xf32, #tpu.memory_space<vmem>> -> memref<1x64x256xf32, #tpu.memory_space<vmem>>
        %get3A_869 = tpu.memref_squeeze %get3A_868 : memref<1x64x256xf32, #tpu.memory_space<vmem>> -> memref<64x256xf32, #tpu.memory_space<vmem>>
        %get3A_870 = arith.index_cast %add3A_723 : i32 to index
        %get3A_871 = arith.constant 192 : index
        %get3A_872 = tpu.vector_load %get3A_869[%get3A_870, %get3A_871] {strides = array<i32>} : memref<64x256xf32, #tpu.memory_space<vmem>>, vector<1x16xf32>,
        %get3A_873 = vector.shape_cast %get3A_872 : vector<1x16xf32> to vector<16xf32>
        %mul3A_874 = arith.mulf %get3A_873, %get3A_732 : vector<16xf32>
        %add3A_875 = arith.addf %add3A_688, %mul3A_874 : vector<16xf32>
        %get3A_876 = arith.constant 2 : i32
        %get3A_877 = arith.constant 0 : i32
        %get3A_878 = arith.constant 0 : i32
        %get3A_879 = tpu.memref_slice %arg5[%get3A_876, %get3A_877, %get3A_878] : memref<4x64x256xf32, #tpu.memory_space<vmem>> -> memref<1x64x256xf32, #tpu.memory_space<vmem>>
        %get3A_880 = tpu.memref_squeeze %get3A_879 : memref<1x64x256xf32, #tpu.memory_space<vmem>> -> memref<64x256xf32, #tpu.memory_space<vmem>>
        %get3A_881 = arith.index_cast %add3A_723 : i32 to index
        %get3A_882 = arith.constant 208 : index
        %get3A_883 = tpu.vector_load %get3A_880[%get3A_881, %get3A_882] {strides = array<i32>} : memref<64x256xf32, #tpu.memory_space<vmem>>, vector<1x16xf32>,
        %get3A_884 = vector.shape_cast %get3A_883 : vector<1x16xf32> to vector<16xf32>
        %mul3A_885 = arith.mulf %get3A_884, %get3A_732 : vector<16xf32>
        %add3A_886 = arith.addf %add3A_699, %mul3A_885 : vector<16xf32>
        %get3A_887 = arith.constant 2 : i32
        %get3A_888 = arith.constant 0 : i32
        %get3A_889 = arith.constant 0 : i32
        %get3A_890 = tpu.memref_slice %arg5[%get3A_887, %get3A_888, %get3A_889] : memref<4x64x256xf32, #tpu.memory_space<vmem>> -> memref<1x64x256xf32, #tpu.memory_space<vmem>>
        %get3A_891 = tpu.memref_squeeze %get3A_890 : memref<1x64x256xf32, #tpu.memory_space<vmem>> -> memref<64x256xf32, #tpu.memory_space<vmem>>
        %get3A_892 = arith.index_cast %add3A_723 : i32 to index
        %get3A_893 = arith.constant 224 : index
        %get3A_894 = tpu.vector_load %get3A_891[%get3A_892, %get3A_893] {strides = array<i32>} : memref<64x256xf32, #tpu.memory_space<vmem>>, vector<1x16xf32>,
        %get3A_895 = vector.shape_cast %get3A_894 : vector<1x16xf32> to vector<16xf32>
        %mul3A_896 = arith.mulf %get3A_895, %get3A_732 : vector<16xf32>
        %add3A_897 = arith.addf %add3A_710, %mul3A_896 : vector<16xf32>
        %get3A_898 = arith.constant 2 : i32
        %get3A_899 = arith.constant 0 : i32
        %get3A_900 = arith.constant 0 : i32
        %get3A_901 = tpu.memref_slice %arg5[%get3A_898, %get3A_899, %get3A_900] : memref<4x64x256xf32, #tpu.memory_space<vmem>> -> memref<1x64x256xf32, #tpu.memory_space<vmem>>
        %get3A_902 = tpu.memref_squeeze %get3A_901 : memref<1x64x256xf32, #tpu.memory_space<vmem>> -> memref<64x256xf32, #tpu.memory_space<vmem>>
        %get3A_903 = arith.index_cast %add3A_723 : i32 to index
        %get3A_904 = arith.constant 240 : index
        %get3A_905 = tpu.vector_load %get3A_902[%get3A_903, %get3A_904] {strides = array<i32>} : memref<64x256xf32, #tpu.memory_space<vmem>>, vector<1x16xf32>,
        %get3A_906 = vector.shape_cast %get3A_905 : vector<1x16xf32> to vector<16xf32>
        %mul3A_907 = arith.mulf %get3A_906, %get3A_732 : vector<16xf32>
        %add3A_908 = arith.addf %add3A_721, %mul3A_907 : vector<16xf32>
        %add3A_909 = arith.constant 2 : i32
        %add3A_910 = arith.addi %mul3A_535, %add3A_909 : i32
        %get3A_911 = arith.constant 2 : i32
        %get3A_912 = arith.constant 0 : i32
        %get3A_913 = arith.constant 0 : i32
        %get3A_914 = tpu.memref_slice %arg6[%get3A_911, %get3A_912, %get3A_913] : memref<4x64x16xf32, #tpu.memory_space<vmem>> -> memref<1x64x16xf32, #tpu.memory_space<vmem>>
        %get3A_915 = tpu.memref_squeeze %get3A_914 : memref<1x64x16xf32, #tpu.memory_space<vmem>> -> memref<64x16xf32, #tpu.memory_space<vmem>>
        %get3A_916 = arith.index_cast %add3A_910 : i32 to index
        %get3A_917 = arith.constant 0 : index
        %get3A_918 = tpu.vector_load %get3A_915[%get3A_916, %get3A_917] {strides = array<i32>} : memref<64x16xf32, #tpu.memory_space<vmem>>, vector<1x16xf32>,
        %get3A_919 = vector.shape_cast %get3A_918 : vector<1x16xf32> to vector<16xf32>
        %get3A_920 = arith.constant 2 : i32
        %get3A_921 = arith.constant 0 : i32
        %get3A_922 = arith.constant 0 : i32
        %get3A_923 = tpu.memref_slice %arg5[%get3A_920, %get3A_921, %get3A_922] : memref<4x64x256xf32, #tpu.memory_space<vmem>> -> memref<1x64x256xf32, #tpu.memory_space<vmem>>
        %get3A_924 = tpu.memref_squeeze %get3A_923 : memref<1x64x256xf32, #tpu.memory_space<vmem>> -> memref<64x256xf32, #tpu.memory_space<vmem>>
        %get3A_925 = arith.index_cast %add3A_910 : i32 to index
        %get3A_926 = arith.constant 0 : index
        %get3A_927 = tpu.vector_load %get3A_924[%get3A_925, %get3A_926] {strides = array<i32>} : memref<64x256xf32, #tpu.memory_space<vmem>>, vector<1x16xf32>,
        %get3A_928 = vector.shape_cast %get3A_927 : vector<1x16xf32> to vector<16xf32>
        %mul3A_929 = arith.mulf %get3A_928, %get3A_919 : vector<16xf32>
        %add3A_930 = arith.addf %add3A_743, %mul3A_929 : vector<16xf32>
        %get3A_931 = arith.constant 2 : i32
        %get3A_932 = arith.constant 0 : i32
        %get3A_933 = arith.constant 0 : i32
        %get3A_934 = tpu.memref_slice %arg5[%get3A_931, %get3A_932, %get3A_933] : memref<4x64x256xf32, #tpu.memory_space<vmem>> -> memref<1x64x256xf32, #tpu.memory_space<vmem>>
        %get3A_935 = tpu.memref_squeeze %get3A_934 : memref<1x64x256xf32, #tpu.memory_space<vmem>> -> memref<64x256xf32, #tpu.memory_space<vmem>>
        %get3A_936 = arith.index_cast %add3A_910 : i32 to index
        %get3A_937 = arith.constant 16 : index
        %get3A_938 = tpu.vector_load %get3A_935[%get3A_936, %get3A_937] {strides = array<i32>} : memref<64x256xf32, #tpu.memory_space<vmem>>, vector<1x16xf32>,
        %get3A_939 = vector.shape_cast %get3A_938 : vector<1x16xf32> to vector<16xf32>
        %mul3A_940 = arith.mulf %get3A_939, %get3A_919 : vector<16xf32>
        %add3A_941 = arith.addf %add3A_754, %mul3A_940 : vector<16xf32>
        %get3A_942 = arith.constant 2 : i32
        %get3A_943 = arith.constant 0 : i32
        %get3A_944 = arith.constant 0 : i32
        %get3A_945 = tpu.memref_slice %arg5[%get3A_942, %get3A_943, %get3A_944] : memref<4x64x256xf32, #tpu.memory_space<vmem>> -> memref<1x64x256xf32, #tpu.memory_space<vmem>>
        %get3A_946 = tpu.memref_squeeze %get3A_945 : memref<1x64x256xf32, #tpu.memory_space<vmem>> -> memref<64x256xf32, #tpu.memory_space<vmem>>
        %get3A_947 = arith.index_cast %add3A_910 : i32 to index
        %get3A_948 = arith.constant 32 : index
        %get3A_949 = tpu.vector_load %get3A_946[%get3A_947, %get3A_948] {strides = array<i32>} : memref<64x256xf32, #tpu.memory_space<vmem>>, vector<1x16xf32>,
        %get3A_950 = vector.shape_cast %get3A_949 : vector<1x16xf32> to vector<16xf32>
        %mul3A_951 = arith.mulf %get3A_950, %get3A_919 : vector<16xf32>
        %add3A_952 = arith.addf %add3A_765, %mul3A_951 : vector<16xf32>
        %get3A_953 = arith.constant 2 : i32
        %get3A_954 = arith.constant 0 : i32
        %get3A_955 = arith.constant 0 : i32
        %get3A_956 = tpu.memref_slice %arg5[%get3A_953, %get3A_954, %get3A_955] : memref<4x64x256xf32, #tpu.memory_space<vmem>> -> memref<1x64x256xf32, #tpu.memory_space<vmem>>
        %get3A_957 = tpu.memref_squeeze %get3A_956 : memref<1x64x256xf32, #tpu.memory_space<vmem>> -> memref<64x256xf32, #tpu.memory_space<vmem>>
        %get3A_958 = arith.index_cast %add3A_910 : i32 to index
        %get3A_959 = arith.constant 48 : index
        %get3A_960 = tpu.vector_load %get3A_957[%get3A_958, %get3A_959] {strides = array<i32>} : memref<64x256xf32, #tpu.memory_space<vmem>>, vector<1x16xf32>,
        %get3A_961 = vector.shape_cast %get3A_960 : vector<1x16xf32> to vector<16xf32>
        %mul3A_962 = arith.mulf %get3A_961, %get3A_919 : vector<16xf32>
        %add3A_963 = arith.addf %add3A_776, %mul3A_962 : vector<16xf32>
        %get3A_964 = arith.constant 2 : i32
        %get3A_965 = arith.constant 0 : i32
        %get3A_966 = arith.constant 0 : i32
        %get3A_967 = tpu.memref_slice %arg5[%get3A_964, %get3A_965, %get3A_966] : memref<4x64x256xf32, #tpu.memory_space<vmem>> -> memref<1x64x256xf32, #tpu.memory_space<vmem>>
        %get3A_968 = tpu.memref_squeeze %get3A_967 : memref<1x64x256xf32, #tpu.memory_space<vmem>> -> memref<64x256xf32, #tpu.memory_space<vmem>>
        %get3A_969 = arith.index_cast %add3A_910 : i32 to index
        %get3A_970 = arith.constant 64 : index
        %get3A_971 = tpu.vector_load %get3A_968[%get3A_969, %get3A_970] {strides = array<i32>} : memref<64x256xf32, #tpu.memory_space<vmem>>, vector<1x16xf32>,
        %get3A_972 = vector.shape_cast %get3A_971 : vector<1x16xf32> to vector<16xf32>
        %mul3A_973 = arith.mulf %get3A_972, %get3A_919 : vector<16xf32>
        %add3A_974 = arith.addf %add3A_787, %mul3A_973 : vector<16xf32>
        %get3A_975 = arith.constant 2 : i32
        %get3A_976 = arith.constant 0 : i32
        %get3A_977 = arith.constant 0 : i32
        %get3A_978 = tpu.memref_slice %arg5[%get3A_975, %get3A_976, %get3A_977] : memref<4x64x256xf32, #tpu.memory_space<vmem>> -> memref<1x64x256xf32, #tpu.memory_space<vmem>>
        %get3A_979 = tpu.memref_squeeze %get3A_978 : memref<1x64x256xf32, #tpu.memory_space<vmem>> -> memref<64x256xf32, #tpu.memory_space<vmem>>
        %get3A_980 = arith.index_cast %add3A_910 : i32 to index
        %get3A_981 = arith.constant 80 : index
        %get3A_982 = tpu.vector_load %get3A_979[%get3A_980, %get3A_981] {strides = array<i32>} : memref<64x256xf32, #tpu.memory_space<vmem>>, vector<1x16xf32>,
        %get3A_983 = vector.shape_cast %get3A_982 : vector<1x16xf32> to vector<16xf32>
        %mul3A_984 = arith.mulf %get3A_983, %get3A_919 : vector<16xf32>
        %add3A_985 = arith.addf %add3A_798, %mul3A_984 : vector<16xf32>
        %get3A_986 = arith.constant 2 : i32
        %get3A_987 = arith.constant 0 : i32
        %get3A_988 = arith.constant 0 : i32
        %get3A_989 = tpu.memref_slice %arg5[%get3A_986, %get3A_987, %get3A_988] : memref<4x64x256xf32, #tpu.memory_space<vmem>> -> memref<1x64x256xf32, #tpu.memory_space<vmem>>
        %get3A_990 = tpu.memref_squeeze %get3A_989 : memref<1x64x256xf32, #tpu.memory_space<vmem>> -> memref<64x256xf32, #tpu.memory_space<vmem>>
        %get3A_991 = arith.index_cast %add3A_910 : i32 to index
        %get3A_992 = arith.constant 96 : index
        %get3A_993 = tpu.vector_load %get3A_990[%get3A_991, %get3A_992] {strides = array<i32>} : memref<64x256xf32, #tpu.memory_space<vmem>>, vector<1x16xf32>,
        %get3A_994 = vector.shape_cast %get3A_993 : vector<1x16xf32> to vector<16xf32>
        %mul3A_995 = arith.mulf %get3A_994, %get3A_919 : vector<16xf32>
        %add3A_996 = arith.addf %add3A_809, %mul3A_995 : vector<16xf32>
        %get3A_997 = arith.constant 2 : i32
        %get3A_998 = arith.constant 0 : i32
        %get3A_999 = arith.constant 0 : i32
        %get3A_1000 = tpu.memref_slice %arg5[%get3A_997, %get3A_998, %get3A_999] : memref<4x64x256xf32, #tpu.memory_space<vmem>> -> memref<1x64x256xf32, #tpu.memory_space<vmem>>
        %get3A_1001 = tpu.memref_squeeze %get3A_1000 : memref<1x64x256xf32, #tpu.memory_space<vmem>> -> memref<64x256xf32, #tpu.memory_space<vmem>>
        %get3A_1002 = arith.index_cast %add3A_910 : i32 to index
        %get3A_1003 = arith.constant 112 : index
        %get3A_1004 = tpu.vector_load %get3A_1001[%get3A_1002, %get3A_1003] {strides = array<i32>} : memref<64x256xf32, #tpu.memory_space<vmem>>, vector<1x16xf32>,
        %get3A_1005 = vector.shape_cast %get3A_1004 : vector<1x16xf32> to vector<16xf32>
        %mul3A_1006 = arith.mulf %get3A_1005, %get3A_919 : vector<16xf32>
        %add3A_1007 = arith.addf %add3A_820, %mul3A_1006 : vector<16xf32>
        %get3A_1008 = arith.constant 2 : i32
        %get3A_1009 = arith.constant 0 : i32
        %get3A_1010 = arith.constant 0 : i32
        %get3A_1011 = tpu.memref_slice %arg5[%get3A_1008, %get3A_1009, %get3A_1010] : memref<4x64x256xf32, #tpu.memory_space<vmem>> -> memref<1x64x256xf32, #tpu.memory_space<vmem>>
        %get3A_1012 = tpu.memref_squeeze %get3A_1011 : memref<1x64x256xf32, #tpu.memory_space<vmem>> -> memref<64x256xf32, #tpu.memory_space<vmem>>
        %get3A_1013 = arith.index_cast %add3A_910 : i32 to index
        %get3A_1014 = arith.constant 128 : index
        %get3A_1015 = tpu.vector_load %get3A_1012[%get3A_1013, %get3A_1014] {strides = array<i32>} : memref<64x256xf32, #tpu.memory_space<vmem>>, vector<1x16xf32>,
        %get3A_1016 = vector.shape_cast %get3A_1015 : vector<1x16xf32> to vector<16xf32>
        %mul3A_1017 = arith.mulf %get3A_1016, %get3A_919 : vector<16xf32>
        %add3A_1018 = arith.addf %add3A_831, %mul3A_1017 : vector<16xf32>
        %get3A_1019 = arith.constant 2 : i32
        %get3A_1020 = arith.constant 0 : i32
        %get3A_1021 = arith.constant 0 : i32
        %get3A_1022 = tpu.memref_slice %arg5[%get3A_1019, %get3A_1020, %get3A_1021] : memref<4x64x256xf32, #tpu.memory_space<vmem>> -> memref<1x64x256xf32, #tpu.memory_space<vmem>>
        %get3A_1023 = tpu.memref_squeeze %get3A_1022 : memref<1x64x256xf32, #tpu.memory_space<vmem>> -> memref<64x256xf32, #tpu.memory_space<vmem>>
        %get3A_1024 = arith.index_cast %add3A_910 : i32 to index
        %get3A_1025 = arith.constant 144 : index
        %get3A_1026 = tpu.vector_load %get3A_1023[%get3A_1024, %get3A_1025] {strides = array<i32>} : memref<64x256xf32, #tpu.memory_space<vmem>>, vector<1x16xf32>,
        %get3A_1027 = vector.shape_cast %get3A_1026 : vector<1x16xf32> to vector<16xf32>
        %mul3A_1028 = arith.mulf %get3A_1027, %get3A_919 : vector<16xf32>
        %add3A_1029 = arith.addf %add3A_842, %mul3A_1028 : vector<16xf32>
        %get3A_1030 = arith.constant 2 : i32
        %get3A_1031 = arith.constant 0 : i32
        %get3A_1032 = arith.constant 0 : i32
        %get3A_1033 = tpu.memref_slice %arg5[%get3A_1030, %get3A_1031, %get3A_1032] : memref<4x64x256xf32, #tpu.memory_space<vmem>> -> memref<1x64x256xf32, #tpu.memory_space<vmem>>
        %get3A_1034 = tpu.memref_squeeze %get3A_1033 : memref<1x64x256xf32, #tpu.memory_space<vmem>> -> memref<64x256xf32, #tpu.memory_space<vmem>>
        %get3A_1035 = arith.index_cast %add3A_910 : i32 to index
        %get3A_1036 = arith.constant 160 : index
        %get3A_1037 = tpu.vector_load %get3A_1034[%get3A_1035, %get3A_1036] {strides = array<i32>} : memref<64x256xf32, #tpu.memory_space<vmem>>, vector<1x16xf32>,
        %get3A_1038 = vector.shape_cast %get3A_1037 : vector<1x16xf32> to vector<16xf32>
        %mul3A_1039 = arith.mulf %get3A_1038, %get3A_919 : vector<16xf32>
        %add3A_1040 = arith.addf %add3A_853, %mul3A_1039 : vector<16xf32>
        %get3A_1041 = arith.constant 2 : i32
        %get3A_1042 = arith.constant 0 : i32
        %get3A_1043 = arith.constant 0 : i32
        %get3A_1044 = tpu.memref_slice %arg5[%get3A_1041, %get3A_1042, %get3A_1043] : memref<4x64x256xf32, #tpu.memory_space<vmem>> -> memref<1x64x256xf32, #tpu.memory_space<vmem>>
        %get3A_1045 = tpu.memref_squeeze %get3A_1044 : memref<1x64x256xf32, #tpu.memory_space<vmem>> -> memref<64x256xf32, #tpu.memory_space<vmem>>
        %get3A_1046 = arith.index_cast %add3A_910 : i32 to index
        %get3A_1047 = arith.constant 176 : index
        %get3A_1048 = tpu.vector_load %get3A_1045[%get3A_1046, %get3A_1047] {strides = array<i32>} : memref<64x256xf32, #tpu.memory_space<vmem>>, vector<1x16xf32>,
        %get3A_1049 = vector.shape_cast %get3A_1048 : vector<1x16xf32> to vector<16xf32>
        %mul3A_1050 = arith.mulf %get3A_1049, %get3A_919 : vector<16xf32>
        %add3A_1051 = arith.addf %add3A_864, %mul3A_1050 : vector<16xf32>
        %get3A_1052 = arith.constant 2 : i32
        %get3A_1053 = arith.constant 0 : i32
        %get3A_1054 = arith.constant 0 : i32
        %get3A_1055 = tpu.memref_slice %arg5[%get3A_1052, %get3A_1053, %get3A_1054] : memref<4x64x256xf32, #tpu.memory_space<vmem>> -> memref<1x64x256xf32, #tpu.memory_space<vmem>>
        %get3A_1056 = tpu.memref_squeeze %get3A_1055 : memref<1x64x256xf32, #tpu.memory_space<vmem>> -> memref<64x256xf32, #tpu.memory_space<vmem>>
        %get3A_1057 = arith.index_cast %add3A_910 : i32 to index
        %get3A_1058 = arith.constant 192 : index
        %get3A_1059 = tpu.vector_load %get3A_1056[%get3A_1057, %get3A_1058] {strides = array<i32>} : memref<64x256xf32, #tpu.memory_space<vmem>>, vector<1x16xf32>,
        %get3A_1060 = vector.shape_cast %get3A_1059 : vector<1x16xf32> to vector<16xf32>
        %mul3A_1061 = arith.mulf %get3A_1060, %get3A_919 : vector<16xf32>
        %add3A_1062 = arith.addf %add3A_875, %mul3A_1061 : vector<16xf32>
        %get3A_1063 = arith.constant 2 : i32
        %get3A_1064 = arith.constant 0 : i32
        %get3A_1065 = arith.constant 0 : i32
        %get3A_1066 = tpu.memref_slice %arg5[%get3A_1063, %get3A_1064, %get3A_1065] : memref<4x64x256xf32, #tpu.memory_space<vmem>> -> memref<1x64x256xf32, #tpu.memory_space<vmem>>
        %get3A_1067 = tpu.memref_squeeze %get3A_1066 : memref<1x64x256xf32, #tpu.memory_space<vmem>> -> memref<64x256xf32, #tpu.memory_space<vmem>>
        %get3A_1068 = arith.index_cast %add3A_910 : i32 to index
        %get3A_1069 = arith.constant 208 : index
        %get3A_1070 = tpu.vector_load %get3A_1067[%get3A_1068, %get3A_1069] {strides = array<i32>} : memref<64x256xf32, #tpu.memory_space<vmem>>, vector<1x16xf32>,
        %get3A_1071 = vector.shape_cast %get3A_1070 : vector<1x16xf32> to vector<16xf32>
        %mul3A_1072 = arith.mulf %get3A_1071, %get3A_919 : vector<16xf32>
        %add3A_1073 = arith.addf %add3A_886, %mul3A_1072 : vector<16xf32>
        %get3A_1074 = arith.constant 2 : i32
        %get3A_1075 = arith.constant 0 : i32
        %get3A_1076 = arith.constant 0 : i32
        %get3A_1077 = tpu.memref_slice %arg5[%get3A_1074, %get3A_1075, %get3A_1076] : memref<4x64x256xf32, #tpu.memory_space<vmem>> -> memref<1x64x256xf32, #tpu.memory_space<vmem>>
        %get3A_1078 = tpu.memref_squeeze %get3A_1077 : memref<1x64x256xf32, #tpu.memory_space<vmem>> -> memref<64x256xf32, #tpu.memory_space<vmem>>
        %get3A_1079 = arith.index_cast %add3A_910 : i32 to index
        %get3A_1080 = arith.constant 224 : index
        %get3A_1081 = tpu.vector_load %get3A_1078[%get3A_1079, %get3A_1080] {strides = array<i32>} : memref<64x256xf32, #tpu.memory_space<vmem>>, vector<1x16xf32>,
        %get3A_1082 = vector.shape_cast %get3A_1081 : vector<1x16xf32> to vector<16xf32>
        %mul3A_1083 = arith.mulf %get3A_1082, %get3A_919 : vector<16xf32>
        %add3A_1084 = arith.addf %add3A_897, %mul3A_1083 : vector<16xf32>
        %get3A_1085 = arith.constant 2 : i32
        %get3A_1086 = arith.constant 0 : i32
        %get3A_1087 = arith.constant 0 : i32
        %get3A_1088 = tpu.memref_slice %arg5[%get3A_1085, %get3A_1086, %get3A_1087] : memref<4x64x256xf32, #tpu.memory_space<vmem>> -> memref<1x64x256xf32, #tpu.memory_space<vmem>>
        %get3A_1089 = tpu.memref_squeeze %get3A_1088 : memref<1x64x256xf32, #tpu.memory_space<vmem>> -> memref<64x256xf32, #tpu.memory_space<vmem>>
        %get3A_1090 = arith.index_cast %add3A_910 : i32 to index
        %get3A_1091 = arith.constant 240 : index
        %get3A_1092 = tpu.vector_load %get3A_1089[%get3A_1090, %get3A_1091] {strides = array<i32>} : memref<64x256xf32, #tpu.memory_space<vmem>>, vector<1x16xf32>,
        %get3A_1093 = vector.shape_cast %get3A_1092 : vector<1x16xf32> to vector<16xf32>
        %mul3A_1094 = arith.mulf %get3A_1093, %get3A_919 : vector<16xf32>
        %add3A_1095 = arith.addf %add3A_908, %mul3A_1094 : vector<16xf32>
        %add3A_1096 = arith.constant 3 : i32
        %add3A_1097 = arith.addi %mul3A_535, %add3A_1096 : i32
        %get3A_1098 = arith.constant 2 : i32
        %get3A_1099 = arith.constant 0 : i32
        %get3A_1100 = arith.constant 0 : i32
        %get3A_1101 = tpu.memref_slice %arg6[%get3A_1098, %get3A_1099, %get3A_1100] : memref<4x64x16xf32, #tpu.memory_space<vmem>> -> memref<1x64x16xf32, #tpu.memory_space<vmem>>
        %get3A_1102 = tpu.memref_squeeze %get3A_1101 : memref<1x64x16xf32, #tpu.memory_space<vmem>> -> memref<64x16xf32, #tpu.memory_space<vmem>>
        %get3A_1103 = arith.index_cast %add3A_1097 : i32 to index
        %get3A_1104 = arith.constant 0 : index
        %get3A_1105 = tpu.vector_load %get3A_1102[%get3A_1103, %get3A_1104] {strides = array<i32>} : memref<64x16xf32, #tpu.memory_space<vmem>>, vector<1x16xf32>,
        %get3A_1106 = vector.shape_cast %get3A_1105 : vector<1x16xf32> to vector<16xf32>
        %get3A_1107 = arith.constant 2 : i32
        %get3A_1108 = arith.constant 0 : i32
        %get3A_1109 = arith.constant 0 : i32
        %get3A_1110 = tpu.memref_slice %arg5[%get3A_1107, %get3A_1108, %get3A_1109] : memref<4x64x256xf32, #tpu.memory_space<vmem>> -> memref<1x64x256xf32, #tpu.memory_space<vmem>>
        %get3A_1111 = tpu.memref_squeeze %get3A_1110 : memref<1x64x256xf32, #tpu.memory_space<vmem>> -> memref<64x256xf32, #tpu.memory_space<vmem>>
        %get3A_1112 = arith.index_cast %add3A_1097 : i32 to index
        %get3A_1113 = arith.constant 0 : index
        %get3A_1114 = tpu.vector_load %get3A_1111[%get3A_1112, %get3A_1113] {strides = array<i32>} : memref<64x256xf32, #tpu.memory_space<vmem>>, vector<1x16xf32>,
        %get3A_1115 = vector.shape_cast %get3A_1114 : vector<1x16xf32> to vector<16xf32>
        %mul3A_1116 = arith.mulf %get3A_1115, %get3A_1106 : vector<16xf32>
        %add3A_1117 = arith.addf %add3A_930, %mul3A_1116 : vector<16xf32>
        %get3A_1118 = arith.constant 2 : i32
        %get3A_1119 = arith.constant 0 : i32
        %get3A_1120 = arith.constant 0 : i32
        %get3A_1121 = tpu.memref_slice %arg5[%get3A_1118, %get3A_1119, %get3A_1120] : memref<4x64x256xf32, #tpu.memory_space<vmem>> -> memref<1x64x256xf32, #tpu.memory_space<vmem>>
        %get3A_1122 = tpu.memref_squeeze %get3A_1121 : memref<1x64x256xf32, #tpu.memory_space<vmem>> -> memref<64x256xf32, #tpu.memory_space<vmem>>
        %get3A_1123 = arith.index_cast %add3A_1097 : i32 to index
        %get3A_1124 = arith.constant 16 : index
        %get3A_1125 = tpu.vector_load %get3A_1122[%get3A_1123, %get3A_1124] {strides = array<i32>} : memref<64x256xf32, #tpu.memory_space<vmem>>, vector<1x16xf32>,
        %get3A_1126 = vector.shape_cast %get3A_1125 : vector<1x16xf32> to vector<16xf32>
        %mul3A_1127 = arith.mulf %get3A_1126, %get3A_1106 : vector<16xf32>
        %add3A_1128 = arith.addf %add3A_941, %mul3A_1127 : vector<16xf32>
        %get3A_1129 = arith.constant 2 : i32
        %get3A_1130 = arith.constant 0 : i32
        %get3A_1131 = arith.constant 0 : i32
        %get3A_1132 = tpu.memref_slice %arg5[%get3A_1129, %get3A_1130, %get3A_1131] : memref<4x64x256xf32, #tpu.memory_space<vmem>> -> memref<1x64x256xf32, #tpu.memory_space<vmem>>
        %get3A_1133 = tpu.memref_squeeze %get3A_1132 : memref<1x64x256xf32, #tpu.memory_space<vmem>> -> memref<64x256xf32, #tpu.memory_space<vmem>>
        %get3A_1134 = arith.index_cast %add3A_1097 : i32 to index
        %get3A_1135 = arith.constant 32 : index
        %get3A_1136 = tpu.vector_load %get3A_1133[%get3A_1134, %get3A_1135] {strides = array<i32>} : memref<64x256xf32, #tpu.memory_space<vmem>>, vector<1x16xf32>,
        %get3A_1137 = vector.shape_cast %get3A_1136 : vector<1x16xf32> to vector<16xf32>
        %mul3A_1138 = arith.mulf %get3A_1137, %get3A_1106 : vector<16xf32>
        %add3A_1139 = arith.addf %add3A_952, %mul3A_1138 : vector<16xf32>
        %get3A_1140 = arith.constant 2 : i32
        %get3A_1141 = arith.constant 0 : i32
        %get3A_1142 = arith.constant 0 : i32
        %get3A_1143 = tpu.memref_slice %arg5[%get3A_1140, %get3A_1141, %get3A_1142] : memref<4x64x256xf32, #tpu.memory_space<vmem>> -> memref<1x64x256xf32, #tpu.memory_space<vmem>>
        %get3A_1144 = tpu.memref_squeeze %get3A_1143 : memref<1x64x256xf32, #tpu.memory_space<vmem>> -> memref<64x256xf32, #tpu.memory_space<vmem>>
        %get3A_1145 = arith.index_cast %add3A_1097 : i32 to index
        %get3A_1146 = arith.constant 48 : index
        %get3A_1147 = tpu.vector_load %get3A_1144[%get3A_1145, %get3A_1146] {strides = array<i32>} : memref<64x256xf32, #tpu.memory_space<vmem>>, vector<1x16xf32>,
        %get3A_1148 = vector.shape_cast %get3A_1147 : vector<1x16xf32> to vector<16xf32>
        %mul3A_1149 = arith.mulf %get3A_1148, %get3A_1106 : vector<16xf32>
        %add3A_1150 = arith.addf %add3A_963, %mul3A_1149 : vector<16xf32>
        %get3A_1151 = arith.constant 2 : i32
        %get3A_1152 = arith.constant 0 : i32
        %get3A_1153 = arith.constant 0 : i32
        %get3A_1154 = tpu.memref_slice %arg5[%get3A_1151, %get3A_1152, %get3A_1153] : memref<4x64x256xf32, #tpu.memory_space<vmem>> -> memref<1x64x256xf32, #tpu.memory_space<vmem>>
        %get3A_1155 = tpu.memref_squeeze %get3A_1154 : memref<1x64x256xf32, #tpu.memory_space<vmem>> -> memref<64x256xf32, #tpu.memory_space<vmem>>
        %get3A_1156 = arith.index_cast %add3A_1097 : i32 to index
        %get3A_1157 = arith.constant 64 : index
        %get3A_1158 = tpu.vector_load %get3A_1155[%get3A_1156, %get3A_1157] {strides = array<i32>} : memref<64x256xf32, #tpu.memory_space<vmem>>, vector<1x16xf32>,
        %get3A_1159 = vector.shape_cast %get3A_1158 : vector<1x16xf32> to vector<16xf32>
        %mul3A_1160 = arith.mulf %get3A_1159, %get3A_1106 : vector<16xf32>
        %add3A_1161 = arith.addf %add3A_974, %mul3A_1160 : vector<16xf32>
        %get3A_1162 = arith.constant 2 : i32
        %get3A_1163 = arith.constant 0 : i32
        %get3A_1164 = arith.constant 0 : i32
        %get3A_1165 = tpu.memref_slice %arg5[%get3A_1162, %get3A_1163, %get3A_1164] : memref<4x64x256xf32, #tpu.memory_space<vmem>> -> memref<1x64x256xf32, #tpu.memory_space<vmem>>
        %get3A_1166 = tpu.memref_squeeze %get3A_1165 : memref<1x64x256xf32, #tpu.memory_space<vmem>> -> memref<64x256xf32, #tpu.memory_space<vmem>>
        %get3A_1167 = arith.index_cast %add3A_1097 : i32 to index
        %get3A_1168 = arith.constant 80 : index
        %get3A_1169 = tpu.vector_load %get3A_1166[%get3A_1167, %get3A_1168] {strides = array<i32>} : memref<64x256xf32, #tpu.memory_space<vmem>>, vector<1x16xf32>,
        %get3A_1170 = vector.shape_cast %get3A_1169 : vector<1x16xf32> to vector<16xf32>
        %mul3A_1171 = arith.mulf %get3A_1170, %get3A_1106 : vector<16xf32>
        %add3A_1172 = arith.addf %add3A_985, %mul3A_1171 : vector<16xf32>
        %get3A_1173 = arith.constant 2 : i32
        %get3A_1174 = arith.constant 0 : i32
        %get3A_1175 = arith.constant 0 : i32
        %get3A_1176 = tpu.memref_slice %arg5[%get3A_1173, %get3A_1174, %get3A_1175] : memref<4x64x256xf32, #tpu.memory_space<vmem>> -> memref<1x64x256xf32, #tpu.memory_space<vmem>>
        %get3A_1177 = tpu.memref_squeeze %get3A_1176 : memref<1x64x256xf32, #tpu.memory_space<vmem>> -> memref<64x256xf32, #tpu.memory_space<vmem>>
        %get3A_1178 = arith.index_cast %add3A_1097 : i32 to index
        %get3A_1179 = arith.constant 96 : index
        %get3A_1180 = tpu.vector_load %get3A_1177[%get3A_1178, %get3A_1179] {strides = array<i32>} : memref<64x256xf32, #tpu.memory_space<vmem>>, vector<1x16xf32>,
        %get3A_1181 = vector.shape_cast %get3A_1180 : vector<1x16xf32> to vector<16xf32>
        %mul3A_1182 = arith.mulf %get3A_1181, %get3A_1106 : vector<16xf32>
        %add3A_1183 = arith.addf %add3A_996, %mul3A_1182 : vector<16xf32>
        %get3A_1184 = arith.constant 2 : i32
        %get3A_1185 = arith.constant 0 : i32
        %get3A_1186 = arith.constant 0 : i32
        %get3A_1187 = tpu.memref_slice %arg5[%get3A_1184, %get3A_1185, %get3A_1186] : memref<4x64x256xf32, #tpu.memory_space<vmem>> -> memref<1x64x256xf32, #tpu.memory_space<vmem>>
        %get3A_1188 = tpu.memref_squeeze %get3A_1187 : memref<1x64x256xf32, #tpu.memory_space<vmem>> -> memref<64x256xf32, #tpu.memory_space<vmem>>
        %get3A_1189 = arith.index_cast %add3A_1097 : i32 to index
        %get3A_1190 = arith.constant 112 : index
        %get3A_1191 = tpu.vector_load %get3A_1188[%get3A_1189, %get3A_1190] {strides = array<i32>} : memref<64x256xf32, #tpu.memory_space<vmem>>, vector<1x16xf32>,
        %get3A_1192 = vector.shape_cast %get3A_1191 : vector<1x16xf32> to vector<16xf32>
        %mul3A_1193 = arith.mulf %get3A_1192, %get3A_1106 : vector<16xf32>
        %add3A_1194 = arith.addf %add3A_1007, %mul3A_1193 : vector<16xf32>
        %get3A_1195 = arith.constant 2 : i32
        %get3A_1196 = arith.constant 0 : i32
        %get3A_1197 = arith.constant 0 : i32
        %get3A_1198 = tpu.memref_slice %arg5[%get3A_1195, %get3A_1196, %get3A_1197] : memref<4x64x256xf32, #tpu.memory_space<vmem>> -> memref<1x64x256xf32, #tpu.memory_space<vmem>>
        %get3A_1199 = tpu.memref_squeeze %get3A_1198 : memref<1x64x256xf32, #tpu.memory_space<vmem>> -> memref<64x256xf32, #tpu.memory_space<vmem>>
        %get3A_1200 = arith.index_cast %add3A_1097 : i32 to index
        %get3A_1201 = arith.constant 128 : index
        %get3A_1202 = tpu.vector_load %get3A_1199[%get3A_1200, %get3A_1201] {strides = array<i32>} : memref<64x256xf32, #tpu.memory_space<vmem>>, vector<1x16xf32>,
        %get3A_1203 = vector.shape_cast %get3A_1202 : vector<1x16xf32> to vector<16xf32>
        %mul3A_1204 = arith.mulf %get3A_1203, %get3A_1106 : vector<16xf32>
        %add3A_1205 = arith.addf %add3A_1018, %mul3A_1204 : vector<16xf32>
        %get3A_1206 = arith.constant 2 : i32
        %get3A_1207 = arith.constant 0 : i32
        %get3A_1208 = arith.constant 0 : i32
        %get3A_1209 = tpu.memref_slice %arg5[%get3A_1206, %get3A_1207, %get3A_1208] : memref<4x64x256xf32, #tpu.memory_space<vmem>> -> memref<1x64x256xf32, #tpu.memory_space<vmem>>
        %get3A_1210 = tpu.memref_squeeze %get3A_1209 : memref<1x64x256xf32, #tpu.memory_space<vmem>> -> memref<64x256xf32, #tpu.memory_space<vmem>>
        %get3A_1211 = arith.index_cast %add3A_1097 : i32 to index
        %get3A_1212 = arith.constant 144 : index
        %get3A_1213 = tpu.vector_load %get3A_1210[%get3A_1211, %get3A_1212] {strides = array<i32>} : memref<64x256xf32, #tpu.memory_space<vmem>>, vector<1x16xf32>,
        %get3A_1214 = vector.shape_cast %get3A_1213 : vector<1x16xf32> to vector<16xf32>
        %mul3A_1215 = arith.mulf %get3A_1214, %get3A_1106 : vector<16xf32>
        %add3A_1216 = arith.addf %add3A_1029, %mul3A_1215 : vector<16xf32>
        %get3A_1217 = arith.constant 2 : i32
        %get3A_1218 = arith.constant 0 : i32
        %get3A_1219 = arith.constant 0 : i32
        %get3A_1220 = tpu.memref_slice %arg5[%get3A_1217, %get3A_1218, %get3A_1219] : memref<4x64x256xf32, #tpu.memory_space<vmem>> -> memref<1x64x256xf32, #tpu.memory_space<vmem>>
        %get3A_1221 = tpu.memref_squeeze %get3A_1220 : memref<1x64x256xf32, #tpu.memory_space<vmem>> -> memref<64x256xf32, #tpu.memory_space<vmem>>
        %get3A_1222 = arith.index_cast %add3A_1097 : i32 to index
        %get3A_1223 = arith.constant 160 : index
        %get3A_1224 = tpu.vector_load %get3A_1221[%get3A_1222, %get3A_1223] {strides = array<i32>} : memref<64x256xf32, #tpu.memory_space<vmem>>, vector<1x16xf32>,
        %get3A_1225 = vector.shape_cast %get3A_1224 : vector<1x16xf32> to vector<16xf32>
        %mul3A_1226 = arith.mulf %get3A_1225, %get3A_1106 : vector<16xf32>
        %add3A_1227 = arith.addf %add3A_1040, %mul3A_1226 : vector<16xf32>
        %get3A_1228 = arith.constant 2 : i32
        %get3A_1229 = arith.constant 0 : i32
        %get3A_1230 = arith.constant 0 : i32
        %get3A_1231 = tpu.memref_slice %arg5[%get3A_1228, %get3A_1229, %get3A_1230] : memref<4x64x256xf32, #tpu.memory_space<vmem>> -> memref<1x64x256xf32, #tpu.memory_space<vmem>>
        %get3A_1232 = tpu.memref_squeeze %get3A_1231 : memref<1x64x256xf32, #tpu.memory_space<vmem>> -> memref<64x256xf32, #tpu.memory_space<vmem>>
        %get3A_1233 = arith.index_cast %add3A_1097 : i32 to index
        %get3A_1234 = arith.constant 176 : index
        %get3A_1235 = tpu.vector_load %get3A_1232[%get3A_1233, %get3A_1234] {strides = array<i32>} : memref<64x256xf32, #tpu.memory_space<vmem>>, vector<1x16xf32>,
        %get3A_1236 = vector.shape_cast %get3A_1235 : vector<1x16xf32> to vector<16xf32>
        %mul3A_1237 = arith.mulf %get3A_1236, %get3A_1106 : vector<16xf32>
        %add3A_1238 = arith.addf %add3A_1051, %mul3A_1237 : vector<16xf32>
        %get3A_1239 = arith.constant 2 : i32
        %get3A_1240 = arith.constant 0 : i32
        %get3A_1241 = arith.constant 0 : i32
        %get3A_1242 = tpu.memref_slice %arg5[%get3A_1239, %get3A_1240, %get3A_1241] : memref<4x64x256xf32, #tpu.memory_space<vmem>> -> memref<1x64x256xf32, #tpu.memory_space<vmem>>
        %get3A_1243 = tpu.memref_squeeze %get3A_1242 : memref<1x64x256xf32, #tpu.memory_space<vmem>> -> memref<64x256xf32, #tpu.memory_space<vmem>>
        %get3A_1244 = arith.index_cast %add3A_1097 : i32 to index
        %get3A_1245 = arith.constant 192 : index
        %get3A_1246 = tpu.vector_load %get3A_1243[%get3A_1244, %get3A_1245] {strides = array<i32>} : memref<64x256xf32, #tpu.memory_space<vmem>>, vector<1x16xf32>,
        %get3A_1247 = vector.shape_cast %get3A_1246 : vector<1x16xf32> to vector<16xf32>
        %mul3A_1248 = arith.mulf %get3A_1247, %get3A_1106 : vector<16xf32>
        %add3A_1249 = arith.addf %add3A_1062, %mul3A_1248 : vector<16xf32>
        %get3A_1250 = arith.constant 2 : i32
        %get3A_1251 = arith.constant 0 : i32
        %get3A_1252 = arith.constant 0 : i32
        %get3A_1253 = tpu.memref_slice %arg5[%get3A_1250, %get3A_1251, %get3A_1252] : memref<4x64x256xf32, #tpu.memory_space<vmem>> -> memref<1x64x256xf32, #tpu.memory_space<vmem>>
        %get3A_1254 = tpu.memref_squeeze %get3A_1253 : memref<1x64x256xf32, #tpu.memory_space<vmem>> -> memref<64x256xf32, #tpu.memory_space<vmem>>
        %get3A_1255 = arith.index_cast %add3A_1097 : i32 to index
        %get3A_1256 = arith.constant 208 : index
        %get3A_1257 = tpu.vector_load %get3A_1254[%get3A_1255, %get3A_1256] {strides = array<i32>} : memref<64x256xf32, #tpu.memory_space<vmem>>, vector<1x16xf32>,
        %get3A_1258 = vector.shape_cast %get3A_1257 : vector<1x16xf32> to vector<16xf32>
        %mul3A_1259 = arith.mulf %get3A_1258, %get3A_1106 : vector<16xf32>
        %add3A_1260 = arith.addf %add3A_1073, %mul3A_1259 : vector<16xf32>
        %get3A_1261 = arith.constant 2 : i32
        %get3A_1262 = arith.constant 0 : i32
        %get3A_1263 = arith.constant 0 : i32
        %get3A_1264 = tpu.memref_slice %arg5[%get3A_1261, %get3A_1262, %get3A_1263] : memref<4x64x256xf32, #tpu.memory_space<vmem>> -> memref<1x64x256xf32, #tpu.memory_space<vmem>>
        %get3A_1265 = tpu.memref_squeeze %get3A_1264 : memref<1x64x256xf32, #tpu.memory_space<vmem>> -> memref<64x256xf32, #tpu.memory_space<vmem>>
        %get3A_1266 = arith.index_cast %add3A_1097 : i32 to index
        %get3A_1267 = arith.constant 224 : index
        %get3A_1268 = tpu.vector_load %get3A_1265[%get3A_1266, %get3A_1267] {strides = array<i32>} : memref<64x256xf32, #tpu.memory_space<vmem>>, vector<1x16xf32>,
        %get3A_1269 = vector.shape_cast %get3A_1268 : vector<1x16xf32> to vector<16xf32>
        %mul3A_1270 = arith.mulf %get3A_1269, %get3A_1106 : vector<16xf32>
        %add3A_1271 = arith.addf %add3A_1084, %mul3A_1270 : vector<16xf32>
        %get3A_1272 = arith.constant 2 : i32
        %get3A_1273 = arith.constant 0 : i32
        %get3A_1274 = arith.constant 0 : i32
        %get3A_1275 = tpu.memref_slice %arg5[%get3A_1272, %get3A_1273, %get3A_1274] : memref<4x64x256xf32, #tpu.memory_space<vmem>> -> memref<1x64x256xf32, #tpu.memory_space<vmem>>
        %get3A_1276 = tpu.memref_squeeze %get3A_1275 : memref<1x64x256xf32, #tpu.memory_space<vmem>> -> memref<64x256xf32, #tpu.memory_space<vmem>>
        %get3A_1277 = arith.index_cast %add3A_1097 : i32 to index
        %get3A_1278 = arith.constant 240 : index
        %get3A_1279 = tpu.vector_load %get3A_1276[%get3A_1277, %get3A_1278] {strides = array<i32>} : memref<64x256xf32, #tpu.memory_space<vmem>>, vector<1x16xf32>,
        %get3A_1280 = vector.shape_cast %get3A_1279 : vector<1x16xf32> to vector<16xf32>
        %mul3A_1281 = arith.mulf %get3A_1280, %get3A_1106 : vector<16xf32>
        %add3A_1282 = arith.addf %add3A_1095, %mul3A_1281 : vector<16xf32>
        scf.yield %add3A_1117, %add3A_1128, %add3A_1139, %add3A_1150, %add3A_1161, %add3A_1172, %add3A_1183, %add3A_1194, %add3A_1205, %add3A_1216, %add3A_1227, %add3A_1238, %add3A_1249, %add3A_1260, %add3A_1271, %add3A_1282 : vector<16xf32>, vector<16xf32>, vector<16xf32>, vector<16xf32>, vector<16xf32>, vector<16xf32>, vector<16xf32>, vector<16xf32>, vector<16xf32>, vector<16xf32>, vector<16xf32>, vector<16xf32>, vector<16xf32>, vector<16xf32>, vector<16xf32>, vector<16xf32>
      }
      %scan3A_454 = arith.constant 16 : i32
      %add3A_455 = arith.constant 4 : i32
      %add3A_456 = arith.addi %add3A_410, %add3A_455 : i32
      %lt3A_457 = arith.constant 16 : i32
      %lt3A_458 = arith.cmpi slt, %add3A_456, %lt3A_457 : i32
      %convert_element_type3A_459 = arith.extui %lt3A_458 : i1 to i32
      %cond3A_460 = arith.constant 0 : i32
      %cond3A_461 = arith.cmpi ne, %convert_element_type3A_459, %cond3A_460 : i32
      scf.if %cond3A_461 {
        %add3A_517 = arith.constant 4 : i32
        %add3A_518 = arith.addi %add3A_410, %add3A_517 : i32
        %mul3A_519 = arith.constant 64 : i32
        %mul3A_520 = arith.muli %add3A_518, %mul3A_519 : i32
        %dma_start3A_521 = arith.constant 2 : i32
        %dma_start3A_522 = arith.constant 2 : i32
        %dma_start3A_523 = arith.constant 0 : i32
        %dma_start3A_524 = arith.constant 0 : i32
        %dma_start3A_525 = tpu.memref_slice %arg5[%dma_start3A_521, %dma_start3A_523, %dma_start3A_524] : memref<4x64x256xf32, #tpu.memory_space<vmem>> -> memref<1x64x256xf32, #tpu.memory_space<vmem>>
        %dma_start3A_526 = tpu.memref_squeeze %dma_start3A_525 : memref<1x64x256xf32, #tpu.memory_space<vmem>> -> memref<64x256xf32, #tpu.memory_space<vmem>>
        %dma_start3A_527 = tpu.memref_slice %arg2[%select_n3A, %mul3A_520, %mul3A_32] : memref<4x4096x2048xf32, #tpu.memory_space<hbm>> -> memref<1x64x256xf32, #tpu.memory_space<hbm>>
        %dma_start3A_528 = tpu.memref_squeeze %dma_start3A_527 : memref<1x64x256xf32, #tpu.memory_space<hbm>> -> memref<64x256xf32, #tpu.memory_space<hbm>>
        %dma_start3A_529 = tpu.memref_slice %arg8[%dma_start3A_522] : memref<4x!tpu.dma_semaphore, #tpu.memory_space<semaphore_mem>> -> memref<1x!tpu.dma_semaphore, #tpu.memory_space<semaphore_mem>>
        %dma_start3A_530 = tpu.memref_squeeze %dma_start3A_529 : memref<1x!tpu.dma_semaphore, #tpu.memory_space<semaphore_mem>> -> memref<!tpu.dma_semaphore, #tpu.memory_space<semaphore_mem>>
        %dma_start3A_531 = arith.constant 0 : i32
        %dma_start3A_532 = arith.constant 0 : i32
        %dma_start3A_533 = tpu.memref_slice %arg5[%dma_start3A_521, %dma_start3A_531, %dma_start3A_532] : memref<4x64x256xf32, #tpu.memory_space<vmem>> -> memref<1x64x256xf32, #tpu.memory_space<vmem>>
        %dma_start3A_534 = tpu.memref_squeeze %dma_start3A_533 : memref<1x64x256xf32, #tpu.memory_space<vmem>> -> memref<64x256xf32, #tpu.memory_space<vmem>>
        %dma_start3A_535 = tpu.memref_slice %arg2[%select_n3A, %mul3A_520, %mul3A_32] : memref<4x4096x2048xf32, #tpu.memory_space<hbm>> -> memref<1x64x256xf32, #tpu.memory_space<hbm>>
        %dma_start3A_536 = tpu.memref_squeeze %dma_start3A_535 : memref<1x64x256xf32, #tpu.memory_space<hbm>> -> memref<64x256xf32, #tpu.memory_space<hbm>>
        tpu.enqueue_dma source(%dma_start3A_536 : memref<64x256xf32, #tpu.memory_space<hbm>>) target(%dma_start3A_534 : memref<64x256xf32, #tpu.memory_space<vmem>>) target_semaphore(%dma_start3A_530 : memref<!tpu.dma_semaphore, #tpu.memory_space<semaphore_mem>>)
        %add3A_537 = arith.constant 4 : i32
        %add3A_538 = arith.addi %add3A_410, %add3A_537 : i32
        %mul3A_539 = arith.constant 64 : i32
        %mul3A_540 = arith.muli %add3A_538, %mul3A_539 : i32
        %dma_start3A_541 = arith.constant 2 : i32
        %dma_start3A_542 = arith.constant 2 : i32
        %dma_start3A_543 = arith.constant 0 : i32
        %dma_start3A_544 = arith.constant 0 : i32
        %dma_start3A_545 = tpu.memref_slice %arg6[%dma_start3A_541, %dma_start3A_543, %dma_start3A_544] : memref<4x64x16xf32, #tpu.memory_space<vmem>> -> memref<1x64x16xf32, #tpu.memory_space<vmem>>
        %dma_start3A_546 = tpu.memref_squeeze %dma_start3A_545 : memref<1x64x16xf32, #tpu.memory_space<vmem>> -> memref<64x16xf32, #tpu.memory_space<vmem>>
        %dma_start3A_547 = arith.constant 0 : i32
        %dma_start3A_548 = tpu.memref_slice %arg3[%select_n3A, %mul3A_540, %dma_start3A_547] : memref<4x1024x16xf32, #tpu.memory_space<hbm>> -> memref<1x64x16xf32, #tpu.memory_space<hbm>>
        %dma_start3A_549 = tpu.memref_squeeze %dma_start3A_548 : memref<1x64x16xf32, #tpu.memory_space<hbm>> -> memref<64x16xf32, #tpu.memory_space<hbm>>
        %dma_start3A_550 = tpu.memref_slice %arg9[%dma_start3A_542] : memref<4x!tpu.dma_semaphore, #tpu.memory_space<semaphore_mem>> -> memref<1x!tpu.dma_semaphore, #tpu.memory_space<semaphore_mem>>
        %dma_start3A_551 = tpu.memref_squeeze %dma_start3A_550 : memref<1x!tpu.dma_semaphore, #tpu.memory_space<semaphore_mem>> -> memref<!tpu.dma_semaphore, #tpu.memory_space<semaphore_mem>>
        %dma_start3A_552 = arith.constant 0 : i32
        %dma_start3A_553 = arith.constant 0 : i32
        %dma_start3A_554 = tpu.memref_slice %arg6[%dma_start3A_541, %dma_start3A_552, %dma_start3A_553] : memref<4x64x16xf32, #tpu.memory_space<vmem>> -> memref<1x64x16xf32, #tpu.memory_space<vmem>>
        %dma_start3A_555 = tpu.memref_squeeze %dma_start3A_554 : memref<1x64x16xf32, #tpu.memory_space<vmem>> -> memref<64x16xf32, #tpu.memory_space<vmem>>
        %dma_start3A_556 = arith.constant 0 : i32
        %dma_start3A_557 = tpu.memref_slice %arg3[%select_n3A, %mul3A_540, %dma_start3A_556] : memref<4x1024x16xf32, #tpu.memory_space<hbm>> -> memref<1x64x16xf32, #tpu.memory_space<hbm>>
        %dma_start3A_558 = tpu.memref_squeeze %dma_start3A_557 : memref<1x64x16xf32, #tpu.memory_space<hbm>> -> memref<64x16xf32, #tpu.memory_space<hbm>>
        tpu.enqueue_dma source(%dma_start3A_558 : memref<64x16xf32, #tpu.memory_space<hbm>>) target(%dma_start3A_555 : memref<64x16xf32, #tpu.memory_space<vmem>>) target_semaphore(%dma_start3A_551 : memref<!tpu.dma_semaphore, #tpu.memory_space<semaphore_mem>>)
      } else {
      }
      %mul3A_462 = arith.constant 4 : i32
      %mul3A_463 = arith.muli %scan3A_283, %mul3A_462 : i32
      %add3A_464 = arith.constant 3 : i32
      %add3A_465 = arith.addi %mul3A_463, %add3A_464 : i32
      %mul3A_466 = arith.constant 64 : i32
      %mul3A_467 = arith.muli %add3A_465, %mul3A_466 : i32
      %dma_wait3A_468 = arith.constant 3 : i32
      %dma_wait3A_469 = arith.constant 3 : i32
      %dma_wait3A_470 = arith.constant 0 : i32
      %dma_wait3A_471 = arith.constant 0 : i32
      %dma_wait3A_472 = tpu.memref_slice %arg5[%dma_wait3A_468, %dma_wait3A_470, %dma_wait3A_471] : memref<4x64x256xf32, #tpu.memory_space<vmem>> -> memref<1x64x256xf32, #tpu.memory_space<vmem>>
      %dma_wait3A_473 = tpu.memref_squeeze %dma_wait3A_472 : memref<1x64x256xf32, #tpu.memory_space<vmem>> -> memref<64x256xf32, #tpu.memory_space<vmem>>
      %dma_wait3A_474 = tpu.memref_slice %arg2[%select_n3A, %mul3A_467, %mul3A_32] : memref<4x4096x2048xf32, #tpu.memory_space<hbm>> -> memref<1x64x256xf32, #tpu.memory_space<hbm>>
      %dma_wait3A_475 = tpu.memref_squeeze %dma_wait3A_474 : memref<1x64x256xf32, #tpu.memory_space<hbm>> -> memref<64x256xf32, #tpu.memory_space<hbm>>
      %dma_wait3A_476 = tpu.memref_slice %arg8[%dma_wait3A_469] : memref<4x!tpu.dma_semaphore, #tpu.memory_space<semaphore_mem>> -> memref<1x!tpu.dma_semaphore, #tpu.memory_space<semaphore_mem>>
      %dma_wait3A_477 = tpu.memref_squeeze %dma_wait3A_476 : memref<1x!tpu.dma_semaphore, #tpu.memory_space<semaphore_mem>> -> memref<!tpu.dma_semaphore, #tpu.memory_space<semaphore_mem>>
      %dma_wait3A_478 = arith.constant 0 : i32
      %dma_wait3A_479 = arith.constant 0 : i32
      %dma_wait3A_480 = tpu.memref_slice %arg5[%dma_wait3A_468, %dma_wait3A_478, %dma_wait3A_479] : memref<4x64x256xf32, #tpu.memory_space<vmem>> -> memref<1x64x256xf32, #tpu.memory_space<vmem>>
      %dma_wait3A_481 = tpu.memref_squeeze %dma_wait3A_480 : memref<1x64x256xf32, #tpu.memory_space<vmem>> -> memref<64x256xf32, #tpu.memory_space<vmem>>
      %dma_wait3A_482 = tpu.memref_slice %arg2[%select_n3A, %mul3A_467, %mul3A_32] : memref<4x4096x2048xf32, #tpu.memory_space<hbm>> -> memref<1x64x256xf32, #tpu.memory_space<hbm>>
      %dma_wait3A_483 = tpu.memref_squeeze %dma_wait3A_482 : memref<1x64x256xf32, #tpu.memory_space<hbm>> -> memref<64x256xf32, #tpu.memory_space<hbm>>
      tpu.wait_dma2 semaphore(%dma_wait3A_477 : memref<!tpu.dma_semaphore, #tpu.memory_space<semaphore_mem>>) src(%dma_wait3A_483 : memref<64x256xf32, #tpu.memory_space<hbm>>) dst(%dma_wait3A_481 : memref<64x256xf32, #tpu.memory_space<vmem>>)
      %mul3A_484 = arith.constant 64 : i32
      %mul3A_485 = arith.muli %add3A_465, %mul3A_484 : i32
      %dma_wait3A_486 = arith.constant 3 : i32
      %dma_wait3A_487 = arith.constant 3 : i32
      %dma_wait3A_488 = arith.constant 0 : i32
      %dma_wait3A_489 = arith.constant 0 : i32
      %dma_wait3A_490 = tpu.memref_slice %arg6[%dma_wait3A_486, %dma_wait3A_488, %dma_wait3A_489] : memref<4x64x16xf32, #tpu.memory_space<vmem>> -> memref<1x64x16xf32, #tpu.memory_space<vmem>>
      %dma_wait3A_491 = tpu.memref_squeeze %dma_wait3A_490 : memref<1x64x16xf32, #tpu.memory_space<vmem>> -> memref<64x16xf32, #tpu.memory_space<vmem>>
      %dma_wait3A_492 = arith.constant 0 : i32
      %dma_wait3A_493 = tpu.memref_slice %arg3[%select_n3A, %mul3A_485, %dma_wait3A_492] : memref<4x1024x16xf32, #tpu.memory_space<hbm>> -> memref<1x64x16xf32, #tpu.memory_space<hbm>>
      %dma_wait3A_494 = tpu.memref_squeeze %dma_wait3A_493 : memref<1x64x16xf32, #tpu.memory_space<hbm>> -> memref<64x16xf32, #tpu.memory_space<hbm>>
      %dma_wait3A_495 = tpu.memref_slice %arg9[%dma_wait3A_487] : memref<4x!tpu.dma_semaphore, #tpu.memory_space<semaphore_mem>> -> memref<1x!tpu.dma_semaphore, #tpu.memory_space<semaphore_mem>>
      %dma_wait3A_496 = tpu.memref_squeeze %dma_wait3A_495 : memref<1x!tpu.dma_semaphore, #tpu.memory_space<semaphore_mem>> -> memref<!tpu.dma_semaphore, #tpu.memory_space<semaphore_mem>>
      %dma_wait3A_497 = arith.constant 0 : i32
      %dma_wait3A_498 = arith.constant 0 : i32
      %dma_wait3A_499 = tpu.memref_slice %arg6[%dma_wait3A_486, %dma_wait3A_497, %dma_wait3A_498] : memref<4x64x16xf32, #tpu.memory_space<vmem>> -> memref<1x64x16xf32, #tpu.memory_space<vmem>>
      %dma_wait3A_500 = tpu.memref_squeeze %dma_wait3A_499 : memref<1x64x16xf32, #tpu.memory_space<vmem>> -> memref<64x16xf32, #tpu.memory_space<vmem>>
      %dma_wait3A_501 = arith.constant 0 : i32
      %dma_wait3A_502 = tpu.memref_slice %arg3[%select_n3A, %mul3A_485, %dma_wait3A_501] : memref<4x1024x16xf32, #tpu.memory_space<hbm>> -> memref<1x64x16xf32, #tpu.memory_space<hbm>>
      %dma_wait3A_503 = tpu.memref_squeeze %dma_wait3A_502 : memref<1x64x16xf32, #tpu.memory_space<hbm>> -> memref<64x16xf32, #tpu.memory_space<hbm>>
      tpu.wait_dma2 semaphore(%dma_wait3A_496 : memref<!tpu.dma_semaphore, #tpu.memory_space<semaphore_mem>>) src(%dma_wait3A_503 : memref<64x16xf32, #tpu.memory_space<hbm>>) dst(%dma_wait3A_500 : memref<64x16xf32, #tpu.memory_space<vmem>>)
      %scan3A_504 = arith.constant 0 : i32
      %scan3A_505 = arith.constant 16 : i32
      %scan3A_506 = arith.addi %scan3A_504, %scan3A_505 : i32
      %scan3A_507 = arith.constant 1 : i32
      %scan3A_508:16 = scf.for %scan3A_517 = %scan3A_504 to %scan3A_506 step %scan3A_507 iter_args(%scan3A_518 = %scan3A_453#0, %scan3A_519 = %scan3A_453#1, %scan3A_520 = %scan3A_453#2, %scan3A_521 = %scan3A_453#3, %scan3A_522 = %scan3A_453#4, %scan3A_523 = %scan3A_453#5, %scan3A_524 = %scan3A_453#6, %scan3A_525 = %scan3A_453#7, %scan3A_526 = %scan3A_453#8, %scan3A_527 = %scan3A_453#9, %scan3A_528 = %scan3A_453#10, %scan3A_529 = %scan3A_453#11, %scan3A_530 = %scan3A_453#12, %scan3A_531 = %scan3A_453#13, %scan3A_532 = %scan3A_453#14, %scan3A_533 = %scan3A_453#15) -> (vector<16xf32>, vector<16xf32>, vector<16xf32>, vector<16xf32>, vector<16xf32>, vector<16xf32>, vector<16xf32>, vector<16xf32>, vector<16xf32>, vector<16xf32>, vector<16xf32>, vector<16xf32>, vector<16xf32>, vector<16xf32>, vector<16xf32>, vector<16xf32>)  : i32 {
        %mul3A_534 = arith.constant 4 : i32
        %mul3A_535 = arith.muli %scan3A_517, %mul3A_534 : i32
        %add3A_536 = arith.constant 0 : i32
        %add3A_537 = arith.addi %mul3A_535, %add3A_536 : i32
        %get3A = arith.constant 3 : i32
        %get3A_538 = arith.constant 0 : i32
        %get3A_539 = arith.constant 0 : i32
        %get3A_540 = tpu.memref_slice %arg6[%get3A, %get3A_538, %get3A_539] : memref<4x64x16xf32, #tpu.memory_space<vmem>> -> memref<1x64x16xf32, #tpu.memory_space<vmem>>
        %get3A_541 = tpu.memref_squeeze %get3A_540 : memref<1x64x16xf32, #tpu.memory_space<vmem>> -> memref<64x16xf32, #tpu.memory_space<vmem>>
        %get3A_542 = arith.index_cast %add3A_537 : i32 to index
        %get3A_543 = arith.constant 0 : index
        %get3A_544 = tpu.vector_load %get3A_541[%get3A_542, %get3A_543] {strides = array<i32>} : memref<64x16xf32, #tpu.memory_space<vmem>>, vector<1x16xf32>,
        %get3A_545 = vector.shape_cast %get3A_544 : vector<1x16xf32> to vector<16xf32>
        %get3A_546 = arith.constant 3 : i32
        %get3A_547 = arith.constant 0 : i32
        %get3A_548 = arith.constant 0 : i32
        %get3A_549 = tpu.memref_slice %arg5[%get3A_546, %get3A_547, %get3A_548] : memref<4x64x256xf32, #tpu.memory_space<vmem>> -> memref<1x64x256xf32, #tpu.memory_space<vmem>>
        %get3A_550 = tpu.memref_squeeze %get3A_549 : memref<1x64x256xf32, #tpu.memory_space<vmem>> -> memref<64x256xf32, #tpu.memory_space<vmem>>
        %get3A_551 = arith.index_cast %add3A_537 : i32 to index
        %get3A_552 = arith.constant 0 : index
        %get3A_553 = tpu.vector_load %get3A_550[%get3A_551, %get3A_552] {strides = array<i32>} : memref<64x256xf32, #tpu.memory_space<vmem>>, vector<1x16xf32>,
        %get3A_554 = vector.shape_cast %get3A_553 : vector<1x16xf32> to vector<16xf32>
        %mul3A_555 = arith.mulf %get3A_554, %get3A_545 : vector<16xf32>
        %add3A_556 = arith.addf %scan3A_518, %mul3A_555 : vector<16xf32>
        %get3A_557 = arith.constant 3 : i32
        %get3A_558 = arith.constant 0 : i32
        %get3A_559 = arith.constant 0 : i32
        %get3A_560 = tpu.memref_slice %arg5[%get3A_557, %get3A_558, %get3A_559] : memref<4x64x256xf32, #tpu.memory_space<vmem>> -> memref<1x64x256xf32, #tpu.memory_space<vmem>>
        %get3A_561 = tpu.memref_squeeze %get3A_560 : memref<1x64x256xf32, #tpu.memory_space<vmem>> -> memref<64x256xf32, #tpu.memory_space<vmem>>
        %get3A_562 = arith.index_cast %add3A_537 : i32 to index
        %get3A_563 = arith.constant 16 : index
        %get3A_564 = tpu.vector_load %get3A_561[%get3A_562, %get3A_563] {strides = array<i32>} : memref<64x256xf32, #tpu.memory_space<vmem>>, vector<1x16xf32>,
        %get3A_565 = vector.shape_cast %get3A_564 : vector<1x16xf32> to vector<16xf32>
        %mul3A_566 = arith.mulf %get3A_565, %get3A_545 : vector<16xf32>
        %add3A_567 = arith.addf %scan3A_519, %mul3A_566 : vector<16xf32>
        %get3A_568 = arith.constant 3 : i32
        %get3A_569 = arith.constant 0 : i32
        %get3A_570 = arith.constant 0 : i32
        %get3A_571 = tpu.memref_slice %arg5[%get3A_568, %get3A_569, %get3A_570] : memref<4x64x256xf32, #tpu.memory_space<vmem>> -> memref<1x64x256xf32, #tpu.memory_space<vmem>>
        %get3A_572 = tpu.memref_squeeze %get3A_571 : memref<1x64x256xf32, #tpu.memory_space<vmem>> -> memref<64x256xf32, #tpu.memory_space<vmem>>
        %get3A_573 = arith.index_cast %add3A_537 : i32 to index
        %get3A_574 = arith.constant 32 : index
        %get3A_575 = tpu.vector_load %get3A_572[%get3A_573, %get3A_574] {strides = array<i32>} : memref<64x256xf32, #tpu.memory_space<vmem>>, vector<1x16xf32>,
        %get3A_576 = vector.shape_cast %get3A_575 : vector<1x16xf32> to vector<16xf32>
        %mul3A_577 = arith.mulf %get3A_576, %get3A_545 : vector<16xf32>
        %add3A_578 = arith.addf %scan3A_520, %mul3A_577 : vector<16xf32>
        %get3A_579 = arith.constant 3 : i32
        %get3A_580 = arith.constant 0 : i32
        %get3A_581 = arith.constant 0 : i32
        %get3A_582 = tpu.memref_slice %arg5[%get3A_579, %get3A_580, %get3A_581] : memref<4x64x256xf32, #tpu.memory_space<vmem>> -> memref<1x64x256xf32, #tpu.memory_space<vmem>>
        %get3A_583 = tpu.memref_squeeze %get3A_582 : memref<1x64x256xf32, #tpu.memory_space<vmem>> -> memref<64x256xf32, #tpu.memory_space<vmem>>
        %get3A_584 = arith.index_cast %add3A_537 : i32 to index
        %get3A_585 = arith.constant 48 : index
        %get3A_586 = tpu.vector_load %get3A_583[%get3A_584, %get3A_585] {strides = array<i32>} : memref<64x256xf32, #tpu.memory_space<vmem>>, vector<1x16xf32>,
        %get3A_587 = vector.shape_cast %get3A_586 : vector<1x16xf32> to vector<16xf32>
        %mul3A_588 = arith.mulf %get3A_587, %get3A_545 : vector<16xf32>
        %add3A_589 = arith.addf %scan3A_521, %mul3A_588 : vector<16xf32>
        %get3A_590 = arith.constant 3 : i32
        %get3A_591 = arith.constant 0 : i32
        %get3A_592 = arith.constant 0 : i32
        %get3A_593 = tpu.memref_slice %arg5[%get3A_590, %get3A_591, %get3A_592] : memref<4x64x256xf32, #tpu.memory_space<vmem>> -> memref<1x64x256xf32, #tpu.memory_space<vmem>>
        %get3A_594 = tpu.memref_squeeze %get3A_593 : memref<1x64x256xf32, #tpu.memory_space<vmem>> -> memref<64x256xf32, #tpu.memory_space<vmem>>
        %get3A_595 = arith.index_cast %add3A_537 : i32 to index
        %get3A_596 = arith.constant 64 : index
        %get3A_597 = tpu.vector_load %get3A_594[%get3A_595, %get3A_596] {strides = array<i32>} : memref<64x256xf32, #tpu.memory_space<vmem>>, vector<1x16xf32>,
        %get3A_598 = vector.shape_cast %get3A_597 : vector<1x16xf32> to vector<16xf32>
        %mul3A_599 = arith.mulf %get3A_598, %get3A_545 : vector<16xf32>
        %add3A_600 = arith.addf %scan3A_522, %mul3A_599 : vector<16xf32>
        %get3A_601 = arith.constant 3 : i32
        %get3A_602 = arith.constant 0 : i32
        %get3A_603 = arith.constant 0 : i32
        %get3A_604 = tpu.memref_slice %arg5[%get3A_601, %get3A_602, %get3A_603] : memref<4x64x256xf32, #tpu.memory_space<vmem>> -> memref<1x64x256xf32, #tpu.memory_space<vmem>>
        %get3A_605 = tpu.memref_squeeze %get3A_604 : memref<1x64x256xf32, #tpu.memory_space<vmem>> -> memref<64x256xf32, #tpu.memory_space<vmem>>
        %get3A_606 = arith.index_cast %add3A_537 : i32 to index
        %get3A_607 = arith.constant 80 : index
        %get3A_608 = tpu.vector_load %get3A_605[%get3A_606, %get3A_607] {strides = array<i32>} : memref<64x256xf32, #tpu.memory_space<vmem>>, vector<1x16xf32>,
        %get3A_609 = vector.shape_cast %get3A_608 : vector<1x16xf32> to vector<16xf32>
        %mul3A_610 = arith.mulf %get3A_609, %get3A_545 : vector<16xf32>
        %add3A_611 = arith.addf %scan3A_523, %mul3A_610 : vector<16xf32>
        %get3A_612 = arith.constant 3 : i32
        %get3A_613 = arith.constant 0 : i32
        %get3A_614 = arith.constant 0 : i32
        %get3A_615 = tpu.memref_slice %arg5[%get3A_612, %get3A_613, %get3A_614] : memref<4x64x256xf32, #tpu.memory_space<vmem>> -> memref<1x64x256xf32, #tpu.memory_space<vmem>>
        %get3A_616 = tpu.memref_squeeze %get3A_615 : memref<1x64x256xf32, #tpu.memory_space<vmem>> -> memref<64x256xf32, #tpu.memory_space<vmem>>
        %get3A_617 = arith.index_cast %add3A_537 : i32 to index
        %get3A_618 = arith.constant 96 : index
        %get3A_619 = tpu.vector_load %get3A_616[%get3A_617, %get3A_618] {strides = array<i32>} : memref<64x256xf32, #tpu.memory_space<vmem>>, vector<1x16xf32>,
        %get3A_620 = vector.shape_cast %get3A_619 : vector<1x16xf32> to vector<16xf32>
        %mul3A_621 = arith.mulf %get3A_620, %get3A_545 : vector<16xf32>
        %add3A_622 = arith.addf %scan3A_524, %mul3A_621 : vector<16xf32>
        %get3A_623 = arith.constant 3 : i32
        %get3A_624 = arith.constant 0 : i32
        %get3A_625 = arith.constant 0 : i32
        %get3A_626 = tpu.memref_slice %arg5[%get3A_623, %get3A_624, %get3A_625] : memref<4x64x256xf32, #tpu.memory_space<vmem>> -> memref<1x64x256xf32, #tpu.memory_space<vmem>>
        %get3A_627 = tpu.memref_squeeze %get3A_626 : memref<1x64x256xf32, #tpu.memory_space<vmem>> -> memref<64x256xf32, #tpu.memory_space<vmem>>
        %get3A_628 = arith.index_cast %add3A_537 : i32 to index
        %get3A_629 = arith.constant 112 : index
        %get3A_630 = tpu.vector_load %get3A_627[%get3A_628, %get3A_629] {strides = array<i32>} : memref<64x256xf32, #tpu.memory_space<vmem>>, vector<1x16xf32>,
        %get3A_631 = vector.shape_cast %get3A_630 : vector<1x16xf32> to vector<16xf32>
        %mul3A_632 = arith.mulf %get3A_631, %get3A_545 : vector<16xf32>
        %add3A_633 = arith.addf %scan3A_525, %mul3A_632 : vector<16xf32>
        %get3A_634 = arith.constant 3 : i32
        %get3A_635 = arith.constant 0 : i32
        %get3A_636 = arith.constant 0 : i32
        %get3A_637 = tpu.memref_slice %arg5[%get3A_634, %get3A_635, %get3A_636] : memref<4x64x256xf32, #tpu.memory_space<vmem>> -> memref<1x64x256xf32, #tpu.memory_space<vmem>>
        %get3A_638 = tpu.memref_squeeze %get3A_637 : memref<1x64x256xf32, #tpu.memory_space<vmem>> -> memref<64x256xf32, #tpu.memory_space<vmem>>
        %get3A_639 = arith.index_cast %add3A_537 : i32 to index
        %get3A_640 = arith.constant 128 : index
        %get3A_641 = tpu.vector_load %get3A_638[%get3A_639, %get3A_640] {strides = array<i32>} : memref<64x256xf32, #tpu.memory_space<vmem>>, vector<1x16xf32>,
        %get3A_642 = vector.shape_cast %get3A_641 : vector<1x16xf32> to vector<16xf32>
        %mul3A_643 = arith.mulf %get3A_642, %get3A_545 : vector<16xf32>
        %add3A_644 = arith.addf %scan3A_526, %mul3A_643 : vector<16xf32>
        %get3A_645 = arith.constant 3 : i32
        %get3A_646 = arith.constant 0 : i32
        %get3A_647 = arith.constant 0 : i32
        %get3A_648 = tpu.memref_slice %arg5[%get3A_645, %get3A_646, %get3A_647] : memref<4x64x256xf32, #tpu.memory_space<vmem>> -> memref<1x64x256xf32, #tpu.memory_space<vmem>>
        %get3A_649 = tpu.memref_squeeze %get3A_648 : memref<1x64x256xf32, #tpu.memory_space<vmem>> -> memref<64x256xf32, #tpu.memory_space<vmem>>
        %get3A_650 = arith.index_cast %add3A_537 : i32 to index
        %get3A_651 = arith.constant 144 : index
        %get3A_652 = tpu.vector_load %get3A_649[%get3A_650, %get3A_651] {strides = array<i32>} : memref<64x256xf32, #tpu.memory_space<vmem>>, vector<1x16xf32>,
        %get3A_653 = vector.shape_cast %get3A_652 : vector<1x16xf32> to vector<16xf32>
        %mul3A_654 = arith.mulf %get3A_653, %get3A_545 : vector<16xf32>
        %add3A_655 = arith.addf %scan3A_527, %mul3A_654 : vector<16xf32>
        %get3A_656 = arith.constant 3 : i32
        %get3A_657 = arith.constant 0 : i32
        %get3A_658 = arith.constant 0 : i32
        %get3A_659 = tpu.memref_slice %arg5[%get3A_656, %get3A_657, %get3A_658] : memref<4x64x256xf32, #tpu.memory_space<vmem>> -> memref<1x64x256xf32, #tpu.memory_space<vmem>>
        %get3A_660 = tpu.memref_squeeze %get3A_659 : memref<1x64x256xf32, #tpu.memory_space<vmem>> -> memref<64x256xf32, #tpu.memory_space<vmem>>
        %get3A_661 = arith.index_cast %add3A_537 : i32 to index
        %get3A_662 = arith.constant 160 : index
        %get3A_663 = tpu.vector_load %get3A_660[%get3A_661, %get3A_662] {strides = array<i32>} : memref<64x256xf32, #tpu.memory_space<vmem>>, vector<1x16xf32>,
        %get3A_664 = vector.shape_cast %get3A_663 : vector<1x16xf32> to vector<16xf32>
        %mul3A_665 = arith.mulf %get3A_664, %get3A_545 : vector<16xf32>
        %add3A_666 = arith.addf %scan3A_528, %mul3A_665 : vector<16xf32>
        %get3A_667 = arith.constant 3 : i32
        %get3A_668 = arith.constant 0 : i32
        %get3A_669 = arith.constant 0 : i32
        %get3A_670 = tpu.memref_slice %arg5[%get3A_667, %get3A_668, %get3A_669] : memref<4x64x256xf32, #tpu.memory_space<vmem>> -> memref<1x64x256xf32, #tpu.memory_space<vmem>>
        %get3A_671 = tpu.memref_squeeze %get3A_670 : memref<1x64x256xf32, #tpu.memory_space<vmem>> -> memref<64x256xf32, #tpu.memory_space<vmem>>
        %get3A_672 = arith.index_cast %add3A_537 : i32 to index
        %get3A_673 = arith.constant 176 : index
        %get3A_674 = tpu.vector_load %get3A_671[%get3A_672, %get3A_673] {strides = array<i32>} : memref<64x256xf32, #tpu.memory_space<vmem>>, vector<1x16xf32>,
        %get3A_675 = vector.shape_cast %get3A_674 : vector<1x16xf32> to vector<16xf32>
        %mul3A_676 = arith.mulf %get3A_675, %get3A_545 : vector<16xf32>
        %add3A_677 = arith.addf %scan3A_529, %mul3A_676 : vector<16xf32>
        %get3A_678 = arith.constant 3 : i32
        %get3A_679 = arith.constant 0 : i32
        %get3A_680 = arith.constant 0 : i32
        %get3A_681 = tpu.memref_slice %arg5[%get3A_678, %get3A_679, %get3A_680] : memref<4x64x256xf32, #tpu.memory_space<vmem>> -> memref<1x64x256xf32, #tpu.memory_space<vmem>>
        %get3A_682 = tpu.memref_squeeze %get3A_681 : memref<1x64x256xf32, #tpu.memory_space<vmem>> -> memref<64x256xf32, #tpu.memory_space<vmem>>
        %get3A_683 = arith.index_cast %add3A_537 : i32 to index
        %get3A_684 = arith.constant 192 : index
        %get3A_685 = tpu.vector_load %get3A_682[%get3A_683, %get3A_684] {strides = array<i32>} : memref<64x256xf32, #tpu.memory_space<vmem>>, vector<1x16xf32>,
        %get3A_686 = vector.shape_cast %get3A_685 : vector<1x16xf32> to vector<16xf32>
        %mul3A_687 = arith.mulf %get3A_686, %get3A_545 : vector<16xf32>
        %add3A_688 = arith.addf %scan3A_530, %mul3A_687 : vector<16xf32>
        %get3A_689 = arith.constant 3 : i32
        %get3A_690 = arith.constant 0 : i32
        %get3A_691 = arith.constant 0 : i32
        %get3A_692 = tpu.memref_slice %arg5[%get3A_689, %get3A_690, %get3A_691] : memref<4x64x256xf32, #tpu.memory_space<vmem>> -> memref<1x64x256xf32, #tpu.memory_space<vmem>>
        %get3A_693 = tpu.memref_squeeze %get3A_692 : memref<1x64x256xf32, #tpu.memory_space<vmem>> -> memref<64x256xf32, #tpu.memory_space<vmem>>
        %get3A_694 = arith.index_cast %add3A_537 : i32 to index
        %get3A_695 = arith.constant 208 : index
        %get3A_696 = tpu.vector_load %get3A_693[%get3A_694, %get3A_695] {strides = array<i32>} : memref<64x256xf32, #tpu.memory_space<vmem>>, vector<1x16xf32>,
        %get3A_697 = vector.shape_cast %get3A_696 : vector<1x16xf32> to vector<16xf32>
        %mul3A_698 = arith.mulf %get3A_697, %get3A_545 : vector<16xf32>
        %add3A_699 = arith.addf %scan3A_531, %mul3A_698 : vector<16xf32>
        %get3A_700 = arith.constant 3 : i32
        %get3A_701 = arith.constant 0 : i32
        %get3A_702 = arith.constant 0 : i32
        %get3A_703 = tpu.memref_slice %arg5[%get3A_700, %get3A_701, %get3A_702] : memref<4x64x256xf32, #tpu.memory_space<vmem>> -> memref<1x64x256xf32, #tpu.memory_space<vmem>>
        %get3A_704 = tpu.memref_squeeze %get3A_703 : memref<1x64x256xf32, #tpu.memory_space<vmem>> -> memref<64x256xf32, #tpu.memory_space<vmem>>
        %get3A_705 = arith.index_cast %add3A_537 : i32 to index
        %get3A_706 = arith.constant 224 : index
        %get3A_707 = tpu.vector_load %get3A_704[%get3A_705, %get3A_706] {strides = array<i32>} : memref<64x256xf32, #tpu.memory_space<vmem>>, vector<1x16xf32>,
        %get3A_708 = vector.shape_cast %get3A_707 : vector<1x16xf32> to vector<16xf32>
        %mul3A_709 = arith.mulf %get3A_708, %get3A_545 : vector<16xf32>
        %add3A_710 = arith.addf %scan3A_532, %mul3A_709 : vector<16xf32>
        %get3A_711 = arith.constant 3 : i32
        %get3A_712 = arith.constant 0 : i32
        %get3A_713 = arith.constant 0 : i32
        %get3A_714 = tpu.memref_slice %arg5[%get3A_711, %get3A_712, %get3A_713] : memref<4x64x256xf32, #tpu.memory_space<vmem>> -> memref<1x64x256xf32, #tpu.memory_space<vmem>>
        %get3A_715 = tpu.memref_squeeze %get3A_714 : memref<1x64x256xf32, #tpu.memory_space<vmem>> -> memref<64x256xf32, #tpu.memory_space<vmem>>
        %get3A_716 = arith.index_cast %add3A_537 : i32 to index
        %get3A_717 = arith.constant 240 : index
        %get3A_718 = tpu.vector_load %get3A_715[%get3A_716, %get3A_717] {strides = array<i32>} : memref<64x256xf32, #tpu.memory_space<vmem>>, vector<1x16xf32>,
        %get3A_719 = vector.shape_cast %get3A_718 : vector<1x16xf32> to vector<16xf32>
        %mul3A_720 = arith.mulf %get3A_719, %get3A_545 : vector<16xf32>
        %add3A_721 = arith.addf %scan3A_533, %mul3A_720 : vector<16xf32>
        %add3A_722 = arith.constant 1 : i32
        %add3A_723 = arith.addi %mul3A_535, %add3A_722 : i32
        %get3A_724 = arith.constant 3 : i32
        %get3A_725 = arith.constant 0 : i32
        %get3A_726 = arith.constant 0 : i32
        %get3A_727 = tpu.memref_slice %arg6[%get3A_724, %get3A_725, %get3A_726] : memref<4x64x16xf32, #tpu.memory_space<vmem>> -> memref<1x64x16xf32, #tpu.memory_space<vmem>>
        %get3A_728 = tpu.memref_squeeze %get3A_727 : memref<1x64x16xf32, #tpu.memory_space<vmem>> -> memref<64x16xf32, #tpu.memory_space<vmem>>
        %get3A_729 = arith.index_cast %add3A_723 : i32 to index
        %get3A_730 = arith.constant 0 : index
        %get3A_731 = tpu.vector_load %get3A_728[%get3A_729, %get3A_730] {strides = array<i32>} : memref<64x16xf32, #tpu.memory_space<vmem>>, vector<1x16xf32>,
        %get3A_732 = vector.shape_cast %get3A_731 : vector<1x16xf32> to vector<16xf32>
        %get3A_733 = arith.constant 3 : i32
        %get3A_734 = arith.constant 0 : i32
        %get3A_735 = arith.constant 0 : i32
        %get3A_736 = tpu.memref_slice %arg5[%get3A_733, %get3A_734, %get3A_735] : memref<4x64x256xf32, #tpu.memory_space<vmem>> -> memref<1x64x256xf32, #tpu.memory_space<vmem>>
        %get3A_737 = tpu.memref_squeeze %get3A_736 : memref<1x64x256xf32, #tpu.memory_space<vmem>> -> memref<64x256xf32, #tpu.memory_space<vmem>>
        %get3A_738 = arith.index_cast %add3A_723 : i32 to index
        %get3A_739 = arith.constant 0 : index
        %get3A_740 = tpu.vector_load %get3A_737[%get3A_738, %get3A_739] {strides = array<i32>} : memref<64x256xf32, #tpu.memory_space<vmem>>, vector<1x16xf32>,
        %get3A_741 = vector.shape_cast %get3A_740 : vector<1x16xf32> to vector<16xf32>
        %mul3A_742 = arith.mulf %get3A_741, %get3A_732 : vector<16xf32>
        %add3A_743 = arith.addf %add3A_556, %mul3A_742 : vector<16xf32>
        %get3A_744 = arith.constant 3 : i32
        %get3A_745 = arith.constant 0 : i32
        %get3A_746 = arith.constant 0 : i32
        %get3A_747 = tpu.memref_slice %arg5[%get3A_744, %get3A_745, %get3A_746] : memref<4x64x256xf32, #tpu.memory_space<vmem>> -> memref<1x64x256xf32, #tpu.memory_space<vmem>>
        %get3A_748 = tpu.memref_squeeze %get3A_747 : memref<1x64x256xf32, #tpu.memory_space<vmem>> -> memref<64x256xf32, #tpu.memory_space<vmem>>
        %get3A_749 = arith.index_cast %add3A_723 : i32 to index
        %get3A_750 = arith.constant 16 : index
        %get3A_751 = tpu.vector_load %get3A_748[%get3A_749, %get3A_750] {strides = array<i32>} : memref<64x256xf32, #tpu.memory_space<vmem>>, vector<1x16xf32>,
        %get3A_752 = vector.shape_cast %get3A_751 : vector<1x16xf32> to vector<16xf32>
        %mul3A_753 = arith.mulf %get3A_752, %get3A_732 : vector<16xf32>
        %add3A_754 = arith.addf %add3A_567, %mul3A_753 : vector<16xf32>
        %get3A_755 = arith.constant 3 : i32
        %get3A_756 = arith.constant 0 : i32
        %get3A_757 = arith.constant 0 : i32
        %get3A_758 = tpu.memref_slice %arg5[%get3A_755, %get3A_756, %get3A_757] : memref<4x64x256xf32, #tpu.memory_space<vmem>> -> memref<1x64x256xf32, #tpu.memory_space<vmem>>
        %get3A_759 = tpu.memref_squeeze %get3A_758 : memref<1x64x256xf32, #tpu.memory_space<vmem>> -> memref<64x256xf32, #tpu.memory_space<vmem>>
        %get3A_760 = arith.index_cast %add3A_723 : i32 to index
        %get3A_761 = arith.constant 32 : index
        %get3A_762 = tpu.vector_load %get3A_759[%get3A_760, %get3A_761] {strides = array<i32>} : memref<64x256xf32, #tpu.memory_space<vmem>>, vector<1x16xf32>,
        %get3A_763 = vector.shape_cast %get3A_762 : vector<1x16xf32> to vector<16xf32>
        %mul3A_764 = arith.mulf %get3A_763, %get3A_732 : vector<16xf32>
        %add3A_765 = arith.addf %add3A_578, %mul3A_764 : vector<16xf32>
        %get3A_766 = arith.constant 3 : i32
        %get3A_767 = arith.constant 0 : i32
        %get3A_768 = arith.constant 0 : i32
        %get3A_769 = tpu.memref_slice %arg5[%get3A_766, %get3A_767, %get3A_768] : memref<4x64x256xf32, #tpu.memory_space<vmem>> -> memref<1x64x256xf32, #tpu.memory_space<vmem>>
        %get3A_770 = tpu.memref_squeeze %get3A_769 : memref<1x64x256xf32, #tpu.memory_space<vmem>> -> memref<64x256xf32, #tpu.memory_space<vmem>>
        %get3A_771 = arith.index_cast %add3A_723 : i32 to index
        %get3A_772 = arith.constant 48 : index
        %get3A_773 = tpu.vector_load %get3A_770[%get3A_771, %get3A_772] {strides = array<i32>} : memref<64x256xf32, #tpu.memory_space<vmem>>, vector<1x16xf32>,
        %get3A_774 = vector.shape_cast %get3A_773 : vector<1x16xf32> to vector<16xf32>
        %mul3A_775 = arith.mulf %get3A_774, %get3A_732 : vector<16xf32>
        %add3A_776 = arith.addf %add3A_589, %mul3A_775 : vector<16xf32>
        %get3A_777 = arith.constant 3 : i32
        %get3A_778 = arith.constant 0 : i32
        %get3A_779 = arith.constant 0 : i32
        %get3A_780 = tpu.memref_slice %arg5[%get3A_777, %get3A_778, %get3A_779] : memref<4x64x256xf32, #tpu.memory_space<vmem>> -> memref<1x64x256xf32, #tpu.memory_space<vmem>>
        %get3A_781 = tpu.memref_squeeze %get3A_780 : memref<1x64x256xf32, #tpu.memory_space<vmem>> -> memref<64x256xf32, #tpu.memory_space<vmem>>
        %get3A_782 = arith.index_cast %add3A_723 : i32 to index
        %get3A_783 = arith.constant 64 : index
        %get3A_784 = tpu.vector_load %get3A_781[%get3A_782, %get3A_783] {strides = array<i32>} : memref<64x256xf32, #tpu.memory_space<vmem>>, vector<1x16xf32>,
        %get3A_785 = vector.shape_cast %get3A_784 : vector<1x16xf32> to vector<16xf32>
        %mul3A_786 = arith.mulf %get3A_785, %get3A_732 : vector<16xf32>
        %add3A_787 = arith.addf %add3A_600, %mul3A_786 : vector<16xf32>
        %get3A_788 = arith.constant 3 : i32
        %get3A_789 = arith.constant 0 : i32
        %get3A_790 = arith.constant 0 : i32
        %get3A_791 = tpu.memref_slice %arg5[%get3A_788, %get3A_789, %get3A_790] : memref<4x64x256xf32, #tpu.memory_space<vmem>> -> memref<1x64x256xf32, #tpu.memory_space<vmem>>
        %get3A_792 = tpu.memref_squeeze %get3A_791 : memref<1x64x256xf32, #tpu.memory_space<vmem>> -> memref<64x256xf32, #tpu.memory_space<vmem>>
        %get3A_793 = arith.index_cast %add3A_723 : i32 to index
        %get3A_794 = arith.constant 80 : index
        %get3A_795 = tpu.vector_load %get3A_792[%get3A_793, %get3A_794] {strides = array<i32>} : memref<64x256xf32, #tpu.memory_space<vmem>>, vector<1x16xf32>,
        %get3A_796 = vector.shape_cast %get3A_795 : vector<1x16xf32> to vector<16xf32>
        %mul3A_797 = arith.mulf %get3A_796, %get3A_732 : vector<16xf32>
        %add3A_798 = arith.addf %add3A_611, %mul3A_797 : vector<16xf32>
        %get3A_799 = arith.constant 3 : i32
        %get3A_800 = arith.constant 0 : i32
        %get3A_801 = arith.constant 0 : i32
        %get3A_802 = tpu.memref_slice %arg5[%get3A_799, %get3A_800, %get3A_801] : memref<4x64x256xf32, #tpu.memory_space<vmem>> -> memref<1x64x256xf32, #tpu.memory_space<vmem>>
        %get3A_803 = tpu.memref_squeeze %get3A_802 : memref<1x64x256xf32, #tpu.memory_space<vmem>> -> memref<64x256xf32, #tpu.memory_space<vmem>>
        %get3A_804 = arith.index_cast %add3A_723 : i32 to index
        %get3A_805 = arith.constant 96 : index
        %get3A_806 = tpu.vector_load %get3A_803[%get3A_804, %get3A_805] {strides = array<i32>} : memref<64x256xf32, #tpu.memory_space<vmem>>, vector<1x16xf32>,
        %get3A_807 = vector.shape_cast %get3A_806 : vector<1x16xf32> to vector<16xf32>
        %mul3A_808 = arith.mulf %get3A_807, %get3A_732 : vector<16xf32>
        %add3A_809 = arith.addf %add3A_622, %mul3A_808 : vector<16xf32>
        %get3A_810 = arith.constant 3 : i32
        %get3A_811 = arith.constant 0 : i32
        %get3A_812 = arith.constant 0 : i32
        %get3A_813 = tpu.memref_slice %arg5[%get3A_810, %get3A_811, %get3A_812] : memref<4x64x256xf32, #tpu.memory_space<vmem>> -> memref<1x64x256xf32, #tpu.memory_space<vmem>>
        %get3A_814 = tpu.memref_squeeze %get3A_813 : memref<1x64x256xf32, #tpu.memory_space<vmem>> -> memref<64x256xf32, #tpu.memory_space<vmem>>
        %get3A_815 = arith.index_cast %add3A_723 : i32 to index
        %get3A_816 = arith.constant 112 : index
        %get3A_817 = tpu.vector_load %get3A_814[%get3A_815, %get3A_816] {strides = array<i32>} : memref<64x256xf32, #tpu.memory_space<vmem>>, vector<1x16xf32>,
        %get3A_818 = vector.shape_cast %get3A_817 : vector<1x16xf32> to vector<16xf32>
        %mul3A_819 = arith.mulf %get3A_818, %get3A_732 : vector<16xf32>
        %add3A_820 = arith.addf %add3A_633, %mul3A_819 : vector<16xf32>
        %get3A_821 = arith.constant 3 : i32
        %get3A_822 = arith.constant 0 : i32
        %get3A_823 = arith.constant 0 : i32
        %get3A_824 = tpu.memref_slice %arg5[%get3A_821, %get3A_822, %get3A_823] : memref<4x64x256xf32, #tpu.memory_space<vmem>> -> memref<1x64x256xf32, #tpu.memory_space<vmem>>
        %get3A_825 = tpu.memref_squeeze %get3A_824 : memref<1x64x256xf32, #tpu.memory_space<vmem>> -> memref<64x256xf32, #tpu.memory_space<vmem>>
        %get3A_826 = arith.index_cast %add3A_723 : i32 to index
        %get3A_827 = arith.constant 128 : index
        %get3A_828 = tpu.vector_load %get3A_825[%get3A_826, %get3A_827] {strides = array<i32>} : memref<64x256xf32, #tpu.memory_space<vmem>>, vector<1x16xf32>,
        %get3A_829 = vector.shape_cast %get3A_828 : vector<1x16xf32> to vector<16xf32>
        %mul3A_830 = arith.mulf %get3A_829, %get3A_732 : vector<16xf32>
        %add3A_831 = arith.addf %add3A_644, %mul3A_830 : vector<16xf32>
        %get3A_832 = arith.constant 3 : i32
        %get3A_833 = arith.constant 0 : i32
        %get3A_834 = arith.constant 0 : i32
        %get3A_835 = tpu.memref_slice %arg5[%get3A_832, %get3A_833, %get3A_834] : memref<4x64x256xf32, #tpu.memory_space<vmem>> -> memref<1x64x256xf32, #tpu.memory_space<vmem>>
        %get3A_836 = tpu.memref_squeeze %get3A_835 : memref<1x64x256xf32, #tpu.memory_space<vmem>> -> memref<64x256xf32, #tpu.memory_space<vmem>>
        %get3A_837 = arith.index_cast %add3A_723 : i32 to index
        %get3A_838 = arith.constant 144 : index
        %get3A_839 = tpu.vector_load %get3A_836[%get3A_837, %get3A_838] {strides = array<i32>} : memref<64x256xf32, #tpu.memory_space<vmem>>, vector<1x16xf32>,
        %get3A_840 = vector.shape_cast %get3A_839 : vector<1x16xf32> to vector<16xf32>
        %mul3A_841 = arith.mulf %get3A_840, %get3A_732 : vector<16xf32>
        %add3A_842 = arith.addf %add3A_655, %mul3A_841 : vector<16xf32>
        %get3A_843 = arith.constant 3 : i32
        %get3A_844 = arith.constant 0 : i32
        %get3A_845 = arith.constant 0 : i32
        %get3A_846 = tpu.memref_slice %arg5[%get3A_843, %get3A_844, %get3A_845] : memref<4x64x256xf32, #tpu.memory_space<vmem>> -> memref<1x64x256xf32, #tpu.memory_space<vmem>>
        %get3A_847 = tpu.memref_squeeze %get3A_846 : memref<1x64x256xf32, #tpu.memory_space<vmem>> -> memref<64x256xf32, #tpu.memory_space<vmem>>
        %get3A_848 = arith.index_cast %add3A_723 : i32 to index
        %get3A_849 = arith.constant 160 : index
        %get3A_850 = tpu.vector_load %get3A_847[%get3A_848, %get3A_849] {strides = array<i32>} : memref<64x256xf32, #tpu.memory_space<vmem>>, vector<1x16xf32>,
        %get3A_851 = vector.shape_cast %get3A_850 : vector<1x16xf32> to vector<16xf32>
        %mul3A_852 = arith.mulf %get3A_851, %get3A_732 : vector<16xf32>
        %add3A_853 = arith.addf %add3A_666, %mul3A_852 : vector<16xf32>
        %get3A_854 = arith.constant 3 : i32
        %get3A_855 = arith.constant 0 : i32
        %get3A_856 = arith.constant 0 : i32
        %get3A_857 = tpu.memref_slice %arg5[%get3A_854, %get3A_855, %get3A_856] : memref<4x64x256xf32, #tpu.memory_space<vmem>> -> memref<1x64x256xf32, #tpu.memory_space<vmem>>
        %get3A_858 = tpu.memref_squeeze %get3A_857 : memref<1x64x256xf32, #tpu.memory_space<vmem>> -> memref<64x256xf32, #tpu.memory_space<vmem>>
        %get3A_859 = arith.index_cast %add3A_723 : i32 to index
        %get3A_860 = arith.constant 176 : index
        %get3A_861 = tpu.vector_load %get3A_858[%get3A_859, %get3A_860] {strides = array<i32>} : memref<64x256xf32, #tpu.memory_space<vmem>>, vector<1x16xf32>,
        %get3A_862 = vector.shape_cast %get3A_861 : vector<1x16xf32> to vector<16xf32>
        %mul3A_863 = arith.mulf %get3A_862, %get3A_732 : vector<16xf32>
        %add3A_864 = arith.addf %add3A_677, %mul3A_863 : vector<16xf32>
        %get3A_865 = arith.constant 3 : i32
        %get3A_866 = arith.constant 0 : i32
        %get3A_867 = arith.constant 0 : i32
        %get3A_868 = tpu.memref_slice %arg5[%get3A_865, %get3A_866, %get3A_867] : memref<4x64x256xf32, #tpu.memory_space<vmem>> -> memref<1x64x256xf32, #tpu.memory_space<vmem>>
        %get3A_869 = tpu.memref_squeeze %get3A_868 : memref<1x64x256xf32, #tpu.memory_space<vmem>> -> memref<64x256xf32, #tpu.memory_space<vmem>>
        %get3A_870 = arith.index_cast %add3A_723 : i32 to index
        %get3A_871 = arith.constant 192 : index
        %get3A_872 = tpu.vector_load %get3A_869[%get3A_870, %get3A_871] {strides = array<i32>} : memref<64x256xf32, #tpu.memory_space<vmem>>, vector<1x16xf32>,
        %get3A_873 = vector.shape_cast %get3A_872 : vector<1x16xf32> to vector<16xf32>
        %mul3A_874 = arith.mulf %get3A_873, %get3A_732 : vector<16xf32>
        %add3A_875 = arith.addf %add3A_688, %mul3A_874 : vector<16xf32>
        %get3A_876 = arith.constant 3 : i32
        %get3A_877 = arith.constant 0 : i32
        %get3A_878 = arith.constant 0 : i32
        %get3A_879 = tpu.memref_slice %arg5[%get3A_876, %get3A_877, %get3A_878] : memref<4x64x256xf32, #tpu.memory_space<vmem>> -> memref<1x64x256xf32, #tpu.memory_space<vmem>>
        %get3A_880 = tpu.memref_squeeze %get3A_879 : memref<1x64x256xf32, #tpu.memory_space<vmem>> -> memref<64x256xf32, #tpu.memory_space<vmem>>
        %get3A_881 = arith.index_cast %add3A_723 : i32 to index
        %get3A_882 = arith.constant 208 : index
        %get3A_883 = tpu.vector_load %get3A_880[%get3A_881, %get3A_882] {strides = array<i32>} : memref<64x256xf32, #tpu.memory_space<vmem>>, vector<1x16xf32>,
        %get3A_884 = vector.shape_cast %get3A_883 : vector<1x16xf32> to vector<16xf32>
        %mul3A_885 = arith.mulf %get3A_884, %get3A_732 : vector<16xf32>
        %add3A_886 = arith.addf %add3A_699, %mul3A_885 : vector<16xf32>
        %get3A_887 = arith.constant 3 : i32
        %get3A_888 = arith.constant 0 : i32
        %get3A_889 = arith.constant 0 : i32
        %get3A_890 = tpu.memref_slice %arg5[%get3A_887, %get3A_888, %get3A_889] : memref<4x64x256xf32, #tpu.memory_space<vmem>> -> memref<1x64x256xf32, #tpu.memory_space<vmem>>
        %get3A_891 = tpu.memref_squeeze %get3A_890 : memref<1x64x256xf32, #tpu.memory_space<vmem>> -> memref<64x256xf32, #tpu.memory_space<vmem>>
        %get3A_892 = arith.index_cast %add3A_723 : i32 to index
        %get3A_893 = arith.constant 224 : index
        %get3A_894 = tpu.vector_load %get3A_891[%get3A_892, %get3A_893] {strides = array<i32>} : memref<64x256xf32, #tpu.memory_space<vmem>>, vector<1x16xf32>,
        %get3A_895 = vector.shape_cast %get3A_894 : vector<1x16xf32> to vector<16xf32>
        %mul3A_896 = arith.mulf %get3A_895, %get3A_732 : vector<16xf32>
        %add3A_897 = arith.addf %add3A_710, %mul3A_896 : vector<16xf32>
        %get3A_898 = arith.constant 3 : i32
        %get3A_899 = arith.constant 0 : i32
        %get3A_900 = arith.constant 0 : i32
        %get3A_901 = tpu.memref_slice %arg5[%get3A_898, %get3A_899, %get3A_900] : memref<4x64x256xf32, #tpu.memory_space<vmem>> -> memref<1x64x256xf32, #tpu.memory_space<vmem>>
        %get3A_902 = tpu.memref_squeeze %get3A_901 : memref<1x64x256xf32, #tpu.memory_space<vmem>> -> memref<64x256xf32, #tpu.memory_space<vmem>>
        %get3A_903 = arith.index_cast %add3A_723 : i32 to index
        %get3A_904 = arith.constant 240 : index
        %get3A_905 = tpu.vector_load %get3A_902[%get3A_903, %get3A_904] {strides = array<i32>} : memref<64x256xf32, #tpu.memory_space<vmem>>, vector<1x16xf32>,
        %get3A_906 = vector.shape_cast %get3A_905 : vector<1x16xf32> to vector<16xf32>
        %mul3A_907 = arith.mulf %get3A_906, %get3A_732 : vector<16xf32>
        %add3A_908 = arith.addf %add3A_721, %mul3A_907 : vector<16xf32>
        %add3A_909 = arith.constant 2 : i32
        %add3A_910 = arith.addi %mul3A_535, %add3A_909 : i32
        %get3A_911 = arith.constant 3 : i32
        %get3A_912 = arith.constant 0 : i32
        %get3A_913 = arith.constant 0 : i32
        %get3A_914 = tpu.memref_slice %arg6[%get3A_911, %get3A_912, %get3A_913] : memref<4x64x16xf32, #tpu.memory_space<vmem>> -> memref<1x64x16xf32, #tpu.memory_space<vmem>>
        %get3A_915 = tpu.memref_squeeze %get3A_914 : memref<1x64x16xf32, #tpu.memory_space<vmem>> -> memref<64x16xf32, #tpu.memory_space<vmem>>
        %get3A_916 = arith.index_cast %add3A_910 : i32 to index
        %get3A_917 = arith.constant 0 : index
        %get3A_918 = tpu.vector_load %get3A_915[%get3A_916, %get3A_917] {strides = array<i32>} : memref<64x16xf32, #tpu.memory_space<vmem>>, vector<1x16xf32>,
        %get3A_919 = vector.shape_cast %get3A_918 : vector<1x16xf32> to vector<16xf32>
        %get3A_920 = arith.constant 3 : i32
        %get3A_921 = arith.constant 0 : i32
        %get3A_922 = arith.constant 0 : i32
        %get3A_923 = tpu.memref_slice %arg5[%get3A_920, %get3A_921, %get3A_922] : memref<4x64x256xf32, #tpu.memory_space<vmem>> -> memref<1x64x256xf32, #tpu.memory_space<vmem>>
        %get3A_924 = tpu.memref_squeeze %get3A_923 : memref<1x64x256xf32, #tpu.memory_space<vmem>> -> memref<64x256xf32, #tpu.memory_space<vmem>>
        %get3A_925 = arith.index_cast %add3A_910 : i32 to index
        %get3A_926 = arith.constant 0 : index
        %get3A_927 = tpu.vector_load %get3A_924[%get3A_925, %get3A_926] {strides = array<i32>} : memref<64x256xf32, #tpu.memory_space<vmem>>, vector<1x16xf32>,
        %get3A_928 = vector.shape_cast %get3A_927 : vector<1x16xf32> to vector<16xf32>
        %mul3A_929 = arith.mulf %get3A_928, %get3A_919 : vector<16xf32>
        %add3A_930 = arith.addf %add3A_743, %mul3A_929 : vector<16xf32>
        %get3A_931 = arith.constant 3 : i32
        %get3A_932 = arith.constant 0 : i32
        %get3A_933 = arith.constant 0 : i32
        %get3A_934 = tpu.memref_slice %arg5[%get3A_931, %get3A_932, %get3A_933] : memref<4x64x256xf32, #tpu.memory_space<vmem>> -> memref<1x64x256xf32, #tpu.memory_space<vmem>>
        %get3A_935 = tpu.memref_squeeze %get3A_934 : memref<1x64x256xf32, #tpu.memory_space<vmem>> -> memref<64x256xf32, #tpu.memory_space<vmem>>
        %get3A_936 = arith.index_cast %add3A_910 : i32 to index
        %get3A_937 = arith.constant 16 : index
        %get3A_938 = tpu.vector_load %get3A_935[%get3A_936, %get3A_937] {strides = array<i32>} : memref<64x256xf32, #tpu.memory_space<vmem>>, vector<1x16xf32>,
        %get3A_939 = vector.shape_cast %get3A_938 : vector<1x16xf32> to vector<16xf32>
        %mul3A_940 = arith.mulf %get3A_939, %get3A_919 : vector<16xf32>
        %add3A_941 = arith.addf %add3A_754, %mul3A_940 : vector<16xf32>
        %get3A_942 = arith.constant 3 : i32
        %get3A_943 = arith.constant 0 : i32
        %get3A_944 = arith.constant 0 : i32
        %get3A_945 = tpu.memref_slice %arg5[%get3A_942, %get3A_943, %get3A_944] : memref<4x64x256xf32, #tpu.memory_space<vmem>> -> memref<1x64x256xf32, #tpu.memory_space<vmem>>
        %get3A_946 = tpu.memref_squeeze %get3A_945 : memref<1x64x256xf32, #tpu.memory_space<vmem>> -> memref<64x256xf32, #tpu.memory_space<vmem>>
        %get3A_947 = arith.index_cast %add3A_910 : i32 to index
        %get3A_948 = arith.constant 32 : index
        %get3A_949 = tpu.vector_load %get3A_946[%get3A_947, %get3A_948] {strides = array<i32>} : memref<64x256xf32, #tpu.memory_space<vmem>>, vector<1x16xf32>,
        %get3A_950 = vector.shape_cast %get3A_949 : vector<1x16xf32> to vector<16xf32>
        %mul3A_951 = arith.mulf %get3A_950, %get3A_919 : vector<16xf32>
        %add3A_952 = arith.addf %add3A_765, %mul3A_951 : vector<16xf32>
        %get3A_953 = arith.constant 3 : i32
        %get3A_954 = arith.constant 0 : i32
        %get3A_955 = arith.constant 0 : i32
        %get3A_956 = tpu.memref_slice %arg5[%get3A_953, %get3A_954, %get3A_955] : memref<4x64x256xf32, #tpu.memory_space<vmem>> -> memref<1x64x256xf32, #tpu.memory_space<vmem>>
        %get3A_957 = tpu.memref_squeeze %get3A_956 : memref<1x64x256xf32, #tpu.memory_space<vmem>> -> memref<64x256xf32, #tpu.memory_space<vmem>>
        %get3A_958 = arith.index_cast %add3A_910 : i32 to index
        %get3A_959 = arith.constant 48 : index
        %get3A_960 = tpu.vector_load %get3A_957[%get3A_958, %get3A_959] {strides = array<i32>} : memref<64x256xf32, #tpu.memory_space<vmem>>, vector<1x16xf32>,
        %get3A_961 = vector.shape_cast %get3A_960 : vector<1x16xf32> to vector<16xf32>
        %mul3A_962 = arith.mulf %get3A_961, %get3A_919 : vector<16xf32>
        %add3A_963 = arith.addf %add3A_776, %mul3A_962 : vector<16xf32>
        %get3A_964 = arith.constant 3 : i32
        %get3A_965 = arith.constant 0 : i32
        %get3A_966 = arith.constant 0 : i32
        %get3A_967 = tpu.memref_slice %arg5[%get3A_964, %get3A_965, %get3A_966] : memref<4x64x256xf32, #tpu.memory_space<vmem>> -> memref<1x64x256xf32, #tpu.memory_space<vmem>>
        %get3A_968 = tpu.memref_squeeze %get3A_967 : memref<1x64x256xf32, #tpu.memory_space<vmem>> -> memref<64x256xf32, #tpu.memory_space<vmem>>
        %get3A_969 = arith.index_cast %add3A_910 : i32 to index
        %get3A_970 = arith.constant 64 : index
        %get3A_971 = tpu.vector_load %get3A_968[%get3A_969, %get3A_970] {strides = array<i32>} : memref<64x256xf32, #tpu.memory_space<vmem>>, vector<1x16xf32>,
        %get3A_972 = vector.shape_cast %get3A_971 : vector<1x16xf32> to vector<16xf32>
        %mul3A_973 = arith.mulf %get3A_972, %get3A_919 : vector<16xf32>
        %add3A_974 = arith.addf %add3A_787, %mul3A_973 : vector<16xf32>
        %get3A_975 = arith.constant 3 : i32
        %get3A_976 = arith.constant 0 : i32
        %get3A_977 = arith.constant 0 : i32
        %get3A_978 = tpu.memref_slice %arg5[%get3A_975, %get3A_976, %get3A_977] : memref<4x64x256xf32, #tpu.memory_space<vmem>> -> memref<1x64x256xf32, #tpu.memory_space<vmem>>
        %get3A_979 = tpu.memref_squeeze %get3A_978 : memref<1x64x256xf32, #tpu.memory_space<vmem>> -> memref<64x256xf32, #tpu.memory_space<vmem>>
        %get3A_980 = arith.index_cast %add3A_910 : i32 to index
        %get3A_981 = arith.constant 80 : index
        %get3A_982 = tpu.vector_load %get3A_979[%get3A_980, %get3A_981] {strides = array<i32>} : memref<64x256xf32, #tpu.memory_space<vmem>>, vector<1x16xf32>,
        %get3A_983 = vector.shape_cast %get3A_982 : vector<1x16xf32> to vector<16xf32>
        %mul3A_984 = arith.mulf %get3A_983, %get3A_919 : vector<16xf32>
        %add3A_985 = arith.addf %add3A_798, %mul3A_984 : vector<16xf32>
        %get3A_986 = arith.constant 3 : i32
        %get3A_987 = arith.constant 0 : i32
        %get3A_988 = arith.constant 0 : i32
        %get3A_989 = tpu.memref_slice %arg5[%get3A_986, %get3A_987, %get3A_988] : memref<4x64x256xf32, #tpu.memory_space<vmem>> -> memref<1x64x256xf32, #tpu.memory_space<vmem>>
        %get3A_990 = tpu.memref_squeeze %get3A_989 : memref<1x64x256xf32, #tpu.memory_space<vmem>> -> memref<64x256xf32, #tpu.memory_space<vmem>>
        %get3A_991 = arith.index_cast %add3A_910 : i32 to index
        %get3A_992 = arith.constant 96 : index
        %get3A_993 = tpu.vector_load %get3A_990[%get3A_991, %get3A_992] {strides = array<i32>} : memref<64x256xf32, #tpu.memory_space<vmem>>, vector<1x16xf32>,
        %get3A_994 = vector.shape_cast %get3A_993 : vector<1x16xf32> to vector<16xf32>
        %mul3A_995 = arith.mulf %get3A_994, %get3A_919 : vector<16xf32>
        %add3A_996 = arith.addf %add3A_809, %mul3A_995 : vector<16xf32>
        %get3A_997 = arith.constant 3 : i32
        %get3A_998 = arith.constant 0 : i32
        %get3A_999 = arith.constant 0 : i32
        %get3A_1000 = tpu.memref_slice %arg5[%get3A_997, %get3A_998, %get3A_999] : memref<4x64x256xf32, #tpu.memory_space<vmem>> -> memref<1x64x256xf32, #tpu.memory_space<vmem>>
        %get3A_1001 = tpu.memref_squeeze %get3A_1000 : memref<1x64x256xf32, #tpu.memory_space<vmem>> -> memref<64x256xf32, #tpu.memory_space<vmem>>
        %get3A_1002 = arith.index_cast %add3A_910 : i32 to index
        %get3A_1003 = arith.constant 112 : index
        %get3A_1004 = tpu.vector_load %get3A_1001[%get3A_1002, %get3A_1003] {strides = array<i32>} : memref<64x256xf32, #tpu.memory_space<vmem>>, vector<1x16xf32>,
        %get3A_1005 = vector.shape_cast %get3A_1004 : vector<1x16xf32> to vector<16xf32>
        %mul3A_1006 = arith.mulf %get3A_1005, %get3A_919 : vector<16xf32>
        %add3A_1007 = arith.addf %add3A_820, %mul3A_1006 : vector<16xf32>
        %get3A_1008 = arith.constant 3 : i32
        %get3A_1009 = arith.constant 0 : i32
        %get3A_1010 = arith.constant 0 : i32
        %get3A_1011 = tpu.memref_slice %arg5[%get3A_1008, %get3A_1009, %get3A_1010] : memref<4x64x256xf32, #tpu.memory_space<vmem>> -> memref<1x64x256xf32, #tpu.memory_space<vmem>>
        %get3A_1012 = tpu.memref_squeeze %get3A_1011 : memref<1x64x256xf32, #tpu.memory_space<vmem>> -> memref<64x256xf32, #tpu.memory_space<vmem>>
        %get3A_1013 = arith.index_cast %add3A_910 : i32 to index
        %get3A_1014 = arith.constant 128 : index
        %get3A_1015 = tpu.vector_load %get3A_1012[%get3A_1013, %get3A_1014] {strides = array<i32>} : memref<64x256xf32, #tpu.memory_space<vmem>>, vector<1x16xf32>,
        %get3A_1016 = vector.shape_cast %get3A_1015 : vector<1x16xf32> to vector<16xf32>
        %mul3A_1017 = arith.mulf %get3A_1016, %get3A_919 : vector<16xf32>
        %add3A_1018 = arith.addf %add3A_831, %mul3A_1017 : vector<16xf32>
        %get3A_1019 = arith.constant 3 : i32
        %get3A_1020 = arith.constant 0 : i32
        %get3A_1021 = arith.constant 0 : i32
        %get3A_1022 = tpu.memref_slice %arg5[%get3A_1019, %get3A_1020, %get3A_1021] : memref<4x64x256xf32, #tpu.memory_space<vmem>> -> memref<1x64x256xf32, #tpu.memory_space<vmem>>
        %get3A_1023 = tpu.memref_squeeze %get3A_1022 : memref<1x64x256xf32, #tpu.memory_space<vmem>> -> memref<64x256xf32, #tpu.memory_space<vmem>>
        %get3A_1024 = arith.index_cast %add3A_910 : i32 to index
        %get3A_1025 = arith.constant 144 : index
        %get3A_1026 = tpu.vector_load %get3A_1023[%get3A_1024, %get3A_1025] {strides = array<i32>} : memref<64x256xf32, #tpu.memory_space<vmem>>, vector<1x16xf32>,
        %get3A_1027 = vector.shape_cast %get3A_1026 : vector<1x16xf32> to vector<16xf32>
        %mul3A_1028 = arith.mulf %get3A_1027, %get3A_919 : vector<16xf32>
        %add3A_1029 = arith.addf %add3A_842, %mul3A_1028 : vector<16xf32>
        %get3A_1030 = arith.constant 3 : i32
        %get3A_1031 = arith.constant 0 : i32
        %get3A_1032 = arith.constant 0 : i32
        %get3A_1033 = tpu.memref_slice %arg5[%get3A_1030, %get3A_1031, %get3A_1032] : memref<4x64x256xf32, #tpu.memory_space<vmem>> -> memref<1x64x256xf32, #tpu.memory_space<vmem>>
        %get3A_1034 = tpu.memref_squeeze %get3A_1033 : memref<1x64x256xf32, #tpu.memory_space<vmem>> -> memref<64x256xf32, #tpu.memory_space<vmem>>
        %get3A_1035 = arith.index_cast %add3A_910 : i32 to index
        %get3A_1036 = arith.constant 160 : index
        %get3A_1037 = tpu.vector_load %get3A_1034[%get3A_1035, %get3A_1036] {strides = array<i32>} : memref<64x256xf32, #tpu.memory_space<vmem>>, vector<1x16xf32>,
        %get3A_1038 = vector.shape_cast %get3A_1037 : vector<1x16xf32> to vector<16xf32>
        %mul3A_1039 = arith.mulf %get3A_1038, %get3A_919 : vector<16xf32>
        %add3A_1040 = arith.addf %add3A_853, %mul3A_1039 : vector<16xf32>
        %get3A_1041 = arith.constant 3 : i32
        %get3A_1042 = arith.constant 0 : i32
        %get3A_1043 = arith.constant 0 : i32
        %get3A_1044 = tpu.memref_slice %arg5[%get3A_1041, %get3A_1042, %get3A_1043] : memref<4x64x256xf32, #tpu.memory_space<vmem>> -> memref<1x64x256xf32, #tpu.memory_space<vmem>>
        %get3A_1045 = tpu.memref_squeeze %get3A_1044 : memref<1x64x256xf32, #tpu.memory_space<vmem>> -> memref<64x256xf32, #tpu.memory_space<vmem>>
        %get3A_1046 = arith.index_cast %add3A_910 : i32 to index
        %get3A_1047 = arith.constant 176 : index
        %get3A_1048 = tpu.vector_load %get3A_1045[%get3A_1046, %get3A_1047] {strides = array<i32>} : memref<64x256xf32, #tpu.memory_space<vmem>>, vector<1x16xf32>,
        %get3A_1049 = vector.shape_cast %get3A_1048 : vector<1x16xf32> to vector<16xf32>
        %mul3A_1050 = arith.mulf %get3A_1049, %get3A_919 : vector<16xf32>
        %add3A_1051 = arith.addf %add3A_864, %mul3A_1050 : vector<16xf32>
        %get3A_1052 = arith.constant 3 : i32
        %get3A_1053 = arith.constant 0 : i32
        %get3A_1054 = arith.constant 0 : i32
        %get3A_1055 = tpu.memref_slice %arg5[%get3A_1052, %get3A_1053, %get3A_1054] : memref<4x64x256xf32, #tpu.memory_space<vmem>> -> memref<1x64x256xf32, #tpu.memory_space<vmem>>
        %get3A_1056 = tpu.memref_squeeze %get3A_1055 : memref<1x64x256xf32, #tpu.memory_space<vmem>> -> memref<64x256xf32, #tpu.memory_space<vmem>>
        %get3A_1057 = arith.index_cast %add3A_910 : i32 to index
        %get3A_1058 = arith.constant 192 : index
        %get3A_1059 = tpu.vector_load %get3A_1056[%get3A_1057, %get3A_1058] {strides = array<i32>} : memref<64x256xf32, #tpu.memory_space<vmem>>, vector<1x16xf32>,
        %get3A_1060 = vector.shape_cast %get3A_1059 : vector<1x16xf32> to vector<16xf32>
        %mul3A_1061 = arith.mulf %get3A_1060, %get3A_919 : vector<16xf32>
        %add3A_1062 = arith.addf %add3A_875, %mul3A_1061 : vector<16xf32>
        %get3A_1063 = arith.constant 3 : i32
        %get3A_1064 = arith.constant 0 : i32
        %get3A_1065 = arith.constant 0 : i32
        %get3A_1066 = tpu.memref_slice %arg5[%get3A_1063, %get3A_1064, %get3A_1065] : memref<4x64x256xf32, #tpu.memory_space<vmem>> -> memref<1x64x256xf32, #tpu.memory_space<vmem>>
        %get3A_1067 = tpu.memref_squeeze %get3A_1066 : memref<1x64x256xf32, #tpu.memory_space<vmem>> -> memref<64x256xf32, #tpu.memory_space<vmem>>
        %get3A_1068 = arith.index_cast %add3A_910 : i32 to index
        %get3A_1069 = arith.constant 208 : index
        %get3A_1070 = tpu.vector_load %get3A_1067[%get3A_1068, %get3A_1069] {strides = array<i32>} : memref<64x256xf32, #tpu.memory_space<vmem>>, vector<1x16xf32>,
        %get3A_1071 = vector.shape_cast %get3A_1070 : vector<1x16xf32> to vector<16xf32>
        %mul3A_1072 = arith.mulf %get3A_1071, %get3A_919 : vector<16xf32>
        %add3A_1073 = arith.addf %add3A_886, %mul3A_1072 : vector<16xf32>
        %get3A_1074 = arith.constant 3 : i32
        %get3A_1075 = arith.constant 0 : i32
        %get3A_1076 = arith.constant 0 : i32
        %get3A_1077 = tpu.memref_slice %arg5[%get3A_1074, %get3A_1075, %get3A_1076] : memref<4x64x256xf32, #tpu.memory_space<vmem>> -> memref<1x64x256xf32, #tpu.memory_space<vmem>>
        %get3A_1078 = tpu.memref_squeeze %get3A_1077 : memref<1x64x256xf32, #tpu.memory_space<vmem>> -> memref<64x256xf32, #tpu.memory_space<vmem>>
        %get3A_1079 = arith.index_cast %add3A_910 : i32 to index
        %get3A_1080 = arith.constant 224 : index
        %get3A_1081 = tpu.vector_load %get3A_1078[%get3A_1079, %get3A_1080] {strides = array<i32>} : memref<64x256xf32, #tpu.memory_space<vmem>>, vector<1x16xf32>,
        %get3A_1082 = vector.shape_cast %get3A_1081 : vector<1x16xf32> to vector<16xf32>
        %mul3A_1083 = arith.mulf %get3A_1082, %get3A_919 : vector<16xf32>
        %add3A_1084 = arith.addf %add3A_897, %mul3A_1083 : vector<16xf32>
        %get3A_1085 = arith.constant 3 : i32
        %get3A_1086 = arith.constant 0 : i32
        %get3A_1087 = arith.constant 0 : i32
        %get3A_1088 = tpu.memref_slice %arg5[%get3A_1085, %get3A_1086, %get3A_1087] : memref<4x64x256xf32, #tpu.memory_space<vmem>> -> memref<1x64x256xf32, #tpu.memory_space<vmem>>
        %get3A_1089 = tpu.memref_squeeze %get3A_1088 : memref<1x64x256xf32, #tpu.memory_space<vmem>> -> memref<64x256xf32, #tpu.memory_space<vmem>>
        %get3A_1090 = arith.index_cast %add3A_910 : i32 to index
        %get3A_1091 = arith.constant 240 : index
        %get3A_1092 = tpu.vector_load %get3A_1089[%get3A_1090, %get3A_1091] {strides = array<i32>} : memref<64x256xf32, #tpu.memory_space<vmem>>, vector<1x16xf32>,
        %get3A_1093 = vector.shape_cast %get3A_1092 : vector<1x16xf32> to vector<16xf32>
        %mul3A_1094 = arith.mulf %get3A_1093, %get3A_919 : vector<16xf32>
        %add3A_1095 = arith.addf %add3A_908, %mul3A_1094 : vector<16xf32>
        %add3A_1096 = arith.constant 3 : i32
        %add3A_1097 = arith.addi %mul3A_535, %add3A_1096 : i32
        %get3A_1098 = arith.constant 3 : i32
        %get3A_1099 = arith.constant 0 : i32
        %get3A_1100 = arith.constant 0 : i32
        %get3A_1101 = tpu.memref_slice %arg6[%get3A_1098, %get3A_1099, %get3A_1100] : memref<4x64x16xf32, #tpu.memory_space<vmem>> -> memref<1x64x16xf32, #tpu.memory_space<vmem>>
        %get3A_1102 = tpu.memref_squeeze %get3A_1101 : memref<1x64x16xf32, #tpu.memory_space<vmem>> -> memref<64x16xf32, #tpu.memory_space<vmem>>
        %get3A_1103 = arith.index_cast %add3A_1097 : i32 to index
        %get3A_1104 = arith.constant 0 : index
        %get3A_1105 = tpu.vector_load %get3A_1102[%get3A_1103, %get3A_1104] {strides = array<i32>} : memref<64x16xf32, #tpu.memory_space<vmem>>, vector<1x16xf32>,
        %get3A_1106 = vector.shape_cast %get3A_1105 : vector<1x16xf32> to vector<16xf32>
        %get3A_1107 = arith.constant 3 : i32
        %get3A_1108 = arith.constant 0 : i32
        %get3A_1109 = arith.constant 0 : i32
        %get3A_1110 = tpu.memref_slice %arg5[%get3A_1107, %get3A_1108, %get3A_1109] : memref<4x64x256xf32, #tpu.memory_space<vmem>> -> memref<1x64x256xf32, #tpu.memory_space<vmem>>
        %get3A_1111 = tpu.memref_squeeze %get3A_1110 : memref<1x64x256xf32, #tpu.memory_space<vmem>> -> memref<64x256xf32, #tpu.memory_space<vmem>>
        %get3A_1112 = arith.index_cast %add3A_1097 : i32 to index
        %get3A_1113 = arith.constant 0 : index
        %get3A_1114 = tpu.vector_load %get3A_1111[%get3A_1112, %get3A_1113] {strides = array<i32>} : memref<64x256xf32, #tpu.memory_space<vmem>>, vector<1x16xf32>,
        %get3A_1115 = vector.shape_cast %get3A_1114 : vector<1x16xf32> to vector<16xf32>
        %mul3A_1116 = arith.mulf %get3A_1115, %get3A_1106 : vector<16xf32>
        %add3A_1117 = arith.addf %add3A_930, %mul3A_1116 : vector<16xf32>
        %get3A_1118 = arith.constant 3 : i32
        %get3A_1119 = arith.constant 0 : i32
        %get3A_1120 = arith.constant 0 : i32
        %get3A_1121 = tpu.memref_slice %arg5[%get3A_1118, %get3A_1119, %get3A_1120] : memref<4x64x256xf32, #tpu.memory_space<vmem>> -> memref<1x64x256xf32, #tpu.memory_space<vmem>>
        %get3A_1122 = tpu.memref_squeeze %get3A_1121 : memref<1x64x256xf32, #tpu.memory_space<vmem>> -> memref<64x256xf32, #tpu.memory_space<vmem>>
        %get3A_1123 = arith.index_cast %add3A_1097 : i32 to index
        %get3A_1124 = arith.constant 16 : index
        %get3A_1125 = tpu.vector_load %get3A_1122[%get3A_1123, %get3A_1124] {strides = array<i32>} : memref<64x256xf32, #tpu.memory_space<vmem>>, vector<1x16xf32>,
        %get3A_1126 = vector.shape_cast %get3A_1125 : vector<1x16xf32> to vector<16xf32>
        %mul3A_1127 = arith.mulf %get3A_1126, %get3A_1106 : vector<16xf32>
        %add3A_1128 = arith.addf %add3A_941, %mul3A_1127 : vector<16xf32>
        %get3A_1129 = arith.constant 3 : i32
        %get3A_1130 = arith.constant 0 : i32
        %get3A_1131 = arith.constant 0 : i32
        %get3A_1132 = tpu.memref_slice %arg5[%get3A_1129, %get3A_1130, %get3A_1131] : memref<4x64x256xf32, #tpu.memory_space<vmem>> -> memref<1x64x256xf32, #tpu.memory_space<vmem>>
        %get3A_1133 = tpu.memref_squeeze %get3A_1132 : memref<1x64x256xf32, #tpu.memory_space<vmem>> -> memref<64x256xf32, #tpu.memory_space<vmem>>
        %get3A_1134 = arith.index_cast %add3A_1097 : i32 to index
        %get3A_1135 = arith.constant 32 : index
        %get3A_1136 = tpu.vector_load %get3A_1133[%get3A_1134, %get3A_1135] {strides = array<i32>} : memref<64x256xf32, #tpu.memory_space<vmem>>, vector<1x16xf32>,
        %get3A_1137 = vector.shape_cast %get3A_1136 : vector<1x16xf32> to vector<16xf32>
        %mul3A_1138 = arith.mulf %get3A_1137, %get3A_1106 : vector<16xf32>
        %add3A_1139 = arith.addf %add3A_952, %mul3A_1138 : vector<16xf32>
        %get3A_1140 = arith.constant 3 : i32
        %get3A_1141 = arith.constant 0 : i32
        %get3A_1142 = arith.constant 0 : i32
        %get3A_1143 = tpu.memref_slice %arg5[%get3A_1140, %get3A_1141, %get3A_1142] : memref<4x64x256xf32, #tpu.memory_space<vmem>> -> memref<1x64x256xf32, #tpu.memory_space<vmem>>
        %get3A_1144 = tpu.memref_squeeze %get3A_1143 : memref<1x64x256xf32, #tpu.memory_space<vmem>> -> memref<64x256xf32, #tpu.memory_space<vmem>>
        %get3A_1145 = arith.index_cast %add3A_1097 : i32 to index
        %get3A_1146 = arith.constant 48 : index
        %get3A_1147 = tpu.vector_load %get3A_1144[%get3A_1145, %get3A_1146] {strides = array<i32>} : memref<64x256xf32, #tpu.memory_space<vmem>>, vector<1x16xf32>,
        %get3A_1148 = vector.shape_cast %get3A_1147 : vector<1x16xf32> to vector<16xf32>
        %mul3A_1149 = arith.mulf %get3A_1148, %get3A_1106 : vector<16xf32>
        %add3A_1150 = arith.addf %add3A_963, %mul3A_1149 : vector<16xf32>
        %get3A_1151 = arith.constant 3 : i32
        %get3A_1152 = arith.constant 0 : i32
        %get3A_1153 = arith.constant 0 : i32
        %get3A_1154 = tpu.memref_slice %arg5[%get3A_1151, %get3A_1152, %get3A_1153] : memref<4x64x256xf32, #tpu.memory_space<vmem>> -> memref<1x64x256xf32, #tpu.memory_space<vmem>>
        %get3A_1155 = tpu.memref_squeeze %get3A_1154 : memref<1x64x256xf32, #tpu.memory_space<vmem>> -> memref<64x256xf32, #tpu.memory_space<vmem>>
        %get3A_1156 = arith.index_cast %add3A_1097 : i32 to index
        %get3A_1157 = arith.constant 64 : index
        %get3A_1158 = tpu.vector_load %get3A_1155[%get3A_1156, %get3A_1157] {strides = array<i32>} : memref<64x256xf32, #tpu.memory_space<vmem>>, vector<1x16xf32>,
        %get3A_1159 = vector.shape_cast %get3A_1158 : vector<1x16xf32> to vector<16xf32>
        %mul3A_1160 = arith.mulf %get3A_1159, %get3A_1106 : vector<16xf32>
        %add3A_1161 = arith.addf %add3A_974, %mul3A_1160 : vector<16xf32>
        %get3A_1162 = arith.constant 3 : i32
        %get3A_1163 = arith.constant 0 : i32
        %get3A_1164 = arith.constant 0 : i32
        %get3A_1165 = tpu.memref_slice %arg5[%get3A_1162, %get3A_1163, %get3A_1164] : memref<4x64x256xf32, #tpu.memory_space<vmem>> -> memref<1x64x256xf32, #tpu.memory_space<vmem>>
        %get3A_1166 = tpu.memref_squeeze %get3A_1165 : memref<1x64x256xf32, #tpu.memory_space<vmem>> -> memref<64x256xf32, #tpu.memory_space<vmem>>
        %get3A_1167 = arith.index_cast %add3A_1097 : i32 to index
        %get3A_1168 = arith.constant 80 : index
        %get3A_1169 = tpu.vector_load %get3A_1166[%get3A_1167, %get3A_1168] {strides = array<i32>} : memref<64x256xf32, #tpu.memory_space<vmem>>, vector<1x16xf32>,
        %get3A_1170 = vector.shape_cast %get3A_1169 : vector<1x16xf32> to vector<16xf32>
        %mul3A_1171 = arith.mulf %get3A_1170, %get3A_1106 : vector<16xf32>
        %add3A_1172 = arith.addf %add3A_985, %mul3A_1171 : vector<16xf32>
        %get3A_1173 = arith.constant 3 : i32
        %get3A_1174 = arith.constant 0 : i32
        %get3A_1175 = arith.constant 0 : i32
        %get3A_1176 = tpu.memref_slice %arg5[%get3A_1173, %get3A_1174, %get3A_1175] : memref<4x64x256xf32, #tpu.memory_space<vmem>> -> memref<1x64x256xf32, #tpu.memory_space<vmem>>
        %get3A_1177 = tpu.memref_squeeze %get3A_1176 : memref<1x64x256xf32, #tpu.memory_space<vmem>> -> memref<64x256xf32, #tpu.memory_space<vmem>>
        %get3A_1178 = arith.index_cast %add3A_1097 : i32 to index
        %get3A_1179 = arith.constant 96 : index
        %get3A_1180 = tpu.vector_load %get3A_1177[%get3A_1178, %get3A_1179] {strides = array<i32>} : memref<64x256xf32, #tpu.memory_space<vmem>>, vector<1x16xf32>,
        %get3A_1181 = vector.shape_cast %get3A_1180 : vector<1x16xf32> to vector<16xf32>
        %mul3A_1182 = arith.mulf %get3A_1181, %get3A_1106 : vector<16xf32>
        %add3A_1183 = arith.addf %add3A_996, %mul3A_1182 : vector<16xf32>
        %get3A_1184 = arith.constant 3 : i32
        %get3A_1185 = arith.constant 0 : i32
        %get3A_1186 = arith.constant 0 : i32
        %get3A_1187 = tpu.memref_slice %arg5[%get3A_1184, %get3A_1185, %get3A_1186] : memref<4x64x256xf32, #tpu.memory_space<vmem>> -> memref<1x64x256xf32, #tpu.memory_space<vmem>>
        %get3A_1188 = tpu.memref_squeeze %get3A_1187 : memref<1x64x256xf32, #tpu.memory_space<vmem>> -> memref<64x256xf32, #tpu.memory_space<vmem>>
        %get3A_1189 = arith.index_cast %add3A_1097 : i32 to index
        %get3A_1190 = arith.constant 112 : index
        %get3A_1191 = tpu.vector_load %get3A_1188[%get3A_1189, %get3A_1190] {strides = array<i32>} : memref<64x256xf32, #tpu.memory_space<vmem>>, vector<1x16xf32>,
        %get3A_1192 = vector.shape_cast %get3A_1191 : vector<1x16xf32> to vector<16xf32>
        %mul3A_1193 = arith.mulf %get3A_1192, %get3A_1106 : vector<16xf32>
        %add3A_1194 = arith.addf %add3A_1007, %mul3A_1193 : vector<16xf32>
        %get3A_1195 = arith.constant 3 : i32
        %get3A_1196 = arith.constant 0 : i32
        %get3A_1197 = arith.constant 0 : i32
        %get3A_1198 = tpu.memref_slice %arg5[%get3A_1195, %get3A_1196, %get3A_1197] : memref<4x64x256xf32, #tpu.memory_space<vmem>> -> memref<1x64x256xf32, #tpu.memory_space<vmem>>
        %get3A_1199 = tpu.memref_squeeze %get3A_1198 : memref<1x64x256xf32, #tpu.memory_space<vmem>> -> memref<64x256xf32, #tpu.memory_space<vmem>>
        %get3A_1200 = arith.index_cast %add3A_1097 : i32 to index
        %get3A_1201 = arith.constant 128 : index
        %get3A_1202 = tpu.vector_load %get3A_1199[%get3A_1200, %get3A_1201] {strides = array<i32>} : memref<64x256xf32, #tpu.memory_space<vmem>>, vector<1x16xf32>,
        %get3A_1203 = vector.shape_cast %get3A_1202 : vector<1x16xf32> to vector<16xf32>
        %mul3A_1204 = arith.mulf %get3A_1203, %get3A_1106 : vector<16xf32>
        %add3A_1205 = arith.addf %add3A_1018, %mul3A_1204 : vector<16xf32>
        %get3A_1206 = arith.constant 3 : i32
        %get3A_1207 = arith.constant 0 : i32
        %get3A_1208 = arith.constant 0 : i32
        %get3A_1209 = tpu.memref_slice %arg5[%get3A_1206, %get3A_1207, %get3A_1208] : memref<4x64x256xf32, #tpu.memory_space<vmem>> -> memref<1x64x256xf32, #tpu.memory_space<vmem>>
        %get3A_1210 = tpu.memref_squeeze %get3A_1209 : memref<1x64x256xf32, #tpu.memory_space<vmem>> -> memref<64x256xf32, #tpu.memory_space<vmem>>
        %get3A_1211 = arith.index_cast %add3A_1097 : i32 to index
        %get3A_1212 = arith.constant 144 : index
        %get3A_1213 = tpu.vector_load %get3A_1210[%get3A_1211, %get3A_1212] {strides = array<i32>} : memref<64x256xf32, #tpu.memory_space<vmem>>, vector<1x16xf32>,
        %get3A_1214 = vector.shape_cast %get3A_1213 : vector<1x16xf32> to vector<16xf32>
        %mul3A_1215 = arith.mulf %get3A_1214, %get3A_1106 : vector<16xf32>
        %add3A_1216 = arith.addf %add3A_1029, %mul3A_1215 : vector<16xf32>
        %get3A_1217 = arith.constant 3 : i32
        %get3A_1218 = arith.constant 0 : i32
        %get3A_1219 = arith.constant 0 : i32
        %get3A_1220 = tpu.memref_slice %arg5[%get3A_1217, %get3A_1218, %get3A_1219] : memref<4x64x256xf32, #tpu.memory_space<vmem>> -> memref<1x64x256xf32, #tpu.memory_space<vmem>>
        %get3A_1221 = tpu.memref_squeeze %get3A_1220 : memref<1x64x256xf32, #tpu.memory_space<vmem>> -> memref<64x256xf32, #tpu.memory_space<vmem>>
        %get3A_1222 = arith.index_cast %add3A_1097 : i32 to index
        %get3A_1223 = arith.constant 160 : index
        %get3A_1224 = tpu.vector_load %get3A_1221[%get3A_1222, %get3A_1223] {strides = array<i32>} : memref<64x256xf32, #tpu.memory_space<vmem>>, vector<1x16xf32>,
        %get3A_1225 = vector.shape_cast %get3A_1224 : vector<1x16xf32> to vector<16xf32>
        %mul3A_1226 = arith.mulf %get3A_1225, %get3A_1106 : vector<16xf32>
        %add3A_1227 = arith.addf %add3A_1040, %mul3A_1226 : vector<16xf32>
        %get3A_1228 = arith.constant 3 : i32
        %get3A_1229 = arith.constant 0 : i32
        %get3A_1230 = arith.constant 0 : i32
        %get3A_1231 = tpu.memref_slice %arg5[%get3A_1228, %get3A_1229, %get3A_1230] : memref<4x64x256xf32, #tpu.memory_space<vmem>> -> memref<1x64x256xf32, #tpu.memory_space<vmem>>
        %get3A_1232 = tpu.memref_squeeze %get3A_1231 : memref<1x64x256xf32, #tpu.memory_space<vmem>> -> memref<64x256xf32, #tpu.memory_space<vmem>>
        %get3A_1233 = arith.index_cast %add3A_1097 : i32 to index
        %get3A_1234 = arith.constant 176 : index
        %get3A_1235 = tpu.vector_load %get3A_1232[%get3A_1233, %get3A_1234] {strides = array<i32>} : memref<64x256xf32, #tpu.memory_space<vmem>>, vector<1x16xf32>,
        %get3A_1236 = vector.shape_cast %get3A_1235 : vector<1x16xf32> to vector<16xf32>
        %mul3A_1237 = arith.mulf %get3A_1236, %get3A_1106 : vector<16xf32>
        %add3A_1238 = arith.addf %add3A_1051, %mul3A_1237 : vector<16xf32>
        %get3A_1239 = arith.constant 3 : i32
        %get3A_1240 = arith.constant 0 : i32
        %get3A_1241 = arith.constant 0 : i32
        %get3A_1242 = tpu.memref_slice %arg5[%get3A_1239, %get3A_1240, %get3A_1241] : memref<4x64x256xf32, #tpu.memory_space<vmem>> -> memref<1x64x256xf32, #tpu.memory_space<vmem>>
        %get3A_1243 = tpu.memref_squeeze %get3A_1242 : memref<1x64x256xf32, #tpu.memory_space<vmem>> -> memref<64x256xf32, #tpu.memory_space<vmem>>
        %get3A_1244 = arith.index_cast %add3A_1097 : i32 to index
        %get3A_1245 = arith.constant 192 : index
        %get3A_1246 = tpu.vector_load %get3A_1243[%get3A_1244, %get3A_1245] {strides = array<i32>} : memref<64x256xf32, #tpu.memory_space<vmem>>, vector<1x16xf32>,
        %get3A_1247 = vector.shape_cast %get3A_1246 : vector<1x16xf32> to vector<16xf32>
        %mul3A_1248 = arith.mulf %get3A_1247, %get3A_1106 : vector<16xf32>
        %add3A_1249 = arith.addf %add3A_1062, %mul3A_1248 : vector<16xf32>
        %get3A_1250 = arith.constant 3 : i32
        %get3A_1251 = arith.constant 0 : i32
        %get3A_1252 = arith.constant 0 : i32
        %get3A_1253 = tpu.memref_slice %arg5[%get3A_1250, %get3A_1251, %get3A_1252] : memref<4x64x256xf32, #tpu.memory_space<vmem>> -> memref<1x64x256xf32, #tpu.memory_space<vmem>>
        %get3A_1254 = tpu.memref_squeeze %get3A_1253 : memref<1x64x256xf32, #tpu.memory_space<vmem>> -> memref<64x256xf32, #tpu.memory_space<vmem>>
        %get3A_1255 = arith.index_cast %add3A_1097 : i32 to index
        %get3A_1256 = arith.constant 208 : index
        %get3A_1257 = tpu.vector_load %get3A_1254[%get3A_1255, %get3A_1256] {strides = array<i32>} : memref<64x256xf32, #tpu.memory_space<vmem>>, vector<1x16xf32>,
        %get3A_1258 = vector.shape_cast %get3A_1257 : vector<1x16xf32> to vector<16xf32>
        %mul3A_1259 = arith.mulf %get3A_1258, %get3A_1106 : vector<16xf32>
        %add3A_1260 = arith.addf %add3A_1073, %mul3A_1259 : vector<16xf32>
        %get3A_1261 = arith.constant 3 : i32
        %get3A_1262 = arith.constant 0 : i32
        %get3A_1263 = arith.constant 0 : i32
        %get3A_1264 = tpu.memref_slice %arg5[%get3A_1261, %get3A_1262, %get3A_1263] : memref<4x64x256xf32, #tpu.memory_space<vmem>> -> memref<1x64x256xf32, #tpu.memory_space<vmem>>
        %get3A_1265 = tpu.memref_squeeze %get3A_1264 : memref<1x64x256xf32, #tpu.memory_space<vmem>> -> memref<64x256xf32, #tpu.memory_space<vmem>>
        %get3A_1266 = arith.index_cast %add3A_1097 : i32 to index
        %get3A_1267 = arith.constant 224 : index
        %get3A_1268 = tpu.vector_load %get3A_1265[%get3A_1266, %get3A_1267] {strides = array<i32>} : memref<64x256xf32, #tpu.memory_space<vmem>>, vector<1x16xf32>,
        %get3A_1269 = vector.shape_cast %get3A_1268 : vector<1x16xf32> to vector<16xf32>
        %mul3A_1270 = arith.mulf %get3A_1269, %get3A_1106 : vector<16xf32>
        %add3A_1271 = arith.addf %add3A_1084, %mul3A_1270 : vector<16xf32>
        %get3A_1272 = arith.constant 3 : i32
        %get3A_1273 = arith.constant 0 : i32
        %get3A_1274 = arith.constant 0 : i32
        %get3A_1275 = tpu.memref_slice %arg5[%get3A_1272, %get3A_1273, %get3A_1274] : memref<4x64x256xf32, #tpu.memory_space<vmem>> -> memref<1x64x256xf32, #tpu.memory_space<vmem>>
        %get3A_1276 = tpu.memref_squeeze %get3A_1275 : memref<1x64x256xf32, #tpu.memory_space<vmem>> -> memref<64x256xf32, #tpu.memory_space<vmem>>
        %get3A_1277 = arith.index_cast %add3A_1097 : i32 to index
        %get3A_1278 = arith.constant 240 : index
        %get3A_1279 = tpu.vector_load %get3A_1276[%get3A_1277, %get3A_1278] {strides = array<i32>} : memref<64x256xf32, #tpu.memory_space<vmem>>, vector<1x16xf32>,
        %get3A_1280 = vector.shape_cast %get3A_1279 : vector<1x16xf32> to vector<16xf32>
        %mul3A_1281 = arith.mulf %get3A_1280, %get3A_1106 : vector<16xf32>
        %add3A_1282 = arith.addf %add3A_1095, %mul3A_1281 : vector<16xf32>
        scf.yield %add3A_1117, %add3A_1128, %add3A_1139, %add3A_1150, %add3A_1161, %add3A_1172, %add3A_1183, %add3A_1194, %add3A_1205, %add3A_1216, %add3A_1227, %add3A_1238, %add3A_1249, %add3A_1260, %add3A_1271, %add3A_1282 : vector<16xf32>, vector<16xf32>, vector<16xf32>, vector<16xf32>, vector<16xf32>, vector<16xf32>, vector<16xf32>, vector<16xf32>, vector<16xf32>, vector<16xf32>, vector<16xf32>, vector<16xf32>, vector<16xf32>, vector<16xf32>, vector<16xf32>, vector<16xf32>
      }
      %scan3A_509 = arith.constant 16 : i32
      %add3A_510 = arith.constant 4 : i32
      %add3A_511 = arith.addi %add3A_465, %add3A_510 : i32
      %lt3A_512 = arith.constant 16 : i32
      %lt3A_513 = arith.cmpi slt, %add3A_511, %lt3A_512 : i32
      %convert_element_type3A_514 = arith.extui %lt3A_513 : i1 to i32
      %cond3A_515 = arith.constant 0 : i32
      %cond3A_516 = arith.cmpi ne, %convert_element_type3A_514, %cond3A_515 : i32
      scf.if %cond3A_516 {
        %add3A_517 = arith.constant 4 : i32
        %add3A_518 = arith.addi %add3A_465, %add3A_517 : i32
        %mul3A_519 = arith.constant 64 : i32
        %mul3A_520 = arith.muli %add3A_518, %mul3A_519 : i32
        %dma_start3A_521 = arith.constant 3 : i32
        %dma_start3A_522 = arith.constant 3 : i32
        %dma_start3A_523 = arith.constant 0 : i32
        %dma_start3A_524 = arith.constant 0 : i32
        %dma_start3A_525 = tpu.memref_slice %arg5[%dma_start3A_521, %dma_start3A_523, %dma_start3A_524] : memref<4x64x256xf32, #tpu.memory_space<vmem>> -> memref<1x64x256xf32, #tpu.memory_space<vmem>>
        %dma_start3A_526 = tpu.memref_squeeze %dma_start3A_525 : memref<1x64x256xf32, #tpu.memory_space<vmem>> -> memref<64x256xf32, #tpu.memory_space<vmem>>
        %dma_start3A_527 = tpu.memref_slice %arg2[%select_n3A, %mul3A_520, %mul3A_32] : memref<4x4096x2048xf32, #tpu.memory_space<hbm>> -> memref<1x64x256xf32, #tpu.memory_space<hbm>>
        %dma_start3A_528 = tpu.memref_squeeze %dma_start3A_527 : memref<1x64x256xf32, #tpu.memory_space<hbm>> -> memref<64x256xf32, #tpu.memory_space<hbm>>
        %dma_start3A_529 = tpu.memref_slice %arg8[%dma_start3A_522] : memref<4x!tpu.dma_semaphore, #tpu.memory_space<semaphore_mem>> -> memref<1x!tpu.dma_semaphore, #tpu.memory_space<semaphore_mem>>
        %dma_start3A_530 = tpu.memref_squeeze %dma_start3A_529 : memref<1x!tpu.dma_semaphore, #tpu.memory_space<semaphore_mem>> -> memref<!tpu.dma_semaphore, #tpu.memory_space<semaphore_mem>>
        %dma_start3A_531 = arith.constant 0 : i32
        %dma_start3A_532 = arith.constant 0 : i32
        %dma_start3A_533 = tpu.memref_slice %arg5[%dma_start3A_521, %dma_start3A_531, %dma_start3A_532] : memref<4x64x256xf32, #tpu.memory_space<vmem>> -> memref<1x64x256xf32, #tpu.memory_space<vmem>>
        %dma_start3A_534 = tpu.memref_squeeze %dma_start3A_533 : memref<1x64x256xf32, #tpu.memory_space<vmem>> -> memref<64x256xf32, #tpu.memory_space<vmem>>
        %dma_start3A_535 = tpu.memref_slice %arg2[%select_n3A, %mul3A_520, %mul3A_32] : memref<4x4096x2048xf32, #tpu.memory_space<hbm>> -> memref<1x64x256xf32, #tpu.memory_space<hbm>>
        %dma_start3A_536 = tpu.memref_squeeze %dma_start3A_535 : memref<1x64x256xf32, #tpu.memory_space<hbm>> -> memref<64x256xf32, #tpu.memory_space<hbm>>
        tpu.enqueue_dma source(%dma_start3A_536 : memref<64x256xf32, #tpu.memory_space<hbm>>) target(%dma_start3A_534 : memref<64x256xf32, #tpu.memory_space<vmem>>) target_semaphore(%dma_start3A_530 : memref<!tpu.dma_semaphore, #tpu.memory_space<semaphore_mem>>)
        %add3A_537 = arith.constant 4 : i32
        %add3A_538 = arith.addi %add3A_465, %add3A_537 : i32
        %mul3A_539 = arith.constant 64 : i32
        %mul3A_540 = arith.muli %add3A_538, %mul3A_539 : i32
        %dma_start3A_541 = arith.constant 3 : i32
        %dma_start3A_542 = arith.constant 3 : i32
        %dma_start3A_543 = arith.constant 0 : i32
        %dma_start3A_544 = arith.constant 0 : i32
        %dma_start3A_545 = tpu.memref_slice %arg6[%dma_start3A_541, %dma_start3A_543, %dma_start3A_544] : memref<4x64x16xf32, #tpu.memory_space<vmem>> -> memref<1x64x16xf32, #tpu.memory_space<vmem>>
        %dma_start3A_546 = tpu.memref_squeeze %dma_start3A_545 : memref<1x64x16xf32, #tpu.memory_space<vmem>> -> memref<64x16xf32, #tpu.memory_space<vmem>>
        %dma_start3A_547 = arith.constant 0 : i32
        %dma_start3A_548 = tpu.memref_slice %arg3[%select_n3A, %mul3A_540, %dma_start3A_547] : memref<4x1024x16xf32, #tpu.memory_space<hbm>> -> memref<1x64x16xf32, #tpu.memory_space<hbm>>
        %dma_start3A_549 = tpu.memref_squeeze %dma_start3A_548 : memref<1x64x16xf32, #tpu.memory_space<hbm>> -> memref<64x16xf32, #tpu.memory_space<hbm>>
        %dma_start3A_550 = tpu.memref_slice %arg9[%dma_start3A_542] : memref<4x!tpu.dma_semaphore, #tpu.memory_space<semaphore_mem>> -> memref<1x!tpu.dma_semaphore, #tpu.memory_space<semaphore_mem>>
        %dma_start3A_551 = tpu.memref_squeeze %dma_start3A_550 : memref<1x!tpu.dma_semaphore, #tpu.memory_space<semaphore_mem>> -> memref<!tpu.dma_semaphore, #tpu.memory_space<semaphore_mem>>
        %dma_start3A_552 = arith.constant 0 : i32
        %dma_start3A_553 = arith.constant 0 : i32
        %dma_start3A_554 = tpu.memref_slice %arg6[%dma_start3A_541, %dma_start3A_552, %dma_start3A_553] : memref<4x64x16xf32, #tpu.memory_space<vmem>> -> memref<1x64x16xf32, #tpu.memory_space<vmem>>
        %dma_start3A_555 = tpu.memref_squeeze %dma_start3A_554 : memref<1x64x16xf32, #tpu.memory_space<vmem>> -> memref<64x16xf32, #tpu.memory_space<vmem>>
        %dma_start3A_556 = arith.constant 0 : i32
        %dma_start3A_557 = tpu.memref_slice %arg3[%select_n3A, %mul3A_540, %dma_start3A_556] : memref<4x1024x16xf32, #tpu.memory_space<hbm>> -> memref<1x64x16xf32, #tpu.memory_space<hbm>>
        %dma_start3A_558 = tpu.memref_squeeze %dma_start3A_557 : memref<1x64x16xf32, #tpu.memory_space<hbm>> -> memref<64x16xf32, #tpu.memory_space<hbm>>
        tpu.enqueue_dma source(%dma_start3A_558 : memref<64x16xf32, #tpu.memory_space<hbm>>) target(%dma_start3A_555 : memref<64x16xf32, #tpu.memory_space<vmem>>) target_semaphore(%dma_start3A_551 : memref<!tpu.dma_semaphore, #tpu.memory_space<semaphore_mem>>)
      } else {
      }
      scf.yield %scan3A_508#0, %scan3A_508#1, %scan3A_508#2, %scan3A_508#3, %scan3A_508#4, %scan3A_508#5, %scan3A_508#6, %scan3A_508#7, %scan3A_508#8, %scan3A_508#9, %scan3A_508#10, %scan3A_508#11, %scan3A_508#12, %scan3A_508#13, %scan3A_508#14, %scan3A_508#15 : vector<16xf32>, vector<16xf32>, vector<16xf32>, vector<16xf32>, vector<16xf32>, vector<16xf32>, vector<16xf32>, vector<16xf32>, vector<16xf32>, vector<16xf32>, vector<16xf32>, vector<16xf32>, vector<16xf32>, vector<16xf32>, vector<16xf32>, vector<16xf32>
    }
    %scan3A_219 = arith.constant 4 : i32
    %swap3A = arith.constant 0 : index
    %swap3A_220 = tpu.vector_load %arg7[%swap3A] {strides = array<i32>} : memref<256xf32, #tpu.memory_space<vmem>>, vector<16xf32>,
    %swap3A_221 = vector.shape_cast %swap3A_220 : vector<16xf32> to vector<16xf32>
    %swap3A_222 = vector.shape_cast %scan3A_218#0 : vector<16xf32> to vector<16xf32>
    tpu.vector_store %arg7[%swap3A], %swap3A_222 {strides = array<i32>} : memref<256xf32, #tpu.memory_space<vmem>>, vector<16xf32>,
    %swap3A_223 = arith.constant 16 : index
    %swap3A_224 = tpu.vector_load %arg7[%swap3A_223] {strides = array<i32>} : memref<256xf32, #tpu.memory_space<vmem>>, vector<16xf32>,
    %swap3A_225 = vector.shape_cast %swap3A_224 : vector<16xf32> to vector<16xf32>
    %swap3A_226 = vector.shape_cast %scan3A_218#1 : vector<16xf32> to vector<16xf32>
    tpu.vector_store %arg7[%swap3A_223], %swap3A_226 {strides = array<i32>} : memref<256xf32, #tpu.memory_space<vmem>>, vector<16xf32>,
    %swap3A_227 = arith.constant 32 : index
    %swap3A_228 = tpu.vector_load %arg7[%swap3A_227] {strides = array<i32>} : memref<256xf32, #tpu.memory_space<vmem>>, vector<16xf32>,
    %swap3A_229 = vector.shape_cast %swap3A_228 : vector<16xf32> to vector<16xf32>
    %swap3A_230 = vector.shape_cast %scan3A_218#2 : vector<16xf32> to vector<16xf32>
    tpu.vector_store %arg7[%swap3A_227], %swap3A_230 {strides = array<i32>} : memref<256xf32, #tpu.memory_space<vmem>>, vector<16xf32>,
    %swap3A_231 = arith.constant 48 : index
    %swap3A_232 = tpu.vector_load %arg7[%swap3A_231] {strides = array<i32>} : memref<256xf32, #tpu.memory_space<vmem>>, vector<16xf32>,
    %swap3A_233 = vector.shape_cast %swap3A_232 : vector<16xf32> to vector<16xf32>
    %swap3A_234 = vector.shape_cast %scan3A_218#3 : vector<16xf32> to vector<16xf32>
    tpu.vector_store %arg7[%swap3A_231], %swap3A_234 {strides = array<i32>} : memref<256xf32, #tpu.memory_space<vmem>>, vector<16xf32>,
    %swap3A_235 = arith.constant 64 : index
    %swap3A_236 = tpu.vector_load %arg7[%swap3A_235] {strides = array<i32>} : memref<256xf32, #tpu.memory_space<vmem>>, vector<16xf32>,
    %swap3A_237 = vector.shape_cast %swap3A_236 : vector<16xf32> to vector<16xf32>
    %swap3A_238 = vector.shape_cast %scan3A_218#4 : vector<16xf32> to vector<16xf32>
    tpu.vector_store %arg7[%swap3A_235], %swap3A_238 {strides = array<i32>} : memref<256xf32, #tpu.memory_space<vmem>>, vector<16xf32>,
    %swap3A_239 = arith.constant 80 : index
    %swap3A_240 = tpu.vector_load %arg7[%swap3A_239] {strides = array<i32>} : memref<256xf32, #tpu.memory_space<vmem>>, vector<16xf32>,
    %swap3A_241 = vector.shape_cast %swap3A_240 : vector<16xf32> to vector<16xf32>
    %swap3A_242 = vector.shape_cast %scan3A_218#5 : vector<16xf32> to vector<16xf32>
    tpu.vector_store %arg7[%swap3A_239], %swap3A_242 {strides = array<i32>} : memref<256xf32, #tpu.memory_space<vmem>>, vector<16xf32>,
    %swap3A_243 = arith.constant 96 : index
    %swap3A_244 = tpu.vector_load %arg7[%swap3A_243] {strides = array<i32>} : memref<256xf32, #tpu.memory_space<vmem>>, vector<16xf32>,
    %swap3A_245 = vector.shape_cast %swap3A_244 : vector<16xf32> to vector<16xf32>
    %swap3A_246 = vector.shape_cast %scan3A_218#6 : vector<16xf32> to vector<16xf32>
    tpu.vector_store %arg7[%swap3A_243], %swap3A_246 {strides = array<i32>} : memref<256xf32, #tpu.memory_space<vmem>>, vector<16xf32>,
    %swap3A_247 = arith.constant 112 : index
    %swap3A_248 = tpu.vector_load %arg7[%swap3A_247] {strides = array<i32>} : memref<256xf32, #tpu.memory_space<vmem>>, vector<16xf32>,
    %swap3A_249 = vector.shape_cast %swap3A_248 : vector<16xf32> to vector<16xf32>
    %swap3A_250 = vector.shape_cast %scan3A_218#7 : vector<16xf32> to vector<16xf32>
    tpu.vector_store %arg7[%swap3A_247], %swap3A_250 {strides = array<i32>} : memref<256xf32, #tpu.memory_space<vmem>>, vector<16xf32>,
    %swap3A_251 = arith.constant 128 : index
    %swap3A_252 = tpu.vector_load %arg7[%swap3A_251] {strides = array<i32>} : memref<256xf32, #tpu.memory_space<vmem>>, vector<16xf32>,
    %swap3A_253 = vector.shape_cast %swap3A_252 : vector<16xf32> to vector<16xf32>
    %swap3A_254 = vector.shape_cast %scan3A_218#8 : vector<16xf32> to vector<16xf32>
    tpu.vector_store %arg7[%swap3A_251], %swap3A_254 {strides = array<i32>} : memref<256xf32, #tpu.memory_space<vmem>>, vector<16xf32>,
    %swap3A_255 = arith.constant 144 : index
    %swap3A_256 = tpu.vector_load %arg7[%swap3A_255] {strides = array<i32>} : memref<256xf32, #tpu.memory_space<vmem>>, vector<16xf32>,
    %swap3A_257 = vector.shape_cast %swap3A_256 : vector<16xf32> to vector<16xf32>
    %swap3A_258 = vector.shape_cast %scan3A_218#9 : vector<16xf32> to vector<16xf32>
    tpu.vector_store %arg7[%swap3A_255], %swap3A_258 {strides = array<i32>} : memref<256xf32, #tpu.memory_space<vmem>>, vector<16xf32>,
    %swap3A_259 = arith.constant 160 : index
    %swap3A_260 = tpu.vector_load %arg7[%swap3A_259] {strides = array<i32>} : memref<256xf32, #tpu.memory_space<vmem>>, vector<16xf32>,
    %swap3A_261 = vector.shape_cast %swap3A_260 : vector<16xf32> to vector<16xf32>
    %swap3A_262 = vector.shape_cast %scan3A_218#10 : vector<16xf32> to vector<16xf32>
    tpu.vector_store %arg7[%swap3A_259], %swap3A_262 {strides = array<i32>} : memref<256xf32, #tpu.memory_space<vmem>>, vector<16xf32>,
    %swap3A_263 = arith.constant 176 : index
    %swap3A_264 = tpu.vector_load %arg7[%swap3A_263] {strides = array<i32>} : memref<256xf32, #tpu.memory_space<vmem>>, vector<16xf32>,
    %swap3A_265 = vector.shape_cast %swap3A_264 : vector<16xf32> to vector<16xf32>
    %swap3A_266 = vector.shape_cast %scan3A_218#11 : vector<16xf32> to vector<16xf32>
    tpu.vector_store %arg7[%swap3A_263], %swap3A_266 {strides = array<i32>} : memref<256xf32, #tpu.memory_space<vmem>>, vector<16xf32>,
    %swap3A_267 = arith.constant 192 : index
    %swap3A_268 = tpu.vector_load %arg7[%swap3A_267] {strides = array<i32>} : memref<256xf32, #tpu.memory_space<vmem>>, vector<16xf32>,
    %swap3A_269 = vector.shape_cast %swap3A_268 : vector<16xf32> to vector<16xf32>
    %swap3A_270 = vector.shape_cast %scan3A_218#12 : vector<16xf32> to vector<16xf32>
    tpu.vector_store %arg7[%swap3A_267], %swap3A_270 {strides = array<i32>} : memref<256xf32, #tpu.memory_space<vmem>>, vector<16xf32>,
    %swap3A_271 = arith.constant 208 : index
    %swap3A_272 = tpu.vector_load %arg7[%swap3A_271] {strides = array<i32>} : memref<256xf32, #tpu.memory_space<vmem>>, vector<16xf32>,
    %swap3A_273 = vector.shape_cast %swap3A_272 : vector<16xf32> to vector<16xf32>
    %swap3A_274 = vector.shape_cast %scan3A_218#13 : vector<16xf32> to vector<16xf32>
    tpu.vector_store %arg7[%swap3A_271], %swap3A_274 {strides = array<i32>} : memref<256xf32, #tpu.memory_space<vmem>>, vector<16xf32>,
    %swap3A_275 = arith.constant 224 : index
    %swap3A_276 = tpu.vector_load %arg7[%swap3A_275] {strides = array<i32>} : memref<256xf32, #tpu.memory_space<vmem>>, vector<16xf32>,
    %swap3A_277 = vector.shape_cast %swap3A_276 : vector<16xf32> to vector<16xf32>
    %swap3A_278 = vector.shape_cast %scan3A_218#14 : vector<16xf32> to vector<16xf32>
    tpu.vector_store %arg7[%swap3A_275], %swap3A_278 {strides = array<i32>} : memref<256xf32, #tpu.memory_space<vmem>>, vector<16xf32>,
    %swap3A_279 = arith.constant 240 : index
    %swap3A_280 = tpu.vector_load %arg7[%swap3A_279] {strides = array<i32>} : memref<256xf32, #tpu.memory_space<vmem>>, vector<16xf32>,
    %swap3A_281 = vector.shape_cast %swap3A_280 : vector<16xf32> to vector<16xf32>
    %swap3A_282 = vector.shape_cast %scan3A_218#15 : vector<16xf32> to vector<16xf32>
    tpu.vector_store %arg7[%swap3A_279], %swap3A_282 {strides = array<i32>} : memref<256xf32, #tpu.memory_space<vmem>>, vector<16xf32>,
    "tpu.region"() ({
      %run_scoped3A = tpu.sem_alloc : memref<!tpu.dma_semaphore, #tpu.memory_space<semaphore_mem>>
      %dma_start3A_283 = tpu.memref_slice %arg4[%select_n3A, %mul3A_32] : memref<4x2048xf32, #tpu.memory_space<hbm>> -> memref<1x256xf32, #tpu.memory_space<hbm>>
      %dma_start3A_284 = tpu.memref_squeeze %dma_start3A_283 : memref<1x256xf32, #tpu.memory_space<hbm>> -> memref<256xf32, #tpu.memory_space<hbm>>
      %dma_start3A_285 = tpu.memref_slice %arg4[%select_n3A, %mul3A_32] : memref<4x2048xf32, #tpu.memory_space<hbm>> -> memref<1x256xf32, #tpu.memory_space<hbm>>
      %dma_start3A_286 = tpu.memref_squeeze %dma_start3A_285 : memref<1x256xf32, #tpu.memory_space<hbm>> -> memref<256xf32, #tpu.memory_space<hbm>>
      tpu.enqueue_dma source(%arg7 : memref<256xf32, #tpu.memory_space<vmem>>) target(%dma_start3A_286 : memref<256xf32, #tpu.memory_space<hbm>>) target_semaphore(%run_scoped3A : memref<!tpu.dma_semaphore, #tpu.memory_space<semaphore_mem>>)
      %dma_wait3A = tpu.memref_slice %arg4[%select_n3A, %mul3A_32] : memref<4x2048xf32, #tpu.memory_space<hbm>> -> memref<1x256xf32, #tpu.memory_space<hbm>>
      %dma_wait3A_287 = tpu.memref_squeeze %dma_wait3A : memref<1x256xf32, #tpu.memory_space<hbm>> -> memref<256xf32, #tpu.memory_space<hbm>>
      %dma_wait3A_288 = tpu.memref_slice %arg4[%select_n3A, %mul3A_32] : memref<4x2048xf32, #tpu.memory_space<hbm>> -> memref<1x256xf32, #tpu.memory_space<hbm>>
      %dma_wait3A_289 = tpu.memref_squeeze %dma_wait3A_288 : memref<1x256xf32, #tpu.memory_space<hbm>> -> memref<256xf32, #tpu.memory_space<hbm>>
      tpu.wait_dma2 semaphore(%run_scoped3A : memref<!tpu.dma_semaphore, #tpu.memory_space<semaphore_mem>>) src(%arg7 : memref<256xf32, #tpu.memory_space<vmem>>) dst(%dma_wait3A_289 : memref<256xf32, #tpu.memory_space<hbm>>)
      tpu.yield
    }) : () -> ()
    return
  }
}

</mosaic_0001>

<sc_bundles>
// kernel: kernel.3.cloned.1.call-start
scs
__scs_entry_jumppad:
0x0: {  	(pc) =	sbr.rel $0x88, $3  }
0x1: {  	(tag) =	ssettag $0x0;
	lr =	simm.s32 $0x1  }
0x2: {  	[smem:$0x3F9F] =	sst lr;
	_ =	strace $0xD0000000  }
0x3: {  	_ = 	snop  }
0x4: {  	_ = 	snop  }
0x5: {  	_ = 	snop  }
0x6: {  	_ = 	snop  }
0x7: {  	_ = 	snop  }
__scs_overlays_trampoline_lowered:
0x8: {  	[smem:$0x3FAE] =	sst s0  }
0x9: {  	[smem:$0x3FAF] =	sst s1  }
0xa: {  	[smem:$0x3FB0] =	sst s2  }
0xb: {  	[smem:$0x3FB1] =	sst s3  }
0xc: {  	[smem:$0x3FB2] =	sst s4  }
0xd: {  	[smem:$0x3FB3] =	sst s5  }
0xe: {  	[smem:$0x3FB4] =	sst s6  }
0xf: {  	[smem:$0x3FB5] =	sst s7  }
0x10: {  	[smem:$0x3FB6] =	sst s8  }
0x11: {  	[smem:$0x3FB7] =	sst s9;
	s0 =	simm.s32 @!p0 $0x0  }
0x12: {  	s1 =	sld [smem:$0x3F9D];
	s0 =	simm.s32 @p0 $0x1  }
0x13: {  	[smem:$0x3FB8] =	sst s0;
	s0 =	simm.s32 @!p1 $0x0  }
0x14: {  	s2 =	sld [smem:$0x3F9C];
	s0 =	simm.s32 @p1 $0x1  }
0x15: {  	[smem:$0x3FB9] =	sst s0;
	s0 =	simm.s32 @!p2 $0x0  }
0x16: {  	s3 =	sld [smem:$0x3FDB];
	s0 =	simm.s32 @p2 $0x1  }
0x17: {  	s4 =	simm.s32 $0x1BF5;
	[smem:$0x3FBB] =	sst s0  }
0x18: {  	s0 =	sld [smem:$0x3F9E];
	_ =	swait.ge [sflag:s4], $0x0  }
0x19: {  	s7 =	sld [smem:$0x3F9F]  }
0x1a: {  	s8 =	sadd.s32 $0xFFFFE003, lr  }
0x1b: {  	s9 =	sadd.s32 $0xFFFFFEF7, lr;
	s5 =	simm.s32 $0xFFFFFFFF;
	p2 =	slt.u32 s8, $0xFFFFF086  }
0x1c: {  	p1 =	slt.u32 s9, $0xF7A;
	s5 =	simm.s32 @!p2 $0x0  }
0x1d: {  	s5 =	simm.s32 @p1 $0x1;
	p0 =	seq.s32 s7, s2  }
0x1e: {  	s7 =	smul.u32 @!p0 $0xF7A, s2;
	p2 =	seq.s32 @!p0 s5, $0x0  }
0x1f: {  	s9 =	smul.u32 $0xF7A, s1;
	s8 =	simm.s32 @!p0 $0x1BF5;
	p2 =	por !p2, p0  }
0x20: {  	[sflag:s8] =	ssyncset.s32 @!p0 $0xFFFFF086;
	s6 =	sadd.s32 @!p0 s3, s7;
	s7 =	simm.s32 @!p0 $0x108  }
0x21: {  	s3 =	sadd.s32 s3, s9;
	s6 =	sadd.s32 @!p0 $0x88, s6;
	s7 =	simm.s32 @p2 $0x1082  }
0x22: {  	[simem:s7], [sflag:s8] =	dma.local @!p0 [hbm:s6], $0xF7A  }
0x23: {  	s9 =	sor.u32 $0xD0000000, s2;
	s6 =	simm.s32 $0x108;
	_ =	swait.ge @!p0 [sflag:s8], $0x0  }
0x24: {  	s3 =	sadd.s32 $0x88, s3;
	s6 =	simm.s32 @!p1 $0x1082;
	[sflag:s4] =	ssyncset.s32 $0xFFFFF086  }
0x25: {  	[simem:s6], [sflag:s4] =	dma.local [hbm:s3], $0xF7A  }
0x26: {  	[smem:$0x3F9F] =	sst s1;
	(tag) =	ssettag s2;
	_ =	strace s9  }
0x27: {  	s1 =	sld [smem:$0x3FAF]  }
0x28: {  	s2 =	sld [smem:$0x3FB0]  }
0x29: {  	s4 =	sld [smem:$0x3FB2]  }
0x2a: {  	p0 =	seq.s32 s5, $0x0;
	s5 =	sld [smem:$0x3FB3]  }
0x2b: {  	s6 =	sld [smem:$0x3FB4]  }
0x2c: {  	s7 =	sld [smem:$0x3FB5]  }
0x2d: {  	s3 =	simm.s32 $0x108;
	s8 =	sld [smem:$0x3FB6]  }
0x2e: {  	s3 =	simm.s32 @!p0 $0x1082;
	s9 =	sld [smem:$0x3FB7]  }
0x2f: {  	lr =	sadd.s32 s0, s3;
	s0 =	sld [smem:$0x3FAE]  }
0x30: {  	s3 =	sld [smem:$0x3FB1]  }
0x31: {  	[smem:$0x3FBA] =	sst s10  }
0x32: {  	s10 =	sld [smem:$0x3FB8];
	_ =	sdelay $0x3  }
0x33: {  	p0 =	seq.s32 s10, $0x1;
	s10 =	sld [smem:$0x3FBA];
	_ =	sdelay $0x3  }
0x34: {  	[smem:$0x3FBA] =	sst s10  }
0x35: {  	s10 =	sld [smem:$0x3FB9];
	_ =	sdelay $0x3  }
0x36: {  	p1 =	seq.s32 s10, $0x1;
	s10 =	sld [smem:$0x3FBA];
	_ =	sdelay $0x3  }
0x37: {  	[smem:$0x3FBA] =	sst s10  }
0x38: {  	s10 =	sld [smem:$0x3FBB]  }
0x39: {  	_ = 	snop;
	(pc) =	sbr.ind lr, $3  }
0x3a: {  	_ = 	snop  }
0x3b: {  	_ = 	snop  }
0x3c: {  	p2 =	seq.s32 s10, $0x1;
	s10 =	sld [smem:$0x3FBA]  }
0x3d: {  	_ =	shalt  }
0x3e: {  	_ =	shalt  }
0x3f: {  	_ =	shalt  }
0x40: {  	_ =	shalt  }
0x41: {  	_ =	shalt  }
0x42: {  	_ =	shalt  }
0x43: {  	_ =	shalt  }
0x44: {  	_ =	shalt  }
0x45: {  	_ =	shalt  }
0x46: {  	_ =	shalt  }
0x47: {  	_ =	shalt  }
0x48: {  	_ =	shalt  }
0x49: {  	_ =	shalt  }
0x4a: {  	_ =	shalt  }
0x4b: {  	_ =	shalt  }
0x4c: {  	_ =	shalt  }
0x4d: {  	_ =	shalt  }
0x4e: {  	_ =	shalt  }
0x4f: {  	_ =	shalt  }
0x50: {  	_ =	shalt  }
0x51: {  	_ =	shalt  }
0x52: {  	_ =	shalt  }
0x53: {  	_ =	shalt  }
0x54: {  	_ =	shalt  }
0x55: {  	_ =	shalt  }
0x56: {  	_ =	shalt  }
0x57: {  	_ =	shalt  }
0x58: {  	_ =	shalt  }
0x59: {  	_ =	shalt  }
0x5a: {  	_ =	shalt  }
0x5b: {  	_ =	shalt  }
0x5c: {  	_ =	shalt  }
0x5d: {  	_ =	shalt  }
0x5e: {  	_ =	shalt  }
0x5f: {  	_ =	shalt  }
0x60: {  	_ =	shalt  }
0x61: {  	_ =	shalt  }
0x62: {  	_ =	shalt  }
0x63: {  	_ =	shalt  }
0x64: {  	_ =	shalt  }
0x65: {  	_ =	shalt  }
0x66: {  	_ =	shalt  }
0x67: {  	_ =	shalt  }
0x68: {  	_ =	shalt  }
0x69: {  	_ =	shalt  }
0x6a: {  	_ =	shalt  }
0x6b: {  	_ =	shalt  }
0x6c: {  	_ =	shalt  }
0x6d: {  	_ =	shalt  }
0x6e: {  	_ =	shalt  }
0x6f: {  	_ =	shalt  }
0x70: {  	_ =	shalt  }
0x71: {  	_ =	shalt  }
0x72: {  	_ =	shalt  }
0x73: {  	_ =	shalt  }
0x74: {  	_ =	shalt  }
0x75: {  	_ =	shalt  }
0x76: {  	_ =	shalt  }
0x77: {  	_ =	shalt  }
0x78: {  	_ =	shalt  }
0x79: {  	_ =	shalt  }
0x7a: {  	_ =	shalt  }
0x7b: {  	_ =	shalt  }
0x7c: {  	_ =	shalt  }
0x7d: {  	_ =	shalt  }
0x7e: {  	_ =	shalt  }
0x7f: {  	_ =	shalt  }
0x80: {  	_ =	shalt  }
0x81: {  	_ =	shalt  }
0x82: {  	_ =	shalt  }
0x83: {  	_ =	shalt  }
0x84: {  	_ =	shalt  }
0x85: {  	_ =	shalt  }
0x86: {  	_ =	shalt  }
0x87: {  	_ =	shalt  }
.Lfunc_end0:
.L_simem_size_0:
called_computation_lowered:
.L_overlay_start_0:
0x88: {  	s2 =	sld [smem:$0x3FD9]  }
0x89: {  	s3 =	sld [smem:$0x3FFE];
	_ =	sdelay $0x1  }
0x8a: {  	s1 =	srdreg.scid  }
0x8b: {  	s0 =	sand.u32 $0x1, s1  }
0x8c: {  	s17 =	sshll.u32 s0, $0xA;
	s2 =	sadd.s32 s3, s2  }
0x8d: {  	s2 =	sadd.s32 s2, s17  }
0x8e: {  	[smem:$0x3FC6] =	sst s2  }
0x8f: {  	_ = 	snop  }
0x90: {  	s2 =	sld [smem:$0x3FC9]  }
0x91: {  	s18 =	sld [smem:$0x3FD0];
	(tm) =	ssettm $0x1  }
0x92: {  	s4 =	sld [smem:$0x3FFB];
	_ =	sdelay $0x3  }
0x93: {  	_ =	strace s4  }
0x94: {  	s4 =	sld [smem:$0x3FFC];
	_ =	sdelay $0x3  }
0x95: {  	_ =	strace s4  }
0x96: {  	s4 =	sld [smem:$0x3FFD];
	_ =	sdelay $0x3  }
0x97: {  	_ =	strace s4  }
0x98: {  	_ =	strace $0x8FFFFFFF  }
0x99: {  	s19 =	sld [smem:$0x3FDB];
	_ =	sdelay $0x1  }
0x9a: {  	s5 =	simm.s32 $_scs_section_size  }
0x9b: {  	s6 =	simm.s32 $_size__tile_overlayer_lowered;
	s7 =	simm.s32 $_tile_overlayer_lowered  }
0x9c: {  	s22 =	simm.s32 $0x1BFF;
	s21 =	sshll.u32 s7, $0x1;
	s4 =	sadd.s32 s5, s19  }
0x9d: {  	s8 =	simm.s32 $0x0;
	s20 =	sshll.u32 s6, $0x1;
	s6 =	sadd.s32 s21, s4  }
0x9e: {  	[timem:s8], [sflag:s22] =	dma.local [hbm:s6], s20  }
0x9f: {  	_ =	swait.ge [sflag:s22], s20  }
0xa0: {  	s5 =	ssub.s32 $0x0, s20;
	[sflag:s22] =	ssyncset.done $0x0  }
0xa1: {  	[sflag:s22] =	ssyncadd.s32 s5;
	_ =	sdelay $0x1  }
0xa2: {  	s23 =	simm.s32 $0x1B8B  }
0xa3: {  	_ =	swait.ge [sflag:s23], $0x1  }
0xa4: {  	[sflag:s23] =	ssyncset.done $0x0  }
0xa5: {  	s25 =	simm.s32 $0x1B8E;
	s24 =	sld [smem:$0x3FFE];
	[sflag:s23] =	ssyncadd.s32 $0xFFFFFFFF  }
0xa6: {  	s26 =	simm.s32 $execute0_lowered;
	[smem:$0x3FD2] =	sst s25  }
0xa7: {  	s6 =	sshll.u32 s26, $0x1;
	_ =	strace $0x80000046;
	[dreg:$0x1] =	wrdreg $0xFFFFFFFF  }
0xa8: {  	s28 =	simm.s32 $_size_execute0_lowered;
	s4 =	sadd.s32 s4, s6;
	[dreg:$0x0] =	wrdreg $0x0  }
0xa9: {  	s6 =	sshll.u32 s28, $0x1;
	[dreg:$0x2] =	wrdreg s4  }
0xaa: {  	[dreg:$0x3] =	wrdreg s6  }
0xab: {  	[dreg:$0x4] =	wrdreg $0xC0  }
0xac: {  	_ =	task [dreg:s8], $0x5FFFF  }
0xad: {  	[dreg:$0x1] =	wrdreg $0xFFFFFFFF  }
0xae: {  	[dreg:$0x0] =	wrdreg $0x60  }
0xaf: {  	[dreg:$0x2] =	wrdreg s2  }
0xb0: {  	[dreg:$0x3] =	wrdreg s24  }
0xb1: {  	[dreg:$0x4] =	wrdreg s18  }
0xb2: {  	[dreg:$0x5] =	wrdreg $0x9  }
0xb3: {  	_ =	task.clear_ibuf [dreg:s8], $0x6FFFF;
	_ =	strace $0x90000046  }
0xb4: {  	s29 =	simm.s32 $0x9;
	_ =	strace $0x80000048  }
0xb5: {  	_ =	swait.ge [sflag:s29], $0x1  }
0xb6: {  	[sflag:s29] =	ssyncadd.s32 $0xFFFFFFFF  }
0xb7: {  	_ =	strace $0x90000048  }
0xb8: {  	_ =	sfence  }
0xb9: {  	s30 =	sld [smem:$0x0];
	_ =	sdelay $0x2  }
0xba: {  	s31 =	sshll.u32 s1, $0xD;
	s1 =	sshrl.u32 s1, $0x2  }
0xbb: {  	s3 =	sand.u32 $0x4000, s31;
	s1 =	sadd.s32 s1, s30  }
0xbc: {  	s0 =	sor.u32 s3, s0;
	s1 =	sshll.u32 s1, $0x11  }
0xbd: {  	s0 =	sor.u32 s1, s0  }
0xbe: {  	s0 =	sadd.s32 $0x8F2B, s0  }
0xbf: {  	[sflag:s0] =	ssyncadd.remote.s32 $0x1  }
0xc0: {  	_ =	sfence.sel $0xFFFF  }
0xc1: {  	[dreg:$0x0] =	wrdreg $0xFFFFFFFF;
	(pc) =	sbr.abs _section_cstart, $3  }
0xc2: {  	[dreg:$0x1] =	wrdreg $0xFFFFFFFF  }
0xc3: {  	_ =	task.clear_ibuf [dreg:s8], $0x2FFFF;
	_ =	strace $0x9FFFFFFF  }
0xc4: {  	(tm) =	ssettm $0x7FFFFFFF  }
0xc5: {  	_ =	shalt  }
tec
execute0_lowered:
.L_overlay_start_1:
0x0: {  	(tag) =	ssettag $0x1  }
0x1: {  	s2 =	rddreg [dreg:$0x0]  }
0x2: {  	s0 =	rddreg [dreg:$0x1]  }
0x3: {  	s1 =	rddreg [dreg:$0x2];
	s6 =	stileid.u32  }
0x4: {  	s4 =	srdreg.scid;
	s3 =	simm.s32 $0x0;
	s17 =	simm.s32 $0x800  }
0x5: {  	s28 =	simm.s32 $0x2;
	s29 =	simm.s32 $0x6;
	s30 =	simm.s32 $0x3  }
0x6: {  	s31 =	simm.s32 $0x7;
	s5 =	sshll.u32 s6, $0x1;
	s4 =	sand.u32 $0x1, s4  }
0x7: {  	[smem:$0x7FF] =	sst s3;
	s6 =	sshrl.u32 s6, $0x2;
	s5 =	sand.u32 $0x6, s5  }
0x8: {  	s8 =	ssub.s32 $0x2, s4;
	s18 =	sshll.u32 s6, $0x17;
	_ =	strace $0x80000047  }
0x9: {  	s22 =	sshll.u32 s6, $0xE;
	s7 =	sor.u32 s4, s5;
	s9 =	sshrl.u32 s8, $0x1  }
0xa: {  	s5 =	sshll.u32 s7, $0xB;
	s19 =	ssub.s32 s8, s9;
	s21 =	sshll.u32 s7, $0x7  }
0xb: {  	s7 =	sshll.u32 s6, $0x11;
	s6 =	sshll.u32 s6, $0x4;
	s4 =	sor.u32 s18, s5  }
0xc: {  	s5 =	sadd.s32 $0x200, s0;
	s1 =	sadd.s32 s1, s6;
	s0 =	smax.u32 s19, $0x1  }
0xd: {  	s18 =	simm.s32 $0x4000;
	s8 =	sadd.s32 s5, s22;
	[dreg:$0xd] =	wrdreg s0  }
0xe: {  	s19 =	simm.s32 $0x0;
	s1 =	sadd.s32 s21, s1;
	[dreg:$0x5] =	wrdreg s8  }
0xf: {  	s20 =	sshrl.u32 s4, $0x3;
	s23 =	sadd.s32 $0x400, s8;
	[dreg:$0xc] =	wrdreg s1  }
0x10: {  	s0 =	simm.s32 $0x4;
	s25 =	sadd.s32 $0x800, s8;
	[dreg:$0x7] =	wrdreg s23  }
0x11: {  	s22 =	simm.s32 $0x9;
	s10 =	sadd.s32 s2, s20;
	[dreg:$0x9] =	wrdreg s25  }
.Ltmp0:
0x12: {  	s26 =	sadd.s32 $0xC00, s8;
	[dreg:$0x4] =	wrdreg s10;
	(pc) =	sbr.rel .LBB2_1-.Ltmp0, $4  }
0x13: {  	s1 =	simm.s32 $0x8;
	s11 =	sadd.s32 $0x4000, s10;
	[dreg:$0xb] =	wrdreg s26  }
0x14: {  	s24 =	sadd.s32 $0x8000, s10;
	s10 =	sadd.s32 $0xC000, s10;
	[dreg:$0x6] =	wrdreg s11  }
0x15: {  	s23 =	simm.s32 $0xC000;
	s25 =	simm.s32 $0x1;
	[dreg:$0x8] =	wrdreg s24  }
0x16: {  	s26 =	simm.s32 $0x5;
	[dreg:$0xa] =	wrdreg s10;
	s24 =	simm.s32 $0x16000  }
.LBB2_12:
0x17: {  	[tilespmem:$0x18000] =	vst v17  }
0x18: {  	[tilespmem:$0x18010] =	vst v15  }
0x19: {  	[tilespmem:$0x18020] =	vst v18  }
0x1a: {  	[tilespmem:$0x18030] =	vst v16  }
0x1b: {  	[tilespmem:$0x18060] =	vst v27  }
0x1c: {  	[tilespmem:$0x18070] =	vst v26  }
0x1d: {  	[tilespmem:$0x18080] =	vst v11  }
0x1e: {  	[tilespmem:$0x18090] =	vst v9  }
0x1f: {  	[tilespmem:$0x180A0] =	vst v8  }
0x20: {  	[tilespmem:$0x180B0] =	vst v7  }
0x21: {  	[tilespmem:$0x180C0] =	vst v4  }
0x22: {  	[tilespmem:$0x180D0] =	vst v3  }
0x23: {  	[tilespmem:$0x180E0] =	vst v2  }
0x24: {  	[tilespmem:$0x180F0] =	vst v0  }
0x25: {  	s6 =	rddreg [dreg:$0xc];
	[tilespmem:$0x18040] =	vst v14  }
0x26: {  	s8 =	simm.s32 $0x80;
	s9 =	simm.s32 $0x200;
	s10 =	simm.s32 $0x18000;
	[tilespmem:$0x18050] =	vst v6  }
0x27: {  	[hbm4b:s6+s8] =	stream.strided.scatter [tilespmem:s10], [sflag:$0x9], $0x100, s9, s8, $0x38;
	[tilespmem:$0x18100] =	vst v63  }
0x28: {  	_ =	swait.ge [sflag:s22], $0x100  }
0x29: {  	s19 =	sadd.s32 $0x1, s19;
	s21 =	rddreg [dreg:$0xd]  }
0x2a: {  	p0 =	sne.s32 s19, s21  }
.Ltmp1:
0x2b: {  	_ = 	snop;
	(pc) =	sbr.rel @!p0 .LBB2_13-.Ltmp1, $3  }
0x2c: {  	_ =	sdelay $0x1  }
0x2d: {  	[sflag:s22] =	ssyncset.done $0x0  }
0x2e: {  	[sflag:s22] =	ssyncadd.s32 $0xFFFFFF00  }
.LBB2_1:
0x2f: {  	s6 =	rddreg [dreg:$0x4]  }
0x30: {  	[tilespmem:s3], [sflag:$0x1] =	stream.strided.gather [hbm4b:s6+s17], $0x4000, s18, s17, $0x38;
	[tilespmem:$0x18100] =	vst v63  }
0x31: {  	s9 =	rddreg [dreg:$0x5];
	s8 =	simm.s32 $0x10000  }
0x32: {  	[tilespmem:s8], [sflag:$0x5] =	stream.linear.gather [hbm4b:s9+s3], $0x2000, $0x38;
	[tilespmem:$0x18100] =	vst v63  }
0x33: {  	s10 =	rddreg [dreg:$0x6]  }
0x34: {  	[tilespmem:s18], [sflag:$0x2] =	stream.strided.gather [hbm4b:s10+s17], $0x4000, s18, s17, $0x38;
	[tilespmem:$0x18100] =	vst v63  }
0x35: {  	s11 =	rddreg [dreg:$0x7];
	s12 =	simm.s32 $0x12000  }
0x36: {  	[tilespmem:s12], [sflag:$0x6] =	stream.linear.gather [hbm4b:s11+s3], $0x2000, $0x38;
	[tilespmem:$0x18100] =	vst v63  }
0x37: {  	s13 =	rddreg [dreg:$0x8];
	s14 =	simm.s32 $0x8000  }
0x38: {  	[tilespmem:s14], [sflag:$0x3] =	stream.strided.gather [hbm4b:s13+s17], $0x4000, s18, s17, $0x38;
	[tilespmem:$0x18100] =	vst v63  }
0x39: {  	s15 =	rddreg [dreg:$0x9];
	s16 =	simm.s32 $0x14000;
	v0 =	vimm.f32 $0.0e+00  }
0x3a: {  	v2 =	vimm.f32 $0.0e+00;
	v3 =	vimm.f32 $0.0e+00;
	v4 =	vimm.f32 $0.0e+00;
	[tilespmem:s16], [sflag:$0x7] =	stream.linear.gather [hbm4b:s15+s3], $0x2000, $0x38;
	[tilespmem:$0x18100] =	vst v63  }
0x3b: {  	s20 =	rddreg [dreg:$0xa];
	v7 =	vimm.f32 $0.0e+00;
	v8 =	vimm.f32 $0.0e+00;
	v9 =	vimm.f32 $0.0e+00  }
0x3c: {  	v11 =	vimm.f32 $0.0e+00;
	v26 =	vimm.f32 $0.0e+00;
	v27 =	vimm.f32 $0.0e+00;
	[tilespmem:s23], [sflag:$0x4] =	stream.strided.gather [hbm4b:s20+s17], $0x4000, s18, s17, $0x38;
	[tilespmem:$0x18100] =	vst v63  }
0x3d: {  	s21 =	rddreg [dreg:$0xb];
	v6 =	vimm.f32 $0.0e+00;
	v14 =	vimm.f32 $0.0e+00;
	v16 =	vimm.f32 $0.0e+00;
	s20 =	simm.s32 $0x0  }
0x3e: {  	v18 =	vimm.f32 $0.0e+00;
	v15 =	vimm.f32 $0.0e+00;
	v17 =	vimm.f32 $0.0e+00;
	[tilespmem:s24], [sflag:$0x8] =	stream.linear.gather [hbm4b:s21+s3], $0x2000, $0x38;
	[tilespmem:$0x18100] =	vst v63  }
.LBB2_2:
0x3f: {  	_ =	swait.ge [sflag:s25], $0x4000  }
0x40: {  	[sflag:s25] =	ssyncset.done $0x0  }
0x41: {  	[sflag:s25] =	ssyncadd.s32 $0xFFFFC000  }
0x42: {  	_ =	swait.ge [sflag:s26], $0x2000  }
0x43: {  	[sflag:s26] =	ssyncset.done $0x0  }
0x44: {  	s9 =	simm.s32 $0x10100;
	[sflag:s26] =	ssyncadd.s32 $0xFFFFE000  }
0x45: {  	v10 =	vld [tilespmem:s9+$0x80]  }
0x46: {  	s10 =	simm.s32 $0x0;
	v13 =	vld [tilespmem:s9+$0x0]  }
0x47: {  	s6 =	sand.u32 $0x3800, s10;
	s11 =	sand.u32 $0x200, s10;
	v12 =	vld [tilespmem:s9+$0xFFFFFF80]  }
0x48: {  	s11 =	sor.u32 s11, s6;
	v1 =	vld [tilespmem:s9+$0xFFFFFF00]  }
0x49: {  	v5 =	vld [tilespmem:s11+$0x0]  }
0x4a: {  	v19 =	vld [tilespmem:s11+$0x10]  }
0x4b: {  	v20 =	vld [tilespmem:s11+$0x20]  }
0x4c: {  	v21 =	vld [tilespmem:s11+$0x30]  }
0x4d: {  	v22 =	vld [tilespmem:s11+$0x40]  }
0x4e: {  	s12 =	simm.s32 $0x180;
	v23 =	vld [tilespmem:s11+$0x50]  }
0x4f: {  	s12 =	sand.u32 $0x380, s12;
	v24 =	vld [tilespmem:s11+$0x60]  }
0x50: {  	s13 =	sor.u32 s12, s6;
	v25 =	vld [tilespmem:s11+$0x70]  }
0x51: {  	v28 =	vld [tilespmem:s13+$0x0]  }
0x52: {  	v29 =	vld [tilespmem:s13+$0x10]  }
0x53: {  	v30 =	vld [tilespmem:s13+$0x20]  }
0x54: {  	v31 =	vld [tilespmem:s13+$0x30]  }
0x55: {  	v32 =	vld [tilespmem:s13+$0x40]  }
0x56: {  	s14 =	simm.s32 $0x100;
	v33 =	vld [tilespmem:s13+$0x50]  }
0x57: {  	s12 =	sand.u32 $0x300, s14;
	v34 =	vld [tilespmem:s13+$0x60]  }
0x58: {  	s12 =	sor.u32 s12, s6;
	v35 =	vld [tilespmem:s13+$0x70]  }
0x59: {  	v36 =	vld [tilespmem:s12+$0x0]  }
0x5a: {  	v37 =	vld [tilespmem:s12+$0x10]  }
0x5b: {  	v38 =	vld [tilespmem:s12+$0x20]  }
0x5c: {  	v39 =	vld [tilespmem:s12+$0x30]  }
0x5d: {  	v40 =	vld [tilespmem:s12+$0x40]  }
0x5e: {  	s15 =	simm.s32 $0x80;
	v41 =	vld [tilespmem:s12+$0x50]  }
0x5f: {  	s11 =	sand.u32 $0x280, s15;
	v42 =	vld [tilespmem:s12+$0x60]  }
0x60: {  	v45 =	vld [tilespmem:s12+$0x70];
	s6 =	sor.u32 s11, s6;
	v5 =	vmul.f32 v5, v1;
	v19 =	vmul.f32 v19, v1  }
0x61: {  	v43 =	vmul.f32 v20, v1;
	v46 =	vmul.f32 v22, v1;
	v22 =	vld [tilespmem:s6+$0x0]  }
0x62: {  	v44 =	vmul.f32 v21, v1;
	v47 =	vmul.f32 v23, v1;
	v23 =	vld [tilespmem:s6+$0x10]  }
0x63: {  	v48 =	vmul.f32 v24, v1;
	v49 =	vmul.f32 v25, v1;
	v24 =	vld [tilespmem:s6+$0x20]  }
0x64: {  	p0 =	por $0x0, $0x0;
	s11 =	simm.s32 $0x1;
	v50 =	vmul.f32 v28, v10;
	v51 =	vmul.f32 v29, v10;
	v25 =	vld [tilespmem:s6+$0x30]  }
0x65: {  	s11 =	simm.s32 @!p0 $0x0;
	v52 =	vmul.f32 v30, v10;
	v53 =	vmul.f32 v31, v10;
	v28 =	vld [tilespmem:s6+$0x40]  }
0x66: {  	s11 =	sshll.u32 s11, $0x9;
	v54 =	vmul.f32 v32, v10;
	v55 =	vmul.f32 v33, v10;
	v29 =	vld [tilespmem:s6+$0x50]  }
0x67: {  	s11 =	sadd.s32 $0x0, s11;
	v21 =	vmul.f32 v34, v10;
	v20 =	vmul.f32 v35, v10;
	v30 =	vld [tilespmem:s6+$0x60]  }
0x68: {  	v32 =	vmul.f32 v36, v13;
	v33 =	vmul.f32 v37, v13;
	s16 =	sor.u32 $0x400, s11;
	v31 =	vld [tilespmem:s6+$0x70]  }
0x69: {  	v34 =	vmul.f32 v38, v13;
	v35 =	vmul.f32 v39, v13;
	s21 =	sor.u32 $0x410, s11;
	v36 =	vld [tilespmem:s16+$0x0]  }
0x6a: {  	v37 =	vmul.f32 v40, v13;
	v38 =	vmul.f32 v41, v13;
	s8 =	sor.u32 $0x420, s11;
	v39 =	vld [tilespmem:s21+$0x0]  }
0x6b: {  	v40 =	vmul.f32 v42, v13;
	v41 =	vmul.f32 v45, v13;
	s15 =	sor.u32 $0x450, s11;
	v42 =	vld [tilespmem:s8+$0x0]  }
0x6c: {  	s13 =	sand.u32 $0x7, s10;
	s12 =	sor.u32 $0x430, s11;
	v59 =	vld [tilespmem:s15+$0x0];
	v5 =	vadd.f32 v5, v17;
	v15 =	vadd.f32 v19, v15;
	v45 =	vmul.f32 v22, v12  }
0x6d: {  	s14 =	sor.u32 $0x440, s11;
	v18 =	vadd.f32 v43, v18;
	v23 =	vmul.f32 v23, v12;
	v22 =	vld [tilespmem:s12+$0x0];
	v24 =	vmul.f32 v24, v12;
	s12 =	sshll.u32 s13, $0x7  }
0x6e: {  	v56 =	vld [tilespmem:s14+$0x0];
	s16 =	sor.u32 $0x460, s11;
	v16 =	vadd.f32 v44, v16;
	v25 =	vmul.f32 v25, v12;
	v57 =	vmul.f32 v28, v12;
	s12 =	sadd.s32 $0x0, s12  }
0x6f: {  	s21 =	sor.u32 $0x470, s11;
	v63 =	vld [tilespmem:s16+$0x0];
	v6 =	vadd.f32 v47, v6;
	v58 =	vmul.f32 v29, v12;
	v60 =	vmul.f32 v30, v12;
	s14 =	sadd.s32 $0x180, s12  }
0x70: {  	v17 =	vld [tilespmem:s21+$0x0];
	v27 =	vadd.f32 v48, v27;
	v61 =	vmul.f32 v31, v12;
	v29 =	vmul.f32 v36, v1;
	s8 =	sor.u32 $0x400, s14  }
0x71: {  	v28 =	vmul.f32 v39, v1;
	v30 =	vmul.f32 v42, v1;
	v5 =	vadd.f32 v45, v5;
	s15 =	sor.u32 $0x420, s14;
	v19 =	vld [tilespmem:s8+$0x0]  }
0x72: {  	s13 =	sand.u32 $0x3, s10;
	v15 =	vadd.f32 v23, v15;
	v23 =	vmul.f32 v59, v1;
	v18 =	vadd.f32 v24, v18;
	s11 =	sor.u32 $0x410, s14;
	v59 =	vld [tilespmem:s15+$0x0]  }
0x73: {  	v16 =	vadd.f32 v25, v16;
	s16 =	sor.u32 $0x430, s14;
	v31 =	vmul.f32 v22, v1;
	v22 =	vmul.f32 v56, v1;
	v56 =	vld [tilespmem:s11+$0x0];
	s11 =	sshll.u32 s13, $0x8  }
0x74: {  	v24 =	vmul.f32 v63, v1;
	s21 =	sor.u32 $0x440, s14;
	v5 =	vadd.f32 v32, v5;
	v15 =	vadd.f32 v33, v15;
	v36 =	vld [tilespmem:s16+$0x0];
	s11 =	sadd.s32 $0x0, s11  }
0x75: {  	v25 =	vmul.f32 v17, v1;
	v62 =	vadd.f32 v35, v16;
	v63 =	vld [tilespmem:s21+$0x0];
	s8 =	sor.u32 $0x450, s14;
	v1 =	vadd.f32 v34, v18;
	s15 =	sadd.s32 $0x100, s11  }
0x76: {  	v16 =	vadd.f32 v50, v5;
	v17 =	vadd.f32 v51, v15;
	v5 =	vld [tilespmem:s8+$0x0];
	s11 =	sor.u32 $0x400, s15  }
0x77: {  	s16 =	sadd.s32 $0x80, s12;
	v18 =	vadd.f32 v52, v1;
	v1 =	vadd.f32 v46, v14;
	s13 =	sor.u32 $0x410, s15;
	v15 =	vld [tilespmem:s11+$0x0]  }
0x78: {  	v6 =	vadd.f32 v58, v6;
	s21 =	sor.u32 $0x400, s16;
	v32 =	vmul.f32 v19, v10;
	v14 =	vld [tilespmem:s13+$0x0];
	v34 =	vmul.f32 v59, v10  }
0x79: {  	s8 =	sor.u32 $0x410, s16;
	v59 =	vld [tilespmem:s21+$0x0];
	v1 =	vadd.f32 v57, v1;
	v33 =	vmul.f32 v56, v10;
	v56 =	vadd.f32 v49, v26  }
0x7a: {  	v42 =	vld [tilespmem:s8+$0x0];
	v19 =	vadd.f32 v53, v62;
	v35 =	vmul.f32 v36, v10;
	s11 =	sor.u32 $0x420, s16;
	v62 =	vadd.f32 v60, v27  }
0x7b: {  	s12 =	sor.u32 $0x430, s16;
	v26 =	vmul.f32 v63, v10;
	v43 =	vld [tilespmem:s11+$0x0];
	v1 =	vadd.f32 v37, v1;
	v63 =	vadd.f32 v61, v56  }
0x7c: {  	v44 =	vld [tilespmem:s12+$0x0];
	s13 =	sor.u32 $0x420, s15;
	v27 =	vmul.f32 v5, v10;
	v5 =	vadd.f32 v38, v6;
	v48 =	vadd.f32 v40, v62  }
0x7d: {  	s12 =	simm.s32 $0x0;
	s21 =	sor.u32 $0x430, s15;
	v45 =	vld [tilespmem:s13+$0x0];
	v39 =	vmul.f32 v15, v13;
	v47 =	vadd.f32 v41, v63;
	v40 =	vmul.f32 v14, v13  }
0x7e: {  	s6 =	sor.u32 $0x440, s15;
	s11 =	simm.s32 $0x400;
	s13 =	simm.s32 $0x0;
	v46 =	vmul.f32 v59, v12;
	v41 =	vld [tilespmem:s21+$0x0];
	v14 =	vadd.f32 v54, v1;
	v15 =	vadd.f32 v55, v5  }
.LBB2_3:
0x7f: {  	p1 =	sne.s32 s11, $0x3C00;
	v6 =	vmul.f32 v42, v12;
	v36 =	vld [tilespmem:s6+$0x0];
	s6 =	sor.u32 $0x450, s15;
	v1 =	vadd.f32 v21, v48;
	v5 =	vadd.f32 v20, v47  }
0x80: {  	v11 =	vadd.f32 v29, v11;
	v9 =	vadd.f32 v28, v9;
	s21 =	sor.u32 $0x440, s16;
	v20 =	vmul.f32 v43, v12;
	v21 =	vld [tilespmem:s6+$0x0]  }
0x81: {  	v8 =	vadd.f32 v30, v8;
	v7 =	vadd.f32 v31, v7;
	s6 =	sor.u32 $0x450, s16;
	v28 =	vmul.f32 v44, v12;
	v29 =	vld [tilespmem:s21+$0x0]  }
0x82: {  	v11 =	vadd.f32 v46, v11;
	v6 =	vadd.f32 v6, v9;
	v30 =	vld [tilespmem:s6+$0x0];
	s6 =	sor.u32 $0x460, s16;
	v9 =	vmul.f32 v45, v13  }
0x83: {  	v8 =	vadd.f32 v20, v8;
	v7 =	vadd.f32 v28, v7;
	v20 =	vld [tilespmem:s6+$0x0];
	s6 =	sor.u32 $0x470, s16;
	v28 =	vmul.f32 v41, v13  }
0x84: {  	v11 =	vadd.f32 v39, v11;
	v6 =	vadd.f32 v40, v6;
	v31 =	vld [tilespmem:s6+$0x0];
	v36 =	vmul.f32 v36, v13;
	s6 =	sor.u32 $0x460, s15  }
0x85: {  	v8 =	vadd.f32 v9, v8;
	v7 =	vadd.f32 v28, v7;
	v21 =	vmul.f32 v21, v13;
	v28 =	vld [tilespmem:s6+$0x0];
	s6 =	sor.u32 $0x470, s15  }
0x86: {  	v11 =	vadd.f32 v32, v11;
	v9 =	vadd.f32 v33, v6;
	v29 =	vmul.f32 v29, v12;
	v37 =	vld [tilespmem:s6+$0x0];
	s6 =	sor.u32 $0x460, s14  }
0x87: {  	v8 =	vadd.f32 v34, v8;
	v6 =	vmul.f32 v30, v12;
	v7 =	vadd.f32 v35, v7;
	v30 =	vld [tilespmem:s6+$0x0];
	s6 =	sor.u32 $0x470, s14  }
0x88: {  	v4 =	vadd.f32 v22, v4;
	v3 =	vadd.f32 v23, v3;
	s9 =	sadd.s32 $0x200, s9;
	v20 =	vmul.f32 v20, v12;
	v22 =	vld [tilespmem:s6+$0x0]  }
0x89: {  	v2 =	vadd.f32 v24, v2;
	v0 =	vadd.f32 v25, v0;
	v23 =	vld [tilespmem:s9+$0x80];
	v24 =	vmul.f32 v31, v12  }
0x8a: {  	s10 =	sadd.s32 $0x200, s10;
	v4 =	vadd.f32 v29, v4;
	v3 =	vadd.f32 v6, v3;
	v25 =	vld [tilespmem:s9+$0x0];
	v28 =	vmul.f32 v28, v13  }
0x8b: {  	s14 =	sand.u32 $0x3800, s11;
	s6 =	sand.u32 $0x200, s10;
	v2 =	vadd.f32 v20, v2;
	v12 =	vld [tilespmem:s9+$0xFFFFFF80];
	v0 =	vadd.f32 v24, v0;
	v13 =	vmul.f32 v37, v13  }
0x8c: {  	s6 =	sor.u32 s6, s14;
	v4 =	vadd.f32 v36, v4;
	v3 =	vadd.f32 v21, v3;
	v6 =	vld [tilespmem:s9+$0xFFFFFF00];
	v20 =	vmul.f32 v30, v10  }
0x8d: {  	v2 =	vadd.f32 v28, v2;
	v21 =	vld [tilespmem:s6+$0x0];
	v0 =	vadd.f32 v13, v0;
	v24 =	vmul.f32 v22, v10  }
0x8e: {  	v4 =	vadd.f32 v26, v4;
	v3 =	vadd.f32 v27, v3;
	v22 =	vld [tilespmem:s6+$0x10];
	v10 =	vmov v23  }
0x8f: {  	v2 =	vadd.f32 v20, v2;
	v23 =	vld [tilespmem:s6+$0x20];
	v0 =	vadd.f32 v24, v0;
	v13 =	vmov v25  }
0x90: {  	v20 =	vld [tilespmem:s6+$0x30]  }
0x91: {  	v24 =	vld [tilespmem:s6+$0x40]  }
0x92: {  	s15 =	sadd.s32 $0x180, s10;
	v25 =	vld [tilespmem:s6+$0x50]  }
0x93: {  	s15 =	sand.u32 $0x380, s15;
	v26 =	vld [tilespmem:s6+$0x60]  }
0x94: {  	v27 =	vld [tilespmem:s6+$0x70];
	s6 =	sor.u32 s15, s14  }
0x95: {  	v28 =	vld [tilespmem:s6+$0x0]  }
0x96: {  	v29 =	vld [tilespmem:s6+$0x10]  }
0x97: {  	v30 =	vld [tilespmem:s6+$0x20]  }
0x98: {  	v31 =	vld [tilespmem:s6+$0x30]  }
0x99: {  	v32 =	vld [tilespmem:s6+$0x40]  }
0x9a: {  	s15 =	sadd.s32 $0x100, s10;
	v33 =	vld [tilespmem:s6+$0x50]  }
0x9b: {  	s15 =	sand.u32 $0x300, s15;
	v38 =	vld [tilespmem:s6+$0x60]  }
0x9c: {  	s15 =	sor.u32 s15, s14;
	v39 =	vld [tilespmem:s6+$0x70]  }
0x9d: {  	v40 =	vld [tilespmem:s15+$0x0]  }
0x9e: {  	v41 =	vld [tilespmem:s15+$0x10]  }
0x9f: {  	v42 =	vld [tilespmem:s15+$0x20]  }
0xa0: {  	v43 =	vld [tilespmem:s15+$0x30]  }
0xa1: {  	v44 =	vld [tilespmem:s15+$0x40]  }
0xa2: {  	s6 =	sadd.s32 $0x80, s10;
	v45 =	vld [tilespmem:s15+$0x50]  }
0xa3: {  	v46 =	vmul.f32 v21, v6;
	v22 =	vmul.f32 v22, v6;
	s6 =	sand.u32 $0x280, s6;
	v47 =	vld [tilespmem:s15+$0x60]  }
0xa4: {  	v23 =	vmul.f32 v23, v6;
	v48 =	vmul.f32 v20, v6;
	s6 =	sor.u32 s6, s14;
	v49 =	vld [tilespmem:s15+$0x70]  }
0xa5: {  	v34 =	vmul.f32 v24, v6;
	v35 =	vmul.f32 v25, v6;
	v24 =	vld [tilespmem:s6+$0x0]  }
0xa6: {  	v26 =	vmul.f32 v26, v6;
	v27 =	vmul.f32 v27, v6;
	v25 =	vld [tilespmem:s6+$0x10]  }
0xa7: {  	v51 =	vmul.f32 v28, v10;
	v52 =	vmul.f32 v29, v10;
	v50 =	vld [tilespmem:s6+$0x20]  }
0xa8: {  	p0 =	por !p0, !p0;
	v53 =	vmul.f32 v30, v10;
	v54 =	vmul.f32 v31, v10;
	s14 =	simm.s32 $0x1;
	v28 =	vld [tilespmem:s6+$0x30]  }
0xa9: {  	v36 =	vmul.f32 v32, v10;
	s14 =	simm.s32 @!p0 $0x0;
	v37 =	vmul.f32 v33, v10;
	v29 =	vld [tilespmem:s6+$0x40]  }
0xaa: {  	s14 =	sshll.u32 s14, $0x9;
	v21 =	vmul.f32 v38, v10;
	v20 =	vmul.f32 v39, v10;
	v30 =	vld [tilespmem:s6+$0x50]  }
0xab: {  	s14 =	sadd.s32 s14, s11;
	v32 =	vmul.f32 v40, v13;
	v33 =	vmul.f32 v41, v13;
	v31 =	vld [tilespmem:s6+$0x60]  }
0xac: {  	s15 =	sor.u32 $0x400, s14;
	v39 =	vmul.f32 v42, v13;
	v40 =	vmul.f32 v43, v13;
	v38 =	vld [tilespmem:s6+$0x70]  }
0xad: {  	v55 =	vmul.f32 v44, v13;
	v45 =	vmul.f32 v45, v13;
	s6 =	sor.u32 $0x410, s14;
	v41 =	vld [tilespmem:s15+$0x0]  }
0xae: {  	v47 =	vmul.f32 v47, v13;
	v49 =	vmul.f32 v49, v13;
	v42 =	vld [tilespmem:s6+$0x0];
	s6 =	sor.u32 $0x420, s14  }
0xaf: {  	s12 =	sadd.s32 $0x4, s12;
	v24 =	vmul.f32 v24, v12;
	v25 =	vmul.f32 v25, v12;
	v43 =	vld [tilespmem:s6+$0x0];
	s6 =	sor.u32 $0x430, s14  }
0xb0: {  	v50 =	vmul.f32 v50, v12;
	s15 =	sand.u32 $0x7, s12;
	v56 =	vmul.f32 v28, v12;
	v44 =	vld [tilespmem:s6+$0x0];
	s6 =	sor.u32 $0x440, s14  }
0xb1: {  	s15 =	sshll.u32 s15, $0x7;
	v58 =	vmul.f32 v29, v12;
	v59 =	vmul.f32 v30, v12;
	v57 =	vld [tilespmem:s6+$0x0];
	s6 =	sor.u32 $0x450, s14  }
0xb2: {  	s16 =	sadd.s32 s11, s15;
	v61 =	vmul.f32 v31, v12;
	v38 =	vmul.f32 v38, v12;
	v60 =	vld [tilespmem:s6+$0x0];
	s6 =	sor.u32 $0x460, s14  }
0xb3: {  	v29 =	vmul.f32 v41, v6;
	v28 =	vmul.f32 v42, v6;
	v41 =	vld [tilespmem:s6+$0x0];
	s6 =	sor.u32 $0x470, s14;
	s14 =	sadd.s32 $0x180, s16  }
0xb4: {  	v16 =	vadd.f32 v46, v16;
	v17 =	vadd.f32 v22, v17;
	v30 =	vmul.f32 v43, v6;
	v42 =	vld [tilespmem:s6+$0x0];
	s6 =	sor.u32 $0x400, s14  }
0xb5: {  	s13 =	sadd.s32 $0x2, s13;
	v18 =	vadd.f32 v23, v18;
	v19 =	vadd.f32 v48, v19;
	v31 =	vmul.f32 v44, v6;
	v43 =	vld [tilespmem:s6+$0x0];
	s6 =	sor.u32 $0x410, s14  }
0xb6: {  	v16 =	vadd.f32 v24, v16;
	v17 =	vadd.f32 v25, v17;
	s15 =	sand.u32 $0x3, s13;
	v22 =	vmul.f32 v57, v6;
	v44 =	vld [tilespmem:s6+$0x0];
	s6 =	sor.u32 $0x420, s14  }
0xb7: {  	v18 =	vadd.f32 v50, v18;
	v19 =	vadd.f32 v56, v19;
	s15 =	sshll.u32 s15, $0x8;
	v23 =	vmul.f32 v60, v6;
	v46 =	vld [tilespmem:s6+$0x0];
	s6 =	sor.u32 $0x430, s14  }
0xb8: {  	v16 =	vadd.f32 v32, v16;
	v17 =	vadd.f32 v33, v17;
	s15 =	sadd.s32 s11, s15;
	v24 =	vmul.f32 v41, v6;
	v41 =	vld [tilespmem:s6+$0x0];
	s6 =	sor.u32 $0x440, s14  }
0xb9: {  	v19 =	vadd.f32 v40, v19;
	s15 =	sadd.s32 $0x100, s15;
	v25 =	vmul.f32 v42, v6;
	v6 =	vadd.f32 v39, v18;
	v39 =	vld [tilespmem:s6+$0x0];
	s6 =	sor.u32 $0x450, s14  }
0xba: {  	v16 =	vadd.f32 v51, v16;
	v17 =	vadd.f32 v52, v17;
	s21 =	sor.u32 $0x400, s15;
	v32 =	vmul.f32 v43, v10;
	v40 =	vld [tilespmem:s6+$0x0]  }
0xbb: {  	s16 =	sadd.s32 $0x80, s16;
	v19 =	vadd.f32 v54, v19;
	s6 =	sor.u32 $0x410, s15;
	v48 =	vld [tilespmem:s21+$0x0];
	v18 =	vadd.f32 v53, v6;
	v33 =	vmul.f32 v44, v10  }
0xbc: {  	v6 =	vadd.f32 v34, v14;
	v14 =	vadd.f32 v35, v15;
	s21 =	sor.u32 $0x400, s16;
	v15 =	vld [tilespmem:s6+$0x0];
	v34 =	vmul.f32 v46, v10  }
0xbd: {  	v1 =	vadd.f32 v26, v1;
	v5 =	vadd.f32 v27, v5;
	s6 =	sor.u32 $0x410, s16;
	v46 =	vld [tilespmem:s21+$0x0];
	v35 =	vmul.f32 v41, v10  }
.Ltmp2:
0xbe: {  	v6 =	vadd.f32 v58, v6;
	v14 =	vadd.f32 v59, v14;
	v42 =	vld [tilespmem:s6+$0x0];
	s6 =	sor.u32 $0x420, s16;
	v26 =	vmul.f32 v39, v10;
	(pc) =	sbr.rel @p1 .LBB2_3-.Ltmp2, $4  }
0xbf: {  	v1 =	vadd.f32 v61, v1;
	v5 =	vadd.f32 v38, v5;
	v43 =	vld [tilespmem:s6+$0x0];
	s6 =	sor.u32 $0x430, s16;
	v27 =	vmul.f32 v40, v10  }
0xc0: {  	v6 =	vadd.f32 v55, v6;
	v38 =	vadd.f32 v45, v14;
	v44 =	vld [tilespmem:s6+$0x0];
	v39 =	vmul.f32 v48, v13;
	s6 =	sor.u32 $0x420, s15  }
0xc1: {  	v48 =	vadd.f32 v47, v1;
	v47 =	vadd.f32 v49, v5;
	v40 =	vmul.f32 v15, v13;
	v45 =	vld [tilespmem:s6+$0x0];
	s6 =	sor.u32 $0x430, s15  }
0xc2: {  	s11 =	sadd.s32 $0x400, s11;
	v14 =	vadd.f32 v36, v6;
	v15 =	vadd.f32 v37, v38;
	v46 =	vmul.f32 v46, v12;
	v41 =	vld [tilespmem:s6+$0x0];
	s6 =	sor.u32 $0x440, s15  }
0xc3: {  	v1 =	vld [tilespmem:s6+$0x0];
	_ =	sdelay $0x3  }
0xc4: {  	s9 =	sor.u32 $0x440, s16  }
0xc5: {  	[tilespmem:$0x1FFC0] =	vst v1;
	v1 =	vld [tilespmem:s9+$0x0];
	_ =	sdelay $0x1  }
0xc6: {  	s8 =	sor.u32 $0x450, s15  }
0xc7: {  	s10 =	sor.u32 $0x460, s16;
	v52 =	vld [tilespmem:s8+$0x0]  }
0xc8: {  	s21 =	sshll.u32 s20, $0x5;
	p0 =	seq.s32 s20, $0x3;
	v53 =	vld [tilespmem:s10+$0x0];
	s9 =	sor.u32 $0x450, s16  }
0xc9: {  	s11 =	sor.u32 $0x470, s16;
	[tilespmem:$0x1FFD0] =	vst v1;
	v1 =	vld [tilespmem:s9+$0x0];
	s9 =	sadd.s32 @!p0 $0x20, s21  }
0xca: {  	s12 =	sor.u32 $0x460, s15;
	v54 =	vld [tilespmem:s11+$0x0];
	s10 =	sshll.u32 @!p0 s9, $0xE  }
0xcb: {  	s13 =	sor.u32 $0x470, s15;
	s15 =	sor.u32 $0x460, s14;
	v55 =	vld [tilespmem:s12+$0x0];
	s10 =	sadd.s32 @!p0 s4, s10  }
0xcc: {  	v56 =	vld [tilespmem:s13+$0x0];
	s6 =	simm.s32 @!p0 $0x800;
	s11 =	simm.s32 @!p0 $0x4000;
	s10 =	sshrl.u32 @!p0 s10, $0x3  }
0xcd: {  	v57 =	vld [tilespmem:s15+$0x0];
	s12 =	simm.s32 @!p0 $0x0;
	s16 =	sor.u32 $0x470, s14;
	s10 =	sadd.s32 @!p0 s2, s10  }
0xce: {  	v58 =	vld [tilespmem:s16+$0x0];
	[tilespmem:s12], [sflag:$0x1] =	stream.strided.gather @!p0 [hbm4b:s10+s6], $0x4000, s11, s6, $0x38  }
0xcf: {  	s6 =	sshll.u32 @!p0 s9, $0xA  }
0xd0: {  	s6 =	sadd.s32 @!p0 s7, s6  }
0xd1: {  	s6 =	sshrl.u32 @!p0 s6, $0x3  }
0xd2: {  	[tilespmem:$0x1FFE0] =	vst v1;
	s9 =	simm.s32 @!p0 $0x10000;
	s6 =	sadd.s32 @!p0 s5, s6  }
0xd3: {  	v11 =	vadd.f32 v29, v11;
	[tilespmem:s9], [sflag:$0x5] =	stream.linear.gather @!p0 [hbm4b:s6+s12], $0x2000, $0x38;
	[tilespmem:$0x18100] =	vst v63  }
0xd4: {  	_ =	swait.ge [sflag:s28], $0x4000  }
0xd5: {  	v7 =	vadd.f32 v31, v7;
	v31 =	vmul.f32 v44, v12;
	v11 =	vadd.f32 v46, v11;
	[sflag:s28] =	ssyncset.done $0x0  }
0xd6: {  	[sflag:s28] =	ssyncadd.s32 $0xFFFFC000  }
0xd7: {  	v7 =	vadd.f32 v31, v7;
	v11 =	vadd.f32 v39, v11;
	v39 =	vmul.f32 v41, v13;
	_ =	swait.ge [sflag:s29], $0x2000  }
0xd8: {  	v21 =	vadd.f32 v21, v48;
	[sflag:s29] =	ssyncset.done $0x0;
	v48 =	vld [tilespmem:$0x1FFC0]  }
0xd9: {  	v39 =	vadd.f32 v39, v7;
	s9 =	simm.s32 $0x12180;
	v7 =	vld [tilespmem:$0x1FFD0];
	[sflag:s29] =	ssyncadd.s32 $0xFFFFE000  }
0xda: {  	s10 =	simm.s32 $0x0;
	v1 =	vld [tilespmem:s9+$0x0]  }
0xdb: {  	s8 =	sand.u32 $0x3800, s10;
	v6 =	vld [tilespmem:s9+$0xFFFFFF80]  }
0xdc: {  	s11 =	sand.u32 $0x200, s10;
	s13 =	sor.u32 $0x4000, s8;
	v5 =	vld [tilespmem:s9+$0xFFFFFF00]  }
0xdd: {  	s6 =	sor.u32 s11, s13;
	v38 =	vld [tilespmem:s9+$0xFFFFFE80]  }
0xde: {  	v59 =	vld [tilespmem:s6+$0x0]  }
0xdf: {  	v60 =	vld [tilespmem:s6+$0x10]  }
0xe0: {  	v61 =	vld [tilespmem:s6+$0x20]  }
0xe1: {  	v62 =	vld [tilespmem:s6+$0x30]  }
0xe2: {  	v63 =	vld [tilespmem:s6+$0x40]  }
0xe3: {  	s14 =	simm.s32 $0x180;
	v37 =	vld [tilespmem:s6+$0x50]  }
0xe4: {  	s12 =	sand.u32 $0x380, s14;
	v49 =	vld [tilespmem:s6+$0x60]  }
0xe5: {  	s12 =	sor.u32 s12, s13;
	v36 =	vld [tilespmem:s6+$0x70]  }
0xe6: {  	v50 =	vld [tilespmem:s12+$0x0]  }
0xe7: {  	v51 =	vld [tilespmem:s12+$0x10]  }
0xe8: {  	[tilespmem:$0x1FFF0] =	vst v21;
	v21 =	vld [tilespmem:s12+$0x20]  }
0xe9: {  	v47 =	vadd.f32 v20, v47;
	v20 =	vld [tilespmem:s12+$0x30]  }
0xea: {  	v9 =	vadd.f32 v28, v9;
	v28 =	vmul.f32 v42, v12;
	v29 =	vld [tilespmem:s12+$0x40]  }
0xeb: {  	s15 =	simm.s32 $0x100;
	v42 =	vld [tilespmem:s12+$0x50]  }
0xec: {  	v9 =	vadd.f32 v28, v9;
	s6 =	sand.u32 $0x300, s15;
	v28 =	vld [tilespmem:s12+$0x60]  }
0xed: {  	v31 =	vld [tilespmem:s12+$0x70];
	s6 =	sor.u32 s6, s13  }
0xee: {  	v8 =	vadd.f32 v30, v8;
	v30 =	vmul.f32 v43, v12;
	v9 =	vadd.f32 v40, v9;
	v40 =	vld [tilespmem:s6+$0x0]  }
0xef: {  	v44 =	vld [tilespmem:s6+$0x10]  }
0xf0: {  	v8 =	vadd.f32 v30, v8;
	v30 =	vmul.f32 v45, v13;
	v43 =	vmul.f32 v52, v13;
	v52 =	vld [tilespmem:s6+$0x20]  }
0xf1: {  	v4 =	vadd.f32 v22, v4;
	v45 =	vmul.f32 v7, v12;
	v7 =	vld [tilespmem:$0x1FFE0]  }
0xf2: {  	v30 =	vadd.f32 v30, v8;
	v8 =	vadd.f32 v33, v9;
	v9 =	vmul.f32 v55, v13;
	s16 =	simm.s32 $0x80;
	v33 =	vld [tilespmem:s6+$0x40]  }
0xf3: {  	v3 =	vadd.f32 v23, v3;
	s12 =	sand.u32 $0x280, s16;
	v55 =	vld [tilespmem:s6+$0x60];
	v41 =	vmul.f32 v48, v13;
	v13 =	vmul.f32 v56, v13  }
0xf4: {  	s11 =	sor.u32 s12, s13;
	v22 =	vld [tilespmem:s6+$0x70];
	v56 =	vmul.f32 v61, v38;
	v51 =	vmul.f32 v51, v1;
	v4 =	vadd.f32 v45, v4  }
0xf5: {  	v24 =	vadd.f32 v24, v2;
	v23 =	vld [tilespmem:s11+$0x0];
	v48 =	vmul.f32 v29, v1;
	v2 =	vmul.f32 v42, v1  }
0xf6: {  	v61 =	vld [tilespmem:s11+$0x20];
	v4 =	vadd.f32 v41, v4;
	v41 =	vmul.f32 v52, v6;
	v46 =	vmul.f32 v7, v12  }
0xf7: {  	v7 =	vadd.f32 v32, v11;
	v32 =	vmul.f32 v53, v12;
	v12 =	vmul.f32 v54, v12;
	v53 =	vld [tilespmem:s6+$0x30]  }
0xf8: {  	p1 =	por $0x0, $0x0;
	v11 =	vadd.f32 v34, v30;
	v30 =	vmul.f32 v57, v10;
	v34 =	vmul.f32 v58, v10;
	v54 =	vld [tilespmem:s6+$0x50];
	s6 =	simm.s32 $0x1  }
0xf9: {  	v45 =	vld [tilespmem:s11+$0x30];
	v10 =	vadd.f32 v35, v39;
	v35 =	vmul.f32 v59, v38;
	v39 =	vmul.f32 v60, v38;
	s6 =	simm.s32 @!p1 $0x0  }
0xfa: {  	v29 =	vld [tilespmem:s11+$0x50];
	v57 =	vmul.f32 v62, v38;
	v58 =	vmul.f32 v63, v38;
	v60 =	vadd.f32 v25, v0;
	s6 =	sshll.u32 s6, $0x9  }
0xfb: {  	v59 =	vld [tilespmem:s11+$0x10];
	v62 =	vmul.f32 v21, v1;
	v63 =	vmul.f32 v20, v1;
	v3 =	vadd.f32 v46, v3;
	s6 =	sadd.s32 $0x0, s6  }
0xfc: {  	v25 =	vmul.f32 v28, v1;
	v20 =	vadd.f32 v32, v24;
	v24 =	vmul.f32 v31, v1;
	v31 =	vld [tilespmem:s11+$0x70];
	s8 =	sor.u32 $0x400, s6  }
0xfd: {  	v12 =	vadd.f32 v12, v60;
	v32 =	vmul.f32 v40, v6;
	v3 =	vadd.f32 v43, v3;
	s13 =	sor.u32 $0x410, s6;
	v43 =	vld [tilespmem:s8+$0x4000]  }
0xfe: {  	v40 =	vmul.f32 v44, v6;
	v44 =	vmul.f32 v33, v6;
	v16 =	vadd.f32 v35, v16;
	s14 =	sor.u32 $0x420, s6;
	v33 =	vld [tilespmem:s13+$0x4000]  }
0xff: {  	v45 =	vmul.f32 v45, v5;
	v9 =	vadd.f32 v9, v20;
	v12 =	vadd.f32 v13, v12;
	v13 =	vld [tilespmem:s14+$0x4000];
	s8 =	sor.u32 $0x440, s6  }
0x100: {  	v60 =	vmul.f32 v29, v5;
	v17 =	vadd.f32 v39, v17;
	s13 =	sor.u32 $0x450, s6;
	v21 =	vadd.f32 v27, v3;
	v3 =	vld [tilespmem:s8+$0x4000]  }
0x101: {  	s15 =	sor.u32 $0x430, s6;
	v52 =	vmul.f32 v54, v6;
	v54 =	vmul.f32 v22, v6;
	v22 =	vadd.f32 v30, v9;
	v9 =	vld [tilespmem:s13+$0x4000]  }
0x102: {  	s16 =	sand.u32 $0x7, s10;
	v20 =	vadd.f32 v26, v4;
	v26 =	vmul.f32 v61, v5;
	v42 =	vmul.f32 v53, v6;
	v4 =	vld [tilespmem:s15+$0x4000]  }
0x103: {  	s12 =	sshll.u32 s16, $0x7;
	v28 =	vld [tilespmem:s11+$0x60];
	v39 =	vadd.f32 v57, v19;
	v53 =	vmul.f32 v55, v6;
	v55 =	vmul.f32 v23, v5;
	s14 =	sor.u32 $0x460, s6  }
0x104: {  	s12 =	sadd.s32 $0x0, s12;
	v59 =	vmul.f32 v59, v5;
	s6 =	sor.u32 $0x470, s6;
	v23 =	vadd.f32 v34, v12;
	v12 =	vld [tilespmem:s14+$0x4000];
	v27 =	vadd.f32 v56, v18  }
0x105: {  	s14 =	sadd.s32 $0x180, s12;
	v30 =	vmul.f32 v13, v38;
	v13 =	vld [tilespmem:s6+$0x4000];
	v18 =	vmul.f32 v3, v38;
	v3 =	vadd.f32 v55, v16  }
0x106: {  	v46 =	vld [tilespmem:s11+$0x40];
	s15 =	sor.u32 $0x400, s14;
	v16 =	vadd.f32 v59, v17;
	v19 =	vmul.f32 v9, v38;
	v9 =	vadd.f32 v26, v27  }
0x107: {  	v0 =	vmul.f32 v31, v5;
	s16 =	sor.u32 $0x410, s14;
	v31 =	vmul.f32 v4, v38;
	v4 =	vld [tilespmem:s15+$0x4000]  }
0x108: {  	s13 =	sor.u32 $0x420, s14;
	v29 =	vmul.f32 v43, v38;
	v43 =	vld [tilespmem:s16+$0x4000];
	v16 =	vadd.f32 v40, v16;
	v9 =	vadd.f32 v41, v9  }
0x109: {  	v37 =	vmul.f32 v37, v38;
	v36 =	vmul.f32 v36, v38;
	s16 =	sor.u32 $0x440, s14;
	v17 =	vadd.f32 v45, v39;
	v55 =	vld [tilespmem:s13+$0x4000]  }
0x10a: {  	s8 =	sand.u32 $0x3, s10;
	v57 =	vld [tilespmem:s16+$0x4000];
	v27 =	vmul.f32 v13, v38;
	v13 =	vadd.f32 v51, v16;
	v16 =	vadd.f32 v62, v9  }
0x10b: {  	v49 =	vmul.f32 v49, v38;
	s11 =	sshll.u32 s8, $0x8;
	s15 =	sor.u32 $0x430, s14;
	s16 =	sadd.s32 $0x80, s12;
	v9 =	vadd.f32 v58, v14;
	v14 =	vadd.f32 v37, v15;
	v15 =	vld [tilespmem:$0x1FFF0]  }
0x10c: {  	v50 =	vmul.f32 v50, v1;
	v36 =	vadd.f32 v36, v47;
	s11 =	sadd.s32 $0x0, s11;
	v56 =	vld [tilespmem:s15+$0x4000];
	s12 =	sor.u32 $0x400, s16;
	v3 =	vadd.f32 v32, v3  }
0x10d: {  	v61 =	vmul.f32 v28, v5;
	v46 =	vmul.f32 v46, v5;
	s8 =	sor.u32 $0x450, s14;
	s15 =	sadd.s32 $0x100, s11;
	v17 =	vadd.f32 v42, v17;
	v59 =	vld [tilespmem:s12+$0x4000]  }
0x10e: {  	v0 =	vadd.f32 v0, v36;
	v26 =	vmul.f32 v12, v38;
	s11 =	sor.u32 $0x400, s15;
	v12 =	vadd.f32 v50, v3;
	v3 =	vld [tilespmem:s8+$0x4000]  }
0x10f: {  	v28 =	vmul.f32 v33, v38;
	v32 =	vmul.f32 v4, v1;
	v4 =	vld [tilespmem:s11+$0x4000];
	s11 =	sor.u32 $0x410, s15;
	v17 =	vadd.f32 v63, v17  }
0x110: {  	s13 =	sor.u32 $0x410, s16;
	v33 =	vmul.f32 v43, v1;
	v58 =	vld [tilespmem:s11+$0x4000];
	v34 =	vmul.f32 v55, v1;
	v15 =	vadd.f32 v49, v15  }
0x111: {  	v41 =	vld [tilespmem:s13+$0x4000];
	s8 =	sor.u32 $0x420, s16;
	v35 =	vmul.f32 v56, v1;
	v9 =	vadd.f32 v46, v9;
	v62 =	vadd.f32 v60, v14  }
0x112: {  	v42 =	vld [tilespmem:s8+$0x4000];
	s11 =	sor.u32 $0x430, s16;
	v14 =	vmul.f32 v57, v1;
	v46 =	vadd.f32 v54, v0;
	v63 =	vadd.f32 v61, v15  }
0x113: {  	s12 =	sor.u32 $0x420, s15;
	v43 =	vld [tilespmem:s11+$0x4000];
	v15 =	vmul.f32 v3, v1;
	v3 =	vadd.f32 v44, v9;
	v9 =	vadd.f32 v52, v62  }
0x114: {  	s6 =	sor.u32 $0x440, s15;
	s13 =	sor.u32 $0x430, s15;
	v45 =	vmul.f32 v59, v5;
	v38 =	vmul.f32 v4, v6;
	v44 =	vld [tilespmem:s12+$0x4000];
	v47 =	vadd.f32 v53, v63  }
0x115: {  	v40 =	vld [tilespmem:s13+$0x4000];
	s13 =	simm.s32 $0x0;
	s11 =	simm.s32 $0x400;
	v39 =	vmul.f32 v58, v6;
	s12 =	simm.s32 $0x0;
	v4 =	vadd.f32 v48, v3;
	v9 =	vadd.f32 v2, v9  }
.LBB2_5:
0x116: {  	p2 =	sne.s32 s11, $0x3C00;
	v3 =	vmul.f32 v41, v5;
	v36 =	vld [tilespmem:s6+$0x4000];
	s6 =	sor.u32 $0x450, s15;
	v0 =	vadd.f32 v25, v47;
	v2 =	vadd.f32 v24, v46  }
0x117: {  	v7 =	vadd.f32 v29, v7;
	v8 =	vadd.f32 v28, v8;
	s8 =	sor.u32 $0x440, s16;
	v24 =	vmul.f32 v42, v5;
	v25 =	vld [tilespmem:s6+$0x4000]  }
0x118: {  	v11 =	vadd.f32 v30, v11;
	v10 =	vadd.f32 v31, v10;
	s6 =	sor.u32 $0x450, s16;
	v28 =	vmul.f32 v43, v5;
	v29 =	vld [tilespmem:s8+$0x4000]  }
0x119: {  	v7 =	vadd.f32 v45, v7;
	v3 =	vadd.f32 v3, v8;
	v30 =	vld [tilespmem:s6+$0x4000];
	s6 =	sor.u32 $0x460, s16;
	v8 =	vmul.f32 v44, v6  }
0x11a: {  	v11 =	vadd.f32 v24, v11;
	v10 =	vadd.f32 v28, v10;
	v24 =	vld [tilespmem:s6+$0x4000];
	s6 =	sor.u32 $0x470, s16;
	v28 =	vmul.f32 v40, v6  }
0x11b: {  	v7 =	vadd.f32 v38, v7;
	v3 =	vadd.f32 v39, v3;
	v31 =	vld [tilespmem:s6+$0x4000];
	v36 =	vmul.f32 v36, v6;
	s6 =	sor.u32 $0x460, s15  }
0x11c: {  	v11 =	vadd.f32 v8, v11;
	v10 =	vadd.f32 v28, v10;
	v25 =	vmul.f32 v25, v6;
	v28 =	vld [tilespmem:s6+$0x4000];
	s6 =	sor.u32 $0x470, s15  }
0x11d: {  	v7 =	vadd.f32 v32, v7;
	v8 =	vadd.f32 v33, v3;
	v29 =	vmul.f32 v29, v5;
	v37 =	vld [tilespmem:s6+$0x4000];
	s6 =	sor.u32 $0x460, s14  }
0x11e: {  	v11 =	vadd.f32 v34, v11;
	v3 =	vmul.f32 v30, v5;
	v10 =	vadd.f32 v35, v10;
	v30 =	vld [tilespmem:s6+$0x4000];
	s6 =	sor.u32 $0x470, s14  }
0x11f: {  	v18 =	vadd.f32 v18, v20;
	v19 =	vadd.f32 v19, v21;
	s9 =	sadd.s32 $0x200, s9;
	v20 =	vmul.f32 v24, v5;
	v21 =	vld [tilespmem:s6+$0x4000]  }
0x120: {  	v22 =	vadd.f32 v26, v22;
	v23 =	vadd.f32 v27, v23;
	v24 =	vld [tilespmem:s9+$0x0];
	v26 =	vmul.f32 v31, v5  }
0x121: {  	s10 =	sadd.s32 $0x200, s10;
	s6 =	sand.u32 $0x3800, s11;
	v18 =	vadd.f32 v29, v18;
	v19 =	vadd.f32 v3, v19;
	v27 =	vld [tilespmem:s9+$0xFFFFFF80];
	v28 =	vmul.f32 v28, v6  }
0x122: {  	s8 =	sand.u32 $0x200, s10;
	s14 =	sor.u32 $0x4000, s6;
	v20 =	vadd.f32 v20, v22;
	v5 =	vld [tilespmem:s9+$0xFFFFFF00];
	v22 =	vadd.f32 v26, v23;
	v6 =	vmul.f32 v37, v6  }
0x123: {  	s6 =	sor.u32 s8, s14;
	v18 =	vadd.f32 v36, v18;
	v19 =	vadd.f32 v25, v19;
	v3 =	vld [tilespmem:s9+$0xFFFFFE80];
	v23 =	vmul.f32 v30, v1  }
0x124: {  	v26 =	vadd.f32 v28, v20;
	v25 =	vld [tilespmem:s6+$0x0];
	v30 =	vadd.f32 v6, v22;
	v28 =	vmul.f32 v21, v1  }
0x125: {  	v20 =	vadd.f32 v14, v18;
	v21 =	vadd.f32 v15, v19;
	v29 =	vld [tilespmem:s6+$0x10];
	v1 =	vmov v24  }
0x126: {  	v22 =	vadd.f32 v23, v26;
	v14 =	vld [tilespmem:s6+$0x20];
	v23 =	vadd.f32 v28, v30;
	v6 =	vmov v27  }
0x127: {  	v15 =	vld [tilespmem:s6+$0x30]  }
0x128: {  	v18 =	vld [tilespmem:s6+$0x40]  }
0x129: {  	s8 =	sadd.s32 $0x180, s10;
	v19 =	vld [tilespmem:s6+$0x50]  }
0x12a: {  	s8 =	sand.u32 $0x380, s8;
	v24 =	vld [tilespmem:s6+$0x60]  }
0x12b: {  	v26 =	vld [tilespmem:s6+$0x70];
	s6 =	sor.u32 s8, s14  }
0x12c: {  	v27 =	vld [tilespmem:s6+$0x0]  }
0x12d: {  	v28 =	vld [tilespmem:s6+$0x10]  }
0x12e: {  	v30 =	vld [tilespmem:s6+$0x20]  }
0x12f: {  	v31 =	vld [tilespmem:s6+$0x30]  }
0x130: {  	v32 =	vld [tilespmem:s6+$0x40]  }
0x131: {  	s8 =	sadd.s32 $0x100, s10;
	v33 =	vld [tilespmem:s6+$0x50]  }
0x132: {  	s8 =	sand.u32 $0x300, s8;
	v38 =	vld [tilespmem:s6+$0x60]  }
0x133: {  	s8 =	sor.u32 s8, s14;
	v39 =	vld [tilespmem:s6+$0x70]  }
0x134: {  	v40 =	vld [tilespmem:s8+$0x0]  }
0x135: {  	v41 =	vld [tilespmem:s8+$0x10]  }
0x136: {  	v42 =	vld [tilespmem:s8+$0x20]  }
0x137: {  	v43 =	vld [tilespmem:s8+$0x30]  }
0x138: {  	v44 =	vld [tilespmem:s8+$0x40]  }
0x139: {  	s6 =	sadd.s32 $0x80, s10;
	v45 =	vld [tilespmem:s8+$0x50]  }
0x13a: {  	v46 =	vmul.f32 v25, v3;
	v47 =	vmul.f32 v29, v3;
	s6 =	sand.u32 $0x280, s6;
	v29 =	vld [tilespmem:s8+$0x60]  }
0x13b: {  	v48 =	vmul.f32 v14, v3;
	v49 =	vmul.f32 v15, v3;
	s6 =	sor.u32 s6, s14;
	v50 =	vld [tilespmem:s8+$0x70]  }
0x13c: {  	v34 =	vmul.f32 v18, v3;
	v35 =	vmul.f32 v19, v3;
	v18 =	vld [tilespmem:s6+$0x0]  }
0x13d: {  	v14 =	vmul.f32 v24, v3;
	v15 =	vmul.f32 v26, v3;
	v19 =	vld [tilespmem:s6+$0x10]  }
0x13e: {  	v51 =	vmul.f32 v27, v1;
	v52 =	vmul.f32 v28, v1;
	v26 =	vld [tilespmem:s6+$0x20]  }
0x13f: {  	p1 =	por !p1, !p1;
	v53 =	vmul.f32 v30, v1;
	v54 =	vmul.f32 v31, v1;
	s8 =	simm.s32 $0x1;
	v27 =	vld [tilespmem:s6+$0x30]  }
0x140: {  	v36 =	vmul.f32 v32, v1;
	v37 =	vmul.f32 v33, v1;
	s8 =	simm.s32 @!p1 $0x0;
	v28 =	vld [tilespmem:s6+$0x40]  }
0x141: {  	v25 =	vmul.f32 v38, v1;
	v24 =	vmul.f32 v39, v1;
	s8 =	sshll.u32 s8, $0x9;
	v30 =	vld [tilespmem:s6+$0x50]  }
0x142: {  	v32 =	vmul.f32 v40, v6;
	v33 =	vmul.f32 v41, v6;
	s8 =	sadd.s32 s8, s11;
	v31 =	vld [tilespmem:s6+$0x60]  }
0x143: {  	v39 =	vmul.f32 v42, v6;
	v40 =	vmul.f32 v43, v6;
	s14 =	sor.u32 $0x400, s8;
	v38 =	vld [tilespmem:s6+$0x70]  }
0x144: {  	v44 =	vmul.f32 v44, v6;
	v45 =	vmul.f32 v45, v6;
	s6 =	sor.u32 $0x410, s8;
	v41 =	vld [tilespmem:s14+$0x4000]  }
0x145: {  	v55 =	vmul.f32 v29, v6;
	v50 =	vmul.f32 v50, v6;
	v42 =	vld [tilespmem:s6+$0x4000];
	s6 =	sor.u32 $0x420, s8  }
0x146: {  	s12 =	sadd.s32 $0x4, s12;
	v56 =	vmul.f32 v18, v5;
	v19 =	vmul.f32 v19, v5;
	v43 =	vld [tilespmem:s6+$0x4000];
	s6 =	sor.u32 $0x430, s8  }
0x147: {  	v26 =	vmul.f32 v26, v5;
	s14 =	sand.u32 $0x7, s12;
	v27 =	vmul.f32 v27, v5;
	v18 =	vld [tilespmem:s6+$0x4000];
	s6 =	sor.u32 $0x440, s8  }
0x148: {  	s14 =	sshll.u32 s14, $0x7;
	v58 =	vmul.f32 v28, v5;
	v59 =	vmul.f32 v30, v5;
	v57 =	vld [tilespmem:s6+$0x4000];
	s6 =	sor.u32 $0x450, s8  }
0x149: {  	s16 =	sadd.s32 s11, s14;
	v61 =	vmul.f32 v31, v5;
	v38 =	vmul.f32 v38, v5;
	v60 =	vld [tilespmem:s6+$0x4000];
	s6 =	sor.u32 $0x460, s8  }
0x14a: {  	s14 =	sadd.s32 $0x180, s16;
	v29 =	vmul.f32 v41, v3;
	v28 =	vmul.f32 v42, v3;
	v41 =	vld [tilespmem:s6+$0x4000];
	s6 =	sor.u32 $0x470, s8  }
0x14b: {  	v12 =	vadd.f32 v46, v12;
	v13 =	vadd.f32 v47, v13;
	v30 =	vmul.f32 v43, v3;
	v42 =	vld [tilespmem:s6+$0x4000];
	s6 =	sor.u32 $0x400, s14  }
0x14c: {  	s13 =	sadd.s32 $0x2, s13;
	v16 =	vadd.f32 v48, v16;
	v17 =	vadd.f32 v49, v17;
	v31 =	vmul.f32 v18, v3;
	v43 =	vld [tilespmem:s6+$0x4000];
	s6 =	sor.u32 $0x410, s14  }
0x14d: {  	v12 =	vadd.f32 v56, v12;
	v13 =	vadd.f32 v19, v13;
	s8 =	sand.u32 $0x3, s13;
	v18 =	vmul.f32 v57, v3;
	v46 =	vld [tilespmem:s6+$0x4000];
	s6 =	sor.u32 $0x420, s14  }
0x14e: {  	v16 =	vadd.f32 v26, v16;
	v17 =	vadd.f32 v27, v17;
	s8 =	sshll.u32 s8, $0x8;
	v19 =	vmul.f32 v60, v3;
	v47 =	vld [tilespmem:s6+$0x4000];
	s6 =	sor.u32 $0x430, s14  }
0x14f: {  	v12 =	vadd.f32 v32, v12;
	v13 =	vadd.f32 v33, v13;
	s8 =	sadd.s32 s11, s8;
	v26 =	vmul.f32 v41, v3;
	v41 =	vld [tilespmem:s6+$0x4000];
	s6 =	sor.u32 $0x440, s14  }
0x150: {  	v17 =	vadd.f32 v40, v17;
	s15 =	sadd.s32 $0x100, s8;
	v27 =	vmul.f32 v42, v3;
	v3 =	vadd.f32 v39, v16;
	v39 =	vld [tilespmem:s6+$0x4000];
	s6 =	sor.u32 $0x450, s14  }
0x151: {  	v12 =	vadd.f32 v51, v12;
	v13 =	vadd.f32 v52, v13;
	s8 =	sor.u32 $0x400, s15;
	v32 =	vmul.f32 v43, v1;
	v40 =	vld [tilespmem:s6+$0x4000]  }
0x152: {  	s16 =	sadd.s32 $0x80, s16;
	v17 =	vadd.f32 v54, v17;
	s6 =	sor.u32 $0x410, s15;
	v48 =	vld [tilespmem:s8+$0x4000];
	v16 =	vadd.f32 v53, v3;
	v33 =	vmul.f32 v46, v1  }
0x153: {  	v3 =	vadd.f32 v34, v4;
	v4 =	vadd.f32 v35, v9;
	s8 =	sor.u32 $0x400, s16;
	v9 =	vld [tilespmem:s6+$0x4000];
	v34 =	vmul.f32 v47, v1  }
0x154: {  	v0 =	vadd.f32 v14, v0;
	v2 =	vadd.f32 v15, v2;
	s6 =	sor.u32 $0x410, s16;
	v49 =	vld [tilespmem:s8+$0x4000];
	v35 =	vmul.f32 v41, v1  }
.Ltmp3:
0x155: {  	v3 =	vadd.f32 v58, v3;
	v4 =	vadd.f32 v59, v4;
	v41 =	vld [tilespmem:s6+$0x4000];
	s6 =	sor.u32 $0x420, s16;
	v14 =	vmul.f32 v39, v1;
	(pc) =	sbr.rel @p2 .LBB2_5-.Ltmp3, $4  }
0x156: {  	v0 =	vadd.f32 v61, v0;
	v2 =	vadd.f32 v38, v2;
	v42 =	vld [tilespmem:s6+$0x4000];
	s6 =	sor.u32 $0x430, s16;
	v15 =	vmul.f32 v40, v1  }
0x157: {  	v3 =	vadd.f32 v44, v3;
	v51 =	vadd.f32 v45, v4;
	v43 =	vld [tilespmem:s6+$0x4000];
	v38 =	vmul.f32 v48, v6;
	s6 =	sor.u32 $0x420, s15  }
0x158: {  	v46 =	vadd.f32 v50, v2;
	v47 =	vadd.f32 v55, v0;
	v39 =	vmul.f32 v9, v6;
	v44 =	vld [tilespmem:s6+$0x4000];
	s6 =	sor.u32 $0x430, s15  }
0x159: {  	s11 =	sadd.s32 $0x400, s11;
	v4 =	vadd.f32 v36, v3;
	v9 =	vadd.f32 v37, v51;
	v45 =	vmul.f32 v49, v5;
	v40 =	vld [tilespmem:s6+$0x4000];
	s6 =	sor.u32 $0x440, s15  }
0x15a: {  	s8 =	sor.u32 $0x440, s16  }
0x15b: {  	v0 =	vld [tilespmem:s8+$0x4000];
	_ =	sdelay $0x3  }
0x15c: {  	s8 =	sor.u32 $0x450, s16  }
0x15d: {  	[tilespmem:$0x1FF90] =	vst v0;
	v0 =	vld [tilespmem:s8+$0x4000];
	_ =	sdelay $0x1  }
0x15e: {  	v52 =	vld [tilespmem:s6+$0x4000];
	s13 =	sor.u32 $0x450, s15  }
0x15f: {  	s10 =	sor.u32 $0x470, s16;
	v51 =	vld [tilespmem:s13+$0x4000]  }
0x160: {  	s9 =	sor.u32 $0x460, s16;
	v53 =	vld [tilespmem:s10+$0x4000];
	s8 =	sadd.s32 @!p0 $0x28, s21  }
0x161: {  	s11 =	sor.u32 $0x460, s15;
	[tilespmem:$0x1FFA0] =	vst v0;
	v0 =	vld [tilespmem:s9+$0x4000];
	s9 =	sshll.u32 @!p0 s8, $0xE  }
0x162: {  	s12 =	sor.u32 $0x470, s15;
	v54 =	vld [tilespmem:s11+$0x4000];
	s9 =	sadd.s32 @!p0 s4, s9  }
0x163: {  	v55 =	vld [tilespmem:s12+$0x4000];
	s13 =	sor.u32 $0x460, s14;
	s14 =	sor.u32 $0x470, s14;
	s9 =	sshrl.u32 @!p0 s9, $0x3  }
0x164: {  	s10 =	simm.s32 @!p0 $0x4000;
	v56 =	vld [tilespmem:s13+$0x4000];
	s6 =	sadd.s32 @!p0 s2, s9;
	s9 =	simm.s32 @!p0 $0x800  }
0x165: {  	v57 =	vld [tilespmem:s14+$0x4000];
	[tilespmem:s10], [sflag:$0x2] =	stream.strided.gather @!p0 [hbm4b:s6+s9], $0x4000, s10, s9, $0x38  }
0x166: {  	s6 =	sshll.u32 @!p0 s8, $0xA  }
0x167: {  	s6 =	sadd.s32 @!p0 s7, s6  }
0x168: {  	s6 =	sshrl.u32 @!p0 s6, $0x3  }
0x169: {  	s8 =	simm.s32 @!p0 $0x0;
	s9 =	simm.s32 @!p0 $0x12000;
	[tilespmem:$0x1FFB0] =	vst v0;
	s6 =	sadd.s32 @!p0 s5, s6  }
0x16a: {  	[tilespmem:s9], [sflag:$0x6] =	stream.linear.gather @!p0 [hbm4b:s6+s8], $0x2000, $0x38;
	[tilespmem:$0x18100] =	vst v63  }
0x16b: {  	v24 =	vadd.f32 v24, v46;
	_ =	swait.ge [sflag:s30], $0x4000  }
0x16c: {  	v7 =	vadd.f32 v29, v7;
	v10 =	vadd.f32 v31, v10;
	v46 =	vmul.f32 v43, v5;
	[sflag:s30] =	ssyncset.done $0x0  }
0x16d: {  	[sflag:s30] =	ssyncadd.s32 $0xFFFFC000  }
0x16e: {  	v7 =	vadd.f32 v45, v7;
	v10 =	vadd.f32 v46, v10;
	v46 =	vmul.f32 v40, v6;
	_ =	swait.ge [sflag:s31], $0x2000  }
0x16f: {  	[sflag:s31] =	ssyncset.done $0x0  }
0x170: {  	v7 =	vadd.f32 v38, v7;
	v38 =	vadd.f32 v46, v10;
	s9 =	simm.s32 $0x14000;
	v10 =	vld [tilespmem:$0x1FF90];
	[sflag:s31] =	ssyncadd.s32 $0xFFFFE000  }
0x171: {  	s10 =	simm.s32 $0x0;
	v0 =	vld [tilespmem:s9+$0x180]  }
0x172: {  	s15 =	sand.u32 $0x3800, s10;
	v3 =	vld [tilespmem:s9+$0x100]  }
0x173: {  	s16 =	sand.u32 $0x200, s10;
	s11 =	sor.u32 $0x8000, s15;
	v2 =	vld [tilespmem:s9+$0x80]  }
0x174: {  	s6 =	sor.u32 s16, s11;
	v37 =	vld [tilespmem:s9+$0x0]  }
0x175: {  	v58 =	vld [tilespmem:s6+$0x0]  }
0x176: {  	v59 =	vld [tilespmem:s6+$0x10]  }
0x177: {  	v60 =	vld [tilespmem:s6+$0x20]  }
0x178: {  	v61 =	vld [tilespmem:s6+$0x30]  }
0x179: {  	v62 =	vld [tilespmem:s6+$0x40]  }
0x17a: {  	s12 =	simm.s32 $0x180;
	v63 =	vld [tilespmem:s6+$0x50]  }
0x17b: {  	s8 =	sand.u32 $0x380, s12;
	v48 =	vld [tilespmem:s6+$0x60]  }
0x17c: {  	s8 =	sor.u32 s8, s11;
	v36 =	vld [tilespmem:s6+$0x70]  }
0x17d: {  	v49 =	vld [tilespmem:s8+$0x0]  }
0x17e: {  	v50 =	vld [tilespmem:s8+$0x10]  }
0x17f: {  	v47 =	vadd.f32 v25, v47;
	v25 =	vld [tilespmem:s8+$0x20]  }
0x180: {  	v29 =	vld [tilespmem:s8+$0x30]  }
0x181: {  	v8 =	vadd.f32 v28, v8;
	v11 =	vadd.f32 v30, v11;
	v28 =	vmul.f32 v41, v5;
	v30 =	vld [tilespmem:s8+$0x40]  }
0x182: {  	v31 =	vmul.f32 v42, v5;
	v42 =	vld [tilespmem:s8+$0x50]  }
0x183: {  	s13 =	simm.s32 $0x100;
	v8 =	vadd.f32 v28, v8;
	v28 =	vld [tilespmem:s8+$0x60]  }
0x184: {  	s6 =	sand.u32 $0x300, s13;
	v41 =	vld [tilespmem:s8+$0x70]  }
0x185: {  	v11 =	vadd.f32 v31, v11;
	v31 =	vmul.f32 v44, v6;
	s6 =	sor.u32 s6, s11;
	v44 =	vmul.f32 v10, v5;
	v10 =	vld [tilespmem:$0x1FFA0]  }
0x186: {  	v8 =	vadd.f32 v39, v8;
	v39 =	vld [tilespmem:s6+$0x0]  }
0x187: {  	v43 =	vld [tilespmem:s6+$0x10]  }
0x188: {  	v27 =	vadd.f32 v27, v23;
	v40 =	vmul.f32 v52, v6;
	v46 =	vld [tilespmem:s6+$0x20]  }
0x189: {  	v11 =	vadd.f32 v31, v11;
	v31 =	vmul.f32 v51, v6;
	v51 =	vmul.f32 v53, v5;
	v52 =	vld [tilespmem:s6+$0x30]  }
0x18a: {  	s14 =	simm.s32 $0x80;
	v8 =	vadd.f32 v33, v8;
	v45 =	vmul.f32 v10, v5;
	v10 =	vld [tilespmem:$0x1FFB0]  }
0x18b: {  	v33 =	vmul.f32 v54, v6;
	v6 =	vmul.f32 v55, v6;
	v27 =	vadd.f32 v51, v27;
	s8 =	sand.u32 $0x280, s14;
	v53 =	vld [tilespmem:s6+$0x40]  }
0x18c: {  	v7 =	vadd.f32 v32, v7;
	v54 =	vmul.f32 v57, v1;
	s8 =	sor.u32 s8, s11;
	v55 =	vld [tilespmem:s6+$0x50];
	v57 =	vmul.f32 v60, v37  }
0x18d: {  	v6 =	vadd.f32 v6, v27;
	v60 =	vmul.f32 v63, v37;
	v63 =	vmul.f32 v29, v0;
	v29 =	vld [tilespmem:s8+$0x40]  }
0x18e: {  	v36 =	vmul.f32 v36, v37;
	v23 =	vmul.f32 v28, v0;
	v28 =	vld [tilespmem:s8+$0x60];
	v57 =	vadd.f32 v57, v16  }
0x18f: {  	v32 =	vmul.f32 v10, v5;
	v10 =	vadd.f32 v34, v11;
	v34 =	vmul.f32 v56, v1;
	v56 =	vld [tilespmem:s6+$0x60]  }
0x190: {  	v49 =	vmul.f32 v49, v0;
	v9 =	vadd.f32 v60, v9;
	v1 =	vadd.f32 v18, v20;
	v18 =	vld [tilespmem:s6+$0x70]  }
0x191: {  	v11 =	vadd.f32 v35, v38;
	v35 =	vmul.f32 v58, v37;
	v5 =	vadd.f32 v19, v21;
	v19 =	vld [tilespmem:s8+$0x0]  }
0x192: {  	p1 =	por $0x0, $0x0;
	v36 =	vadd.f32 v36, v24;
	v38 =	vmul.f32 v59, v37;
	v58 =	vmul.f32 v61, v37;
	v21 =	vld [tilespmem:s8+$0x10];
	s6 =	simm.s32 $0x1  }
0x193: {  	v59 =	vmul.f32 v62, v37;
	v20 =	vadd.f32 v26, v22;
	v26 =	vmul.f32 v48, v37;
	v48 =	vld [tilespmem:s8+$0x20];
	s6 =	simm.s32 @!p1 $0x0  }
0x194: {  	v61 =	vld [tilespmem:s8+$0x30];
	v62 =	vmul.f32 v25, v0;
	v22 =	vmul.f32 v41, v0;
	v44 =	vadd.f32 v44, v1;
	s6 =	sshll.u32 s6, $0x9  }
0x195: {  	v41 =	vld [tilespmem:s8+$0x70];
	v25 =	vadd.f32 v45, v5;
	v1 =	vmul.f32 v30, v0;
	v5 =	vmul.f32 v42, v0;
	s6 =	sadd.s32 $0x0, s6  }
0x196: {  	v20 =	vadd.f32 v32, v20;
	v30 =	vld [tilespmem:s8+$0x50];
	v32 =	vmul.f32 v39, v3;
	v39 =	vmul.f32 v43, v3;
	s15 =	sor.u32 $0x400, s6  }
0x197: {  	v42 =	vmul.f32 v46, v3;
	v43 =	vmul.f32 v52, v3;
	v25 =	vadd.f32 v31, v25;
	s16 =	sor.u32 $0x410, s6;
	v31 =	vld [tilespmem:s15+$0x8000]  }
0x198: {  	v46 =	vmul.f32 v55, v3;
	v40 =	vadd.f32 v40, v44;
	v20 =	vadd.f32 v33, v20;
	s11 =	sor.u32 $0x420, s6;
	v33 =	vld [tilespmem:s16+$0x8000]  }
0x199: {  	s13 =	sand.u32 $0x7, s10;
	v55 =	vmul.f32 v29, v2;
	v12 =	vadd.f32 v35, v12;
	v13 =	vadd.f32 v38, v13;
	s12 =	sor.u32 $0x430, s6;
	v27 =	vld [tilespmem:s11+$0x8000]  }
0x19a: {  	v4 =	vadd.f32 v59, v4;
	s14 =	sor.u32 $0x440, s6;
	v52 =	vmul.f32 v18, v3;
	s11 =	sshll.u32 s13, $0x7;
	v18 =	vadd.f32 v14, v40;
	v14 =	vld [tilespmem:s12+$0x8000]  }
0x19b: {  	v38 =	vadd.f32 v58, v17;
	v44 =	vmul.f32 v19, v2;
	s15 =	sor.u32 $0x450, s6;
	v19 =	vadd.f32 v15, v25;
	v15 =	vld [tilespmem:s14+$0x8000];
	s11 =	sadd.s32 $0x0, s11  }
0x19c: {  	v45 =	vmul.f32 v53, v3;
	v26 =	vadd.f32 v26, v47;
	v4 =	vadd.f32 v55, v4;
	s16 =	sor.u32 $0x460, s6;
	v25 =	vld [tilespmem:s15+$0x8000];
	s14 =	sadd.s32 $0x180, s11  }
0x19d: {  	v51 =	vmul.f32 v56, v3;
	v53 =	vmul.f32 v21, v2;
	v21 =	vadd.f32 v54, v6;
	v6 =	vld [tilespmem:s16+$0x8000];
	s13 =	sor.u32 $0x410, s14  }
0x19e: {  	v41 =	vmul.f32 v41, v2;
	v40 =	vmul.f32 v48, v2;
	s15 =	sand.u32 $0x3, s10;
	v12 =	vadd.f32 v44, v12;
	s16 =	sor.u32 $0x420, s14;
	v44 =	vld [tilespmem:s13+$0x8000]  }
0x19f: {  	s6 =	sor.u32 $0x470, s6;
	v48 =	vmul.f32 v61, v2;
	v20 =	vadd.f32 v34, v20;
	v13 =	vadd.f32 v53, v13;
	s8 =	sshll.u32 s15, $0x8;
	v53 =	vld [tilespmem:s16+$0x8000]  }
0x1a0: {  	v4 =	vadd.f32 v45, v4;
	v56 =	vmul.f32 v30, v2;
	s12 =	sor.u32 $0x400, s14;
	s8 =	sadd.s32 $0x0, s8;
	v30 =	vmul.f32 v27, v37;
	v27 =	vld [tilespmem:s6+$0x8000]  }
0x1a1: {  	v36 =	vadd.f32 v41, v36;
	s13 =	sor.u32 $0x440, s14;
	s15 =	sadd.s32 $0x100, s8;
	v29 =	vmul.f32 v31, v37;
	v31 =	vmul.f32 v14, v37;
	v14 =	vld [tilespmem:s12+$0x8000]  }
0x1a2: {  	v48 =	vadd.f32 v48, v38;
	s8 =	sor.u32 $0x400, s15;
	v16 =	vmul.f32 v15, v37;
	v15 =	vadd.f32 v40, v57;
	v57 =	vld [tilespmem:s13+$0x8000]  }
0x1a3: {  	v17 =	vmul.f32 v25, v37;
	s12 =	sor.u32 $0x430, s14;
	v25 =	vmul.f32 v6, v37;
	v6 =	vadd.f32 v32, v12;
	v58 =	vld [tilespmem:s8+$0x8000]  }
0x1a4: {  	v50 =	vmul.f32 v50, v0;
	v13 =	vadd.f32 v39, v13;
	s16 =	sor.u32 $0x450, s14;
	v9 =	vadd.f32 v56, v9;
	v54 =	vld [tilespmem:s12+$0x8000]  }
0x1a5: {  	v61 =	vmul.f32 v28, v2;
	v15 =	vadd.f32 v42, v15;
	v12 =	vadd.f32 v49, v6;
	v6 =	vld [tilespmem:s16+$0x8000];
	s16 =	sadd.s32 $0x80, s11;
	s11 =	sor.u32 $0x410, s15  }
0x1a6: {  	v47 =	vadd.f32 v52, v36;
	v28 =	vmul.f32 v33, v37;
	v33 =	vadd.f32 v43, v48;
	s12 =	sor.u32 $0x400, s16;
	v60 =	vld [tilespmem:s11+$0x8000]  }
0x1a7: {  	v13 =	vadd.f32 v50, v13;
	s13 =	sor.u32 $0x410, s16;
	v32 =	vmul.f32 v14, v0;
	v14 =	vadd.f32 v62, v15;
	v62 =	vld [tilespmem:s12+$0x8000]  }
0x1a8: {  	v9 =	vadd.f32 v46, v9;
	v34 =	vmul.f32 v53, v0;
	s8 =	sor.u32 $0x420, s16;
	v27 =	vmul.f32 v27, v37;
	v42 =	vld [tilespmem:s13+$0x8000]  }
0x1a9: {  	s11 =	sor.u32 $0x430, s16;
	v43 =	vld [tilespmem:s8+$0x8000];
	v15 =	vadd.f32 v63, v33;
	v33 =	vmul.f32 v44, v0;
	v63 =	vadd.f32 v61, v26  }
0x1aa: {  	v9 =	vadd.f32 v5, v9;
	v24 =	vmul.f32 v57, v0;
	v44 =	vld [tilespmem:s11+$0x8000];
	v39 =	vmul.f32 v58, v3;
	s12 =	sor.u32 $0x420, s15  }
0x1ab: {  	s6 =	sor.u32 $0x440, s15;
	s13 =	sor.u32 $0x430, s15;
	v35 =	vmul.f32 v54, v0;
	v45 =	vld [tilespmem:s12+$0x8000];
	v26 =	vmul.f32 v6, v0;
	v48 =	vadd.f32 v51, v63  }
0x1ac: {  	v41 =	vld [tilespmem:s13+$0x8000];
	s11 =	simm.s32 $0x400;
	s13 =	simm.s32 $0x0;
	s12 =	simm.s32 $0x0;
	v6 =	vadd.f32 v1, v4;
	v40 =	vmul.f32 v60, v3;
	v46 =	vmul.f32 v62, v2  }
.LBB2_7:
0x1ad: {  	p2 =	sne.s32 s11, $0x3C00;
	v5 =	vmul.f32 v42, v2;
	v36 =	vld [tilespmem:s6+$0x8000];
	s6 =	sor.u32 $0x450, s15;
	v1 =	vadd.f32 v23, v48;
	v4 =	vadd.f32 v22, v47  }
0x1ae: {  	v7 =	vadd.f32 v29, v7;
	v8 =	vadd.f32 v28, v8;
	s8 =	sor.u32 $0x440, s16;
	v22 =	vmul.f32 v43, v2;
	v23 =	vld [tilespmem:s6+$0x8000]  }
0x1af: {  	v10 =	vadd.f32 v30, v10;
	v11 =	vadd.f32 v31, v11;
	s6 =	sor.u32 $0x450, s16;
	v28 =	vmul.f32 v44, v2;
	v29 =	vld [tilespmem:s8+$0x8000]  }
0x1b0: {  	v7 =	vadd.f32 v46, v7;
	v5 =	vadd.f32 v5, v8;
	v30 =	vld [tilespmem:s6+$0x8000];
	s6 =	sor.u32 $0x460, s16;
	v8 =	vmul.f32 v45, v3  }
0x1b1: {  	v10 =	vadd.f32 v22, v10;
	v11 =	vadd.f32 v28, v11;
	v22 =	vld [tilespmem:s6+$0x8000];
	s6 =	sor.u32 $0x470, s16;
	v28 =	vmul.f32 v41, v3  }
0x1b2: {  	v7 =	vadd.f32 v39, v7;
	v5 =	vadd.f32 v40, v5;
	v31 =	vld [tilespmem:s6+$0x8000];
	v36 =	vmul.f32 v36, v3;
	s6 =	sor.u32 $0x460, s15  }
0x1b3: {  	v10 =	vadd.f32 v8, v10;
	v11 =	vadd.f32 v28, v11;
	v23 =	vmul.f32 v23, v3;
	v28 =	vld [tilespmem:s6+$0x8000];
	s6 =	sor.u32 $0x470, s15  }
0x1b4: {  	v7 =	vadd.f32 v32, v7;
	v8 =	vadd.f32 v33, v5;
	v29 =	vmul.f32 v29, v2;
	v37 =	vld [tilespmem:s6+$0x8000];
	s6 =	sor.u32 $0x460, s14  }
0x1b5: {  	v10 =	vadd.f32 v34, v10;
	v5 =	vmul.f32 v30, v2;
	v11 =	vadd.f32 v35, v11;
	v30 =	vld [tilespmem:s6+$0x8000];
	s6 =	sor.u32 $0x470, s14  }
0x1b6: {  	v16 =	vadd.f32 v16, v18;
	v17 =	vadd.f32 v17, v19;
	s9 =	sadd.s32 $0x200, s9;
	v18 =	vmul.f32 v22, v2;
	v19 =	vld [tilespmem:s6+$0x8000]  }
0x1b7: {  	v20 =	vadd.f32 v25, v20;
	v21 =	vadd.f32 v27, v21;
	v22 =	vld [tilespmem:s9+$0x180];
	v25 =	vmul.f32 v31, v2  }
0x1b8: {  	s10 =	sadd.s32 $0x200, s10;
	s6 =	sand.u32 $0x3800, s11;
	v16 =	vadd.f32 v29, v16;
	v17 =	vadd.f32 v5, v17;
	v27 =	vld [tilespmem:s9+$0x100];
	v28 =	vmul.f32 v28, v3  }
0x1b9: {  	s8 =	sand.u32 $0x200, s10;
	s14 =	sor.u32 $0x8000, s6;
	v18 =	vadd.f32 v18, v20;
	v2 =	vld [tilespmem:s9+$0x80];
	v20 =	vadd.f32 v25, v21;
	v3 =	vmul.f32 v37, v3  }
0x1ba: {  	s6 =	sor.u32 s8, s14;
	v16 =	vadd.f32 v36, v16;
	v17 =	vadd.f32 v23, v17;
	v5 =	vld [tilespmem:s9+$0x0];
	v21 =	vmul.f32 v30, v0  }
0x1bb: {  	v25 =	vadd.f32 v28, v18;
	v23 =	vld [tilespmem:s6+$0x0];
	v30 =	vadd.f32 v3, v20;
	v28 =	vmul.f32 v19, v0  }
0x1bc: {  	v18 =	vadd.f32 v24, v16;
	v19 =	vadd.f32 v26, v17;
	v29 =	vld [tilespmem:s6+$0x10];
	v0 =	vmov v22  }
0x1bd: {  	v20 =	vadd.f32 v21, v25;
	v16 =	vld [tilespmem:s6+$0x20];
	v21 =	vadd.f32 v28, v30;
	v3 =	vmov v27  }
0x1be: {  	v17 =	vld [tilespmem:s6+$0x30]  }
0x1bf: {  	v22 =	vld [tilespmem:s6+$0x40]  }
0x1c0: {  	s8 =	sadd.s32 $0x180, s10;
	v24 =	vld [tilespmem:s6+$0x50]  }
0x1c1: {  	s8 =	sand.u32 $0x380, s8;
	v25 =	vld [tilespmem:s6+$0x60]  }
0x1c2: {  	v26 =	vld [tilespmem:s6+$0x70];
	s6 =	sor.u32 s8, s14  }
0x1c3: {  	v27 =	vld [tilespmem:s6+$0x0]  }
0x1c4: {  	v28 =	vld [tilespmem:s6+$0x10]  }
0x1c5: {  	v30 =	vld [tilespmem:s6+$0x20]  }
0x1c6: {  	v31 =	vld [tilespmem:s6+$0x30]  }
0x1c7: {  	v32 =	vld [tilespmem:s6+$0x40]  }
0x1c8: {  	s8 =	sadd.s32 $0x100, s10;
	v33 =	vld [tilespmem:s6+$0x50]  }
0x1c9: {  	s8 =	sand.u32 $0x300, s8;
	v38 =	vld [tilespmem:s6+$0x60]  }
0x1ca: {  	s8 =	sor.u32 s8, s14;
	v39 =	vld [tilespmem:s6+$0x70]  }
0x1cb: {  	v40 =	vld [tilespmem:s8+$0x0]  }
0x1cc: {  	v41 =	vld [tilespmem:s8+$0x10]  }
0x1cd: {  	v42 =	vld [tilespmem:s8+$0x20]  }
0x1ce: {  	v43 =	vld [tilespmem:s8+$0x30]  }
0x1cf: {  	v44 =	vld [tilespmem:s8+$0x40]  }
0x1d0: {  	s6 =	sadd.s32 $0x80, s10;
	v45 =	vld [tilespmem:s8+$0x50]  }
0x1d1: {  	v46 =	vmul.f32 v23, v5;
	v47 =	vmul.f32 v29, v5;
	s6 =	sand.u32 $0x280, s6;
	v29 =	vld [tilespmem:s8+$0x60]  }
0x1d2: {  	v16 =	vmul.f32 v16, v5;
	v17 =	vmul.f32 v17, v5;
	s6 =	sor.u32 s6, s14;
	v48 =	vld [tilespmem:s8+$0x70]  }
0x1d3: {  	v34 =	vmul.f32 v22, v5;
	v35 =	vmul.f32 v24, v5;
	v49 =	vld [tilespmem:s6+$0x0]  }
0x1d4: {  	v24 =	vmul.f32 v25, v5;
	v26 =	vmul.f32 v26, v5;
	v25 =	vld [tilespmem:s6+$0x10]  }
0x1d5: {  	v51 =	vmul.f32 v27, v0;
	v52 =	vmul.f32 v28, v0;
	v50 =	vld [tilespmem:s6+$0x20]  }
0x1d6: {  	p1 =	por !p1, !p1;
	v53 =	vmul.f32 v30, v0;
	v54 =	vmul.f32 v31, v0;
	s8 =	simm.s32 $0x1;
	v27 =	vld [tilespmem:s6+$0x30]  }
0x1d7: {  	v36 =	vmul.f32 v32, v0;
	v37 =	vmul.f32 v33, v0;
	s8 =	simm.s32 @!p1 $0x0;
	v28 =	vld [tilespmem:s6+$0x40]  }
0x1d8: {  	v23 =	vmul.f32 v38, v0;
	v22 =	vmul.f32 v39, v0;
	s8 =	sshll.u32 s8, $0x9;
	v30 =	vld [tilespmem:s6+$0x50]  }
0x1d9: {  	v32 =	vmul.f32 v40, v3;
	v33 =	vmul.f32 v41, v3;
	s8 =	sadd.s32 s8, s11;
	v31 =	vld [tilespmem:s6+$0x60]  }
0x1da: {  	v39 =	vmul.f32 v42, v3;
	v40 =	vmul.f32 v43, v3;
	s14 =	sor.u32 $0x400, s8;
	v38 =	vld [tilespmem:s6+$0x70]  }
0x1db: {  	v55 =	vmul.f32 v44, v3;
	v45 =	vmul.f32 v45, v3;
	s6 =	sor.u32 $0x410, s8;
	v41 =	vld [tilespmem:s14+$0x8000]  }
0x1dc: {  	v56 =	vmul.f32 v29, v3;
	v57 =	vmul.f32 v48, v3;
	v42 =	vld [tilespmem:s6+$0x8000];
	s6 =	sor.u32 $0x420, s8  }
0x1dd: {  	s12 =	sadd.s32 $0x4, s12;
	v44 =	vmul.f32 v49, v2;
	v25 =	vmul.f32 v25, v2;
	v43 =	vld [tilespmem:s6+$0x8000];
	s6 =	sor.u32 $0x430, s8  }
0x1de: {  	v49 =	vmul.f32 v50, v2;
	s14 =	sand.u32 $0x7, s12;
	v27 =	vmul.f32 v27, v2;
	v48 =	vld [tilespmem:s6+$0x8000];
	s6 =	sor.u32 $0x440, s8  }
0x1df: {  	s14 =	sshll.u32 s14, $0x7;
	v58 =	vmul.f32 v28, v2;
	v59 =	vmul.f32 v30, v2;
	v50 =	vld [tilespmem:s6+$0x8000];
	s6 =	sor.u32 $0x450, s8  }
0x1e0: {  	s16 =	sadd.s32 s11, s14;
	v61 =	vmul.f32 v31, v2;
	v38 =	vmul.f32 v38, v2;
	v60 =	vld [tilespmem:s6+$0x8000];
	s6 =	sor.u32 $0x460, s8  }
0x1e1: {  	s14 =	sadd.s32 $0x180, s16;
	v29 =	vmul.f32 v41, v5;
	v28 =	vmul.f32 v42, v5;
	v41 =	vld [tilespmem:s6+$0x8000];
	s6 =	sor.u32 $0x470, s8  }
0x1e2: {  	v12 =	vadd.f32 v46, v12;
	v13 =	vadd.f32 v47, v13;
	v30 =	vmul.f32 v43, v5;
	v42 =	vld [tilespmem:s6+$0x8000];
	s6 =	sor.u32 $0x400, s14  }
0x1e3: {  	s13 =	sadd.s32 $0x2, s13;
	v14 =	vadd.f32 v16, v14;
	v15 =	vadd.f32 v17, v15;
	v31 =	vmul.f32 v48, v5;
	v43 =	vld [tilespmem:s6+$0x8000];
	s6 =	sor.u32 $0x410, s14  }
0x1e4: {  	v12 =	vadd.f32 v44, v12;
	v13 =	vadd.f32 v25, v13;
	s8 =	sand.u32 $0x3, s13;
	v16 =	vmul.f32 v50, v5;
	v44 =	vld [tilespmem:s6+$0x8000];
	s6 =	sor.u32 $0x420, s14  }
0x1e5: {  	v14 =	vadd.f32 v49, v14;
	v15 =	vadd.f32 v27, v15;
	s8 =	sshll.u32 s8, $0x8;
	v17 =	vmul.f32 v60, v5;
	v46 =	vld [tilespmem:s6+$0x8000];
	s6 =	sor.u32 $0x430, s14  }
0x1e6: {  	v12 =	vadd.f32 v32, v12;
	v13 =	vadd.f32 v33, v13;
	s8 =	sadd.s32 s11, s8;
	v25 =	vmul.f32 v41, v5;
	v41 =	vld [tilespmem:s6+$0x8000];
	s6 =	sor.u32 $0x440, s14  }
0x1e7: {  	v15 =	vadd.f32 v40, v15;
	s15 =	sadd.s32 $0x100, s8;
	v27 =	vmul.f32 v42, v5;
	v5 =	vadd.f32 v39, v14;
	v39 =	vld [tilespmem:s6+$0x8000];
	s6 =	sor.u32 $0x450, s14  }
0x1e8: {  	v12 =	vadd.f32 v51, v12;
	v13 =	vadd.f32 v52, v13;
	s8 =	sor.u32 $0x400, s15;
	v32 =	vmul.f32 v43, v0;
	v40 =	vld [tilespmem:s6+$0x8000]  }
0x1e9: {  	s16 =	sadd.s32 $0x80, s16;
	v15 =	vadd.f32 v54, v15;
	s6 =	sor.u32 $0x410, s15;
	v47 =	vld [tilespmem:s8+$0x8000];
	v14 =	vadd.f32 v53, v5;
	v33 =	vmul.f32 v44, v0  }
0x1ea: {  	v5 =	vadd.f32 v34, v6;
	v6 =	vadd.f32 v35, v9;
	s8 =	sor.u32 $0x400, s16;
	v9 =	vld [tilespmem:s6+$0x8000];
	v34 =	vmul.f32 v46, v0  }
0x1eb: {  	v1 =	vadd.f32 v24, v1;
	v4 =	vadd.f32 v26, v4;
	s6 =	sor.u32 $0x410, s16;
	v46 =	vld [tilespmem:s8+$0x8000];
	v35 =	vmul.f32 v41, v0  }
.Ltmp4:
0x1ec: {  	v5 =	vadd.f32 v58, v5;
	v6 =	vadd.f32 v59, v6;
	v42 =	vld [tilespmem:s6+$0x8000];
	s6 =	sor.u32 $0x420, s16;
	v24 =	vmul.f32 v39, v0;
	(pc) =	sbr.rel @p2 .LBB2_7-.Ltmp4, $4  }
0x1ed: {  	v1 =	vadd.f32 v61, v1;
	v4 =	vadd.f32 v38, v4;
	v43 =	vld [tilespmem:s6+$0x8000];
	s6 =	sor.u32 $0x430, s16;
	v26 =	vmul.f32 v40, v0  }
0x1ee: {  	v5 =	vadd.f32 v55, v5;
	v38 =	vadd.f32 v45, v6;
	v44 =	vld [tilespmem:s6+$0x8000];
	v39 =	vmul.f32 v47, v3;
	s6 =	sor.u32 $0x420, s15  }
0x1ef: {  	v48 =	vadd.f32 v56, v1;
	v47 =	vadd.f32 v57, v4;
	v40 =	vmul.f32 v9, v3;
	v45 =	vld [tilespmem:s6+$0x8000];
	s6 =	sor.u32 $0x430, s15  }
0x1f0: {  	s11 =	sadd.s32 $0x400, s11;
	v6 =	vadd.f32 v36, v5;
	v9 =	vadd.f32 v37, v38;
	v46 =	vmul.f32 v46, v2;
	v41 =	vld [tilespmem:s6+$0x8000];
	s6 =	sor.u32 $0x440, s15  }
0x1f1: {  	s8 =	sor.u32 $0x440, s16  }
0x1f2: {  	v1 =	vld [tilespmem:s8+$0x8000];
	_ =	sdelay $0x3  }
0x1f3: {  	s13 =	sor.u32 $0x450, s16  }
0x1f4: {  	[tilespmem:$0x1FF50] =	vst v1;
	v1 =	vld [tilespmem:s13+$0x8000];
	_ =	sdelay $0x2  }
0x1f5: {  	v53 =	vld [tilespmem:s6+$0x8000];
	s12 =	sor.u32 $0x450, s15  }
0x1f6: {  	v52 =	vld [tilespmem:s12+$0x8000];
	s8 =	sor.u32 $0x460, s16  }
0x1f7: {  	s9 =	sor.u32 $0x470, s16;
	[tilespmem:$0x1FF60] =	vst v1;
	v1 =	vld [tilespmem:s8+$0x8000];
	s8 =	sadd.s32 @!p0 $0x30, s21  }
0x1f8: {  	s10 =	sor.u32 $0x460, s15;
	v54 =	vld [tilespmem:s9+$0x8000];
	s9 =	sshll.u32 @!p0 s8, $0xE  }
0x1f9: {  	s11 =	sor.u32 $0x470, s15;
	s6 =	simm.s32 @!p0 $0x800;
	v55 =	vld [tilespmem:s10+$0x8000];
	s9 =	sadd.s32 @!p0 s4, s9  }
0x1fa: {  	v56 =	vld [tilespmem:s11+$0x8000];
	s12 =	sor.u32 $0x460, s14;
	s10 =	simm.s32 @!p0 $0x4000;
	s9 =	sshrl.u32 @!p0 s9, $0x3  }
0x1fb: {  	s11 =	simm.s32 @!p0 $0x8000;
	v57 =	vld [tilespmem:s12+$0x8000];
	s13 =	sor.u32 $0x470, s14;
	s9 =	sadd.s32 @!p0 s2, s9  }
0x1fc: {  	v58 =	vld [tilespmem:s13+$0x8000];
	[tilespmem:s11], [sflag:$0x3] =	stream.strided.gather @!p0 [hbm4b:s9+s6], $0x4000, s10, s6, $0x38  }
0x1fd: {  	s6 =	sshll.u32 @!p0 s8, $0xA  }
0x1fe: {  	s6 =	sadd.s32 @!p0 s7, s6  }
0x1ff: {  	s6 =	sshrl.u32 @!p0 s6, $0x3  }
0x200: {  	[tilespmem:$0x1FF70] =	vst v1;
	s8 =	simm.s32 @!p0 $0x0;
	s9 =	simm.s32 @!p0 $0x14000;
	s6 =	sadd.s32 @!p0 s5, s6  }
0x201: {  	[tilespmem:s9], [sflag:$0x7] =	stream.linear.gather @!p0 [hbm4b:s6+s8], $0x2000, $0x38;
	[tilespmem:$0x18100] =	vst v63  }
0x202: {  	_ =	swait.ge [sflag:s0], $0x4000  }
0x203: {  	v10 =	vadd.f32 v30, v10;
	v30 =	vmul.f32 v43, v2;
	[sflag:s0] =	ssyncset.done $0x0  }
0x204: {  	[sflag:s0] =	ssyncadd.s32 $0xFFFFC000  }
0x205: {  	v23 =	vadd.f32 v23, v48;
	v10 =	vadd.f32 v30, v10;
	v30 =	vmul.f32 v45, v3;
	_ =	swait.ge [sflag:s1], $0x2000  }
0x206: {  	v48 =	vadd.f32 v22, v47;
	v7 =	vadd.f32 v29, v7;
	v47 =	vld [tilespmem:$0x1FF50]  }
0x207: {  	v10 =	vadd.f32 v30, v10;
	v30 =	vmul.f32 v52, v3;
	[sflag:s1] =	ssyncset.done $0x0;
	v52 =	vld [tilespmem:$0x1FF60]  }
0x208: {  	v7 =	vadd.f32 v46, v7;
	v46 =	vmul.f32 v41, v3;
	v41 =	vmul.f32 v53, v3;
	s9 =	simm.s32 $0x16000;
	v53 =	vld [tilespmem:$0x1FF70];
	[sflag:s1] =	ssyncadd.s32 $0xFFFFE000  }
0x209: {  	s10 =	simm.s32 $0x0;
	v1 =	vld [tilespmem:s9+$0x180]  }
0x20a: {  	s14 =	sand.u32 $0x3800, s10;
	v5 =	vld [tilespmem:s9+$0x100]  }
0x20b: {  	s15 =	sand.u32 $0x200, s10;
	s16 =	sor.u32 $0xC000, s14;
	v4 =	vld [tilespmem:s9+$0x80]  }
0x20c: {  	s6 =	sor.u32 s15, s16;
	v38 =	vld [tilespmem:s9+$0x0]  }
0x20d: {  	v59 =	vld [tilespmem:s6+$0x0]  }
0x20e: {  	v60 =	vld [tilespmem:s6+$0x10]  }
0x20f: {  	v61 =	vld [tilespmem:s6+$0x20]  }
0x210: {  	v62 =	vld [tilespmem:s6+$0x30]  }
0x211: {  	v63 =	vld [tilespmem:s6+$0x40]  }
0x212: {  	s12 =	simm.s32 $0x180;
	v37 =	vld [tilespmem:s6+$0x50]  }
0x213: {  	s8 =	sand.u32 $0x380, s12;
	v49 =	vld [tilespmem:s6+$0x60]  }
0x214: {  	s8 =	sor.u32 s8, s16;
	v36 =	vld [tilespmem:s6+$0x70]  }
0x215: {  	v50 =	vld [tilespmem:s8+$0x0]  }
0x216: {  	v51 =	vld [tilespmem:s8+$0x10]  }
0x217: {  	[tilespmem:$0x1FF80] =	vst v23;
	v23 =	vld [tilespmem:s8+$0x20]  }
0x218: {  	v22 =	vld [tilespmem:s8+$0x30]  }
0x219: {  	v8 =	vadd.f32 v28, v8;
	v28 =	vmul.f32 v42, v2;
	v29 =	vld [tilespmem:s8+$0x40]  }
0x21a: {  	v11 =	vadd.f32 v31, v11;
	v31 =	vmul.f32 v44, v2;
	s13 =	simm.s32 $0x100;
	v42 =	vld [tilespmem:s8+$0x50]  }
0x21b: {  	v8 =	vadd.f32 v28, v8;
	s6 =	sand.u32 $0x300, s13;
	v28 =	vld [tilespmem:s8+$0x60]  }
0x21c: {  	v11 =	vadd.f32 v31, v11;
	v31 =	vld [tilespmem:s8+$0x70];
	s6 =	sor.u32 s6, s16  }
0x21d: {  	v8 =	vadd.f32 v40, v8;
	v40 =	vld [tilespmem:s6+$0x0]  }
0x21e: {  	s14 =	simm.s32 $0x80;
	v43 =	vld [tilespmem:s6+$0x10]  }
0x21f: {  	v17 =	vadd.f32 v17, v19;
	v7 =	vadd.f32 v39, v7;
	s8 =	sand.u32 $0x280, s14;
	v45 =	vld [tilespmem:s6+$0x20]  }
0x220: {  	v8 =	vadd.f32 v33, v8;
	v33 =	vmul.f32 v55, v3;
	v3 =	vmul.f32 v56, v3;
	s8 =	sor.u32 s8, s16;
	v56 =	vld [tilespmem:s6+$0x60]  }
0x221: {  	v11 =	vadd.f32 v46, v11;
	v46 =	vmul.f32 v54, v2;
	v54 =	vmul.f32 v58, v0;
	v19 =	vld [tilespmem:s8+$0x0]  }
0x222: {  	v7 =	vadd.f32 v32, v7;
	v39 =	vmul.f32 v47, v2;
	v44 =	vmul.f32 v52, v2;
	v52 =	vld [tilespmem:s6+$0x30]  }
0x223: {  	v32 =	vmul.f32 v53, v2;
	v53 =	vld [tilespmem:s6+$0x40];
	v2 =	vadd.f32 v34, v10;
	v34 =	vmul.f32 v57, v0  }
0x224: {  	v10 =	vld [tilespmem:s6+$0x50];
	v0 =	vadd.f32 v35, v11;
	v35 =	vmul.f32 v59, v38;
	v55 =	vmul.f32 v60, v38  }
0x225: {  	v11 =	vadd.f32 v16, v18;
	v57 =	vld [tilespmem:s6+$0x70];
	v16 =	vmul.f32 v61, v38;
	v18 =	vmul.f32 v62, v38  }
0x226: {  	v20 =	vadd.f32 v25, v20;
	v58 =	vmul.f32 v63, v38;
	v47 =	vmul.f32 v49, v38;
	v49 =	vld [tilespmem:s8+$0x10]  }
0x227: {  	v37 =	vmul.f32 v37, v38;
	v36 =	vmul.f32 v36, v38;
	v59 =	vadd.f32 v27, v21;
	v60 =	vld [tilespmem:s8+$0x20]  }
0x228: {  	p1 =	por $0x0, $0x0;
	s6 =	simm.s32 $0x1;
	v61 =	vadd.f32 v39, v11;
	v62 =	vld [tilespmem:s8+$0x30];
	v63 =	vmul.f32 v23, v1;
	v25 =	vmul.f32 v22, v1  }
0x229: {  	s6 =	simm.s32 @!p1 $0x0;
	v17 =	vadd.f32 v44, v17;
	v22 =	vld [tilespmem:s8+$0x40];
	v27 =	vmul.f32 v29, v1;
	v39 =	vmul.f32 v42, v1  }
0x22a: {  	v20 =	vadd.f32 v32, v20;
	s6 =	sshll.u32 s6, $0x9;
	v23 =	vld [tilespmem:s8+$0x50];
	v11 =	vmul.f32 v28, v1;
	v21 =	vmul.f32 v31, v1  }
0x22b: {  	v29 =	vld [tilespmem:s8+$0x60];
	s6 =	sadd.s32 $0x0, s6;
	v28 =	vadd.f32 v46, v59;
	v31 =	vmul.f32 v40, v5;
	v40 =	vmul.f32 v43, v5  }
0x22c: {  	v61 =	vadd.f32 v41, v61;
	s15 =	sor.u32 $0x400, s6;
	v41 =	vld [tilespmem:s8+$0x70];
	v42 =	vmul.f32 v45, v5;
	v17 =	vadd.f32 v30, v17  }
0x22d: {  	s16 =	sor.u32 $0x410, s6;
	v20 =	vadd.f32 v33, v20;
	v46 =	vmul.f32 v56, v5;
	v12 =	vadd.f32 v35, v12;
	v30 =	vld [tilespmem:s15+$0xC000]  }
0x22e: {  	s11 =	sor.u32 $0x420, s6;
	v56 =	vmul.f32 v19, v4;
	v55 =	vadd.f32 v55, v13;
	v14 =	vadd.f32 v16, v14;
	v33 =	vld [tilespmem:s16+$0xC000]  }
0x22f: {  	s13 =	sand.u32 $0x7, s10;
	s12 =	sor.u32 $0x430, s6;
	v15 =	vadd.f32 v18, v15;
	v6 =	vadd.f32 v58, v6;
	v44 =	vmul.f32 v53, v5;
	v53 =	vld [tilespmem:s11+$0xC000]  }
0x230: {  	s14 =	sor.u32 $0x440, s6;
	v43 =	vmul.f32 v52, v5;
	s11 =	sshll.u32 s13, $0x7;
	v28 =	vadd.f32 v3, v28;
	v3 =	vadd.f32 v24, v61;
	v24 =	vld [tilespmem:s12+$0xC000]  }
0x231: {  	v45 =	vmul.f32 v10, v5;
	v52 =	vmul.f32 v57, v5;
	s15 =	sor.u32 $0x450, s6;
	v10 =	vadd.f32 v26, v17;
	v17 =	vld [tilespmem:s14+$0xC000];
	s11 =	sadd.s32 $0x0, s11  }
0x232: {  	v9 =	vadd.f32 v37, v9;
	s16 =	sor.u32 $0x460, s6;
	v57 =	vmul.f32 v60, v4;
	v26 =	vmul.f32 v22, v4;
	v22 =	vld [tilespmem:s15+$0xC000];
	s14 =	sadd.s32 $0x180, s11  }
0x233: {  	v12 =	vadd.f32 v56, v12;
	v59 =	vmul.f32 v62, v4;
	v60 =	vmul.f32 v23, v4;
	v23 =	vld [tilespmem:s16+$0xC000];
	s12 =	sor.u32 $0x400, s14  }
0x234: {  	s6 =	sor.u32 $0x470, s6;
	v19 =	vadd.f32 v34, v20;
	v49 =	vmul.f32 v49, v4;
	v20 =	vadd.f32 v54, v28;
	v16 =	vld [tilespmem:s12+$0xC000]  }
0x235: {  	v61 =	vmul.f32 v29, v4;
	v62 =	vld [tilespmem:s6+$0xC000];
	s16 =	sor.u32 $0x420, s14;
	v12 =	vadd.f32 v31, v12;
	v15 =	vadd.f32 v59, v15  }
0x236: {  	s15 =	sand.u32 $0x3, s10;
	s13 =	sor.u32 $0x410, s14;
	v14 =	vadd.f32 v57, v14;
	v54 =	vld [tilespmem:s16+$0xC000];
	v28 =	vmul.f32 v30, v38;
	v30 =	vmul.f32 v53, v38  }
0x237: {  	s8 =	sshll.u32 s15, $0x8;
	s12 =	sor.u32 $0x430, s14;
	v53 =	vld [tilespmem:s13+$0xC000];
	v13 =	vmul.f32 v17, v38;
	v17 =	vadd.f32 v49, v55;
	v55 =	vadd.f32 v43, v15  }
0x238: {  	v41 =	vmul.f32 v41, v4;
	s8 =	sadd.s32 $0x0, s8;
	v59 =	vadd.f32 v36, v48;
	v6 =	vadd.f32 v26, v6;
	v31 =	vld [tilespmem:s12+$0xC000]  }
0x239: {  	v29 =	vmul.f32 v33, v38;
	s13 =	sor.u32 $0x440, s14;
	s15 =	sadd.s32 $0x100, s8;
	v33 =	vmul.f32 v16, v1;
	v16 =	vadd.f32 v25, v55;
	v25 =	vld [tilespmem:$0x1FF80]  }
0x23a: {  	v50 =	vmul.f32 v50, v1;
	v26 =	vadd.f32 v60, v9;
	v14 =	vadd.f32 v42, v14;
	v56 =	vld [tilespmem:s13+$0xC000];
	s8 =	sor.u32 $0x400, s15  }
0x23b: {  	v51 =	vmul.f32 v51, v1;
	s16 =	sor.u32 $0x450, s14;
	v42 =	vadd.f32 v41, v59;
	v57 =	vld [tilespmem:s8+$0xC000];
	v18 =	vadd.f32 v40, v17  }
0x23c: {  	v6 =	vadd.f32 v44, v6;
	v17 =	vadd.f32 v50, v12;
	v12 =	vld [tilespmem:s16+$0xC000];
	s16 =	sadd.s32 $0x80, s11;
	s11 =	sor.u32 $0x410, s15  }
0x23d: {  	v32 =	vmul.f32 v24, v38;
	s12 =	sor.u32 $0x400, s16;
	v15 =	vadd.f32 v51, v18;
	v18 =	vadd.f32 v63, v14;
	v14 =	vld [tilespmem:s11+$0xC000]  }
0x23e: {  	v22 =	vmul.f32 v22, v38;
	v24 =	vmul.f32 v62, v38;
	s13 =	sor.u32 $0x410, s16;
	v62 =	vld [tilespmem:s12+$0xC000];
	v58 =	vadd.f32 v47, v25  }
0x23f: {  	v26 =	vadd.f32 v45, v26;
	v23 =	vmul.f32 v23, v38;
	v35 =	vmul.f32 v54, v1;
	s8 =	sor.u32 $0x420, s16;
	v9 =	vld [tilespmem:s13+$0xC000]  }
0x240: {  	v34 =	vmul.f32 v53, v1;
	v36 =	vmul.f32 v31, v1;
	v43 =	vld [tilespmem:s8+$0xC000];
	s11 =	sor.u32 $0x430, s16;
	v63 =	vadd.f32 v61, v58  }
0x241: {  	v45 =	vadd.f32 v52, v42;
	s12 =	sor.u32 $0x420, s15;
	v41 =	vld [tilespmem:s11+$0xC000];
	v37 =	vmul.f32 v57, v5;
	v31 =	vmul.f32 v12, v1  }
0x242: {  	s6 =	sor.u32 $0x440, s15;
	s13 =	sor.u32 $0x430, s15;
	v42 =	vld [tilespmem:s12+$0xC000];
	v25 =	vmul.f32 v56, v1;
	v38 =	vmul.f32 v14, v5;
	v12 =	vadd.f32 v46, v63  }
0x243: {  	v40 =	vld [tilespmem:s13+$0xC000];
	s11 =	simm.s32 $0x400;
	s12 =	simm.s32 $0x0;
	s13 =	simm.s32 $0x0;
	v44 =	vmul.f32 v62, v4;
	v14 =	vadd.f32 v27, v6;
	v6 =	vadd.f32 v39, v26  }
.LBB2_9:
0x244: {  	p2 =	sne.s32 s11, $0x3C00;
	v26 =	vmul.f32 v9, v4;
	v27 =	vld [tilespmem:s6+$0xC000];
	s6 =	sor.u32 $0x450, s15;
	v9 =	vadd.f32 v11, v12;
	v12 =	vadd.f32 v21, v45  }
0x245: {  	v7 =	vadd.f32 v28, v7;
	v8 =	vadd.f32 v29, v8;
	s8 =	sor.u32 $0x440, s16;
	v11 =	vmul.f32 v43, v4;
	v21 =	vld [tilespmem:s6+$0xC000]  }
0x246: {  	v2 =	vadd.f32 v30, v2;
	v0 =	vadd.f32 v32, v0;
	s6 =	sor.u32 $0x450, s16;
	v28 =	vmul.f32 v41, v4;
	v29 =	vld [tilespmem:s8+$0xC000]  }
0x247: {  	v7 =	vadd.f32 v44, v7;
	v8 =	vadd.f32 v26, v8;
	v26 =	vld [tilespmem:s6+$0xC000];
	s6 =	sor.u32 $0x460, s16;
	v30 =	vmul.f32 v42, v5  }
0x248: {  	v2 =	vadd.f32 v11, v2;
	v0 =	vadd.f32 v28, v0;
	v11 =	vld [tilespmem:s6+$0xC000];
	s6 =	sor.u32 $0x470, s16;
	v28 =	vmul.f32 v40, v5  }
0x249: {  	v7 =	vadd.f32 v37, v7;
	v8 =	vadd.f32 v38, v8;
	v32 =	vld [tilespmem:s6+$0xC000];
	v27 =	vmul.f32 v27, v5;
	s6 =	sor.u32 $0x460, s15  }
0x24a: {  	v2 =	vadd.f32 v30, v2;
	v0 =	vadd.f32 v28, v0;
	v21 =	vmul.f32 v21, v5;
	v28 =	vld [tilespmem:s6+$0xC000];
	s6 =	sor.u32 $0x470, s15  }
0x24b: {  	v7 =	vadd.f32 v33, v7;
	v8 =	vadd.f32 v34, v8;
	v29 =	vmul.f32 v29, v4;
	v30 =	vld [tilespmem:s6+$0xC000];
	s6 =	sor.u32 $0x460, s14  }
0x24c: {  	v2 =	vadd.f32 v35, v2;
	v26 =	vmul.f32 v26, v4;
	v0 =	vadd.f32 v36, v0;
	v33 =	vld [tilespmem:s6+$0xC000];
	s6 =	sor.u32 $0x470, s14  }
0x24d: {  	v3 =	vadd.f32 v13, v3;
	v10 =	vadd.f32 v22, v10;
	s9 =	sadd.s32 $0x200, s9;
	v11 =	vmul.f32 v11, v4;
	v13 =	vld [tilespmem:s6+$0xC000]  }
0x24e: {  	v19 =	vadd.f32 v23, v19;
	v20 =	vadd.f32 v24, v20;
	v22 =	vld [tilespmem:s9+$0x180];
	v23 =	vmul.f32 v32, v4  }
0x24f: {  	s10 =	sadd.s32 $0x200, s10;
	s6 =	sand.u32 $0x3800, s11;
	v3 =	vadd.f32 v29, v3;
	v10 =	vadd.f32 v26, v10;
	v32 =	vld [tilespmem:s9+$0x100];
	v26 =	vmul.f32 v28, v5  }
0x250: {  	s8 =	sand.u32 $0x200, s10;
	s14 =	sor.u32 $0xC000, s6;
	v11 =	vadd.f32 v11, v19;
	v4 =	vld [tilespmem:s9+$0x80];
	v19 =	vadd.f32 v23, v20;
	v5 =	vmul.f32 v30, v5  }
0x251: {  	s6 =	sor.u32 s8, s14;
	v3 =	vadd.f32 v27, v3;
	v10 =	vadd.f32 v21, v10;
	v24 =	vld [tilespmem:s9+$0x0];
	v20 =	vmul.f32 v33, v1  }
0x252: {  	v11 =	vadd.f32 v26, v11;
	v21 =	vld [tilespmem:s6+$0x0];
	v26 =	vadd.f32 v5, v19;
	v13 =	vmul.f32 v13, v1  }
0x253: {  	v3 =	vadd.f32 v25, v3;
	v10 =	vadd.f32 v31, v10;
	v23 =	vld [tilespmem:s6+$0x10];
	v1 =	vmov v22  }
0x254: {  	v19 =	vadd.f32 v20, v11;
	v22 =	vld [tilespmem:s6+$0x20];
	v20 =	vadd.f32 v13, v26;
	v5 =	vmov v32  }
0x255: {  	v11 =	vld [tilespmem:s6+$0x30]  }
0x256: {  	v13 =	vld [tilespmem:s6+$0x40]  }
0x257: {  	s8 =	sadd.s32 $0x180, s10;
	v25 =	vld [tilespmem:s6+$0x50]  }
0x258: {  	s8 =	sand.u32 $0x380, s8;
	v26 =	vld [tilespmem:s6+$0x60]  }
0x259: {  	v27 =	vld [tilespmem:s6+$0x70];
	s6 =	sor.u32 s8, s14  }
0x25a: {  	v28 =	vld [tilespmem:s6+$0x0]  }
0x25b: {  	v29 =	vld [tilespmem:s6+$0x10]  }
0x25c: {  	v30 =	vld [tilespmem:s6+$0x20]  }
0x25d: {  	v32 =	vld [tilespmem:s6+$0x30]  }
0x25e: {  	v33 =	vld [tilespmem:s6+$0x40]  }
0x25f: {  	s8 =	sadd.s32 $0x100, s10;
	v34 =	vld [tilespmem:s6+$0x50]  }
0x260: {  	s8 =	sand.u32 $0x300, s8;
	v37 =	vld [tilespmem:s6+$0x60]  }
0x261: {  	s8 =	sor.u32 s8, s14;
	v38 =	vld [tilespmem:s6+$0x70]  }
0x262: {  	v39 =	vld [tilespmem:s8+$0x0]  }
0x263: {  	v40 =	vld [tilespmem:s8+$0x10]  }
0x264: {  	v41 =	vld [tilespmem:s8+$0x20]  }
0x265: {  	v42 =	vld [tilespmem:s8+$0x30]  }
0x266: {  	v43 =	vld [tilespmem:s8+$0x40]  }
0x267: {  	s6 =	sadd.s32 $0x80, s10;
	v44 =	vld [tilespmem:s8+$0x50]  }
0x268: {  	v45 =	vmul.f32 v21, v24;
	v23 =	vmul.f32 v23, v24;
	s6 =	sand.u32 $0x280, s6;
	v46 =	vld [tilespmem:s8+$0x60]  }
0x269: {  	v22 =	vmul.f32 v22, v24;
	v47 =	vmul.f32 v11, v24;
	s6 =	sor.u32 s6, s14;
	v48 =	vld [tilespmem:s8+$0x70]  }
0x26a: {  	v35 =	vmul.f32 v13, v24;
	v36 =	vmul.f32 v25, v24;
	v13 =	vld [tilespmem:s6+$0x0]  }
0x26b: {  	v25 =	vmul.f32 v26, v24;
	v31 =	vmul.f32 v27, v24;
	v49 =	vld [tilespmem:s6+$0x10]  }
0x26c: {  	v51 =	vmul.f32 v28, v1;
	v52 =	vmul.f32 v29, v1;
	v50 =	vld [tilespmem:s6+$0x20]  }
0x26d: {  	p1 =	por !p1, !p1;
	v53 =	vmul.f32 v30, v1;
	v54 =	vmul.f32 v32, v1;
	s8 =	simm.s32 $0x1;
	v28 =	vld [tilespmem:s6+$0x30]  }
0x26e: {  	v26 =	vmul.f32 v33, v1;
	v27 =	vmul.f32 v34, v1;
	s8 =	simm.s32 @!p1 $0x0;
	v29 =	vld [tilespmem:s6+$0x40]  }
0x26f: {  	v11 =	vmul.f32 v37, v1;
	v21 =	vmul.f32 v38, v1;
	s8 =	sshll.u32 s8, $0x9;
	v30 =	vld [tilespmem:s6+$0x50]  }
0x270: {  	v33 =	vmul.f32 v39, v5;
	v34 =	vmul.f32 v40, v5;
	s8 =	sadd.s32 s8, s11;
	v32 =	vld [tilespmem:s6+$0x60]  }
0x271: {  	v38 =	vmul.f32 v41, v5;
	v39 =	vmul.f32 v42, v5;
	s14 =	sor.u32 $0x400, s8;
	v37 =	vld [tilespmem:s6+$0x70]  }
0x272: {  	v42 =	vmul.f32 v43, v5;
	v44 =	vmul.f32 v44, v5;
	s6 =	sor.u32 $0x410, s8;
	v40 =	vld [tilespmem:s14+$0xC000]  }
0x273: {  	v46 =	vmul.f32 v46, v5;
	v48 =	vmul.f32 v48, v5;
	v41 =	vld [tilespmem:s6+$0xC000];
	s6 =	sor.u32 $0x420, s8  }
0x274: {  	s12 =	sadd.s32 $0x4, s12;
	v55 =	vmul.f32 v13, v4;
	v49 =	vmul.f32 v49, v4;
	v43 =	vld [tilespmem:s6+$0xC000];
	s6 =	sor.u32 $0x430, s8  }
0x275: {  	v50 =	vmul.f32 v50, v4;
	s14 =	sand.u32 $0x7, s12;
	v56 =	vmul.f32 v28, v4;
	v13 =	vld [tilespmem:s6+$0xC000];
	s6 =	sor.u32 $0x440, s8  }
0x276: {  	s14 =	sshll.u32 s14, $0x7;
	v58 =	vmul.f32 v29, v4;
	v59 =	vmul.f32 v30, v4;
	v57 =	vld [tilespmem:s6+$0xC000];
	s6 =	sor.u32 $0x450, s8  }
0x277: {  	s16 =	sadd.s32 s11, s14;
	v61 =	vmul.f32 v32, v4;
	v37 =	vmul.f32 v37, v4;
	v60 =	vld [tilespmem:s6+$0xC000];
	s6 =	sor.u32 $0x460, s8  }
0x278: {  	s14 =	sadd.s32 $0x180, s16;
	v28 =	vmul.f32 v40, v24;
	v29 =	vmul.f32 v41, v24;
	v40 =	vld [tilespmem:s6+$0xC000];
	s6 =	sor.u32 $0x470, s8  }
0x279: {  	v17 =	vadd.f32 v45, v17;
	v15 =	vadd.f32 v23, v15;
	v30 =	vmul.f32 v43, v24;
	v41 =	vld [tilespmem:s6+$0xC000];
	s6 =	sor.u32 $0x400, s14  }
0x27a: {  	s13 =	sadd.s32 $0x2, s13;
	v18 =	vadd.f32 v22, v18;
	v16 =	vadd.f32 v47, v16;
	v32 =	vmul.f32 v13, v24;
	v43 =	vld [tilespmem:s6+$0xC000];
	s6 =	sor.u32 $0x410, s14  }
0x27b: {  	v17 =	vadd.f32 v55, v17;
	v15 =	vadd.f32 v49, v15;
	s8 =	sand.u32 $0x3, s13;
	v13 =	vmul.f32 v57, v24;
	v45 =	vld [tilespmem:s6+$0xC000];
	s6 =	sor.u32 $0x420, s14  }
0x27c: {  	v18 =	vadd.f32 v50, v18;
	v16 =	vadd.f32 v56, v16;
	s8 =	sshll.u32 s8, $0x8;
	v22 =	vmul.f32 v60, v24;
	v47 =	vld [tilespmem:s6+$0xC000];
	s6 =	sor.u32 $0x430, s14  }
0x27d: {  	v17 =	vadd.f32 v33, v17;
	v15 =	vadd.f32 v34, v15;
	s8 =	sadd.s32 s11, s8;
	v23 =	vmul.f32 v40, v24;
	v40 =	vld [tilespmem:s6+$0xC000];
	s6 =	sor.u32 $0x440, s14  }
0x27e: {  	v18 =	vadd.f32 v38, v18;
	v16 =	vadd.f32 v39, v16;
	s15 =	sadd.s32 $0x100, s8;
	v24 =	vmul.f32 v41, v24;
	v38 =	vld [tilespmem:s6+$0xC000];
	s6 =	sor.u32 $0x450, s14  }
0x27f: {  	v17 =	vadd.f32 v51, v17;
	v15 =	vadd.f32 v52, v15;
	s8 =	sor.u32 $0x400, s15;
	v33 =	vmul.f32 v43, v1;
	v39 =	vld [tilespmem:s6+$0xC000]  }
0x280: {  	s16 =	sadd.s32 $0x80, s16;
	v18 =	vadd.f32 v53, v18;
	v16 =	vadd.f32 v54, v16;
	s6 =	sor.u32 $0x410, s15;
	v49 =	vld [tilespmem:s8+$0xC000];
	v34 =	vmul.f32 v45, v1  }
0x281: {  	v14 =	vadd.f32 v35, v14;
	v6 =	vadd.f32 v36, v6;
	s8 =	sor.u32 $0x400, s16;
	v50 =	vld [tilespmem:s6+$0xC000];
	v35 =	vmul.f32 v47, v1  }
0x282: {  	v12 =	vadd.f32 v31, v12;
	v41 =	vadd.f32 v25, v9;
	s6 =	sor.u32 $0x410, s16;
	v47 =	vld [tilespmem:s8+$0xC000];
	v36 =	vmul.f32 v40, v1  }
.Ltmp5:
0x283: {  	v14 =	vadd.f32 v58, v14;
	v6 =	vadd.f32 v59, v6;
	v9 =	vld [tilespmem:s6+$0xC000];
	s6 =	sor.u32 $0x420, s16;
	v25 =	vmul.f32 v38, v1;
	(pc) =	sbr.rel @p2 .LBB2_9-.Ltmp5, $4  }
0x284: {  	v40 =	vadd.f32 v37, v12;
	v38 =	vadd.f32 v61, v41;
	v43 =	vld [tilespmem:s6+$0xC000];
	s6 =	sor.u32 $0x430, s16;
	v31 =	vmul.f32 v39, v1  }
0x285: {  	v14 =	vadd.f32 v42, v14;
	v6 =	vadd.f32 v44, v6;
	v41 =	vld [tilespmem:s6+$0xC000];
	v37 =	vmul.f32 v49, v5;
	s6 =	sor.u32 $0x420, s15  }
0x286: {  	v45 =	vadd.f32 v48, v40;
	v12 =	vadd.f32 v46, v38;
	v38 =	vmul.f32 v50, v5;
	v42 =	vld [tilespmem:s6+$0xC000];
	s6 =	sor.u32 $0x430, s15  }
0x287: {  	v14 =	vadd.f32 v26, v14;
	v6 =	vadd.f32 v27, v6;
	s11 =	sadd.s32 $0x400, s11;
	v44 =	vmul.f32 v47, v4;
	v40 =	vld [tilespmem:s6+$0xC000];
	s6 =	sor.u32 $0x440, s15  }
0x288: {  	v27 =	vadd.f32 v11, v12  }
0x289: {  	v26 =	vadd.f32 v21, v45;
	v7 =	vadd.f32 v28, v7  }
0x28a: {  	v39 =	vld [tilespmem:s6+$0xC000];
	s13 =	sor.u32 $0x450, s15;
	v8 =	vadd.f32 v29, v8;
	v2 =	vadd.f32 v30, v2  }
0x28b: {  	v9 =	vmul.f32 v9, v4;
	s8 =	sor.u32 $0x440, s16;
	v0 =	vadd.f32 v32, v0;
	v19 =	vadd.f32 v23, v19;
	v12 =	vld [tilespmem:s13+$0xC000]  }
0x28c: {  	s9 =	sor.u32 $0x450, s16;
	v20 =	vadd.f32 v24, v20;
	v11 =	vmul.f32 v43, v4;
	v28 =	vld [tilespmem:s8+$0xC000];
	v57 =	vmul.f32 v41, v4  }
0x28d: {  	s10 =	sor.u32 $0x460, s16;
	v29 =	vld [tilespmem:s9+$0xC000];
	v7 =	vadd.f32 v44, v7;
	v8 =	vadd.f32 v9, v8;
	v9 =	vmul.f32 v42, v5  }
0x28e: {  	s11 =	sor.u32 $0x470, s16;
	v58 =	vld [tilespmem:s10+$0xC000];
	v2 =	vadd.f32 v11, v2;
	v0 =	vadd.f32 v57, v0;
	v11 =	vmul.f32 v40, v5  }
0x28f: {  	s12 =	sor.u32 $0x460, s15;
	v59 =	vld [tilespmem:s11+$0xC000];
	v7 =	vadd.f32 v37, v7;
	v8 =	vadd.f32 v38, v8  }
0x290: {  	v61 =	vld [tilespmem:s12+$0xC000];
	s13 =	sor.u32 $0x470, s15;
	v60 =	vmul.f32 v39, v5;
	v2 =	vadd.f32 v9, v2;
	v0 =	vadd.f32 v11, v0  }
0x291: {  	s16 =	sor.u32 $0x470, s14;
	v62 =	vld [tilespmem:s13+$0xC000];
	v28 =	vmul.f32 v28, v4;
	v11 =	vadd.f32 v33, v7;
	v9 =	vadd.f32 v34, v8  }
0x292: {  	s15 =	sor.u32 $0x460, s14;
	v29 =	vmul.f32 v29, v4;
	v8 =	vadd.f32 v35, v2;
	v2 =	vadd.f32 v13, v3;
	v13 =	vld [tilespmem:s16+$0xC000]  }
0x293: {  	v3 =	vadd.f32 v22, v10;
	v10 =	vmul.f32 v58, v4;
	v7 =	vadd.f32 v36, v0;
	v0 =	vld [tilespmem:s15+$0xC000]  }
0x294: {  	v12 =	vmul.f32 v12, v5;
	v4 =	vmul.f32 v59, v4;
	v2 =	vadd.f32 v28, v2  }
0x295: {  	v63 =	vmul.f32 v61, v5;
	v3 =	vadd.f32 v29, v3;
	v10 =	vadd.f32 v10, v19  }
.Ltmp6:
0x296: {  	v5 =	vmul.f32 v62, v5;
	v4 =	vadd.f32 v4, v20;
	v2 =	vadd.f32 v60, v2;
	(pc) =	sbr.rel @p0 .LBB2_12-.Ltmp6, $4  }
0x297: {  	v3 =	vadd.f32 v12, v3;
	v10 =	vadd.f32 v63, v10  }
0x298: {  	v5 =	vadd.f32 v5, v4;
	v0 =	vmul.f32 v0, v1;
	v1 =	vmul.f32 v13, v1  }
0x299: {  	v4 =	vadd.f32 v25, v2;
	v3 =	vadd.f32 v31, v3  }
0x29a: {  	v2 =	vadd.f32 v0, v10;
	v0 =	vadd.f32 v1, v5  }
0x29b: {  	s6 =	sadd.s32 $0x38, s21  }
0x29c: {  	s8 =	sshll.u32 s6, $0xE  }
0x29d: {  	s6 =	sshll.u32 s6, $0xA;
	s8 =	sadd.s32 s4, s8  }
.Ltmp7:
0x29e: {  	s6 =	sadd.s32 s7, s6;
	s8 =	sshrl.u32 s8, $0x3;
	(pc) =	sbr.rel .LBB2_2-.Ltmp7, $4  }
0x29f: {  	s6 =	sshrl.u32 s6, $0x3;
	s8 =	sadd.s32 s2, s8  }
0x2a0: {  	[tilespmem:s23], [sflag:$0x4] =	stream.strided.gather [hbm4b:s8+s17], $0x4000, s18, s17, $0x38;
	[tilespmem:$0x18100] =	vst v63  }
0x2a1: {  	s20 =	sadd.s32 $0x1, s20;
	s6 =	sadd.s32 s5, s6  }
0x2a2: {  	[tilespmem:s24], [sflag:$0x8] =	stream.linear.gather [hbm4b:s6+s3], $0x2000, $0x38;
	[tilespmem:$0x18100] =	vst v63  }
.LBB2_13:
0x2a3: {  	_ =	sfence.sel $0x180000  }
0x2a4: {  	[bflag:$0x0] =	sbarrier.arrive $0xFFFF  }
0x2a5: {  	_ =	strace $0x90000047  }
0x2a6: {  	s0 =	stileid.u32;
	[bflag:$0x2] =	sbarrier.arrive $0xFFFF  }
0x2a7: {  	p0 =	sne.s32 s0, $0x0;
	s0 =	rddreg [dreg:$0x3]  }
0x2a8: {  	s0 =	sadd.s32 @!p0 $0x100000, s0  }
0x2a9: {  	[sflag:s0] =	ssyncadd.tile.s32 @!p0 $0x1;
	_ =	shalt  }
.Lfunc_end2:
_tile_overlayer_lowered:
.L_overlay_start_2:
0x2aa: {  	(tag) =	ssettag $0x2  }
0x2ab: {  	s0 =	rddreg [dreg:$0x0];
	s2 =	stileid.u32  }
0x2ac: {  	s1 =	rddreg [dreg:$0x1];
	p0 =	sne.s32 s2, $0x0  }
0x2ad: {  	s3 =	rddreg [dreg:$0x2];
	[bflag:$0x3] =	sbarrier.arrive $0xFFFF;
	s2 =	simm.s32 @!p0 $0x1C09  }
0x2ae: {  	[timem:s3], [sflag:s2] =	dma.local @!p0 [hbm:s0], s1  }
0x2af: {  	s0 =	simm.s32 @!p0 $0x9  }
0x2b0: {  	_ =	swait.ge @!p0 [sflag:s0], s1  }
0x2b1: {  	s1 =	ssub.s32 @!p0 $0x0, s1;
	[sflag:s0] =	ssyncset.done @!p0 $0x0  }
0x2b2: {  	[sflag:s0] =	ssyncadd.s32 @!p0 s1  }
0x2b3: {  	[bflag:$0x3] =	sbarrier.arrive $0xFFFF  }
0x2b4: {  	_ =	shalt  }

</sc_bundles>
